<compile_context>
chip_gen: v7x
topology: tpu7x:2x2x1
jax: 0.10.2.dev20260603
libtpu: 0.0.44.dev20260713+nightly
codegen_flags: <defaults>
</compile_context>

<pallas_src>
import functools

import jax
import jax.numpy as jnp
from jax import lax
from jax.experimental import pallas as pl
from jax.experimental.pallas import tpu as pltpu
from jax.experimental.pallas import tpu_sc as plsc

K = 16
_BW = 128
_NBLK = 79
_CPAD = _NBLK * _BW
_RB = 200


def _norm_body(e_ref, o_ref):
    e = e_ref[...]
    o_ref[...] = jnp.sqrt(jnp.sum(e * e, axis=1, keepdims=True))


def _rownorms(emb_pad):
    NP, D = emb_pad.shape
    return pl.pallas_call(
        _norm_body,
        grid=(NP // 1256,),
        in_specs=[pl.BlockSpec((1256, D), lambda i: (i, 0))],
        out_specs=pl.BlockSpec((1256, 1), lambda i: (i, 0)),
        out_shape=jax.ShapeDtypeStruct((NP, 1), jnp.float32),
    )(emb_pad)


def _simtopk_body(rows_ref, cols_ref, nr_ref, nc_ref, sim_ref, gidx_ref):
    i = pl.program_id(0)
    s = jax.lax.dot_general(
        rows_ref[...], cols_ref[...], (((1,), (1,)), ((), ())),
        preferred_element_type=jnp.float32)
    s = s / (nr_ref[...] * nc_ref[...])
    tail = s[:, _CPAD - _BW:]
    li = lax.broadcasted_iota(jnp.int32, tail.shape, 1)
    tail = jnp.where(li < 16, tail, -2.0)
    s = jnp.concatenate([s[:, :_CPAD - _BW], tail], axis=1)
    sim_ref[...] = s
    bm = jnp.concatenate(
        [jnp.max(lax.slice(s, (0, _BW * b), (_RB, _BW * (b + 1))), axis=1,
                 keepdims=True) for b in range(_NBLK)], axis=1)
    biota = lax.broadcasted_iota(jnp.int32, (_RB, _NBLK), 1)
    rbase = (i * _RB + lax.broadcasted_iota(jnp.int32, (_RB, 1), 0)) * _NBLK
    cols = []
    for _ in range(K):
        m = jnp.max(bm, axis=1, keepdims=True)
        sel = jnp.min(jnp.where(bm >= m, biota, jnp.int32(1 << 20)),
                      axis=1, keepdims=True)
        cols.append(rbase + sel)
        bm = jnp.where(biota == sel, -3.0, bm)
    gidx_ref[...] = jnp.concatenate(cols, axis=1)


def _simtopk(emb_pad, nrm, N):
    NP, D = emb_pad.shape
    rows = emb_pad[:N]
    grid = (N // _RB,)
    return pl.pallas_call(
        _simtopk_body,
        grid=grid,
        in_specs=[
            pl.BlockSpec((_RB, D), lambda i: (i, 0)),
            pl.BlockSpec((NP, D), lambda i: (0, 0)),
            pl.BlockSpec((_RB, 1), lambda i: (i, 0)),
            pl.BlockSpec((1, NP), lambda i: (0, 0)),
        ],
        out_specs=[
            pl.BlockSpec((_RB, _CPAD), lambda i: (i, 0)),
            pl.BlockSpec((_RB, K), lambda i: (i, 0)),
        ],
        out_shape=[
            jax.ShapeDtypeStruct((N, _CPAD), jnp.float32),
            jax.ShapeDtypeStruct((N, K), jnp.int32),
        ],
    )(rows, emb_pad, nrm[:N], nrm.reshape(1, NP))


def _make_sc_gather(n_rows_pad, cpw):
    mesh = plsc.VectorSubcoreMesh(core_axis_name="c", subcore_axis_name="s")
    info = plsc.get_sparse_core_info()

    @functools.partial(
        pl.kernel, mesh=mesh,
        out_type=jax.ShapeDtypeStruct((n_rows_pad, _BW), jnp.float32),
        scratch_types=[
            pltpu.VMEM((cpw, 128), jnp.int32),
            pltpu.VMEM((128, _BW), jnp.float32),
            pltpu.SemaphoreType.DMA,
        ],
    )
    def k(table_hbm, idx_hbm, out_hbm, idx_v, rows_v, sem):
        wid = lax.axis_index("s") * info.num_cores + lax.axis_index("c")
        pltpu.sync_copy(idx_hbm.at[pl.ds(wid * cpw, cpw)], idx_v)

        def body(c, carry):
            pltpu.async_copy(table_hbm.at[idx_v.at[c]], rows_v, sem).wait()
            pltpu.sync_copy(rows_v,
                            out_hbm.at[pl.ds((wid * cpw + c) * 128, 128)])
            return carry

        lax.fori_loop(0, cpw, body, 0)

    return k


def _cand_topk_body(cand_ref, gidx_ref, out_ref):
    c = cand_ref[...]
    g = gidx_ref[...]
    i = pl.program_id(0)
    rbase = (i * _RB + lax.broadcasted_iota(jnp.int32, (_RB, 1), 0)) * _NBLK
    blk = g - rbase
    ciota = lax.broadcasted_iota(jnp.int32, c.shape, 1)
    kiota = lax.broadcasted_iota(jnp.int32, (_RB, K), 1)
    cols = []
    for _ in range(K):
        m = jnp.max(c, axis=1, keepdims=True)
        sel = jnp.min(jnp.where(c >= m, ciota, jnp.int32(1 << 20)),
                      axis=1, keepdims=True)
        slot = sel // _BW
        off = sel - slot * _BW
        b = jnp.sum(jnp.where(kiota == slot, blk, 0), axis=1, keepdims=True)
        cols.append(b * _BW + off)
        c = jnp.where(ciota == sel, -3.0, c)
    out_ref[...] = jnp.concatenate(cols, axis=1)


def _cand_topk(cand, gidx, N):
    return pl.pallas_call(
        _cand_topk_body,
        grid=(N // _RB,),
        in_specs=[
            pl.BlockSpec((_RB, K * _BW), lambda i: (i, 0)),
            pl.BlockSpec((_RB, K), lambda i: (i, 0)),
        ],
        out_specs=pl.BlockSpec((_RB, K), lambda i: (i, 0)),
        out_shape=jax.ShapeDtypeStruct((N, K), jnp.int32),
    )(cand, gidx)


def _head_body(z_ref, emb_ref, gl_ref, sc_ref, be_ref, w_ref, o_ref):
    s = (z_ref[...] + gl_ref[...]) * emb_ref[...]
    s = s * sc_ref[...] + be_ref[...]
    s = jnp.maximum(s, 0.0)
    o_ref[...] = jnp.sum(s * w_ref[...], axis=1, keepdims=True)


def _head(z, emb_b, gl_bias, scale, beta, w):
    BN, D = z.shape
    R = 2000
    return pl.pallas_call(
        _head_body,
        grid=(BN // R,),
        in_specs=[
            pl.BlockSpec((R, D), lambda i: (i, 0)),
            pl.BlockSpec((R, D), lambda i: (i, 0)),
            pl.BlockSpec((1, D), lambda i: (0, 0)),
            pl.BlockSpec((1, D), lambda i: (0, 0)),
            pl.BlockSpec((1, D), lambda i: (0, 0)),
            pl.BlockSpec((1, D), lambda i: (0, 0)),
        ],
        out_specs=pl.BlockSpec((R, 1), lambda i: (i, 0)),
        out_shape=jax.ShapeDtypeStruct((BN, 1), jnp.float32),
    )(z, emb_b, gl_bias.reshape(1, D), scale.reshape(1, D), beta.reshape(1, D), w.reshape(1, D))


def _build_topk(emb_table):
    N, D = emb_table.shape
    NP = _CPAD
    emb_pad = jnp.pad(emb_table, ((0, NP - N), (0, 0)))
    emb_pad = emb_pad.at[N:, 0].set(1.0)
    nrm = _rownorms(emb_pad)
    sim, gidx = _simtopk(emb_pad, nrm, N)
    table = sim.reshape(N * _NBLK, _BW)
    nw, cpw = 32, 40
    npad = nw * cpw * 128
    gflat = jnp.pad(gidx.reshape(-1), (0, npad - N * K)).reshape(nw * cpw, 128)
    cand = _make_sc_gather(npad, cpw)(table, gflat)
    idx = _cand_topk(cand[:N * K].reshape(N, K * _BW), gidx, N)
    return idx


def kernel(x, emb_table, lin_W, att_i, att_j, att_em_i, att_em_j, gl_bias, bn_gamma, bn_beta, out_W, out_b):
    B, N, L = x.shape
    D = emb_table.shape[1]
    BN = B * N

    idx = _build_topk(emb_table)

    xb = x.reshape(BN, L)
    g = xb @ lin_W.T
    ei = emb_table @ att_em_i
    ej = emb_table @ att_em_j
    p = g @ att_i + jnp.tile(ei, B)
    q = g @ att_j + jnp.tile(ej, B)

    rows = jnp.arange(N)
    valid = idx != rows[:, None]

    nw, cpw = 32, 40
    npad = nw * cpw * 128
    idx2d = jnp.pad(idx.reshape(-1), (0, npad - N * K)).reshape(nw * cpw, 128)
    P2 = jnp.pad(jnp.stack([p[:N], p[N:]], axis=1), ((0, 0), (0, 126)))
    pe = _make_sc_gather(npad, cpw)(P2, idx2d)[:N * K]

    outs = []
    for b in range(B):
        gb = g[b * N:(b + 1) * N]
        pb = p[b * N:(b + 1) * N]
        qb = q[b * N:(b + 1) * N]
        pdst = pe[:, b].reshape(N, K)
        alpha = jax.nn.leaky_relu(pdst + qb[:, None], 0.2)
        w = jnp.where(valid, jnp.exp(alpha), 0.0)
        aself = jax.nn.leaky_relu(pb + qb, 0.2)
        wself = jnp.exp(aself)
        denom = jnp.zeros((N,)).at[idx.reshape(-1)].add(w.reshape(-1)) + wself
        inv = 1.0 / (denom + 1e-16)
        msg = w[..., None] * gb[:, None, :]
        z = jnp.zeros((N, D)).at[idx.reshape(-1)].add(msg.reshape(-1, D))
        z = (z + wself[:, None] * gb) * inv[:, None]
        outs.append(z)
    z = jnp.concatenate(outs, axis=0)

    emb_b = jnp.tile(emb_table, (B, 1))
    scale = bn_gamma / jnp.sqrt(1.0 + 1e-5)
    out = _head(z, emb_b, gl_bias, scale, bn_beta, out_W[0])
    out = out[:, 0] + out_b[0]
    return out.reshape(B, N)

# --- scband reference (transcript-rebuilt; emitter-appended) ---
"""Pipeline reference for scband-gdn-7438883356899 (READ-ONLY COPY).

The authoritative reference and input builder live on the scoring server;
editing this copy changes nothing except your own understanding.
"""

import jax, jax.numpy as jnp
import numpy as np

K = 16

def setup_inputs(seed: int = 0):
    key = jax.random.key(seed)
    ks = jax.random.split(key, 10)
    B, N, L, D = 2, 10000, 128, 128
    x = jax.random.normal(ks[0], (B, N, L), dtype=jnp.float32)
    emb_table = jax.random.normal(ks[1], (N, D), dtype=jnp.float32)
    lin_W = jax.random.normal(ks[2], (D, L), dtype=jnp.float32) * 0.05
    att_i = jax.random.normal(ks[3], (D,), dtype=jnp.float32) * 0.05
    att_j = jax.random.normal(ks[4], (D,), dtype=jnp.float32) * 0.05
    att_em_i = jax.random.normal(ks[5], (D,), dtype=jnp.float32) * 0.05
    att_em_j = jax.random.normal(ks[6], (D,), dtype=jnp.float32) * 0.05
    gl_bias = jnp.zeros((D,), dtype=jnp.float32)
    bn_gamma = jnp.ones((D,), dtype=jnp.float32)
    bn_beta = jnp.zeros((D,), dtype=jnp.float32)
    out_W = jax.random.normal(ks[7], (1, D), dtype=jnp.float32) * 0.05
    out_b = jnp.zeros((1,), dtype=jnp.float32)
    return dict(x=x, emb_table=emb_table, lin_W=lin_W, att_i=att_i, att_j=att_j,
                att_em_i=att_em_i, att_em_j=att_em_j, gl_bias=gl_bias,
                bn_gamma=bn_gamma, bn_beta=bn_beta, out_W=out_W, out_b=out_b)

def _build_edges(emb, B, N):
    # cosine-similarity kNN graph on node embeddings (GDN.__get_edges)
    nrm = jnp.linalg.norm(emb, axis=-1, keepdims=True)
    sim = (emb @ emb.T) / (nrm @ nrm.T)
    _, idx = jax.lax.top_k(sim, K)
    src = jnp.repeat(jnp.arange(N), K)
    dst = idx.reshape(-1)
    e = jnp.stack([src, dst], axis=0)
    # PyG Batch.from_data_list: offset node ids by i*N per graph
    e = jnp.concatenate([e + i * N for i in range(B)], axis=1)
    # GraphLayer: remove_self_loops then add_self_loops
    BN = B * N
    mask = e[0] != e[1]
    e = e.at[1].set(jnp.where(mask, e[1], BN))
    loops = jnp.arange(BN)
    e = jnp.concatenate([e, jnp.stack([loops, loops])], axis=1)
    return e

def reference(x, emb_table, lin_W, att_i, att_j, att_em_i, att_em_j, gl_bias, bn_gamma, bn_beta, out_W, out_b):
    B, N, L = x.shape
    e = _build_edges(emb_table, B, N)
    src, tgt = e[0], e[1]
    BN = B * N
    xb = x.reshape(BN, L)
    emb_b = jnp.tile(emb_table, (B, 1))
    # GraphLayer (GDN attention GNN, heads=1)
    g = xb @ lin_W.T
    x_i = g[tgt]
    x_j = g[src]
    emb_i = emb_b[tgt]
    emb_j = emb_b[src]
    key_i = jnp.concatenate([x_i, emb_i], axis=-1)
    key_j = jnp.concatenate([x_j, emb_j], axis=-1)
    a_i = jnp.concatenate([att_i, att_em_i])
    a_j = jnp.concatenate([att_j, att_em_j])
    alpha = (key_i * a_i).sum(-1) + (key_j * a_j).sum(-1)
    alpha = jax.nn.leaky_relu(alpha, 0.2)
    amax = jax.ops.segment_max(alpha, tgt, num_segments=BN + 1)
    alpha = jnp.exp(alpha - jax.lax.stop_gradient(amax)[tgt])
    denom = jax.ops.segment_sum(alpha, tgt, num_segments=BN + 1)
    alpha = alpha / (denom[tgt] + 1e-16)
    msg = x_j * alpha[:, None]
    z = jax.ops.segment_sum(msg, tgt, num_segments=BN + 1)[:BN] + gl_bias
    # GDN head: s_hat = z * embedding; BN(eval) + ReLU + Dropout(eval=id); Linear(d,1)
    s = z * emb_b
    s = s / jnp.sqrt(1.0 + 1e-5) * bn_gamma + bn_beta
    s = jax.nn.relu(s)
    out = s @ out_W.T + out_b
    return out.reshape(B, N)

if __name__ == "__main__":
    import jax
    _d = setup_inputs()
    print(jax.jit(kernel)(*tuple(_d.values())))

</pallas_src>

<mosaic_0001>
#map = affine_map<(d0, d1) -> (0, 0)>
module attributes {stable_mosaic.version = 14 : i64} {
  func.func @k(%arg0: i32, %arg1: i32, %arg2: memref<790000x128xf32, #tpu.memory_space<hbm>>, %arg3: memref<1280x128xi32, #tpu.memory_space<hbm>>, %arg4: memref<163840x128xf32, #tpu.memory_space<hbm>>, %arg5: memref<40x128xi32, #tpu.memory_space<vmem>>, %arg6: memref<128x128xf32, #tpu.memory_space<vmem>>, %arg7: memref<!tpu.dma_semaphore, #tpu.memory_space<semaphore_mem>>) attributes {dimension_semantics = [#tpu.dimension_semantics<core_parallel>, #tpu.dimension_semantics<subcore_parallel>], iteration_bounds = array<i64: 2, 16>, scalar_prefetch = 0 : i64, scratch_operands = 3 : i64, tpu.core_type = #tpu.core_type<sc_vector_subcore>, window_params = [{transform_indices = #map}, {transform_indices = #map}, {transform_indices = #map}]} {
    %mul3A = arith.constant 2 : i32
    %mul3A_0 = arith.muli %arg1, %mul3A : i32
    %add3A = arith.addi %mul3A_0, %arg0 : i32
    %mul3A_1 = arith.constant 40 : i32
    %mul3A_2 = arith.muli %add3A, %mul3A_1 : i32
    "tpu.region"() ({
      %run_scoped3A = tpu.sem_alloc : memref<!tpu.dma_semaphore, #tpu.memory_space<semaphore_mem>>
      %dma_start3A = arith.constant 0 : i32
      %dma_start3A_8 = tpu.memref_slice %arg3[%mul3A_2, %dma_start3A] : memref<1280x128xi32, #tpu.memory_space<hbm>> -> memref<40x128xi32, #tpu.memory_space<hbm>>
      %dma_start3A_9 = arith.constant 0 : i32
      %dma_start3A_10 = tpu.memref_slice %arg3[%mul3A_2, %dma_start3A_9] : memref<1280x128xi32, #tpu.memory_space<hbm>> -> memref<40x128xi32, #tpu.memory_space<hbm>>
      tpu.enqueue_dma source(%dma_start3A_10 : memref<40x128xi32, #tpu.memory_space<hbm>>) target(%arg5 : memref<40x128xi32, #tpu.memory_space<vmem>>) target_semaphore(%run_scoped3A : memref<!tpu.dma_semaphore, #tpu.memory_space<semaphore_mem>>)
      %dma_wait3A = arith.constant 0 : i32
      %dma_wait3A_11 = tpu.memref_slice %arg3[%mul3A_2, %dma_wait3A] : memref<1280x128xi32, #tpu.memory_space<hbm>> -> memref<40x128xi32, #tpu.memory_space<hbm>>
      %dma_wait3A_12 = arith.constant 0 : i32
      %dma_wait3A_13 = tpu.memref_slice %arg3[%mul3A_2, %dma_wait3A_12] : memref<1280x128xi32, #tpu.memory_space<hbm>> -> memref<40x128xi32, #tpu.memory_space<hbm>>
      tpu.wait_dma2 semaphore(%run_scoped3A : memref<!tpu.dma_semaphore, #tpu.memory_space<semaphore_mem>>) src(%dma_wait3A_13 : memref<40x128xi32, #tpu.memory_space<hbm>>) dst(%arg5 : memref<40x128xi32, #tpu.memory_space<vmem>>)
      tpu.yield
    }) : () -> ()
    %scan3A = arith.constant 0 : i32
    %scan3A_3 = arith.constant 0 : i32
    %scan3A_4 = arith.constant 40 : i32
    %scan3A_5 = arith.addi %scan3A_3, %scan3A_4 : i32
    %scan3A_6 = arith.constant 1 : i32
    scf.for %scan3A_8 = %scan3A_3 to %scan3A_5 step %scan3A_6  : i32 {
      %dma_start3A = arith.constant 0 : i32
      %dma_start3A_9 = tpu.memref_slice %arg5[%scan3A_8, %dma_start3A] : memref<40x128xi32, #tpu.memory_space<vmem>> -> memref<1x128xi32, #tpu.memory_space<vmem>>
      %dma_start3A_10 = tpu.memref_squeeze %dma_start3A_9 : memref<1x128xi32, #tpu.memory_space<vmem>> -> memref<128xi32, #tpu.memory_space<vmem>>
      %dma_start3A_11 = arith.constant 0 : i32
      %dma_start3A_12 = arith.constant 0 : i32
      %dma_start3A_13 = tpu.memref_slice %arg2[%dma_start3A_11, %dma_start3A_12] : memref<790000x128xf32, #tpu.memory_space<hbm>> -> memref<790000x128xf32, #tpu.memory_space<hbm>>
      tpu.enqueue_indirect_dma source(%dma_start3A_13 : memref<790000x128xf32, #tpu.memory_space<hbm>>) target(%arg6 : memref<128x128xf32, #tpu.memory_space<vmem>>) offsets(%dma_start3A_10 : memref<128xi32, #tpu.memory_space<vmem>>) semaphore(%arg7 : memref<!tpu.dma_semaphore, #tpu.memory_space<semaphore_mem>>)
      %dma_wait3A = arith.constant 0 : i32
      %dma_wait3A_14 = tpu.memref_slice %arg5[%scan3A_8, %dma_wait3A] : memref<40x128xi32, #tpu.memory_space<vmem>> -> memref<1x128xi32, #tpu.memory_space<vmem>>
      %dma_wait3A_15 = tpu.memref_squeeze %dma_wait3A_14 : memref<1x128xi32, #tpu.memory_space<vmem>> -> memref<128xi32, #tpu.memory_space<vmem>>
      %dma_wait3A_16 = arith.constant 0 : i32
      %dma_wait3A_17 = arith.constant 0 : i32
      %dma_wait3A_18 = tpu.memref_slice %arg2[%dma_wait3A_16, %dma_wait3A_17] : memref<790000x128xf32, #tpu.memory_space<hbm>> -> memref<790000x128xf32, #tpu.memory_space<hbm>>
      tpu.wait_indirect_dma semaphore(%arg7 : memref<!tpu.dma_semaphore, #tpu.memory_space<semaphore_mem>>) src(%dma_wait3A_18 : memref<790000x128xf32, #tpu.memory_space<hbm>>) dst(%arg6 : memref<128x128xf32, #tpu.memory_space<vmem>>)
      %mul3A_19 = arith.constant 40 : i32
      %mul3A_20 = arith.muli %add3A, %mul3A_19 : i32
      %add3A_21 = arith.addi %mul3A_20, %scan3A_8 : i32
      %mul3A_22 = arith.constant 128 : i32
      %mul3A_23 = arith.muli %add3A_21, %mul3A_22 : i32
      "tpu.region"() ({
        %run_scoped3A = tpu.sem_alloc : memref<!tpu.dma_semaphore, #tpu.memory_space<semaphore_mem>>
        %dma_start3A_24 = arith.constant 0 : i32
        %dma_start3A_25 = tpu.memref_slice %arg4[%mul3A_23, %dma_start3A_24] : memref<163840x128xf32, #tpu.memory_space<hbm>> -> memref<128x128xf32, #tpu.memory_space<hbm>>
        %dma_start3A_26 = arith.constant 0 : i32
        %dma_start3A_27 = tpu.memref_slice %arg4[%mul3A_23, %dma_start3A_26] : memref<163840x128xf32, #tpu.memory_space<hbm>> -> memref<128x128xf32, #tpu.memory_space<hbm>>
        tpu.enqueue_dma source(%arg6 : memref<128x128xf32, #tpu.memory_space<vmem>>) target(%dma_start3A_27 : memref<128x128xf32, #tpu.memory_space<hbm>>) target_semaphore(%run_scoped3A : memref<!tpu.dma_semaphore, #tpu.memory_space<semaphore_mem>>)
        %dma_wait3A_28 = arith.constant 0 : i32
        %dma_wait3A_29 = tpu.memref_slice %arg4[%mul3A_23, %dma_wait3A_28] : memref<163840x128xf32, #tpu.memory_space<hbm>> -> memref<128x128xf32, #tpu.memory_space<hbm>>
        %dma_wait3A_30 = arith.constant 0 : i32
        %dma_wait3A_31 = tpu.memref_slice %arg4[%mul3A_23, %dma_wait3A_30] : memref<163840x128xf32, #tpu.memory_space<hbm>> -> memref<128x128xf32, #tpu.memory_space<hbm>>
        tpu.wait_dma2 semaphore(%run_scoped3A : memref<!tpu.dma_semaphore, #tpu.memory_space<semaphore_mem>>) src(%arg6 : memref<128x128xf32, #tpu.memory_space<vmem>>) dst(%dma_wait3A_31 : memref<128x128xf32, #tpu.memory_space<hbm>>)
        tpu.yield
      }) : () -> ()
    }
    %scan3A_7 = arith.constant 40 : i32
    return
  }
}

#map = affine_map<(d0, d1) -> (0, 0)>
module attributes {stable_mosaic.version = 14 : i64} {
  func.func @k(%arg0: i32, %arg1: i32, %arg2: memref<10000x128xf32, #tpu.memory_space<hbm>>, %arg3: memref<1280x128xi32, #tpu.memory_space<hbm>>, %arg4: memref<163840x128xf32, #tpu.memory_space<hbm>>, %arg5: memref<40x128xi32, #tpu.memory_space<vmem>>, %arg6: memref<128x128xf32, #tpu.memory_space<vmem>>, %arg7: memref<!tpu.dma_semaphore, #tpu.memory_space<semaphore_mem>>) attributes {dimension_semantics = [#tpu.dimension_semantics<core_parallel>, #tpu.dimension_semantics<subcore_parallel>], iteration_bounds = array<i64: 2, 16>, scalar_prefetch = 0 : i64, scratch_operands = 3 : i64, tpu.core_type = #tpu.core_type<sc_vector_subcore>, window_params = [{transform_indices = #map}, {transform_indices = #map}, {transform_indices = #map}]} {
    %mul3A = arith.constant 2 : i32
    %mul3A_0 = arith.muli %arg1, %mul3A : i32
    %add3A = arith.addi %mul3A_0, %arg0 : i32
    %mul3A_1 = arith.constant 40 : i32
    %mul3A_2 = arith.muli %add3A, %mul3A_1 : i32
    "tpu.region"() ({
      %run_scoped3A = tpu.sem_alloc : memref<!tpu.dma_semaphore, #tpu.memory_space<semaphore_mem>>
      %dma_start3A = arith.constant 0 : i32
      %dma_start3A_8 = tpu.memref_slice %arg3[%mul3A_2, %dma_start3A] : memref<1280x128xi32, #tpu.memory_space<hbm>> -> memref<40x128xi32, #tpu.memory_space<hbm>>
      %dma_start3A_9 = arith.constant 0 : i32
      %dma_start3A_10 = tpu.memref_slice %arg3[%mul3A_2, %dma_start3A_9] : memref<1280x128xi32, #tpu.memory_space<hbm>> -> memref<40x128xi32, #tpu.memory_space<hbm>>
      tpu.enqueue_dma source(%dma_start3A_10 : memref<40x128xi32, #tpu.memory_space<hbm>>) target(%arg5 : memref<40x128xi32, #tpu.memory_space<vmem>>) target_semaphore(%run_scoped3A : memref<!tpu.dma_semaphore, #tpu.memory_space<semaphore_mem>>)
      %dma_wait3A = arith.constant 0 : i32
      %dma_wait3A_11 = tpu.memref_slice %arg3[%mul3A_2, %dma_wait3A] : memref<1280x128xi32, #tpu.memory_space<hbm>> -> memref<40x128xi32, #tpu.memory_space<hbm>>
      %dma_wait3A_12 = arith.constant 0 : i32
      %dma_wait3A_13 = tpu.memref_slice %arg3[%mul3A_2, %dma_wait3A_12] : memref<1280x128xi32, #tpu.memory_space<hbm>> -> memref<40x128xi32, #tpu.memory_space<hbm>>
      tpu.wait_dma2 semaphore(%run_scoped3A : memref<!tpu.dma_semaphore, #tpu.memory_space<semaphore_mem>>) src(%dma_wait3A_13 : memref<40x128xi32, #tpu.memory_space<hbm>>) dst(%arg5 : memref<40x128xi32, #tpu.memory_space<vmem>>)
      tpu.yield
    }) : () -> ()
    %scan3A = arith.constant 0 : i32
    %scan3A_3 = arith.constant 0 : i32
    %scan3A_4 = arith.constant 40 : i32
    %scan3A_5 = arith.addi %scan3A_3, %scan3A_4 : i32
    %scan3A_6 = arith.constant 1 : i32
    scf.for %scan3A_8 = %scan3A_3 to %scan3A_5 step %scan3A_6  : i32 {
      %dma_start3A = arith.constant 0 : i32
      %dma_start3A_9 = tpu.memref_slice %arg5[%scan3A_8, %dma_start3A] : memref<40x128xi32, #tpu.memory_space<vmem>> -> memref<1x128xi32, #tpu.memory_space<vmem>>
      %dma_start3A_10 = tpu.memref_squeeze %dma_start3A_9 : memref<1x128xi32, #tpu.memory_space<vmem>> -> memref<128xi32, #tpu.memory_space<vmem>>
      %dma_start3A_11 = arith.constant 0 : i32
      %dma_start3A_12 = arith.constant 0 : i32
      %dma_start3A_13 = tpu.memref_slice %arg2[%dma_start3A_11, %dma_start3A_12] : memref<10000x128xf32, #tpu.memory_space<hbm>> -> memref<10000x128xf32, #tpu.memory_space<hbm>>
      tpu.enqueue_indirect_dma source(%dma_start3A_13 : memref<10000x128xf32, #tpu.memory_space<hbm>>) target(%arg6 : memref<128x128xf32, #tpu.memory_space<vmem>>) offsets(%dma_start3A_10 : memref<128xi32, #tpu.memory_space<vmem>>) semaphore(%arg7 : memref<!tpu.dma_semaphore, #tpu.memory_space<semaphore_mem>>)
      %dma_wait3A = arith.constant 0 : i32
      %dma_wait3A_14 = tpu.memref_slice %arg5[%scan3A_8, %dma_wait3A] : memref<40x128xi32, #tpu.memory_space<vmem>> -> memref<1x128xi32, #tpu.memory_space<vmem>>
      %dma_wait3A_15 = tpu.memref_squeeze %dma_wait3A_14 : memref<1x128xi32, #tpu.memory_space<vmem>> -> memref<128xi32, #tpu.memory_space<vmem>>
      %dma_wait3A_16 = arith.constant 0 : i32
      %dma_wait3A_17 = arith.constant 0 : i32
      %dma_wait3A_18 = tpu.memref_slice %arg2[%dma_wait3A_16, %dma_wait3A_17] : memref<10000x128xf32, #tpu.memory_space<hbm>> -> memref<10000x128xf32, #tpu.memory_space<hbm>>
      tpu.wait_indirect_dma semaphore(%arg7 : memref<!tpu.dma_semaphore, #tpu.memory_space<semaphore_mem>>) src(%dma_wait3A_18 : memref<10000x128xf32, #tpu.memory_space<hbm>>) dst(%arg6 : memref<128x128xf32, #tpu.memory_space<vmem>>)
      %mul3A_19 = arith.constant 40 : i32
      %mul3A_20 = arith.muli %add3A, %mul3A_19 : i32
      %add3A_21 = arith.addi %mul3A_20, %scan3A_8 : i32
      %mul3A_22 = arith.constant 128 : i32
      %mul3A_23 = arith.muli %add3A_21, %mul3A_22 : i32
      "tpu.region"() ({
        %run_scoped3A = tpu.sem_alloc : memref<!tpu.dma_semaphore, #tpu.memory_space<semaphore_mem>>
        %dma_start3A_24 = arith.constant 0 : i32
        %dma_start3A_25 = tpu.memref_slice %arg4[%mul3A_23, %dma_start3A_24] : memref<163840x128xf32, #tpu.memory_space<hbm>> -> memref<128x128xf32, #tpu.memory_space<hbm>>
        %dma_start3A_26 = arith.constant 0 : i32
        %dma_start3A_27 = tpu.memref_slice %arg4[%mul3A_23, %dma_start3A_26] : memref<163840x128xf32, #tpu.memory_space<hbm>> -> memref<128x128xf32, #tpu.memory_space<hbm>>
        tpu.enqueue_dma source(%arg6 : memref<128x128xf32, #tpu.memory_space<vmem>>) target(%dma_start3A_27 : memref<128x128xf32, #tpu.memory_space<hbm>>) target_semaphore(%run_scoped3A : memref<!tpu.dma_semaphore, #tpu.memory_space<semaphore_mem>>)
        %dma_wait3A_28 = arith.constant 0 : i32
        %dma_wait3A_29 = tpu.memref_slice %arg4[%mul3A_23, %dma_wait3A_28] : memref<163840x128xf32, #tpu.memory_space<hbm>> -> memref<128x128xf32, #tpu.memory_space<hbm>>
        %dma_wait3A_30 = arith.constant 0 : i32
        %dma_wait3A_31 = tpu.memref_slice %arg4[%mul3A_23, %dma_wait3A_30] : memref<163840x128xf32, #tpu.memory_space<hbm>> -> memref<128x128xf32, #tpu.memory_space<hbm>>
        tpu.wait_dma2 semaphore(%run_scoped3A : memref<!tpu.dma_semaphore, #tpu.memory_space<semaphore_mem>>) src(%arg6 : memref<128x128xf32, #tpu.memory_space<vmem>>) dst(%dma_wait3A_31 : memref<128x128xf32, #tpu.memory_space<hbm>>)
        tpu.yield
      }) : () -> ()
    }
    %scan3A_7 = arith.constant 40 : i32
    return
  }
}

module attributes {stable_mosaic.version = 14 : i64} {
  func.func @_norm_body(%arg0: i32, %arg1: memref<1256x128xf32, #tpu.memory_space<vmem>>, %arg2: memref<1256x1xf32, #tpu.memory_space<vmem>>) attributes {dimension_semantics = [#tpu.dimension_semantics<arbitrary>], iteration_bounds = array<i64: 8>, scalar_prefetch = 0 : i64, scratch_operands = 0 : i64, tpu.core_type = #tpu.core_type<tc>, window_params = [{transform_indices = @transform_0, window_bounds = array<i64: 1256, 128>}, {transform_indices = @transform_1, window_bounds = array<i64: 1256, 1>}]} {
    %get3A = arith.constant 0 : index
    %get3A_0 = arith.constant 0 : index
    %get3A_1 = vector.load %arg1[%get3A, %get3A_0] : memref<1256x128xf32, #tpu.memory_space<vmem>>, vector<1256x128xf32>
    %mul3A = arith.mulf %get3A_1, %get3A_1 : vector<1256x128xf32>
    %reduce_sum3A = arith.constant dense<0.000000e+00> : vector<1256xf32>
    %reduce_sum3A_2 = vector.multi_reduction <add>, %mul3A, %reduce_sum3A [1] : vector<1256x128xf32> to vector<1256xf32>
    %broadcast_in_dim3A = vector.shape_cast %reduce_sum3A_2 : vector<1256xf32> to vector<1256x1xf32>
    %sqrt3A = math.sqrt %broadcast_in_dim3A : vector<1256x1xf32>
    %swap3A = arith.constant 0 : index
    %swap3A_3 = arith.constant 0 : index
    %swap3A_4 = vector.load %arg2[%swap3A, %swap3A_3] : memref<1256x1xf32, #tpu.memory_space<vmem>>, vector<1256x1xf32>
    tpu.vector_store %arg2[%swap3A, %swap3A_3], %sqrt3A {strides = array<i32>} : memref<1256x1xf32, #tpu.memory_space<vmem>>, vector<1256x1xf32>,
    return
  }
  func.func @transform_0(%arg0: i32) -> (i32, i32) {
    %c0_i32 = arith.constant 0 : i32
    %c0_i32_0 = arith.constant 0 : i32
    return %arg0, %c0_i32 : i32, i32
  }
  func.func @transform_1(%arg0: i32) -> (i32, i32) {
    %c0_i32 = arith.constant 0 : i32
    %c0_i32_0 = arith.constant 0 : i32
    return %arg0, %c0_i32 : i32, i32
  }
}

module attributes {stable_mosaic.version = 14 : i64} {
  func.func @_simtopk_body(%arg0: i32, %arg1: memref<200x128xf32, #tpu.memory_space<vmem>>, %arg2: memref<10112x128xf32, #tpu.memory_space<vmem>>, %arg3: memref<200x1xf32, #tpu.memory_space<vmem>>, %arg4: memref<1x10112xf32, #tpu.memory_space<vmem>>, %arg5: memref<200x10112xf32, #tpu.memory_space<vmem>>, %arg6: memref<200x16xi32, #tpu.memory_space<vmem>>) attributes {dimension_semantics = [#tpu.dimension_semantics<arbitrary>], iteration_bounds = array<i64: 50>, scalar_prefetch = 0 : i64, scratch_operands = 0 : i64, tpu.core_type = #tpu.core_type<tc>, window_params = [{transform_indices = @transform_0, window_bounds = array<i64: 200, 128>}, {pipeline_mode = #tpu.pipeline_mode<synchronous>, transform_indices = @transform_1, window_bounds = array<i64: 10112, 128>}, {transform_indices = @transform_2, window_bounds = array<i64: 200, 1>}, {pipeline_mode = #tpu.pipeline_mode<synchronous>, transform_indices = @transform_3, window_bounds = array<i64: 1, 10112>}, {transform_indices = @transform_4, window_bounds = array<i64: 200, 10112>}, {transform_indices = @transform_5, window_bounds = array<i64: 200, 16>}]} {
    %get3A = arith.constant 0 : index
    %get3A_0 = arith.constant 0 : index
    %get3A_1 = vector.load %arg1[%get3A, %get3A_0] : memref<200x128xf32, #tpu.memory_space<vmem>>, vector<200x128xf32>
    %get3A_2 = arith.constant 0 : index
    %get3A_3 = arith.constant 0 : index
    %get3A_4 = vector.load %arg2[%get3A_2, %get3A_3] : memref<10112x128xf32, #tpu.memory_space<vmem>>, vector<10112x128xf32>
    %dot_general3A = arith.constant dense<0.000000e+00> : vector<200x10112xf32>
    %dot_general3A_5 = tpu.matmul %get3A_1, %get3A_4, %dot_general3A {dimension_numbers = #tpu.dot_dimension_numbers<[1], [1], [0], [0], [0, 0, 1, 0], [], []>, transpose_lhs_hint = false} : vector<200x128xf32>, vector<10112x128xf32>, vector<200x10112xf32> -> vector<200x10112xf32>
    %get3A_6 = arith.constant 0 : index
    %get3A_7 = arith.constant 0 : index
    %get3A_8 = vector.load %arg3[%get3A_6, %get3A_7] : memref<200x1xf32, #tpu.memory_space<vmem>>, vector<200x1xf32>
    %get3A_9 = arith.constant 0 : index
    %get3A_10 = arith.constant 0 : index
    %get3A_11 = vector.load %arg4[%get3A_9, %get3A_10] : memref<1x10112xf32, #tpu.memory_space<vmem>>, vector<1x10112xf32>
    %mul3A = vector.broadcast %get3A_8 : vector<200x1xf32> to vector<200x10112xf32>
    %mul3A_12 = vector.broadcast %get3A_11 : vector<1x10112xf32> to vector<200x10112xf32>
    %mul3A_13 = arith.mulf %mul3A, %mul3A_12 : vector<200x10112xf32>
    %div3A = arith.divf %dot_general3A_5, %mul3A_13 : vector<200x10112xf32>
    %slice3A = vector.extract_strided_slice %div3A {offsets = [0, 9984], sizes = [200, 128], strides = [1, 1]} : vector<200x10112xf32> to vector<200x128xf32>
    %iota3A = tpu.iota {dimensions = array<i32: 1>} : vector<200x128xi32>
    %lt3A = arith.constant 16 : i32
    %lt3A_14 = vector.broadcast %lt3A : i32 to vector<200x128xi32>
    %lt3A_15 = arith.cmpi slt, %iota3A, %lt3A_14 : vector<200x128xi32>
    %jit3A = arith.constant -2.000000e+00 : f32
    %broadcast_in_dim3A = vector.broadcast %jit3A : f32 to vector<200x128xf32>
    %select_n3A = arith.select %lt3A_15, %slice3A, %broadcast_in_dim3A : vector<200x128xi1>, vector<200x128xf32>
    %slice3A_16 = vector.extract_strided_slice %div3A {offsets = [0, 0], sizes = [200, 9984], strides = [1, 1]} : vector<200x10112xf32> to vector<200x9984xf32>
    %concatenate3A = tpu.concatenate %slice3A_16, %select_n3A in 1 : vector<200x9984xf32>, vector<200x128xf32> -> vector<200x10112xf32>
    %swap3A = arith.constant 0 : index
    %swap3A_17 = arith.constant 0 : index
    %swap3A_18 = vector.load %arg5[%swap3A, %swap3A_17] : memref<200x10112xf32, #tpu.memory_space<vmem>>, vector<200x10112xf32>
    tpu.vector_store %arg5[%swap3A, %swap3A_17], %concatenate3A {strides = array<i32>} : memref<200x10112xf32, #tpu.memory_space<vmem>>, vector<200x10112xf32>,
    %slice3A_19 = vector.extract_strided_slice %concatenate3A {offsets = [0, 0], sizes = [200, 128], strides = [1, 1]} : vector<200x10112xf32> to vector<200x128xf32>
    %reduce_max3A = arith.constant dense<0xFF800000> : vector<200xf32>
    %reduce_max3A_20 = vector.multi_reduction <maximumf>, %slice3A_19, %reduce_max3A [1] : vector<200x128xf32> to vector<200xf32>
    %broadcast_in_dim3A_21 = vector.shape_cast %reduce_max3A_20 : vector<200xf32> to vector<200x1xf32>
    %slice3A_22 = vector.extract_strided_slice %concatenate3A {offsets = [0, 128], sizes = [200, 128], strides = [1, 1]} : vector<200x10112xf32> to vector<200x128xf32>
    %reduce_max3A_23 = arith.constant dense<0xFF800000> : vector<200xf32>
    %reduce_max3A_24 = vector.multi_reduction <maximumf>, %slice3A_22, %reduce_max3A_23 [1] : vector<200x128xf32> to vector<200xf32>
    %broadcast_in_dim3A_25 = vector.shape_cast %reduce_max3A_24 : vector<200xf32> to vector<200x1xf32>
    %slice3A_26 = vector.extract_strided_slice %concatenate3A {offsets = [0, 256], sizes = [200, 128], strides = [1, 1]} : vector<200x10112xf32> to vector<200x128xf32>
    %reduce_max3A_27 = arith.constant dense<0xFF800000> : vector<200xf32>
    %reduce_max3A_28 = vector.multi_reduction <maximumf>, %slice3A_26, %reduce_max3A_27 [1] : vector<200x128xf32> to vector<200xf32>
    %broadcast_in_dim3A_29 = vector.shape_cast %reduce_max3A_28 : vector<200xf32> to vector<200x1xf32>
    %slice3A_30 = vector.extract_strided_slice %concatenate3A {offsets = [0, 384], sizes = [200, 128], strides = [1, 1]} : vector<200x10112xf32> to vector<200x128xf32>
    %reduce_max3A_31 = arith.constant dense<0xFF800000> : vector<200xf32>
    %reduce_max3A_32 = vector.multi_reduction <maximumf>, %slice3A_30, %reduce_max3A_31 [1] : vector<200x128xf32> to vector<200xf32>
    %broadcast_in_dim3A_33 = vector.shape_cast %reduce_max3A_32 : vector<200xf32> to vector<200x1xf32>
    %slice3A_34 = vector.extract_strided_slice %concatenate3A {offsets = [0, 512], sizes = [200, 128], strides = [1, 1]} : vector<200x10112xf32> to vector<200x128xf32>
    %reduce_max3A_35 = arith.constant dense<0xFF800000> : vector<200xf32>
    %reduce_max3A_36 = vector.multi_reduction <maximumf>, %slice3A_34, %reduce_max3A_35 [1] : vector<200x128xf32> to vector<200xf32>
    %broadcast_in_dim3A_37 = vector.shape_cast %reduce_max3A_36 : vector<200xf32> to vector<200x1xf32>
    %slice3A_38 = vector.extract_strided_slice %concatenate3A {offsets = [0, 640], sizes = [200, 128], strides = [1, 1]} : vector<200x10112xf32> to vector<200x128xf32>
    %reduce_max3A_39 = arith.constant dense<0xFF800000> : vector<200xf32>
    %reduce_max3A_40 = vector.multi_reduction <maximumf>, %slice3A_38, %reduce_max3A_39 [1] : vector<200x128xf32> to vector<200xf32>
    %broadcast_in_dim3A_41 = vector.shape_cast %reduce_max3A_40 : vector<200xf32> to vector<200x1xf32>
    %slice3A_42 = vector.extract_strided_slice %concatenate3A {offsets = [0, 768], sizes = [200, 128], strides = [1, 1]} : vector<200x10112xf32> to vector<200x128xf32>
    %reduce_max3A_43 = arith.constant dense<0xFF800000> : vector<200xf32>
    %reduce_max3A_44 = vector.multi_reduction <maximumf>, %slice3A_42, %reduce_max3A_43 [1] : vector<200x128xf32> to vector<200xf32>
    %broadcast_in_dim3A_45 = vector.shape_cast %reduce_max3A_44 : vector<200xf32> to vector<200x1xf32>
    %slice3A_46 = vector.extract_strided_slice %concatenate3A {offsets = [0, 896], sizes = [200, 128], strides = [1, 1]} : vector<200x10112xf32> to vector<200x128xf32>
    %reduce_max3A_47 = arith.constant dense<0xFF800000> : vector<200xf32>
    %reduce_max3A_48 = vector.multi_reduction <maximumf>, %slice3A_46, %reduce_max3A_47 [1] : vector<200x128xf32> to vector<200xf32>
    %broadcast_in_dim3A_49 = vector.shape_cast %reduce_max3A_48 : vector<200xf32> to vector<200x1xf32>
    %slice3A_50 = vector.extract_strided_slice %concatenate3A {offsets = [0, 1024], sizes = [200, 128], strides = [1, 1]} : vector<200x10112xf32> to vector<200x128xf32>
    %reduce_max3A_51 = arith.constant dense<0xFF800000> : vector<200xf32>
    %reduce_max3A_52 = vector.multi_reduction <maximumf>, %slice3A_50, %reduce_max3A_51 [1] : vector<200x128xf32> to vector<200xf32>
    %broadcast_in_dim3A_53 = vector.shape_cast %reduce_max3A_52 : vector<200xf32> to vector<200x1xf32>
    %slice3A_54 = vector.extract_strided_slice %concatenate3A {offsets = [0, 1152], sizes = [200, 128], strides = [1, 1]} : vector<200x10112xf32> to vector<200x128xf32>
    %reduce_max3A_55 = arith.constant dense<0xFF800000> : vector<200xf32>
    %reduce_max3A_56 = vector.multi_reduction <maximumf>, %slice3A_54, %reduce_max3A_55 [1] : vector<200x128xf32> to vector<200xf32>
    %broadcast_in_dim3A_57 = vector.shape_cast %reduce_max3A_56 : vector<200xf32> to vector<200x1xf32>
    %slice3A_58 = vector.extract_strided_slice %concatenate3A {offsets = [0, 1280], sizes = [200, 128], strides = [1, 1]} : vector<200x10112xf32> to vector<200x128xf32>
    %reduce_max3A_59 = arith.constant dense<0xFF800000> : vector<200xf32>
    %reduce_max3A_60 = vector.multi_reduction <maximumf>, %slice3A_58, %reduce_max3A_59 [1] : vector<200x128xf32> to vector<200xf32>
    %broadcast_in_dim3A_61 = vector.shape_cast %reduce_max3A_60 : vector<200xf32> to vector<200x1xf32>
    %slice3A_62 = vector.extract_strided_slice %concatenate3A {offsets = [0, 1408], sizes = [200, 128], strides = [1, 1]} : vector<200x10112xf32> to vector<200x128xf32>
    %reduce_max3A_63 = arith.constant dense<0xFF800000> : vector<200xf32>
    %reduce_max3A_64 = vector.multi_reduction <maximumf>, %slice3A_62, %reduce_max3A_63 [1] : vector<200x128xf32> to vector<200xf32>
    %broadcast_in_dim3A_65 = vector.shape_cast %reduce_max3A_64 : vector<200xf32> to vector<200x1xf32>
    %slice3A_66 = vector.extract_strided_slice %concatenate3A {offsets = [0, 1536], sizes = [200, 128], strides = [1, 1]} : vector<200x10112xf32> to vector<200x128xf32>
    %reduce_max3A_67 = arith.constant dense<0xFF800000> : vector<200xf32>
    %reduce_max3A_68 = vector.multi_reduction <maximumf>, %slice3A_66, %reduce_max3A_67 [1] : vector<200x128xf32> to vector<200xf32>
    %broadcast_in_dim3A_69 = vector.shape_cast %reduce_max3A_68 : vector<200xf32> to vector<200x1xf32>
    %slice3A_70 = vector.extract_strided_slice %concatenate3A {offsets = [0, 1664], sizes = [200, 128], strides = [1, 1]} : vector<200x10112xf32> to vector<200x128xf32>
    %reduce_max3A_71 = arith.constant dense<0xFF800000> : vector<200xf32>
    %reduce_max3A_72 = vector.multi_reduction <maximumf>, %slice3A_70, %reduce_max3A_71 [1] : vector<200x128xf32> to vector<200xf32>
    %broadcast_in_dim3A_73 = vector.shape_cast %reduce_max3A_72 : vector<200xf32> to vector<200x1xf32>
    %slice3A_74 = vector.extract_strided_slice %concatenate3A {offsets = [0, 1792], sizes = [200, 128], strides = [1, 1]} : vector<200x10112xf32> to vector<200x128xf32>
    %reduce_max3A_75 = arith.constant dense<0xFF800000> : vector<200xf32>
    %reduce_max3A_76 = vector.multi_reduction <maximumf>, %slice3A_74, %reduce_max3A_75 [1] : vector<200x128xf32> to vector<200xf32>
    %broadcast_in_dim3A_77 = vector.shape_cast %reduce_max3A_76 : vector<200xf32> to vector<200x1xf32>
    %slice3A_78 = vector.extract_strided_slice %concatenate3A {offsets = [0, 1920], sizes = [200, 128], strides = [1, 1]} : vector<200x10112xf32> to vector<200x128xf32>
    %reduce_max3A_79 = arith.constant dense<0xFF800000> : vector<200xf32>
    %reduce_max3A_80 = vector.multi_reduction <maximumf>, %slice3A_78, %reduce_max3A_79 [1] : vector<200x128xf32> to vector<200xf32>
    %broadcast_in_dim3A_81 = vector.shape_cast %reduce_max3A_80 : vector<200xf32> to vector<200x1xf32>
    %slice3A_82 = vector.extract_strided_slice %concatenate3A {offsets = [0, 2048], sizes = [200, 128], strides = [1, 1]} : vector<200x10112xf32> to vector<200x128xf32>
    %reduce_max3A_83 = arith.constant dense<0xFF800000> : vector<200xf32>
    %reduce_max3A_84 = vector.multi_reduction <maximumf>, %slice3A_82, %reduce_max3A_83 [1] : vector<200x128xf32> to vector<200xf32>
    %broadcast_in_dim3A_85 = vector.shape_cast %reduce_max3A_84 : vector<200xf32> to vector<200x1xf32>
    %slice3A_86 = vector.extract_strided_slice %concatenate3A {offsets = [0, 2176], sizes = [200, 128], strides = [1, 1]} : vector<200x10112xf32> to vector<200x128xf32>
    %reduce_max3A_87 = arith.constant dense<0xFF800000> : vector<200xf32>
    %reduce_max3A_88 = vector.multi_reduction <maximumf>, %slice3A_86, %reduce_max3A_87 [1] : vector<200x128xf32> to vector<200xf32>
    %broadcast_in_dim3A_89 = vector.shape_cast %reduce_max3A_88 : vector<200xf32> to vector<200x1xf32>
    %slice3A_90 = vector.extract_strided_slice %concatenate3A {offsets = [0, 2304], sizes = [200, 128], strides = [1, 1]} : vector<200x10112xf32> to vector<200x128xf32>
    %reduce_max3A_91 = arith.constant dense<0xFF800000> : vector<200xf32>
    %reduce_max3A_92 = vector.multi_reduction <maximumf>, %slice3A_90, %reduce_max3A_91 [1] : vector<200x128xf32> to vector<200xf32>
    %broadcast_in_dim3A_93 = vector.shape_cast %reduce_max3A_92 : vector<200xf32> to vector<200x1xf32>
    %slice3A_94 = vector.extract_strided_slice %concatenate3A {offsets = [0, 2432], sizes = [200, 128], strides = [1, 1]} : vector<200x10112xf32> to vector<200x128xf32>
    %reduce_max3A_95 = arith.constant dense<0xFF800000> : vector<200xf32>
    %reduce_max3A_96 = vector.multi_reduction <maximumf>, %slice3A_94, %reduce_max3A_95 [1] : vector<200x128xf32> to vector<200xf32>
    %broadcast_in_dim3A_97 = vector.shape_cast %reduce_max3A_96 : vector<200xf32> to vector<200x1xf32>
    %slice3A_98 = vector.extract_strided_slice %concatenate3A {offsets = [0, 2560], sizes = [200, 128], strides = [1, 1]} : vector<200x10112xf32> to vector<200x128xf32>
    %reduce_max3A_99 = arith.constant dense<0xFF800000> : vector<200xf32>
    %reduce_max3A_100 = vector.multi_reduction <maximumf>, %slice3A_98, %reduce_max3A_99 [1] : vector<200x128xf32> to vector<200xf32>
    %broadcast_in_dim3A_101 = vector.shape_cast %reduce_max3A_100 : vector<200xf32> to vector<200x1xf32>
    %slice3A_102 = vector.extract_strided_slice %concatenate3A {offsets = [0, 2688], sizes = [200, 128], strides = [1, 1]} : vector<200x10112xf32> to vector<200x128xf32>
    %reduce_max3A_103 = arith.constant dense<0xFF800000> : vector<200xf32>
    %reduce_max3A_104 = vector.multi_reduction <maximumf>, %slice3A_102, %reduce_max3A_103 [1] : vector<200x128xf32> to vector<200xf32>
    %broadcast_in_dim3A_105 = vector.shape_cast %reduce_max3A_104 : vector<200xf32> to vector<200x1xf32>
    %slice3A_106 = vector.extract_strided_slice %concatenate3A {offsets = [0, 2816], sizes = [200, 128], strides = [1, 1]} : vector<200x10112xf32> to vector<200x128xf32>
    %reduce_max3A_107 = arith.constant dense<0xFF800000> : vector<200xf32>
    %reduce_max3A_108 = vector.multi_reduction <maximumf>, %slice3A_106, %reduce_max3A_107 [1] : vector<200x128xf32> to vector<200xf32>
    %broadcast_in_dim3A_109 = vector.shape_cast %reduce_max3A_108 : vector<200xf32> to vector<200x1xf32>
    %slice3A_110 = vector.extract_strided_slice %concatenate3A {offsets = [0, 2944], sizes = [200, 128], strides = [1, 1]} : vector<200x10112xf32> to vector<200x128xf32>
    %reduce_max3A_111 = arith.constant dense<0xFF800000> : vector<200xf32>
    %reduce_max3A_112 = vector.multi_reduction <maximumf>, %slice3A_110, %reduce_max3A_111 [1] : vector<200x128xf32> to vector<200xf32>
    %broadcast_in_dim3A_113 = vector.shape_cast %reduce_max3A_112 : vector<200xf32> to vector<200x1xf32>
    %slice3A_114 = vector.extract_strided_slice %concatenate3A {offsets = [0, 3072], sizes = [200, 128], strides = [1, 1]} : vector<200x10112xf32> to vector<200x128xf32>
    %reduce_max3A_115 = arith.constant dense<0xFF800000> : vector<200xf32>
    %reduce_max3A_116 = vector.multi_reduction <maximumf>, %slice3A_114, %reduce_max3A_115 [1] : vector<200x128xf32> to vector<200xf32>
    %broadcast_in_dim3A_117 = vector.shape_cast %reduce_max3A_116 : vector<200xf32> to vector<200x1xf32>
    %slice3A_118 = vector.extract_strided_slice %concatenate3A {offsets = [0, 3200], sizes = [200, 128], strides = [1, 1]} : vector<200x10112xf32> to vector<200x128xf32>
    %reduce_max3A_119 = arith.constant dense<0xFF800000> : vector<200xf32>
    %reduce_max3A_120 = vector.multi_reduction <maximumf>, %slice3A_118, %reduce_max3A_119 [1] : vector<200x128xf32> to vector<200xf32>
    %broadcast_in_dim3A_121 = vector.shape_cast %reduce_max3A_120 : vector<200xf32> to vector<200x1xf32>
    %slice3A_122 = vector.extract_strided_slice %concatenate3A {offsets = [0, 3328], sizes = [200, 128], strides = [1, 1]} : vector<200x10112xf32> to vector<200x128xf32>
    %reduce_max3A_123 = arith.constant dense<0xFF800000> : vector<200xf32>
    %reduce_max3A_124 = vector.multi_reduction <maximumf>, %slice3A_122, %reduce_max3A_123 [1] : vector<200x128xf32> to vector<200xf32>
    %broadcast_in_dim3A_125 = vector.shape_cast %reduce_max3A_124 : vector<200xf32> to vector<200x1xf32>
    %slice3A_126 = vector.extract_strided_slice %concatenate3A {offsets = [0, 3456], sizes = [200, 128], strides = [1, 1]} : vector<200x10112xf32> to vector<200x128xf32>
    %reduce_max3A_127 = arith.constant dense<0xFF800000> : vector<200xf32>
    %reduce_max3A_128 = vector.multi_reduction <maximumf>, %slice3A_126, %reduce_max3A_127 [1] : vector<200x128xf32> to vector<200xf32>
    %broadcast_in_dim3A_129 = vector.shape_cast %reduce_max3A_128 : vector<200xf32> to vector<200x1xf32>
    %slice3A_130 = vector.extract_strided_slice %concatenate3A {offsets = [0, 3584], sizes = [200, 128], strides = [1, 1]} : vector<200x10112xf32> to vector<200x128xf32>
    %reduce_max3A_131 = arith.constant dense<0xFF800000> : vector<200xf32>
    %reduce_max3A_132 = vector.multi_reduction <maximumf>, %slice3A_130, %reduce_max3A_131 [1] : vector<200x128xf32> to vector<200xf32>
    %broadcast_in_dim3A_133 = vector.shape_cast %reduce_max3A_132 : vector<200xf32> to vector<200x1xf32>
    %slice3A_134 = vector.extract_strided_slice %concatenate3A {offsets = [0, 3712], sizes = [200, 128], strides = [1, 1]} : vector<200x10112xf32> to vector<200x128xf32>
    %reduce_max3A_135 = arith.constant dense<0xFF800000> : vector<200xf32>
    %reduce_max3A_136 = vector.multi_reduction <maximumf>, %slice3A_134, %reduce_max3A_135 [1] : vector<200x128xf32> to vector<200xf32>
    %broadcast_in_dim3A_137 = vector.shape_cast %reduce_max3A_136 : vector<200xf32> to vector<200x1xf32>
    %slice3A_138 = vector.extract_strided_slice %concatenate3A {offsets = [0, 3840], sizes = [200, 128], strides = [1, 1]} : vector<200x10112xf32> to vector<200x128xf32>
    %reduce_max3A_139 = arith.constant dense<0xFF800000> : vector<200xf32>
    %reduce_max3A_140 = vector.multi_reduction <maximumf>, %slice3A_138, %reduce_max3A_139 [1] : vector<200x128xf32> to vector<200xf32>
    %broadcast_in_dim3A_141 = vector.shape_cast %reduce_max3A_140 : vector<200xf32> to vector<200x1xf32>
    %slice3A_142 = vector.extract_strided_slice %concatenate3A {offsets = [0, 3968], sizes = [200, 128], strides = [1, 1]} : vector<200x10112xf32> to vector<200x128xf32>
    %reduce_max3A_143 = arith.constant dense<0xFF800000> : vector<200xf32>
    %reduce_max3A_144 = vector.multi_reduction <maximumf>, %slice3A_142, %reduce_max3A_143 [1] : vector<200x128xf32> to vector<200xf32>
    %broadcast_in_dim3A_145 = vector.shape_cast %reduce_max3A_144 : vector<200xf32> to vector<200x1xf32>
    %slice3A_146 = vector.extract_strided_slice %concatenate3A {offsets = [0, 4096], sizes = [200, 128], strides = [1, 1]} : vector<200x10112xf32> to vector<200x128xf32>
    %reduce_max3A_147 = arith.constant dense<0xFF800000> : vector<200xf32>
    %reduce_max3A_148 = vector.multi_reduction <maximumf>, %slice3A_146, %reduce_max3A_147 [1] : vector<200x128xf32> to vector<200xf32>
    %broadcast_in_dim3A_149 = vector.shape_cast %reduce_max3A_148 : vector<200xf32> to vector<200x1xf32>
    %slice3A_150 = vector.extract_strided_slice %concatenate3A {offsets = [0, 4224], sizes = [200, 128], strides = [1, 1]} : vector<200x10112xf32> to vector<200x128xf32>
    %reduce_max3A_151 = arith.constant dense<0xFF800000> : vector<200xf32>
    %reduce_max3A_152 = vector.multi_reduction <maximumf>, %slice3A_150, %reduce_max3A_151 [1] : vector<200x128xf32> to vector<200xf32>
    %broadcast_in_dim3A_153 = vector.shape_cast %reduce_max3A_152 : vector<200xf32> to vector<200x1xf32>
    %slice3A_154 = vector.extract_strided_slice %concatenate3A {offsets = [0, 4352], sizes = [200, 128], strides = [1, 1]} : vector<200x10112xf32> to vector<200x128xf32>
    %reduce_max3A_155 = arith.constant dense<0xFF800000> : vector<200xf32>
    %reduce_max3A_156 = vector.multi_reduction <maximumf>, %slice3A_154, %reduce_max3A_155 [1] : vector<200x128xf32> to vector<200xf32>
    %broadcast_in_dim3A_157 = vector.shape_cast %reduce_max3A_156 : vector<200xf32> to vector<200x1xf32>
    %slice3A_158 = vector.extract_strided_slice %concatenate3A {offsets = [0, 4480], sizes = [200, 128], strides = [1, 1]} : vector<200x10112xf32> to vector<200x128xf32>
    %reduce_max3A_159 = arith.constant dense<0xFF800000> : vector<200xf32>
    %reduce_max3A_160 = vector.multi_reduction <maximumf>, %slice3A_158, %reduce_max3A_159 [1] : vector<200x128xf32> to vector<200xf32>
    %broadcast_in_dim3A_161 = vector.shape_cast %reduce_max3A_160 : vector<200xf32> to vector<200x1xf32>
    %slice3A_162 = vector.extract_strided_slice %concatenate3A {offsets = [0, 4608], sizes = [200, 128], strides = [1, 1]} : vector<200x10112xf32> to vector<200x128xf32>
    %reduce_max3A_163 = arith.constant dense<0xFF800000> : vector<200xf32>
    %reduce_max3A_164 = vector.multi_reduction <maximumf>, %slice3A_162, %reduce_max3A_163 [1] : vector<200x128xf32> to vector<200xf32>
    %broadcast_in_dim3A_165 = vector.shape_cast %reduce_max3A_164 : vector<200xf32> to vector<200x1xf32>
    %slice3A_166 = vector.extract_strided_slice %concatenate3A {offsets = [0, 4736], sizes = [200, 128], strides = [1, 1]} : vector<200x10112xf32> to vector<200x128xf32>
    %reduce_max3A_167 = arith.constant dense<0xFF800000> : vector<200xf32>
    %reduce_max3A_168 = vector.multi_reduction <maximumf>, %slice3A_166, %reduce_max3A_167 [1] : vector<200x128xf32> to vector<200xf32>
    %broadcast_in_dim3A_169 = vector.shape_cast %reduce_max3A_168 : vector<200xf32> to vector<200x1xf32>
    %slice3A_170 = vector.extract_strided_slice %concatenate3A {offsets = [0, 4864], sizes = [200, 128], strides = [1, 1]} : vector<200x10112xf32> to vector<200x128xf32>
    %reduce_max3A_171 = arith.constant dense<0xFF800000> : vector<200xf32>
    %reduce_max3A_172 = vector.multi_reduction <maximumf>, %slice3A_170, %reduce_max3A_171 [1] : vector<200x128xf32> to vector<200xf32>
    %broadcast_in_dim3A_173 = vector.shape_cast %reduce_max3A_172 : vector<200xf32> to vector<200x1xf32>
    %slice3A_174 = vector.extract_strided_slice %concatenate3A {offsets = [0, 4992], sizes = [200, 128], strides = [1, 1]} : vector<200x10112xf32> to vector<200x128xf32>
    %reduce_max3A_175 = arith.constant dense<0xFF800000> : vector<200xf32>
    %reduce_max3A_176 = vector.multi_reduction <maximumf>, %slice3A_174, %reduce_max3A_175 [1] : vector<200x128xf32> to vector<200xf32>
    %broadcast_in_dim3A_177 = vector.shape_cast %reduce_max3A_176 : vector<200xf32> to vector<200x1xf32>
    %slice3A_178 = vector.extract_strided_slice %concatenate3A {offsets = [0, 5120], sizes = [200, 128], strides = [1, 1]} : vector<200x10112xf32> to vector<200x128xf32>
    %reduce_max3A_179 = arith.constant dense<0xFF800000> : vector<200xf32>
    %reduce_max3A_180 = vector.multi_reduction <maximumf>, %slice3A_178, %reduce_max3A_179 [1] : vector<200x128xf32> to vector<200xf32>
    %broadcast_in_dim3A_181 = vector.shape_cast %reduce_max3A_180 : vector<200xf32> to vector<200x1xf32>
    %slice3A_182 = vector.extract_strided_slice %concatenate3A {offsets = [0, 5248], sizes = [200, 128], strides = [1, 1]} : vector<200x10112xf32> to vector<200x128xf32>
    %reduce_max3A_183 = arith.constant dense<0xFF800000> : vector<200xf32>
    %reduce_max3A_184 = vector.multi_reduction <maximumf>, %slice3A_182, %reduce_max3A_183 [1] : vector<200x128xf32> to vector<200xf32>
    %broadcast_in_dim3A_185 = vector.shape_cast %reduce_max3A_184 : vector<200xf32> to vector<200x1xf32>
    %slice3A_186 = vector.extract_strided_slice %concatenate3A {offsets = [0, 5376], sizes = [200, 128], strides = [1, 1]} : vector<200x10112xf32> to vector<200x128xf32>
    %reduce_max3A_187 = arith.constant dense<0xFF800000> : vector<200xf32>
    %reduce_max3A_188 = vector.multi_reduction <maximumf>, %slice3A_186, %reduce_max3A_187 [1] : vector<200x128xf32> to vector<200xf32>
    %broadcast_in_dim3A_189 = vector.shape_cast %reduce_max3A_188 : vector<200xf32> to vector<200x1xf32>
    %slice3A_190 = vector.extract_strided_slice %concatenate3A {offsets = [0, 5504], sizes = [200, 128], strides = [1, 1]} : vector<200x10112xf32> to vector<200x128xf32>
    %reduce_max3A_191 = arith.constant dense<0xFF800000> : vector<200xf32>
    %reduce_max3A_192 = vector.multi_reduction <maximumf>, %slice3A_190, %reduce_max3A_191 [1] : vector<200x128xf32> to vector<200xf32>
    %broadcast_in_dim3A_193 = vector.shape_cast %reduce_max3A_192 : vector<200xf32> to vector<200x1xf32>
    %slice3A_194 = vector.extract_strided_slice %concatenate3A {offsets = [0, 5632], sizes = [200, 128], strides = [1, 1]} : vector<200x10112xf32> to vector<200x128xf32>
    %reduce_max3A_195 = arith.constant dense<0xFF800000> : vector<200xf32>
    %reduce_max3A_196 = vector.multi_reduction <maximumf>, %slice3A_194, %reduce_max3A_195 [1] : vector<200x128xf32> to vector<200xf32>
    %broadcast_in_dim3A_197 = vector.shape_cast %reduce_max3A_196 : vector<200xf32> to vector<200x1xf32>
    %slice3A_198 = vector.extract_strided_slice %concatenate3A {offsets = [0, 5760], sizes = [200, 128], strides = [1, 1]} : vector<200x10112xf32> to vector<200x128xf32>
    %reduce_max3A_199 = arith.constant dense<0xFF800000> : vector<200xf32>
    %reduce_max3A_200 = vector.multi_reduction <maximumf>, %slice3A_198, %reduce_max3A_199 [1] : vector<200x128xf32> to vector<200xf32>
    %broadcast_in_dim3A_201 = vector.shape_cast %reduce_max3A_200 : vector<200xf32> to vector<200x1xf32>
    %slice3A_202 = vector.extract_strided_slice %concatenate3A {offsets = [0, 5888], sizes = [200, 128], strides = [1, 1]} : vector<200x10112xf32> to vector<200x128xf32>
    %reduce_max3A_203 = arith.constant dense<0xFF800000> : vector<200xf32>
    %reduce_max3A_204 = vector.multi_reduction <maximumf>, %slice3A_202, %reduce_max3A_203 [1] : vector<200x128xf32> to vector<200xf32>
    %broadcast_in_dim3A_205 = vector.shape_cast %reduce_max3A_204 : vector<200xf32> to vector<200x1xf32>
    %slice3A_206 = vector.extract_strided_slice %concatenate3A {offsets = [0, 6016], sizes = [200, 128], strides = [1, 1]} : vector<200x10112xf32> to vector<200x128xf32>
    %reduce_max3A_207 = arith.constant dense<0xFF800000> : vector<200xf32>
    %reduce_max3A_208 = vector.multi_reduction <maximumf>, %slice3A_206, %reduce_max3A_207 [1] : vector<200x128xf32> to vector<200xf32>
    %broadcast_in_dim3A_209 = vector.shape_cast %reduce_max3A_208 : vector<200xf32> to vector<200x1xf32>
    %slice3A_210 = vector.extract_strided_slice %concatenate3A {offsets = [0, 6144], sizes = [200, 128], strides = [1, 1]} : vector<200x10112xf32> to vector<200x128xf32>
    %reduce_max3A_211 = arith.constant dense<0xFF800000> : vector<200xf32>
    %reduce_max3A_212 = vector.multi_reduction <maximumf>, %slice3A_210, %reduce_max3A_211 [1] : vector<200x128xf32> to vector<200xf32>
    %broadcast_in_dim3A_213 = vector.shape_cast %reduce_max3A_212 : vector<200xf32> to vector<200x1xf32>
    %slice3A_214 = vector.extract_strided_slice %concatenate3A {offsets = [0, 6272], sizes = [200, 128], strides = [1, 1]} : vector<200x10112xf32> to vector<200x128xf32>
    %reduce_max3A_215 = arith.constant dense<0xFF800000> : vector<200xf32>
    %reduce_max3A_216 = vector.multi_reduction <maximumf>, %slice3A_214, %reduce_max3A_215 [1] : vector<200x128xf32> to vector<200xf32>
    %broadcast_in_dim3A_217 = vector.shape_cast %reduce_max3A_216 : vector<200xf32> to vector<200x1xf32>
    %slice3A_218 = vector.extract_strided_slice %concatenate3A {offsets = [0, 6400], sizes = [200, 128], strides = [1, 1]} : vector<200x10112xf32> to vector<200x128xf32>
    %reduce_max3A_219 = arith.constant dense<0xFF800000> : vector<200xf32>
    %reduce_max3A_220 = vector.multi_reduction <maximumf>, %slice3A_218, %reduce_max3A_219 [1] : vector<200x128xf32> to vector<200xf32>
    %broadcast_in_dim3A_221 = vector.shape_cast %reduce_max3A_220 : vector<200xf32> to vector<200x1xf32>
    %slice3A_222 = vector.extract_strided_slice %concatenate3A {offsets = [0, 6528], sizes = [200, 128], strides = [1, 1]} : vector<200x10112xf32> to vector<200x128xf32>
    %reduce_max3A_223 = arith.constant dense<0xFF800000> : vector<200xf32>
    %reduce_max3A_224 = vector.multi_reduction <maximumf>, %slice3A_222, %reduce_max3A_223 [1] : vector<200x128xf32> to vector<200xf32>
    %broadcast_in_dim3A_225 = vector.shape_cast %reduce_max3A_224 : vector<200xf32> to vector<200x1xf32>
    %slice3A_226 = vector.extract_strided_slice %concatenate3A {offsets = [0, 6656], sizes = [200, 128], strides = [1, 1]} : vector<200x10112xf32> to vector<200x128xf32>
    %reduce_max3A_227 = arith.constant dense<0xFF800000> : vector<200xf32>
    %reduce_max3A_228 = vector.multi_reduction <maximumf>, %slice3A_226, %reduce_max3A_227 [1] : vector<200x128xf32> to vector<200xf32>
    %broadcast_in_dim3A_229 = vector.shape_cast %reduce_max3A_228 : vector<200xf32> to vector<200x1xf32>
    %slice3A_230 = vector.extract_strided_slice %concatenate3A {offsets = [0, 6784], sizes = [200, 128], strides = [1, 1]} : vector<200x10112xf32> to vector<200x128xf32>
    %reduce_max3A_231 = arith.constant dense<0xFF800000> : vector<200xf32>
    %reduce_max3A_232 = vector.multi_reduction <maximumf>, %slice3A_230, %reduce_max3A_231 [1] : vector<200x128xf32> to vector<200xf32>
    %broadcast_in_dim3A_233 = vector.shape_cast %reduce_max3A_232 : vector<200xf32> to vector<200x1xf32>
    %slice3A_234 = vector.extract_strided_slice %concatenate3A {offsets = [0, 6912], sizes = [200, 128], strides = [1, 1]} : vector<200x10112xf32> to vector<200x128xf32>
    %reduce_max3A_235 = arith.constant dense<0xFF800000> : vector<200xf32>
    %reduce_max3A_236 = vector.multi_reduction <maximumf>, %slice3A_234, %reduce_max3A_235 [1] : vector<200x128xf32> to vector<200xf32>
    %broadcast_in_dim3A_237 = vector.shape_cast %reduce_max3A_236 : vector<200xf32> to vector<200x1xf32>
    %slice3A_238 = vector.extract_strided_slice %concatenate3A {offsets = [0, 7040], sizes = [200, 128], strides = [1, 1]} : vector<200x10112xf32> to vector<200x128xf32>
    %reduce_max3A_239 = arith.constant dense<0xFF800000> : vector<200xf32>
    %reduce_max3A_240 = vector.multi_reduction <maximumf>, %slice3A_238, %reduce_max3A_239 [1] : vector<200x128xf32> to vector<200xf32>
    %broadcast_in_dim3A_241 = vector.shape_cast %reduce_max3A_240 : vector<200xf32> to vector<200x1xf32>
    %slice3A_242 = vector.extract_strided_slice %concatenate3A {offsets = [0, 7168], sizes = [200, 128], strides = [1, 1]} : vector<200x10112xf32> to vector<200x128xf32>
    %reduce_max3A_243 = arith.constant dense<0xFF800000> : vector<200xf32>
    %reduce_max3A_244 = vector.multi_reduction <maximumf>, %slice3A_242, %reduce_max3A_243 [1] : vector<200x128xf32> to vector<200xf32>
    %broadcast_in_dim3A_245 = vector.shape_cast %reduce_max3A_244 : vector<200xf32> to vector<200x1xf32>
    %slice3A_246 = vector.extract_strided_slice %concatenate3A {offsets = [0, 7296], sizes = [200, 128], strides = [1, 1]} : vector<200x10112xf32> to vector<200x128xf32>
    %reduce_max3A_247 = arith.constant dense<0xFF800000> : vector<200xf32>
    %reduce_max3A_248 = vector.multi_reduction <maximumf>, %slice3A_246, %reduce_max3A_247 [1] : vector<200x128xf32> to vector<200xf32>
    %broadcast_in_dim3A_249 = vector.shape_cast %reduce_max3A_248 : vector<200xf32> to vector<200x1xf32>
    %slice3A_250 = vector.extract_strided_slice %concatenate3A {offsets = [0, 7424], sizes = [200, 128], strides = [1, 1]} : vector<200x10112xf32> to vector<200x128xf32>
    %reduce_max3A_251 = arith.constant dense<0xFF800000> : vector<200xf32>
    %reduce_max3A_252 = vector.multi_reduction <maximumf>, %slice3A_250, %reduce_max3A_251 [1] : vector<200x128xf32> to vector<200xf32>
    %broadcast_in_dim3A_253 = vector.shape_cast %reduce_max3A_252 : vector<200xf32> to vector<200x1xf32>
    %slice3A_254 = vector.extract_strided_slice %concatenate3A {offsets = [0, 7552], sizes = [200, 128], strides = [1, 1]} : vector<200x10112xf32> to vector<200x128xf32>
    %reduce_max3A_255 = arith.constant dense<0xFF800000> : vector<200xf32>
    %reduce_max3A_256 = vector.multi_reduction <maximumf>, %slice3A_254, %reduce_max3A_255 [1] : vector<200x128xf32> to vector<200xf32>
    %broadcast_in_dim3A_257 = vector.shape_cast %reduce_max3A_256 : vector<200xf32> to vector<200x1xf32>
    %slice3A_258 = vector.extract_strided_slice %concatenate3A {offsets = [0, 7680], sizes = [200, 128], strides = [1, 1]} : vector<200x10112xf32> to vector<200x128xf32>
    %reduce_max3A_259 = arith.constant dense<0xFF800000> : vector<200xf32>
    %reduce_max3A_260 = vector.multi_reduction <maximumf>, %slice3A_258, %reduce_max3A_259 [1] : vector<200x128xf32> to vector<200xf32>
    %broadcast_in_dim3A_261 = vector.shape_cast %reduce_max3A_260 : vector<200xf32> to vector<200x1xf32>
    %slice3A_262 = vector.extract_strided_slice %concatenate3A {offsets = [0, 7808], sizes = [200, 128], strides = [1, 1]} : vector<200x10112xf32> to vector<200x128xf32>
    %reduce_max3A_263 = arith.constant dense<0xFF800000> : vector<200xf32>
    %reduce_max3A_264 = vector.multi_reduction <maximumf>, %slice3A_262, %reduce_max3A_263 [1] : vector<200x128xf32> to vector<200xf32>
    %broadcast_in_dim3A_265 = vector.shape_cast %reduce_max3A_264 : vector<200xf32> to vector<200x1xf32>
    %slice3A_266 = vector.extract_strided_slice %concatenate3A {offsets = [0, 7936], sizes = [200, 128], strides = [1, 1]} : vector<200x10112xf32> to vector<200x128xf32>
    %reduce_max3A_267 = arith.constant dense<0xFF800000> : vector<200xf32>
    %reduce_max3A_268 = vector.multi_reduction <maximumf>, %slice3A_266, %reduce_max3A_267 [1] : vector<200x128xf32> to vector<200xf32>
    %broadcast_in_dim3A_269 = vector.shape_cast %reduce_max3A_268 : vector<200xf32> to vector<200x1xf32>
    %slice3A_270 = vector.extract_strided_slice %concatenate3A {offsets = [0, 8064], sizes = [200, 128], strides = [1, 1]} : vector<200x10112xf32> to vector<200x128xf32>
    %reduce_max3A_271 = arith.constant dense<0xFF800000> : vector<200xf32>
    %reduce_max3A_272 = vector.multi_reduction <maximumf>, %slice3A_270, %reduce_max3A_271 [1] : vector<200x128xf32> to vector<200xf32>
    %broadcast_in_dim3A_273 = vector.shape_cast %reduce_max3A_272 : vector<200xf32> to vector<200x1xf32>
    %slice3A_274 = vector.extract_strided_slice %concatenate3A {offsets = [0, 8192], sizes = [200, 128], strides = [1, 1]} : vector<200x10112xf32> to vector<200x128xf32>
    %reduce_max3A_275 = arith.constant dense<0xFF800000> : vector<200xf32>
    %reduce_max3A_276 = vector.multi_reduction <maximumf>, %slice3A_274, %reduce_max3A_275 [1] : vector<200x128xf32> to vector<200xf32>
    %broadcast_in_dim3A_277 = vector.shape_cast %reduce_max3A_276 : vector<200xf32> to vector<200x1xf32>
    %slice3A_278 = vector.extract_strided_slice %concatenate3A {offsets = [0, 8320], sizes = [200, 128], strides = [1, 1]} : vector<200x10112xf32> to vector<200x128xf32>
    %reduce_max3A_279 = arith.constant dense<0xFF800000> : vector<200xf32>
    %reduce_max3A_280 = vector.multi_reduction <maximumf>, %slice3A_278, %reduce_max3A_279 [1] : vector<200x128xf32> to vector<200xf32>
    %broadcast_in_dim3A_281 = vector.shape_cast %reduce_max3A_280 : vector<200xf32> to vector<200x1xf32>
    %slice3A_282 = vector.extract_strided_slice %concatenate3A {offsets = [0, 8448], sizes = [200, 128], strides = [1, 1]} : vector<200x10112xf32> to vector<200x128xf32>
    %reduce_max3A_283 = arith.constant dense<0xFF800000> : vector<200xf32>
    %reduce_max3A_284 = vector.multi_reduction <maximumf>, %slice3A_282, %reduce_max3A_283 [1] : vector<200x128xf32> to vector<200xf32>
    %broadcast_in_dim3A_285 = vector.shape_cast %reduce_max3A_284 : vector<200xf32> to vector<200x1xf32>
    %slice3A_286 = vector.extract_strided_slice %concatenate3A {offsets = [0, 8576], sizes = [200, 128], strides = [1, 1]} : vector<200x10112xf32> to vector<200x128xf32>
    %reduce_max3A_287 = arith.constant dense<0xFF800000> : vector<200xf32>
    %reduce_max3A_288 = vector.multi_reduction <maximumf>, %slice3A_286, %reduce_max3A_287 [1] : vector<200x128xf32> to vector<200xf32>
    %broadcast_in_dim3A_289 = vector.shape_cast %reduce_max3A_288 : vector<200xf32> to vector<200x1xf32>
    %slice3A_290 = vector.extract_strided_slice %concatenate3A {offsets = [0, 8704], sizes = [200, 128], strides = [1, 1]} : vector<200x10112xf32> to vector<200x128xf32>
    %reduce_max3A_291 = arith.constant dense<0xFF800000> : vector<200xf32>
    %reduce_max3A_292 = vector.multi_reduction <maximumf>, %slice3A_290, %reduce_max3A_291 [1] : vector<200x128xf32> to vector<200xf32>
    %broadcast_in_dim3A_293 = vector.shape_cast %reduce_max3A_292 : vector<200xf32> to vector<200x1xf32>
    %slice3A_294 = vector.extract_strided_slice %concatenate3A {offsets = [0, 8832], sizes = [200, 128], strides = [1, 1]} : vector<200x10112xf32> to vector<200x128xf32>
    %reduce_max3A_295 = arith.constant dense<0xFF800000> : vector<200xf32>
    %reduce_max3A_296 = vector.multi_reduction <maximumf>, %slice3A_294, %reduce_max3A_295 [1] : vector<200x128xf32> to vector<200xf32>
    %broadcast_in_dim3A_297 = vector.shape_cast %reduce_max3A_296 : vector<200xf32> to vector<200x1xf32>
    %slice3A_298 = vector.extract_strided_slice %concatenate3A {offsets = [0, 8960], sizes = [200, 128], strides = [1, 1]} : vector<200x10112xf32> to vector<200x128xf32>
    %reduce_max3A_299 = arith.constant dense<0xFF800000> : vector<200xf32>
    %reduce_max3A_300 = vector.multi_reduction <maximumf>, %slice3A_298, %reduce_max3A_299 [1] : vector<200x128xf32> to vector<200xf32>
    %broadcast_in_dim3A_301 = vector.shape_cast %reduce_max3A_300 : vector<200xf32> to vector<200x1xf32>
    %slice3A_302 = vector.extract_strided_slice %concatenate3A {offsets = [0, 9088], sizes = [200, 128], strides = [1, 1]} : vector<200x10112xf32> to vector<200x128xf32>
    %reduce_max3A_303 = arith.constant dense<0xFF800000> : vector<200xf32>
    %reduce_max3A_304 = vector.multi_reduction <maximumf>, %slice3A_302, %reduce_max3A_303 [1] : vector<200x128xf32> to vector<200xf32>
    %broadcast_in_dim3A_305 = vector.shape_cast %reduce_max3A_304 : vector<200xf32> to vector<200x1xf32>
    %slice3A_306 = vector.extract_strided_slice %concatenate3A {offsets = [0, 9216], sizes = [200, 128], strides = [1, 1]} : vector<200x10112xf32> to vector<200x128xf32>
    %reduce_max3A_307 = arith.constant dense<0xFF800000> : vector<200xf32>
    %reduce_max3A_308 = vector.multi_reduction <maximumf>, %slice3A_306, %reduce_max3A_307 [1] : vector<200x128xf32> to vector<200xf32>
    %broadcast_in_dim3A_309 = vector.shape_cast %reduce_max3A_308 : vector<200xf32> to vector<200x1xf32>
    %slice3A_310 = vector.extract_strided_slice %concatenate3A {offsets = [0, 9344], sizes = [200, 128], strides = [1, 1]} : vector<200x10112xf32> to vector<200x128xf32>
    %reduce_max3A_311 = arith.constant dense<0xFF800000> : vector<200xf32>
    %reduce_max3A_312 = vector.multi_reduction <maximumf>, %slice3A_310, %reduce_max3A_311 [1] : vector<200x128xf32> to vector<200xf32>
    %broadcast_in_dim3A_313 = vector.shape_cast %reduce_max3A_312 : vector<200xf32> to vector<200x1xf32>
    %slice3A_314 = vector.extract_strided_slice %concatenate3A {offsets = [0, 9472], sizes = [200, 128], strides = [1, 1]} : vector<200x10112xf32> to vector<200x128xf32>
    %reduce_max3A_315 = arith.constant dense<0xFF800000> : vector<200xf32>
    %reduce_max3A_316 = vector.multi_reduction <maximumf>, %slice3A_314, %reduce_max3A_315 [1] : vector<200x128xf32> to vector<200xf32>
    %broadcast_in_dim3A_317 = vector.shape_cast %reduce_max3A_316 : vector<200xf32> to vector<200x1xf32>
    %slice3A_318 = vector.extract_strided_slice %concatenate3A {offsets = [0, 9600], sizes = [200, 128], strides = [1, 1]} : vector<200x10112xf32> to vector<200x128xf32>
    %reduce_max3A_319 = arith.constant dense<0xFF800000> : vector<200xf32>
    %reduce_max3A_320 = vector.multi_reduction <maximumf>, %slice3A_318, %reduce_max3A_319 [1] : vector<200x128xf32> to vector<200xf32>
    %broadcast_in_dim3A_321 = vector.shape_cast %reduce_max3A_320 : vector<200xf32> to vector<200x1xf32>
    %slice3A_322 = vector.extract_strided_slice %concatenate3A {offsets = [0, 9728], sizes = [200, 128], strides = [1, 1]} : vector<200x10112xf32> to vector<200x128xf32>
    %reduce_max3A_323 = arith.constant dense<0xFF800000> : vector<200xf32>
    %reduce_max3A_324 = vector.multi_reduction <maximumf>, %slice3A_322, %reduce_max3A_323 [1] : vector<200x128xf32> to vector<200xf32>
    %broadcast_in_dim3A_325 = vector.shape_cast %reduce_max3A_324 : vector<200xf32> to vector<200x1xf32>
    %slice3A_326 = vector.extract_strided_slice %concatenate3A {offsets = [0, 9856], sizes = [200, 128], strides = [1, 1]} : vector<200x10112xf32> to vector<200x128xf32>
    %reduce_max3A_327 = arith.constant dense<0xFF800000> : vector<200xf32>
    %reduce_max3A_328 = vector.multi_reduction <maximumf>, %slice3A_326, %reduce_max3A_327 [1] : vector<200x128xf32> to vector<200xf32>
    %broadcast_in_dim3A_329 = vector.shape_cast %reduce_max3A_328 : vector<200xf32> to vector<200x1xf32>
    %slice3A_330 = vector.extract_strided_slice %concatenate3A {offsets = [0, 9984], sizes = [200, 128], strides = [1, 1]} : vector<200x10112xf32> to vector<200x128xf32>
    %reduce_max3A_331 = arith.constant dense<0xFF800000> : vector<200xf32>
    %reduce_max3A_332 = vector.multi_reduction <maximumf>, %slice3A_330, %reduce_max3A_331 [1] : vector<200x128xf32> to vector<200xf32>
    %broadcast_in_dim3A_333 = vector.shape_cast %reduce_max3A_332 : vector<200xf32> to vector<200x1xf32>
    %concatenate3A_334 = tpu.concatenate %broadcast_in_dim3A_21, %broadcast_in_dim3A_25, %broadcast_in_dim3A_29, %broadcast_in_dim3A_33, %broadcast_in_dim3A_37, %broadcast_in_dim3A_41, %broadcast_in_dim3A_45, %broadcast_in_dim3A_49, %broadcast_in_dim3A_53, %broadcast_in_dim3A_57, %broadcast_in_dim3A_61, %broadcast_in_dim3A_65, %broadcast_in_dim3A_69, %broadcast_in_dim3A_73, %broadcast_in_dim3A_77, %broadcast_in_dim3A_81, %broadcast_in_dim3A_85, %broadcast_in_dim3A_89, %broadcast_in_dim3A_93, %broadcast_in_dim3A_97, %broadcast_in_dim3A_101, %broadcast_in_dim3A_105, %broadcast_in_dim3A_109, %broadcast_in_dim3A_113, %broadcast_in_dim3A_117, %broadcast_in_dim3A_121, %broadcast_in_dim3A_125, %broadcast_in_dim3A_129, %broadcast_in_dim3A_133, %broadcast_in_dim3A_137, %broadcast_in_dim3A_141, %broadcast_in_dim3A_145, %broadcast_in_dim3A_149, %broadcast_in_dim3A_153, %broadcast_in_dim3A_157, %broadcast_in_dim3A_161, %broadcast_in_dim3A_165, %broadcast_in_dim3A_169, %broadcast_in_dim3A_173, %broadcast_in_dim3A_177, %broadcast_in_dim3A_181, %broadcast_in_dim3A_185, %broadcast_in_dim3A_189, %broadcast_in_dim3A_193, %broadcast_in_dim3A_197, %broadcast_in_dim3A_201, %broadcast_in_dim3A_205, %broadcast_in_dim3A_209, %broadcast_in_dim3A_213, %broadcast_in_dim3A_217, %broadcast_in_dim3A_221, %broadcast_in_dim3A_225, %broadcast_in_dim3A_229, %broadcast_in_dim3A_233, %broadcast_in_dim3A_237, %broadcast_in_dim3A_241, %broadcast_in_dim3A_245, %broadcast_in_dim3A_249, %broadcast_in_dim3A_253, %broadcast_in_dim3A_257, %broadcast_in_dim3A_261, %broadcast_in_dim3A_265, %broadcast_in_dim3A_269, %broadcast_in_dim3A_273, %broadcast_in_dim3A_277, %broadcast_in_dim3A_281, %broadcast_in_dim3A_285, %broadcast_in_dim3A_289, %broadcast_in_dim3A_293, %broadcast_in_dim3A_297, %broadcast_in_dim3A_301, %broadcast_in_dim3A_305, %broadcast_in_dim3A_309, %broadcast_in_dim3A_313, %broadcast_in_dim3A_317, %broadcast_in_dim3A_321, %broadcast_in_dim3A_325, %broadcast_in_dim3A_329, %broadcast_in_dim3A_333 in 1 : vector<200x1xf32>, vector<200x1xf32>, vector<200x1xf32>, vector<200x1xf32>, vector<200x1xf32>, vector<200x1xf32>, vector<200x1xf32>, vector<200x1xf32>, vector<200x1xf32>, vector<200x1xf32>, vector<200x1xf32>, vector<200x1xf32>, vector<200x1xf32>, vector<200x1xf32>, vector<200x1xf32>, vector<200x1xf32>, vector<200x1xf32>, vector<200x1xf32>, vector<200x1xf32>, vector<200x1xf32>, vector<200x1xf32>, vector<200x1xf32>, vector<200x1xf32>, vector<200x1xf32>, vector<200x1xf32>, vector<200x1xf32>, vector<200x1xf32>, vector<200x1xf32>, vector<200x1xf32>, vector<200x1xf32>, vector<200x1xf32>, vector<200x1xf32>, vector<200x1xf32>, vector<200x1xf32>, vector<200x1xf32>, vector<200x1xf32>, vector<200x1xf32>, vector<200x1xf32>, vector<200x1xf32>, vector<200x1xf32>, vector<200x1xf32>, vector<200x1xf32>, vector<200x1xf32>, vector<200x1xf32>, vector<200x1xf32>, vector<200x1xf32>, vector<200x1xf32>, vector<200x1xf32>, vector<200x1xf32>, vector<200x1xf32>, vector<200x1xf32>, vector<200x1xf32>, vector<200x1xf32>, vector<200x1xf32>, vector<200x1xf32>, vector<200x1xf32>, vector<200x1xf32>, vector<200x1xf32>, vector<200x1xf32>, vector<200x1xf32>, vector<200x1xf32>, vector<200x1xf32>, vector<200x1xf32>, vector<200x1xf32>, vector<200x1xf32>, vector<200x1xf32>, vector<200x1xf32>, vector<200x1xf32>, vector<200x1xf32>, vector<200x1xf32>, vector<200x1xf32>, vector<200x1xf32>, vector<200x1xf32>, vector<200x1xf32>, vector<200x1xf32>, vector<200x1xf32>, vector<200x1xf32>, vector<200x1xf32>, vector<200x1xf32> -> vector<200x79xf32>
    %iota3A_335 = tpu.iota {dimensions = array<i32: 1>} : vector<200x79xi32>
    %mul3A_336 = arith.constant 200 : i32
    %mul3A_337 = arith.muli %arg0, %mul3A_336 : i32
    %iota3A_338 = tpu.iota {dimensions = array<i32: 0>} : vector<200x1xi32>
    %add3A = vector.broadcast %mul3A_337 : i32 to vector<200x1xi32>
    %add3A_339 = arith.addi %add3A, %iota3A_338 : vector<200x1xi32>
    %mul3A_340 = arith.constant 79 : i32
    %mul3A_341 = vector.broadcast %mul3A_340 : i32 to vector<200x1xi32>
    %mul3A_342 = arith.muli %add3A_339, %mul3A_341 : vector<200x1xi32>
    %reduce_max3A_343 = arith.constant dense<0xFF800000> : vector<200xf32>
    %reduce_max3A_344 = vector.multi_reduction <maximumf>, %concatenate3A_334, %reduce_max3A_343 [1] : vector<200x79xf32> to vector<200xf32>
    %broadcast_in_dim3A_345 = vector.shape_cast %reduce_max3A_344 : vector<200xf32> to vector<200x1xf32>
    %ge3A = vector.broadcast %broadcast_in_dim3A_345 : vector<200x1xf32> to vector<200x79xf32>
    %ge3A_346 = arith.cmpf oge, %concatenate3A_334, %ge3A : vector<200x79xf32>
    %jit3A_347 = arith.constant 1048576 : i32
    %broadcast_in_dim3A_348 = vector.broadcast %jit3A_347 : i32 to vector<200x79xi32>
    %select_n3A_349 = arith.select %ge3A_346, %iota3A_335, %broadcast_in_dim3A_348 : vector<200x79xi1>, vector<200x79xi32>
    %reduce_min3A = arith.constant dense<2147483647> : vector<200xi32>
    %reduce_min3A_350 = vector.multi_reduction <minsi>, %select_n3A_349, %reduce_min3A [1] : vector<200x79xi32> to vector<200xi32>
    %broadcast_in_dim3A_351 = vector.shape_cast %reduce_min3A_350 : vector<200xi32> to vector<200x1xi32>
    %add3A_352 = arith.addi %mul3A_342, %broadcast_in_dim3A_351 : vector<200x1xi32>
    %eq3A = vector.broadcast %broadcast_in_dim3A_351 : vector<200x1xi32> to vector<200x79xi32>
    %eq3A_353 = arith.cmpi eq, %iota3A_335, %eq3A : vector<200x79xi32>
    %jit3A_354 = arith.constant -3.000000e+00 : f32
    %broadcast_in_dim3A_355 = vector.broadcast %jit3A_354 : f32 to vector<200x79xf32>
    %select_n3A_356 = arith.select %eq3A_353, %broadcast_in_dim3A_355, %concatenate3A_334 : vector<200x79xi1>, vector<200x79xf32>
    %reduce_max3A_357 = arith.constant dense<0xFF800000> : vector<200xf32>
    %reduce_max3A_358 = vector.multi_reduction <maximumf>, %select_n3A_356, %reduce_max3A_357 [1] : vector<200x79xf32> to vector<200xf32>
    %broadcast_in_dim3A_359 = vector.shape_cast %reduce_max3A_358 : vector<200xf32> to vector<200x1xf32>
    %ge3A_360 = vector.broadcast %broadcast_in_dim3A_359 : vector<200x1xf32> to vector<200x79xf32>
    %ge3A_361 = arith.cmpf oge, %select_n3A_356, %ge3A_360 : vector<200x79xf32>
    %jit3A_362 = arith.constant 1048576 : i32
    %broadcast_in_dim3A_363 = vector.broadcast %jit3A_362 : i32 to vector<200x79xi32>
    %select_n3A_364 = arith.select %ge3A_361, %iota3A_335, %broadcast_in_dim3A_363 : vector<200x79xi1>, vector<200x79xi32>
    %reduce_min3A_365 = arith.constant dense<2147483647> : vector<200xi32>
    %reduce_min3A_366 = vector.multi_reduction <minsi>, %select_n3A_364, %reduce_min3A_365 [1] : vector<200x79xi32> to vector<200xi32>
    %broadcast_in_dim3A_367 = vector.shape_cast %reduce_min3A_366 : vector<200xi32> to vector<200x1xi32>
    %add3A_368 = arith.addi %mul3A_342, %broadcast_in_dim3A_367 : vector<200x1xi32>
    %eq3A_369 = vector.broadcast %broadcast_in_dim3A_367 : vector<200x1xi32> to vector<200x79xi32>
    %eq3A_370 = arith.cmpi eq, %iota3A_335, %eq3A_369 : vector<200x79xi32>
    %jit3A_371 = arith.constant -3.000000e+00 : f32
    %broadcast_in_dim3A_372 = vector.broadcast %jit3A_371 : f32 to vector<200x79xf32>
    %select_n3A_373 = arith.select %eq3A_370, %broadcast_in_dim3A_372, %select_n3A_356 : vector<200x79xi1>, vector<200x79xf32>
    %reduce_max3A_374 = arith.constant dense<0xFF800000> : vector<200xf32>
    %reduce_max3A_375 = vector.multi_reduction <maximumf>, %select_n3A_373, %reduce_max3A_374 [1] : vector<200x79xf32> to vector<200xf32>
    %broadcast_in_dim3A_376 = vector.shape_cast %reduce_max3A_375 : vector<200xf32> to vector<200x1xf32>
    %ge3A_377 = vector.broadcast %broadcast_in_dim3A_376 : vector<200x1xf32> to vector<200x79xf32>
    %ge3A_378 = arith.cmpf oge, %select_n3A_373, %ge3A_377 : vector<200x79xf32>
    %jit3A_379 = arith.constant 1048576 : i32
    %broadcast_in_dim3A_380 = vector.broadcast %jit3A_379 : i32 to vector<200x79xi32>
    %select_n3A_381 = arith.select %ge3A_378, %iota3A_335, %broadcast_in_dim3A_380 : vector<200x79xi1>, vector<200x79xi32>
    %reduce_min3A_382 = arith.constant dense<2147483647> : vector<200xi32>
    %reduce_min3A_383 = vector.multi_reduction <minsi>, %select_n3A_381, %reduce_min3A_382 [1] : vector<200x79xi32> to vector<200xi32>
    %broadcast_in_dim3A_384 = vector.shape_cast %reduce_min3A_383 : vector<200xi32> to vector<200x1xi32>
    %add3A_385 = arith.addi %mul3A_342, %broadcast_in_dim3A_384 : vector<200x1xi32>
    %eq3A_386 = vector.broadcast %broadcast_in_dim3A_384 : vector<200x1xi32> to vector<200x79xi32>
    %eq3A_387 = arith.cmpi eq, %iota3A_335, %eq3A_386 : vector<200x79xi32>
    %jit3A_388 = arith.constant -3.000000e+00 : f32
    %broadcast_in_dim3A_389 = vector.broadcast %jit3A_388 : f32 to vector<200x79xf32>
    %select_n3A_390 = arith.select %eq3A_387, %broadcast_in_dim3A_389, %select_n3A_373 : vector<200x79xi1>, vector<200x79xf32>
    %reduce_max3A_391 = arith.constant dense<0xFF800000> : vector<200xf32>
    %reduce_max3A_392 = vector.multi_reduction <maximumf>, %select_n3A_390, %reduce_max3A_391 [1] : vector<200x79xf32> to vector<200xf32>
    %broadcast_in_dim3A_393 = vector.shape_cast %reduce_max3A_392 : vector<200xf32> to vector<200x1xf32>
    %ge3A_394 = vector.broadcast %broadcast_in_dim3A_393 : vector<200x1xf32> to vector<200x79xf32>
    %ge3A_395 = arith.cmpf oge, %select_n3A_390, %ge3A_394 : vector<200x79xf32>
    %jit3A_396 = arith.constant 1048576 : i32
    %broadcast_in_dim3A_397 = vector.broadcast %jit3A_396 : i32 to vector<200x79xi32>
    %select_n3A_398 = arith.select %ge3A_395, %iota3A_335, %broadcast_in_dim3A_397 : vector<200x79xi1>, vector<200x79xi32>
    %reduce_min3A_399 = arith.constant dense<2147483647> : vector<200xi32>
    %reduce_min3A_400 = vector.multi_reduction <minsi>, %select_n3A_398, %reduce_min3A_399 [1] : vector<200x79xi32> to vector<200xi32>
    %broadcast_in_dim3A_401 = vector.shape_cast %reduce_min3A_400 : vector<200xi32> to vector<200x1xi32>
    %add3A_402 = arith.addi %mul3A_342, %broadcast_in_dim3A_401 : vector<200x1xi32>
    %eq3A_403 = vector.broadcast %broadcast_in_dim3A_401 : vector<200x1xi32> to vector<200x79xi32>
    %eq3A_404 = arith.cmpi eq, %iota3A_335, %eq3A_403 : vector<200x79xi32>
    %jit3A_405 = arith.constant -3.000000e+00 : f32
    %broadcast_in_dim3A_406 = vector.broadcast %jit3A_405 : f32 to vector<200x79xf32>
    %select_n3A_407 = arith.select %eq3A_404, %broadcast_in_dim3A_406, %select_n3A_390 : vector<200x79xi1>, vector<200x79xf32>
    %reduce_max3A_408 = arith.constant dense<0xFF800000> : vector<200xf32>
    %reduce_max3A_409 = vector.multi_reduction <maximumf>, %select_n3A_407, %reduce_max3A_408 [1] : vector<200x79xf32> to vector<200xf32>
    %broadcast_in_dim3A_410 = vector.shape_cast %reduce_max3A_409 : vector<200xf32> to vector<200x1xf32>
    %ge3A_411 = vector.broadcast %broadcast_in_dim3A_410 : vector<200x1xf32> to vector<200x79xf32>
    %ge3A_412 = arith.cmpf oge, %select_n3A_407, %ge3A_411 : vector<200x79xf32>
    %jit3A_413 = arith.constant 1048576 : i32
    %broadcast_in_dim3A_414 = vector.broadcast %jit3A_413 : i32 to vector<200x79xi32>
    %select_n3A_415 = arith.select %ge3A_412, %iota3A_335, %broadcast_in_dim3A_414 : vector<200x79xi1>, vector<200x79xi32>
    %reduce_min3A_416 = arith.constant dense<2147483647> : vector<200xi32>
    %reduce_min3A_417 = vector.multi_reduction <minsi>, %select_n3A_415, %reduce_min3A_416 [1] : vector<200x79xi32> to vector<200xi32>
    %broadcast_in_dim3A_418 = vector.shape_cast %reduce_min3A_417 : vector<200xi32> to vector<200x1xi32>
    %add3A_419 = arith.addi %mul3A_342, %broadcast_in_dim3A_418 : vector<200x1xi32>
    %eq3A_420 = vector.broadcast %broadcast_in_dim3A_418 : vector<200x1xi32> to vector<200x79xi32>
    %eq3A_421 = arith.cmpi eq, %iota3A_335, %eq3A_420 : vector<200x79xi32>
    %jit3A_422 = arith.constant -3.000000e+00 : f32
    %broadcast_in_dim3A_423 = vector.broadcast %jit3A_422 : f32 to vector<200x79xf32>
    %select_n3A_424 = arith.select %eq3A_421, %broadcast_in_dim3A_423, %select_n3A_407 : vector<200x79xi1>, vector<200x79xf32>
    %reduce_max3A_425 = arith.constant dense<0xFF800000> : vector<200xf32>
    %reduce_max3A_426 = vector.multi_reduction <maximumf>, %select_n3A_424, %reduce_max3A_425 [1] : vector<200x79xf32> to vector<200xf32>
    %broadcast_in_dim3A_427 = vector.shape_cast %reduce_max3A_426 : vector<200xf32> to vector<200x1xf32>
    %ge3A_428 = vector.broadcast %broadcast_in_dim3A_427 : vector<200x1xf32> to vector<200x79xf32>
    %ge3A_429 = arith.cmpf oge, %select_n3A_424, %ge3A_428 : vector<200x79xf32>
    %jit3A_430 = arith.constant 1048576 : i32
    %broadcast_in_dim3A_431 = vector.broadcast %jit3A_430 : i32 to vector<200x79xi32>
    %select_n3A_432 = arith.select %ge3A_429, %iota3A_335, %broadcast_in_dim3A_431 : vector<200x79xi1>, vector<200x79xi32>
    %reduce_min3A_433 = arith.constant dense<2147483647> : vector<200xi32>
    %reduce_min3A_434 = vector.multi_reduction <minsi>, %select_n3A_432, %reduce_min3A_433 [1] : vector<200x79xi32> to vector<200xi32>
    %broadcast_in_dim3A_435 = vector.shape_cast %reduce_min3A_434 : vector<200xi32> to vector<200x1xi32>
    %add3A_436 = arith.addi %mul3A_342, %broadcast_in_dim3A_435 : vector<200x1xi32>
    %eq3A_437 = vector.broadcast %broadcast_in_dim3A_435 : vector<200x1xi32> to vector<200x79xi32>
    %eq3A_438 = arith.cmpi eq, %iota3A_335, %eq3A_437 : vector<200x79xi32>
    %jit3A_439 = arith.constant -3.000000e+00 : f32
    %broadcast_in_dim3A_440 = vector.broadcast %jit3A_439 : f32 to vector<200x79xf32>
    %select_n3A_441 = arith.select %eq3A_438, %broadcast_in_dim3A_440, %select_n3A_424 : vector<200x79xi1>, vector<200x79xf32>
    %reduce_max3A_442 = arith.constant dense<0xFF800000> : vector<200xf32>
    %reduce_max3A_443 = vector.multi_reduction <maximumf>, %select_n3A_441, %reduce_max3A_442 [1] : vector<200x79xf32> to vector<200xf32>
    %broadcast_in_dim3A_444 = vector.shape_cast %reduce_max3A_443 : vector<200xf32> to vector<200x1xf32>
    %ge3A_445 = vector.broadcast %broadcast_in_dim3A_444 : vector<200x1xf32> to vector<200x79xf32>
    %ge3A_446 = arith.cmpf oge, %select_n3A_441, %ge3A_445 : vector<200x79xf32>
    %jit3A_447 = arith.constant 1048576 : i32
    %broadcast_in_dim3A_448 = vector.broadcast %jit3A_447 : i32 to vector<200x79xi32>
    %select_n3A_449 = arith.select %ge3A_446, %iota3A_335, %broadcast_in_dim3A_448 : vector<200x79xi1>, vector<200x79xi32>
    %reduce_min3A_450 = arith.constant dense<2147483647> : vector<200xi32>
    %reduce_min3A_451 = vector.multi_reduction <minsi>, %select_n3A_449, %reduce_min3A_450 [1] : vector<200x79xi32> to vector<200xi32>
    %broadcast_in_dim3A_452 = vector.shape_cast %reduce_min3A_451 : vector<200xi32> to vector<200x1xi32>
    %add3A_453 = arith.addi %mul3A_342, %broadcast_in_dim3A_452 : vector<200x1xi32>
    %eq3A_454 = vector.broadcast %broadcast_in_dim3A_452 : vector<200x1xi32> to vector<200x79xi32>
    %eq3A_455 = arith.cmpi eq, %iota3A_335, %eq3A_454 : vector<200x79xi32>
    %jit3A_456 = arith.constant -3.000000e+00 : f32
    %broadcast_in_dim3A_457 = vector.broadcast %jit3A_456 : f32 to vector<200x79xf32>
    %select_n3A_458 = arith.select %eq3A_455, %broadcast_in_dim3A_457, %select_n3A_441 : vector<200x79xi1>, vector<200x79xf32>
    %reduce_max3A_459 = arith.constant dense<0xFF800000> : vector<200xf32>
    %reduce_max3A_460 = vector.multi_reduction <maximumf>, %select_n3A_458, %reduce_max3A_459 [1] : vector<200x79xf32> to vector<200xf32>
    %broadcast_in_dim3A_461 = vector.shape_cast %reduce_max3A_460 : vector<200xf32> to vector<200x1xf32>
    %ge3A_462 = vector.broadcast %broadcast_in_dim3A_461 : vector<200x1xf32> to vector<200x79xf32>
    %ge3A_463 = arith.cmpf oge, %select_n3A_458, %ge3A_462 : vector<200x79xf32>
    %jit3A_464 = arith.constant 1048576 : i32
    %broadcast_in_dim3A_465 = vector.broadcast %jit3A_464 : i32 to vector<200x79xi32>
    %select_n3A_466 = arith.select %ge3A_463, %iota3A_335, %broadcast_in_dim3A_465 : vector<200x79xi1>, vector<200x79xi32>
    %reduce_min3A_467 = arith.constant dense<2147483647> : vector<200xi32>
    %reduce_min3A_468 = vector.multi_reduction <minsi>, %select_n3A_466, %reduce_min3A_467 [1] : vector<200x79xi32> to vector<200xi32>
    %broadcast_in_dim3A_469 = vector.shape_cast %reduce_min3A_468 : vector<200xi32> to vector<200x1xi32>
    %add3A_470 = arith.addi %mul3A_342, %broadcast_in_dim3A_469 : vector<200x1xi32>
    %eq3A_471 = vector.broadcast %broadcast_in_dim3A_469 : vector<200x1xi32> to vector<200x79xi32>
    %eq3A_472 = arith.cmpi eq, %iota3A_335, %eq3A_471 : vector<200x79xi32>
    %jit3A_473 = arith.constant -3.000000e+00 : f32
    %broadcast_in_dim3A_474 = vector.broadcast %jit3A_473 : f32 to vector<200x79xf32>
    %select_n3A_475 = arith.select %eq3A_472, %broadcast_in_dim3A_474, %select_n3A_458 : vector<200x79xi1>, vector<200x79xf32>
    %reduce_max3A_476 = arith.constant dense<0xFF800000> : vector<200xf32>
    %reduce_max3A_477 = vector.multi_reduction <maximumf>, %select_n3A_475, %reduce_max3A_476 [1] : vector<200x79xf32> to vector<200xf32>
    %broadcast_in_dim3A_478 = vector.shape_cast %reduce_max3A_477 : vector<200xf32> to vector<200x1xf32>
    %ge3A_479 = vector.broadcast %broadcast_in_dim3A_478 : vector<200x1xf32> to vector<200x79xf32>
    %ge3A_480 = arith.cmpf oge, %select_n3A_475, %ge3A_479 : vector<200x79xf32>
    %jit3A_481 = arith.constant 1048576 : i32
    %broadcast_in_dim3A_482 = vector.broadcast %jit3A_481 : i32 to vector<200x79xi32>
    %select_n3A_483 = arith.select %ge3A_480, %iota3A_335, %broadcast_in_dim3A_482 : vector<200x79xi1>, vector<200x79xi32>
    %reduce_min3A_484 = arith.constant dense<2147483647> : vector<200xi32>
    %reduce_min3A_485 = vector.multi_reduction <minsi>, %select_n3A_483, %reduce_min3A_484 [1] : vector<200x79xi32> to vector<200xi32>
    %broadcast_in_dim3A_486 = vector.shape_cast %reduce_min3A_485 : vector<200xi32> to vector<200x1xi32>
    %add3A_487 = arith.addi %mul3A_342, %broadcast_in_dim3A_486 : vector<200x1xi32>
    %eq3A_488 = vector.broadcast %broadcast_in_dim3A_486 : vector<200x1xi32> to vector<200x79xi32>
    %eq3A_489 = arith.cmpi eq, %iota3A_335, %eq3A_488 : vector<200x79xi32>
    %jit3A_490 = arith.constant -3.000000e+00 : f32
    %broadcast_in_dim3A_491 = vector.broadcast %jit3A_490 : f32 to vector<200x79xf32>
    %select_n3A_492 = arith.select %eq3A_489, %broadcast_in_dim3A_491, %select_n3A_475 : vector<200x79xi1>, vector<200x79xf32>
    %reduce_max3A_493 = arith.constant dense<0xFF800000> : vector<200xf32>
    %reduce_max3A_494 = vector.multi_reduction <maximumf>, %select_n3A_492, %reduce_max3A_493 [1] : vector<200x79xf32> to vector<200xf32>
    %broadcast_in_dim3A_495 = vector.shape_cast %reduce_max3A_494 : vector<200xf32> to vector<200x1xf32>
    %ge3A_496 = vector.broadcast %broadcast_in_dim3A_495 : vector<200x1xf32> to vector<200x79xf32>
    %ge3A_497 = arith.cmpf oge, %select_n3A_492, %ge3A_496 : vector<200x79xf32>
    %jit3A_498 = arith.constant 1048576 : i32
    %broadcast_in_dim3A_499 = vector.broadcast %jit3A_498 : i32 to vector<200x79xi32>
    %select_n3A_500 = arith.select %ge3A_497, %iota3A_335, %broadcast_in_dim3A_499 : vector<200x79xi1>, vector<200x79xi32>
    %reduce_min3A_501 = arith.constant dense<2147483647> : vector<200xi32>
    %reduce_min3A_502 = vector.multi_reduction <minsi>, %select_n3A_500, %reduce_min3A_501 [1] : vector<200x79xi32> to vector<200xi32>
    %broadcast_in_dim3A_503 = vector.shape_cast %reduce_min3A_502 : vector<200xi32> to vector<200x1xi32>
    %add3A_504 = arith.addi %mul3A_342, %broadcast_in_dim3A_503 : vector<200x1xi32>
    %eq3A_505 = vector.broadcast %broadcast_in_dim3A_503 : vector<200x1xi32> to vector<200x79xi32>
    %eq3A_506 = arith.cmpi eq, %iota3A_335, %eq3A_505 : vector<200x79xi32>
    %jit3A_507 = arith.constant -3.000000e+00 : f32
    %broadcast_in_dim3A_508 = vector.broadcast %jit3A_507 : f32 to vector<200x79xf32>
    %select_n3A_509 = arith.select %eq3A_506, %broadcast_in_dim3A_508, %select_n3A_492 : vector<200x79xi1>, vector<200x79xf32>
    %reduce_max3A_510 = arith.constant dense<0xFF800000> : vector<200xf32>
    %reduce_max3A_511 = vector.multi_reduction <maximumf>, %select_n3A_509, %reduce_max3A_510 [1] : vector<200x79xf32> to vector<200xf32>
    %broadcast_in_dim3A_512 = vector.shape_cast %reduce_max3A_511 : vector<200xf32> to vector<200x1xf32>
    %ge3A_513 = vector.broadcast %broadcast_in_dim3A_512 : vector<200x1xf32> to vector<200x79xf32>
    %ge3A_514 = arith.cmpf oge, %select_n3A_509, %ge3A_513 : vector<200x79xf32>
    %jit3A_515 = arith.constant 1048576 : i32
    %broadcast_in_dim3A_516 = vector.broadcast %jit3A_515 : i32 to vector<200x79xi32>
    %select_n3A_517 = arith.select %ge3A_514, %iota3A_335, %broadcast_in_dim3A_516 : vector<200x79xi1>, vector<200x79xi32>
    %reduce_min3A_518 = arith.constant dense<2147483647> : vector<200xi32>
    %reduce_min3A_519 = vector.multi_reduction <minsi>, %select_n3A_517, %reduce_min3A_518 [1] : vector<200x79xi32> to vector<200xi32>
    %broadcast_in_dim3A_520 = vector.shape_cast %reduce_min3A_519 : vector<200xi32> to vector<200x1xi32>
    %add3A_521 = arith.addi %mul3A_342, %broadcast_in_dim3A_520 : vector<200x1xi32>
    %eq3A_522 = vector.broadcast %broadcast_in_dim3A_520 : vector<200x1xi32> to vector<200x79xi32>
    %eq3A_523 = arith.cmpi eq, %iota3A_335, %eq3A_522 : vector<200x79xi32>
    %jit3A_524 = arith.constant -3.000000e+00 : f32
    %broadcast_in_dim3A_525 = vector.broadcast %jit3A_524 : f32 to vector<200x79xf32>
    %select_n3A_526 = arith.select %eq3A_523, %broadcast_in_dim3A_525, %select_n3A_509 : vector<200x79xi1>, vector<200x79xf32>
    %reduce_max3A_527 = arith.constant dense<0xFF800000> : vector<200xf32>
    %reduce_max3A_528 = vector.multi_reduction <maximumf>, %select_n3A_526, %reduce_max3A_527 [1] : vector<200x79xf32> to vector<200xf32>
    %broadcast_in_dim3A_529 = vector.shape_cast %reduce_max3A_528 : vector<200xf32> to vector<200x1xf32>
    %ge3A_530 = vector.broadcast %broadcast_in_dim3A_529 : vector<200x1xf32> to vector<200x79xf32>
    %ge3A_531 = arith.cmpf oge, %select_n3A_526, %ge3A_530 : vector<200x79xf32>
    %jit3A_532 = arith.constant 1048576 : i32
    %broadcast_in_dim3A_533 = vector.broadcast %jit3A_532 : i32 to vector<200x79xi32>
    %select_n3A_534 = arith.select %ge3A_531, %iota3A_335, %broadcast_in_dim3A_533 : vector<200x79xi1>, vector<200x79xi32>
    %reduce_min3A_535 = arith.constant dense<2147483647> : vector<200xi32>
    %reduce_min3A_536 = vector.multi_reduction <minsi>, %select_n3A_534, %reduce_min3A_535 [1] : vector<200x79xi32> to vector<200xi32>
    %broadcast_in_dim3A_537 = vector.shape_cast %reduce_min3A_536 : vector<200xi32> to vector<200x1xi32>
    %add3A_538 = arith.addi %mul3A_342, %broadcast_in_dim3A_537 : vector<200x1xi32>
    %eq3A_539 = vector.broadcast %broadcast_in_dim3A_537 : vector<200x1xi32> to vector<200x79xi32>
    %eq3A_540 = arith.cmpi eq, %iota3A_335, %eq3A_539 : vector<200x79xi32>
    %jit3A_541 = arith.constant -3.000000e+00 : f32
    %broadcast_in_dim3A_542 = vector.broadcast %jit3A_541 : f32 to vector<200x79xf32>
    %select_n3A_543 = arith.select %eq3A_540, %broadcast_in_dim3A_542, %select_n3A_526 : vector<200x79xi1>, vector<200x79xf32>
    %reduce_max3A_544 = arith.constant dense<0xFF800000> : vector<200xf32>
    %reduce_max3A_545 = vector.multi_reduction <maximumf>, %select_n3A_543, %reduce_max3A_544 [1] : vector<200x79xf32> to vector<200xf32>
    %broadcast_in_dim3A_546 = vector.shape_cast %reduce_max3A_545 : vector<200xf32> to vector<200x1xf32>
    %ge3A_547 = vector.broadcast %broadcast_in_dim3A_546 : vector<200x1xf32> to vector<200x79xf32>
    %ge3A_548 = arith.cmpf oge, %select_n3A_543, %ge3A_547 : vector<200x79xf32>
    %jit3A_549 = arith.constant 1048576 : i32
    %broadcast_in_dim3A_550 = vector.broadcast %jit3A_549 : i32 to vector<200x79xi32>
    %select_n3A_551 = arith.select %ge3A_548, %iota3A_335, %broadcast_in_dim3A_550 : vector<200x79xi1>, vector<200x79xi32>
    %reduce_min3A_552 = arith.constant dense<2147483647> : vector<200xi32>
    %reduce_min3A_553 = vector.multi_reduction <minsi>, %select_n3A_551, %reduce_min3A_552 [1] : vector<200x79xi32> to vector<200xi32>
    %broadcast_in_dim3A_554 = vector.shape_cast %reduce_min3A_553 : vector<200xi32> to vector<200x1xi32>
    %add3A_555 = arith.addi %mul3A_342, %broadcast_in_dim3A_554 : vector<200x1xi32>
    %eq3A_556 = vector.broadcast %broadcast_in_dim3A_554 : vector<200x1xi32> to vector<200x79xi32>
    %eq3A_557 = arith.cmpi eq, %iota3A_335, %eq3A_556 : vector<200x79xi32>
    %jit3A_558 = arith.constant -3.000000e+00 : f32
    %broadcast_in_dim3A_559 = vector.broadcast %jit3A_558 : f32 to vector<200x79xf32>
    %select_n3A_560 = arith.select %eq3A_557, %broadcast_in_dim3A_559, %select_n3A_543 : vector<200x79xi1>, vector<200x79xf32>
    %reduce_max3A_561 = arith.constant dense<0xFF800000> : vector<200xf32>
    %reduce_max3A_562 = vector.multi_reduction <maximumf>, %select_n3A_560, %reduce_max3A_561 [1] : vector<200x79xf32> to vector<200xf32>
    %broadcast_in_dim3A_563 = vector.shape_cast %reduce_max3A_562 : vector<200xf32> to vector<200x1xf32>
    %ge3A_564 = vector.broadcast %broadcast_in_dim3A_563 : vector<200x1xf32> to vector<200x79xf32>
    %ge3A_565 = arith.cmpf oge, %select_n3A_560, %ge3A_564 : vector<200x79xf32>
    %jit3A_566 = arith.constant 1048576 : i32
    %broadcast_in_dim3A_567 = vector.broadcast %jit3A_566 : i32 to vector<200x79xi32>
    %select_n3A_568 = arith.select %ge3A_565, %iota3A_335, %broadcast_in_dim3A_567 : vector<200x79xi1>, vector<200x79xi32>
    %reduce_min3A_569 = arith.constant dense<2147483647> : vector<200xi32>
    %reduce_min3A_570 = vector.multi_reduction <minsi>, %select_n3A_568, %reduce_min3A_569 [1] : vector<200x79xi32> to vector<200xi32>
    %broadcast_in_dim3A_571 = vector.shape_cast %reduce_min3A_570 : vector<200xi32> to vector<200x1xi32>
    %add3A_572 = arith.addi %mul3A_342, %broadcast_in_dim3A_571 : vector<200x1xi32>
    %eq3A_573 = vector.broadcast %broadcast_in_dim3A_571 : vector<200x1xi32> to vector<200x79xi32>
    %eq3A_574 = arith.cmpi eq, %iota3A_335, %eq3A_573 : vector<200x79xi32>
    %jit3A_575 = arith.constant -3.000000e+00 : f32
    %broadcast_in_dim3A_576 = vector.broadcast %jit3A_575 : f32 to vector<200x79xf32>
    %select_n3A_577 = arith.select %eq3A_574, %broadcast_in_dim3A_576, %select_n3A_560 : vector<200x79xi1>, vector<200x79xf32>
    %reduce_max3A_578 = arith.constant dense<0xFF800000> : vector<200xf32>
    %reduce_max3A_579 = vector.multi_reduction <maximumf>, %select_n3A_577, %reduce_max3A_578 [1] : vector<200x79xf32> to vector<200xf32>
    %broadcast_in_dim3A_580 = vector.shape_cast %reduce_max3A_579 : vector<200xf32> to vector<200x1xf32>
    %ge3A_581 = vector.broadcast %broadcast_in_dim3A_580 : vector<200x1xf32> to vector<200x79xf32>
    %ge3A_582 = arith.cmpf oge, %select_n3A_577, %ge3A_581 : vector<200x79xf32>
    %jit3A_583 = arith.constant 1048576 : i32
    %broadcast_in_dim3A_584 = vector.broadcast %jit3A_583 : i32 to vector<200x79xi32>
    %select_n3A_585 = arith.select %ge3A_582, %iota3A_335, %broadcast_in_dim3A_584 : vector<200x79xi1>, vector<200x79xi32>
    %reduce_min3A_586 = arith.constant dense<2147483647> : vector<200xi32>
    %reduce_min3A_587 = vector.multi_reduction <minsi>, %select_n3A_585, %reduce_min3A_586 [1] : vector<200x79xi32> to vector<200xi32>
    %broadcast_in_dim3A_588 = vector.shape_cast %reduce_min3A_587 : vector<200xi32> to vector<200x1xi32>
    %add3A_589 = arith.addi %mul3A_342, %broadcast_in_dim3A_588 : vector<200x1xi32>
    %eq3A_590 = vector.broadcast %broadcast_in_dim3A_588 : vector<200x1xi32> to vector<200x79xi32>
    %eq3A_591 = arith.cmpi eq, %iota3A_335, %eq3A_590 : vector<200x79xi32>
    %jit3A_592 = arith.constant -3.000000e+00 : f32
    %broadcast_in_dim3A_593 = vector.broadcast %jit3A_592 : f32 to vector<200x79xf32>
    %select_n3A_594 = arith.select %eq3A_591, %broadcast_in_dim3A_593, %select_n3A_577 : vector<200x79xi1>, vector<200x79xf32>
    %reduce_max3A_595 = arith.constant dense<0xFF800000> : vector<200xf32>
    %reduce_max3A_596 = vector.multi_reduction <maximumf>, %select_n3A_594, %reduce_max3A_595 [1] : vector<200x79xf32> to vector<200xf32>
    %broadcast_in_dim3A_597 = vector.shape_cast %reduce_max3A_596 : vector<200xf32> to vector<200x1xf32>
    %ge3A_598 = vector.broadcast %broadcast_in_dim3A_597 : vector<200x1xf32> to vector<200x79xf32>
    %ge3A_599 = arith.cmpf oge, %select_n3A_594, %ge3A_598 : vector<200x79xf32>
    %jit3A_600 = arith.constant 1048576 : i32
    %broadcast_in_dim3A_601 = vector.broadcast %jit3A_600 : i32 to vector<200x79xi32>
    %select_n3A_602 = arith.select %ge3A_599, %iota3A_335, %broadcast_in_dim3A_601 : vector<200x79xi1>, vector<200x79xi32>
    %reduce_min3A_603 = arith.constant dense<2147483647> : vector<200xi32>
    %reduce_min3A_604 = vector.multi_reduction <minsi>, %select_n3A_602, %reduce_min3A_603 [1] : vector<200x79xi32> to vector<200xi32>
    %broadcast_in_dim3A_605 = vector.shape_cast %reduce_min3A_604 : vector<200xi32> to vector<200x1xi32>
    %add3A_606 = arith.addi %mul3A_342, %broadcast_in_dim3A_605 : vector<200x1xi32>
    %concatenate3A_607 = tpu.concatenate %add3A_352, %add3A_368, %add3A_385, %add3A_402, %add3A_419, %add3A_436, %add3A_453, %add3A_470, %add3A_487, %add3A_504, %add3A_521, %add3A_538, %add3A_555, %add3A_572, %add3A_589, %add3A_606 in 1 : vector<200x1xi32>, vector<200x1xi32>, vector<200x1xi32>, vector<200x1xi32>, vector<200x1xi32>, vector<200x1xi32>, vector<200x1xi32>, vector<200x1xi32>, vector<200x1xi32>, vector<200x1xi32>, vector<200x1xi32>, vector<200x1xi32>, vector<200x1xi32>, vector<200x1xi32>, vector<200x1xi32>, vector<200x1xi32> -> vector<200x16xi32>
    %swap3A_608 = arith.constant 0 : index
    %swap3A_609 = arith.constant 0 : index
    %swap3A_610 = vector.load %arg6[%swap3A_608, %swap3A_609] : memref<200x16xi32, #tpu.memory_space<vmem>>, vector<200x16xi32>
    tpu.vector_store %arg6[%swap3A_608, %swap3A_609], %concatenate3A_607 {strides = array<i32>} : memref<200x16xi32, #tpu.memory_space<vmem>>, vector<200x16xi32>,
    return
  }
  func.func @transform_0(%arg0: i32) -> (i32, i32) {
    %c0_i32 = arith.constant 0 : i32
    %c0_i32_0 = arith.constant 0 : i32
    return %arg0, %c0_i32 : i32, i32
  }
  func.func @transform_1(%arg0: i32) -> (i32, i32) {
    %c0_i32 = arith.constant 0 : i32
    %c0_i32_0 = arith.constant 0 : i32
    %c0_i32_1 = arith.constant 0 : i32
    return %c0_i32, %c0_i32_0 : i32, i32
  }
  func.func @transform_2(%arg0: i32) -> (i32, i32) {
    %c0_i32 = arith.constant 0 : i32
    %c0_i32_0 = arith.constant 0 : i32
    return %arg0, %c0_i32 : i32, i32
  }
  func.func @transform_3(%arg0: i32) -> (i32, i32) {
    %c0_i32 = arith.constant 0 : i32
    %c0_i32_0 = arith.constant 0 : i32
    %c0_i32_1 = arith.constant 0 : i32
    return %c0_i32, %c0_i32_0 : i32, i32
  }
  func.func @transform_4(%arg0: i32) -> (i32, i32) {
    %c0_i32 = arith.constant 0 : i32
    %c0_i32_0 = arith.constant 0 : i32
    return %arg0, %c0_i32 : i32, i32
  }
  func.func @transform_5(%arg0: i32) -> (i32, i32) {
    %c0_i32 = arith.constant 0 : i32
    %c0_i32_0 = arith.constant 0 : i32
    return %arg0, %c0_i32 : i32, i32
  }
}

module attributes {stable_mosaic.version = 14 : i64} {
  func.func @_cand_topk_body(%arg0: i32, %arg1: memref<200x2048xf32, #tpu.memory_space<vmem>>, %arg2: memref<200x16xi32, #tpu.memory_space<vmem>>, %arg3: memref<200x16xi32, #tpu.memory_space<vmem>>) attributes {dimension_semantics = [#tpu.dimension_semantics<arbitrary>], iteration_bounds = array<i64: 50>, scalar_prefetch = 0 : i64, scratch_operands = 0 : i64, tpu.core_type = #tpu.core_type<tc>, window_params = [{transform_indices = @transform_0, window_bounds = array<i64: 200, 2048>}, {transform_indices = @transform_1, window_bounds = array<i64: 200, 16>}, {transform_indices = @transform_2, window_bounds = array<i64: 200, 16>}]} {
    %get3A = arith.constant 0 : index
    %get3A_0 = arith.constant 0 : index
    %get3A_1 = vector.load %arg1[%get3A, %get3A_0] : memref<200x2048xf32, #tpu.memory_space<vmem>>, vector<200x2048xf32>
    %get3A_2 = arith.constant 0 : index
    %get3A_3 = arith.constant 0 : index
    %get3A_4 = vector.load %arg2[%get3A_2, %get3A_3] : memref<200x16xi32, #tpu.memory_space<vmem>>, vector<200x16xi32>
    %mul3A = arith.constant 200 : i32
    %mul3A_5 = arith.muli %arg0, %mul3A : i32
    %iota3A = tpu.iota {dimensions = array<i32: 0>} : vector<200x1xi32>
    %add3A = vector.broadcast %mul3A_5 : i32 to vector<200x1xi32>
    %add3A_6 = arith.addi %add3A, %iota3A : vector<200x1xi32>
    %mul3A_7 = arith.constant 79 : i32
    %mul3A_8 = vector.broadcast %mul3A_7 : i32 to vector<200x1xi32>
    %mul3A_9 = arith.muli %add3A_6, %mul3A_8 : vector<200x1xi32>
    %sub3A = vector.broadcast %mul3A_9 : vector<200x1xi32> to vector<200x16xi32>
    %sub3A_10 = arith.subi %get3A_4, %sub3A : vector<200x16xi32>
    %iota3A_11 = tpu.iota {dimensions = array<i32: 1>} : vector<200x2048xi32>
    %iota3A_12 = tpu.iota {dimensions = array<i32: 1>} : vector<200x16xi32>
    %reduce_max3A = arith.constant dense<0xFF800000> : vector<200xf32>
    %reduce_max3A_13 = vector.multi_reduction <maximumf>, %get3A_1, %reduce_max3A [1] : vector<200x2048xf32> to vector<200xf32>
    %broadcast_in_dim3A = vector.shape_cast %reduce_max3A_13 : vector<200xf32> to vector<200x1xf32>
    %ge3A = vector.broadcast %broadcast_in_dim3A : vector<200x1xf32> to vector<200x2048xf32>
    %ge3A_14 = arith.cmpf oge, %get3A_1, %ge3A : vector<200x2048xf32>
    %jit3A = arith.constant 1048576 : i32
    %broadcast_in_dim3A_15 = vector.broadcast %jit3A : i32 to vector<200x2048xi32>
    %select_n3A = arith.select %ge3A_14, %iota3A_11, %broadcast_in_dim3A_15 : vector<200x2048xi1>, vector<200x2048xi32>
    %reduce_min3A = arith.constant dense<2147483647> : vector<200xi32>
    %reduce_min3A_16 = vector.multi_reduction <minsi>, %select_n3A, %reduce_min3A [1] : vector<200x2048xi32> to vector<200xi32>
    %broadcast_in_dim3A_17 = vector.shape_cast %reduce_min3A_16 : vector<200xi32> to vector<200x1xi32>
    %jit3A_18 = arith.constant 128 : i32
    %div3A = vector.broadcast %jit3A_18 : i32 to vector<200x1xi32>
    %div3A_19 = arith.divsi %broadcast_in_dim3A_17, %div3A : vector<200x1xi32>
    %sign3A = arith.constant 0 : i32
    %sign3A_20 = vector.broadcast %sign3A : i32 to vector<200x1xi32>
    %sign3A_21 = arith.cmpi sgt, %broadcast_in_dim3A_17, %sign3A_20 : vector<200x1xi32>
    %sign3A_22 = arith.extui %sign3A_21 : vector<200x1xi1> to vector<200x1xi32>
    %sign3A_23 = arith.constant 0 : i32
    %sign3A_24 = vector.broadcast %sign3A_23 : i32 to vector<200x1xi32>
    %sign3A_25 = arith.cmpi slt, %broadcast_in_dim3A_17, %sign3A_24 : vector<200x1xi32>
    %sign3A_26 = arith.extui %sign3A_25 : vector<200x1xi1> to vector<200x1xi32>
    %sign3A_27 = arith.subi %sign3A_22, %sign3A_26 : vector<200x1xi32>
    %sign3A_28 = arith.constant 0 : i32
    %sign3A_29 = arith.cmpi sgt, %jit3A_18, %sign3A_28 : i32
    %sign3A_30 = arith.extui %sign3A_29 : i1 to i32
    %sign3A_31 = arith.constant 0 : i32
    %sign3A_32 = arith.cmpi slt, %jit3A_18, %sign3A_31 : i32
    %sign3A_33 = arith.extui %sign3A_32 : i1 to i32
    %sign3A_34 = arith.subi %sign3A_30, %sign3A_33 : i32
    %ne3A = vector.broadcast %sign3A_34 : i32 to vector<200x1xi32>
    %ne3A_35 = arith.cmpi ne, %sign3A_27, %ne3A : vector<200x1xi32>
    %rem3A = vector.broadcast %jit3A_18 : i32 to vector<200x1xi32>
    %rem3A_36 = arith.remsi %broadcast_in_dim3A_17, %rem3A : vector<200x1xi32>
    %ne3A_37 = arith.constant 0 : i32
    %ne3A_38 = vector.broadcast %ne3A_37 : i32 to vector<200x1xi32>
    %ne3A_39 = arith.cmpi ne, %rem3A_36, %ne3A_38 : vector<200x1xi32>
    %and3A = arith.andi %ne3A_35, %ne3A_39 : vector<200x1xi1>
    %sub3A_40 = arith.constant 1 : i32
    %sub3A_41 = vector.broadcast %sub3A_40 : i32 to vector<200x1xi32>
    %sub3A_42 = arith.subi %div3A_19, %sub3A_41 : vector<200x1xi32>
    %select_n3A_43 = arith.select %and3A, %sub3A_42, %div3A_19 : vector<200x1xi1>, vector<200x1xi32>
    %mul3A_44 = arith.constant 128 : i32
    %mul3A_45 = vector.broadcast %mul3A_44 : i32 to vector<200x1xi32>
    %mul3A_46 = arith.muli %select_n3A_43, %mul3A_45 : vector<200x1xi32>
    %sub3A_47 = arith.subi %broadcast_in_dim3A_17, %mul3A_46 : vector<200x1xi32>
    %eq3A = vector.broadcast %select_n3A_43 : vector<200x1xi32> to vector<200x16xi32>
    %eq3A_48 = arith.cmpi eq, %iota3A_12, %eq3A : vector<200x16xi32>
    %jit3A_49 = arith.constant 0 : i32
    %broadcast_in_dim3A_50 = vector.broadcast %jit3A_49 : i32 to vector<200x16xi32>
    %select_n3A_51 = arith.select %eq3A_48, %sub3A_10, %broadcast_in_dim3A_50 : vector<200x16xi1>, vector<200x16xi32>
    %reduce_sum3A = arith.constant dense<0> : vector<200xi32>
    %reduce_sum3A_52 = vector.multi_reduction <add>, %select_n3A_51, %reduce_sum3A [1] : vector<200x16xi32> to vector<200xi32>
    %broadcast_in_dim3A_53 = vector.shape_cast %reduce_sum3A_52 : vector<200xi32> to vector<200x1xi32>
    %mul3A_54 = arith.constant 128 : i32
    %mul3A_55 = vector.broadcast %mul3A_54 : i32 to vector<200x1xi32>
    %mul3A_56 = arith.muli %broadcast_in_dim3A_53, %mul3A_55 : vector<200x1xi32>
    %add3A_57 = arith.addi %mul3A_56, %sub3A_47 : vector<200x1xi32>
    %eq3A_58 = vector.broadcast %broadcast_in_dim3A_17 : vector<200x1xi32> to vector<200x2048xi32>
    %eq3A_59 = arith.cmpi eq, %iota3A_11, %eq3A_58 : vector<200x2048xi32>
    %jit3A_60 = arith.constant -3.000000e+00 : f32
    %broadcast_in_dim3A_61 = vector.broadcast %jit3A_60 : f32 to vector<200x2048xf32>
    %select_n3A_62 = arith.select %eq3A_59, %broadcast_in_dim3A_61, %get3A_1 : vector<200x2048xi1>, vector<200x2048xf32>
    %reduce_max3A_63 = arith.constant dense<0xFF800000> : vector<200xf32>
    %reduce_max3A_64 = vector.multi_reduction <maximumf>, %select_n3A_62, %reduce_max3A_63 [1] : vector<200x2048xf32> to vector<200xf32>
    %broadcast_in_dim3A_65 = vector.shape_cast %reduce_max3A_64 : vector<200xf32> to vector<200x1xf32>
    %ge3A_66 = vector.broadcast %broadcast_in_dim3A_65 : vector<200x1xf32> to vector<200x2048xf32>
    %ge3A_67 = arith.cmpf oge, %select_n3A_62, %ge3A_66 : vector<200x2048xf32>
    %jit3A_68 = arith.constant 1048576 : i32
    %broadcast_in_dim3A_69 = vector.broadcast %jit3A_68 : i32 to vector<200x2048xi32>
    %select_n3A_70 = arith.select %ge3A_67, %iota3A_11, %broadcast_in_dim3A_69 : vector<200x2048xi1>, vector<200x2048xi32>
    %reduce_min3A_71 = arith.constant dense<2147483647> : vector<200xi32>
    %reduce_min3A_72 = vector.multi_reduction <minsi>, %select_n3A_70, %reduce_min3A_71 [1] : vector<200x2048xi32> to vector<200xi32>
    %broadcast_in_dim3A_73 = vector.shape_cast %reduce_min3A_72 : vector<200xi32> to vector<200x1xi32>
    %jit3A_74 = arith.constant 128 : i32
    %div3A_75 = vector.broadcast %jit3A_74 : i32 to vector<200x1xi32>
    %div3A_76 = arith.divsi %broadcast_in_dim3A_73, %div3A_75 : vector<200x1xi32>
    %sign3A_77 = arith.constant 0 : i32
    %sign3A_78 = vector.broadcast %sign3A_77 : i32 to vector<200x1xi32>
    %sign3A_79 = arith.cmpi sgt, %broadcast_in_dim3A_73, %sign3A_78 : vector<200x1xi32>
    %sign3A_80 = arith.extui %sign3A_79 : vector<200x1xi1> to vector<200x1xi32>
    %sign3A_81 = arith.constant 0 : i32
    %sign3A_82 = vector.broadcast %sign3A_81 : i32 to vector<200x1xi32>
    %sign3A_83 = arith.cmpi slt, %broadcast_in_dim3A_73, %sign3A_82 : vector<200x1xi32>
    %sign3A_84 = arith.extui %sign3A_83 : vector<200x1xi1> to vector<200x1xi32>
    %sign3A_85 = arith.subi %sign3A_80, %sign3A_84 : vector<200x1xi32>
    %sign3A_86 = arith.constant 0 : i32
    %sign3A_87 = arith.cmpi sgt, %jit3A_74, %sign3A_86 : i32
    %sign3A_88 = arith.extui %sign3A_87 : i1 to i32
    %sign3A_89 = arith.constant 0 : i32
    %sign3A_90 = arith.cmpi slt, %jit3A_74, %sign3A_89 : i32
    %sign3A_91 = arith.extui %sign3A_90 : i1 to i32
    %sign3A_92 = arith.subi %sign3A_88, %sign3A_91 : i32
    %ne3A_93 = vector.broadcast %sign3A_92 : i32 to vector<200x1xi32>
    %ne3A_94 = arith.cmpi ne, %sign3A_85, %ne3A_93 : vector<200x1xi32>
    %rem3A_95 = vector.broadcast %jit3A_74 : i32 to vector<200x1xi32>
    %rem3A_96 = arith.remsi %broadcast_in_dim3A_73, %rem3A_95 : vector<200x1xi32>
    %ne3A_97 = arith.constant 0 : i32
    %ne3A_98 = vector.broadcast %ne3A_97 : i32 to vector<200x1xi32>
    %ne3A_99 = arith.cmpi ne, %rem3A_96, %ne3A_98 : vector<200x1xi32>
    %and3A_100 = arith.andi %ne3A_94, %ne3A_99 : vector<200x1xi1>
    %sub3A_101 = arith.constant 1 : i32
    %sub3A_102 = vector.broadcast %sub3A_101 : i32 to vector<200x1xi32>
    %sub3A_103 = arith.subi %div3A_76, %sub3A_102 : vector<200x1xi32>
    %select_n3A_104 = arith.select %and3A_100, %sub3A_103, %div3A_76 : vector<200x1xi1>, vector<200x1xi32>
    %mul3A_105 = arith.constant 128 : i32
    %mul3A_106 = vector.broadcast %mul3A_105 : i32 to vector<200x1xi32>
    %mul3A_107 = arith.muli %select_n3A_104, %mul3A_106 : vector<200x1xi32>
    %sub3A_108 = arith.subi %broadcast_in_dim3A_73, %mul3A_107 : vector<200x1xi32>
    %eq3A_109 = vector.broadcast %select_n3A_104 : vector<200x1xi32> to vector<200x16xi32>
    %eq3A_110 = arith.cmpi eq, %iota3A_12, %eq3A_109 : vector<200x16xi32>
    %jit3A_111 = arith.constant 0 : i32
    %broadcast_in_dim3A_112 = vector.broadcast %jit3A_111 : i32 to vector<200x16xi32>
    %select_n3A_113 = arith.select %eq3A_110, %sub3A_10, %broadcast_in_dim3A_112 : vector<200x16xi1>, vector<200x16xi32>
    %reduce_sum3A_114 = arith.constant dense<0> : vector<200xi32>
    %reduce_sum3A_115 = vector.multi_reduction <add>, %select_n3A_113, %reduce_sum3A_114 [1] : vector<200x16xi32> to vector<200xi32>
    %broadcast_in_dim3A_116 = vector.shape_cast %reduce_sum3A_115 : vector<200xi32> to vector<200x1xi32>
    %mul3A_117 = arith.constant 128 : i32
    %mul3A_118 = vector.broadcast %mul3A_117 : i32 to vector<200x1xi32>
    %mul3A_119 = arith.muli %broadcast_in_dim3A_116, %mul3A_118 : vector<200x1xi32>
    %add3A_120 = arith.addi %mul3A_119, %sub3A_108 : vector<200x1xi32>
    %eq3A_121 = vector.broadcast %broadcast_in_dim3A_73 : vector<200x1xi32> to vector<200x2048xi32>
    %eq3A_122 = arith.cmpi eq, %iota3A_11, %eq3A_121 : vector<200x2048xi32>
    %jit3A_123 = arith.constant -3.000000e+00 : f32
    %broadcast_in_dim3A_124 = vector.broadcast %jit3A_123 : f32 to vector<200x2048xf32>
    %select_n3A_125 = arith.select %eq3A_122, %broadcast_in_dim3A_124, %select_n3A_62 : vector<200x2048xi1>, vector<200x2048xf32>
    %reduce_max3A_126 = arith.constant dense<0xFF800000> : vector<200xf32>
    %reduce_max3A_127 = vector.multi_reduction <maximumf>, %select_n3A_125, %reduce_max3A_126 [1] : vector<200x2048xf32> to vector<200xf32>
    %broadcast_in_dim3A_128 = vector.shape_cast %reduce_max3A_127 : vector<200xf32> to vector<200x1xf32>
    %ge3A_129 = vector.broadcast %broadcast_in_dim3A_128 : vector<200x1xf32> to vector<200x2048xf32>
    %ge3A_130 = arith.cmpf oge, %select_n3A_125, %ge3A_129 : vector<200x2048xf32>
    %jit3A_131 = arith.constant 1048576 : i32
    %broadcast_in_dim3A_132 = vector.broadcast %jit3A_131 : i32 to vector<200x2048xi32>
    %select_n3A_133 = arith.select %ge3A_130, %iota3A_11, %broadcast_in_dim3A_132 : vector<200x2048xi1>, vector<200x2048xi32>
    %reduce_min3A_134 = arith.constant dense<2147483647> : vector<200xi32>
    %reduce_min3A_135 = vector.multi_reduction <minsi>, %select_n3A_133, %reduce_min3A_134 [1] : vector<200x2048xi32> to vector<200xi32>
    %broadcast_in_dim3A_136 = vector.shape_cast %reduce_min3A_135 : vector<200xi32> to vector<200x1xi32>
    %jit3A_137 = arith.constant 128 : i32
    %div3A_138 = vector.broadcast %jit3A_137 : i32 to vector<200x1xi32>
    %div3A_139 = arith.divsi %broadcast_in_dim3A_136, %div3A_138 : vector<200x1xi32>
    %sign3A_140 = arith.constant 0 : i32
    %sign3A_141 = vector.broadcast %sign3A_140 : i32 to vector<200x1xi32>
    %sign3A_142 = arith.cmpi sgt, %broadcast_in_dim3A_136, %sign3A_141 : vector<200x1xi32>
    %sign3A_143 = arith.extui %sign3A_142 : vector<200x1xi1> to vector<200x1xi32>
    %sign3A_144 = arith.constant 0 : i32
    %sign3A_145 = vector.broadcast %sign3A_144 : i32 to vector<200x1xi32>
    %sign3A_146 = arith.cmpi slt, %broadcast_in_dim3A_136, %sign3A_145 : vector<200x1xi32>
    %sign3A_147 = arith.extui %sign3A_146 : vector<200x1xi1> to vector<200x1xi32>
    %sign3A_148 = arith.subi %sign3A_143, %sign3A_147 : vector<200x1xi32>
    %sign3A_149 = arith.constant 0 : i32
    %sign3A_150 = arith.cmpi sgt, %jit3A_137, %sign3A_149 : i32
    %sign3A_151 = arith.extui %sign3A_150 : i1 to i32
    %sign3A_152 = arith.constant 0 : i32
    %sign3A_153 = arith.cmpi slt, %jit3A_137, %sign3A_152 : i32
    %sign3A_154 = arith.extui %sign3A_153 : i1 to i32
    %sign3A_155 = arith.subi %sign3A_151, %sign3A_154 : i32
    %ne3A_156 = vector.broadcast %sign3A_155 : i32 to vector<200x1xi32>
    %ne3A_157 = arith.cmpi ne, %sign3A_148, %ne3A_156 : vector<200x1xi32>
    %rem3A_158 = vector.broadcast %jit3A_137 : i32 to vector<200x1xi32>
    %rem3A_159 = arith.remsi %broadcast_in_dim3A_136, %rem3A_158 : vector<200x1xi32>
    %ne3A_160 = arith.constant 0 : i32
    %ne3A_161 = vector.broadcast %ne3A_160 : i32 to vector<200x1xi32>
    %ne3A_162 = arith.cmpi ne, %rem3A_159, %ne3A_161 : vector<200x1xi32>
    %and3A_163 = arith.andi %ne3A_157, %ne3A_162 : vector<200x1xi1>
    %sub3A_164 = arith.constant 1 : i32
    %sub3A_165 = vector.broadcast %sub3A_164 : i32 to vector<200x1xi32>
    %sub3A_166 = arith.subi %div3A_139, %sub3A_165 : vector<200x1xi32>
    %select_n3A_167 = arith.select %and3A_163, %sub3A_166, %div3A_139 : vector<200x1xi1>, vector<200x1xi32>
    %mul3A_168 = arith.constant 128 : i32
    %mul3A_169 = vector.broadcast %mul3A_168 : i32 to vector<200x1xi32>
    %mul3A_170 = arith.muli %select_n3A_167, %mul3A_169 : vector<200x1xi32>
    %sub3A_171 = arith.subi %broadcast_in_dim3A_136, %mul3A_170 : vector<200x1xi32>
    %eq3A_172 = vector.broadcast %select_n3A_167 : vector<200x1xi32> to vector<200x16xi32>
    %eq3A_173 = arith.cmpi eq, %iota3A_12, %eq3A_172 : vector<200x16xi32>
    %jit3A_174 = arith.constant 0 : i32
    %broadcast_in_dim3A_175 = vector.broadcast %jit3A_174 : i32 to vector<200x16xi32>
    %select_n3A_176 = arith.select %eq3A_173, %sub3A_10, %broadcast_in_dim3A_175 : vector<200x16xi1>, vector<200x16xi32>
    %reduce_sum3A_177 = arith.constant dense<0> : vector<200xi32>
    %reduce_sum3A_178 = vector.multi_reduction <add>, %select_n3A_176, %reduce_sum3A_177 [1] : vector<200x16xi32> to vector<200xi32>
    %broadcast_in_dim3A_179 = vector.shape_cast %reduce_sum3A_178 : vector<200xi32> to vector<200x1xi32>
    %mul3A_180 = arith.constant 128 : i32
    %mul3A_181 = vector.broadcast %mul3A_180 : i32 to vector<200x1xi32>
    %mul3A_182 = arith.muli %broadcast_in_dim3A_179, %mul3A_181 : vector<200x1xi32>
    %add3A_183 = arith.addi %mul3A_182, %sub3A_171 : vector<200x1xi32>
    %eq3A_184 = vector.broadcast %broadcast_in_dim3A_136 : vector<200x1xi32> to vector<200x2048xi32>
    %eq3A_185 = arith.cmpi eq, %iota3A_11, %eq3A_184 : vector<200x2048xi32>
    %jit3A_186 = arith.constant -3.000000e+00 : f32
    %broadcast_in_dim3A_187 = vector.broadcast %jit3A_186 : f32 to vector<200x2048xf32>
    %select_n3A_188 = arith.select %eq3A_185, %broadcast_in_dim3A_187, %select_n3A_125 : vector<200x2048xi1>, vector<200x2048xf32>
    %reduce_max3A_189 = arith.constant dense<0xFF800000> : vector<200xf32>
    %reduce_max3A_190 = vector.multi_reduction <maximumf>, %select_n3A_188, %reduce_max3A_189 [1] : vector<200x2048xf32> to vector<200xf32>
    %broadcast_in_dim3A_191 = vector.shape_cast %reduce_max3A_190 : vector<200xf32> to vector<200x1xf32>
    %ge3A_192 = vector.broadcast %broadcast_in_dim3A_191 : vector<200x1xf32> to vector<200x2048xf32>
    %ge3A_193 = arith.cmpf oge, %select_n3A_188, %ge3A_192 : vector<200x2048xf32>
    %jit3A_194 = arith.constant 1048576 : i32
    %broadcast_in_dim3A_195 = vector.broadcast %jit3A_194 : i32 to vector<200x2048xi32>
    %select_n3A_196 = arith.select %ge3A_193, %iota3A_11, %broadcast_in_dim3A_195 : vector<200x2048xi1>, vector<200x2048xi32>
    %reduce_min3A_197 = arith.constant dense<2147483647> : vector<200xi32>
    %reduce_min3A_198 = vector.multi_reduction <minsi>, %select_n3A_196, %reduce_min3A_197 [1] : vector<200x2048xi32> to vector<200xi32>
    %broadcast_in_dim3A_199 = vector.shape_cast %reduce_min3A_198 : vector<200xi32> to vector<200x1xi32>
    %jit3A_200 = arith.constant 128 : i32
    %div3A_201 = vector.broadcast %jit3A_200 : i32 to vector<200x1xi32>
    %div3A_202 = arith.divsi %broadcast_in_dim3A_199, %div3A_201 : vector<200x1xi32>
    %sign3A_203 = arith.constant 0 : i32
    %sign3A_204 = vector.broadcast %sign3A_203 : i32 to vector<200x1xi32>
    %sign3A_205 = arith.cmpi sgt, %broadcast_in_dim3A_199, %sign3A_204 : vector<200x1xi32>
    %sign3A_206 = arith.extui %sign3A_205 : vector<200x1xi1> to vector<200x1xi32>
    %sign3A_207 = arith.constant 0 : i32
    %sign3A_208 = vector.broadcast %sign3A_207 : i32 to vector<200x1xi32>
    %sign3A_209 = arith.cmpi slt, %broadcast_in_dim3A_199, %sign3A_208 : vector<200x1xi32>
    %sign3A_210 = arith.extui %sign3A_209 : vector<200x1xi1> to vector<200x1xi32>
    %sign3A_211 = arith.subi %sign3A_206, %sign3A_210 : vector<200x1xi32>
    %sign3A_212 = arith.constant 0 : i32
    %sign3A_213 = arith.cmpi sgt, %jit3A_200, %sign3A_212 : i32
    %sign3A_214 = arith.extui %sign3A_213 : i1 to i32
    %sign3A_215 = arith.constant 0 : i32
    %sign3A_216 = arith.cmpi slt, %jit3A_200, %sign3A_215 : i32
    %sign3A_217 = arith.extui %sign3A_216 : i1 to i32
    %sign3A_218 = arith.subi %sign3A_214, %sign3A_217 : i32
    %ne3A_219 = vector.broadcast %sign3A_218 : i32 to vector<200x1xi32>
    %ne3A_220 = arith.cmpi ne, %sign3A_211, %ne3A_219 : vector<200x1xi32>
    %rem3A_221 = vector.broadcast %jit3A_200 : i32 to vector<200x1xi32>
    %rem3A_222 = arith.remsi %broadcast_in_dim3A_199, %rem3A_221 : vector<200x1xi32>
    %ne3A_223 = arith.constant 0 : i32
    %ne3A_224 = vector.broadcast %ne3A_223 : i32 to vector<200x1xi32>
    %ne3A_225 = arith.cmpi ne, %rem3A_222, %ne3A_224 : vector<200x1xi32>
    %and3A_226 = arith.andi %ne3A_220, %ne3A_225 : vector<200x1xi1>
    %sub3A_227 = arith.constant 1 : i32
    %sub3A_228 = vector.broadcast %sub3A_227 : i32 to vector<200x1xi32>
    %sub3A_229 = arith.subi %div3A_202, %sub3A_228 : vector<200x1xi32>
    %select_n3A_230 = arith.select %and3A_226, %sub3A_229, %div3A_202 : vector<200x1xi1>, vector<200x1xi32>
    %mul3A_231 = arith.constant 128 : i32
    %mul3A_232 = vector.broadcast %mul3A_231 : i32 to vector<200x1xi32>
    %mul3A_233 = arith.muli %select_n3A_230, %mul3A_232 : vector<200x1xi32>
    %sub3A_234 = arith.subi %broadcast_in_dim3A_199, %mul3A_233 : vector<200x1xi32>
    %eq3A_235 = vector.broadcast %select_n3A_230 : vector<200x1xi32> to vector<200x16xi32>
    %eq3A_236 = arith.cmpi eq, %iota3A_12, %eq3A_235 : vector<200x16xi32>
    %jit3A_237 = arith.constant 0 : i32
    %broadcast_in_dim3A_238 = vector.broadcast %jit3A_237 : i32 to vector<200x16xi32>
    %select_n3A_239 = arith.select %eq3A_236, %sub3A_10, %broadcast_in_dim3A_238 : vector<200x16xi1>, vector<200x16xi32>
    %reduce_sum3A_240 = arith.constant dense<0> : vector<200xi32>
    %reduce_sum3A_241 = vector.multi_reduction <add>, %select_n3A_239, %reduce_sum3A_240 [1] : vector<200x16xi32> to vector<200xi32>
    %broadcast_in_dim3A_242 = vector.shape_cast %reduce_sum3A_241 : vector<200xi32> to vector<200x1xi32>
    %mul3A_243 = arith.constant 128 : i32
    %mul3A_244 = vector.broadcast %mul3A_243 : i32 to vector<200x1xi32>
    %mul3A_245 = arith.muli %broadcast_in_dim3A_242, %mul3A_244 : vector<200x1xi32>
    %add3A_246 = arith.addi %mul3A_245, %sub3A_234 : vector<200x1xi32>
    %eq3A_247 = vector.broadcast %broadcast_in_dim3A_199 : vector<200x1xi32> to vector<200x2048xi32>
    %eq3A_248 = arith.cmpi eq, %iota3A_11, %eq3A_247 : vector<200x2048xi32>
    %jit3A_249 = arith.constant -3.000000e+00 : f32
    %broadcast_in_dim3A_250 = vector.broadcast %jit3A_249 : f32 to vector<200x2048xf32>
    %select_n3A_251 = arith.select %eq3A_248, %broadcast_in_dim3A_250, %select_n3A_188 : vector<200x2048xi1>, vector<200x2048xf32>
    %reduce_max3A_252 = arith.constant dense<0xFF800000> : vector<200xf32>
    %reduce_max3A_253 = vector.multi_reduction <maximumf>, %select_n3A_251, %reduce_max3A_252 [1] : vector<200x2048xf32> to vector<200xf32>
    %broadcast_in_dim3A_254 = vector.shape_cast %reduce_max3A_253 : vector<200xf32> to vector<200x1xf32>
    %ge3A_255 = vector.broadcast %broadcast_in_dim3A_254 : vector<200x1xf32> to vector<200x2048xf32>
    %ge3A_256 = arith.cmpf oge, %select_n3A_251, %ge3A_255 : vector<200x2048xf32>
    %jit3A_257 = arith.constant 1048576 : i32
    %broadcast_in_dim3A_258 = vector.broadcast %jit3A_257 : i32 to vector<200x2048xi32>
    %select_n3A_259 = arith.select %ge3A_256, %iota3A_11, %broadcast_in_dim3A_258 : vector<200x2048xi1>, vector<200x2048xi32>
    %reduce_min3A_260 = arith.constant dense<2147483647> : vector<200xi32>
    %reduce_min3A_261 = vector.multi_reduction <minsi>, %select_n3A_259, %reduce_min3A_260 [1] : vector<200x2048xi32> to vector<200xi32>
    %broadcast_in_dim3A_262 = vector.shape_cast %reduce_min3A_261 : vector<200xi32> to vector<200x1xi32>
    %jit3A_263 = arith.constant 128 : i32
    %div3A_264 = vector.broadcast %jit3A_263 : i32 to vector<200x1xi32>
    %div3A_265 = arith.divsi %broadcast_in_dim3A_262, %div3A_264 : vector<200x1xi32>
    %sign3A_266 = arith.constant 0 : i32
    %sign3A_267 = vector.broadcast %sign3A_266 : i32 to vector<200x1xi32>
    %sign3A_268 = arith.cmpi sgt, %broadcast_in_dim3A_262, %sign3A_267 : vector<200x1xi32>
    %sign3A_269 = arith.extui %sign3A_268 : vector<200x1xi1> to vector<200x1xi32>
    %sign3A_270 = arith.constant 0 : i32
    %sign3A_271 = vector.broadcast %sign3A_270 : i32 to vector<200x1xi32>
    %sign3A_272 = arith.cmpi slt, %broadcast_in_dim3A_262, %sign3A_271 : vector<200x1xi32>
    %sign3A_273 = arith.extui %sign3A_272 : vector<200x1xi1> to vector<200x1xi32>
    %sign3A_274 = arith.subi %sign3A_269, %sign3A_273 : vector<200x1xi32>
    %sign3A_275 = arith.constant 0 : i32
    %sign3A_276 = arith.cmpi sgt, %jit3A_263, %sign3A_275 : i32
    %sign3A_277 = arith.extui %sign3A_276 : i1 to i32
    %sign3A_278 = arith.constant 0 : i32
    %sign3A_279 = arith.cmpi slt, %jit3A_263, %sign3A_278 : i32
    %sign3A_280 = arith.extui %sign3A_279 : i1 to i32
    %sign3A_281 = arith.subi %sign3A_277, %sign3A_280 : i32
    %ne3A_282 = vector.broadcast %sign3A_281 : i32 to vector<200x1xi32>
    %ne3A_283 = arith.cmpi ne, %sign3A_274, %ne3A_282 : vector<200x1xi32>
    %rem3A_284 = vector.broadcast %jit3A_263 : i32 to vector<200x1xi32>
    %rem3A_285 = arith.remsi %broadcast_in_dim3A_262, %rem3A_284 : vector<200x1xi32>
    %ne3A_286 = arith.constant 0 : i32
    %ne3A_287 = vector.broadcast %ne3A_286 : i32 to vector<200x1xi32>
    %ne3A_288 = arith.cmpi ne, %rem3A_285, %ne3A_287 : vector<200x1xi32>
    %and3A_289 = arith.andi %ne3A_283, %ne3A_288 : vector<200x1xi1>
    %sub3A_290 = arith.constant 1 : i32
    %sub3A_291 = vector.broadcast %sub3A_290 : i32 to vector<200x1xi32>
    %sub3A_292 = arith.subi %div3A_265, %sub3A_291 : vector<200x1xi32>
    %select_n3A_293 = arith.select %and3A_289, %sub3A_292, %div3A_265 : vector<200x1xi1>, vector<200x1xi32>
    %mul3A_294 = arith.constant 128 : i32
    %mul3A_295 = vector.broadcast %mul3A_294 : i32 to vector<200x1xi32>
    %mul3A_296 = arith.muli %select_n3A_293, %mul3A_295 : vector<200x1xi32>
    %sub3A_297 = arith.subi %broadcast_in_dim3A_262, %mul3A_296 : vector<200x1xi32>
    %eq3A_298 = vector.broadcast %select_n3A_293 : vector<200x1xi32> to vector<200x16xi32>
    %eq3A_299 = arith.cmpi eq, %iota3A_12, %eq3A_298 : vector<200x16xi32>
    %jit3A_300 = arith.constant 0 : i32
    %broadcast_in_dim3A_301 = vector.broadcast %jit3A_300 : i32 to vector<200x16xi32>
    %select_n3A_302 = arith.select %eq3A_299, %sub3A_10, %broadcast_in_dim3A_301 : vector<200x16xi1>, vector<200x16xi32>
    %reduce_sum3A_303 = arith.constant dense<0> : vector<200xi32>
    %reduce_sum3A_304 = vector.multi_reduction <add>, %select_n3A_302, %reduce_sum3A_303 [1] : vector<200x16xi32> to vector<200xi32>
    %broadcast_in_dim3A_305 = vector.shape_cast %reduce_sum3A_304 : vector<200xi32> to vector<200x1xi32>
    %mul3A_306 = arith.constant 128 : i32
    %mul3A_307 = vector.broadcast %mul3A_306 : i32 to vector<200x1xi32>
    %mul3A_308 = arith.muli %broadcast_in_dim3A_305, %mul3A_307 : vector<200x1xi32>
    %add3A_309 = arith.addi %mul3A_308, %sub3A_297 : vector<200x1xi32>
    %eq3A_310 = vector.broadcast %broadcast_in_dim3A_262 : vector<200x1xi32> to vector<200x2048xi32>
    %eq3A_311 = arith.cmpi eq, %iota3A_11, %eq3A_310 : vector<200x2048xi32>
    %jit3A_312 = arith.constant -3.000000e+00 : f32
    %broadcast_in_dim3A_313 = vector.broadcast %jit3A_312 : f32 to vector<200x2048xf32>
    %select_n3A_314 = arith.select %eq3A_311, %broadcast_in_dim3A_313, %select_n3A_251 : vector<200x2048xi1>, vector<200x2048xf32>
    %reduce_max3A_315 = arith.constant dense<0xFF800000> : vector<200xf32>
    %reduce_max3A_316 = vector.multi_reduction <maximumf>, %select_n3A_314, %reduce_max3A_315 [1] : vector<200x2048xf32> to vector<200xf32>
    %broadcast_in_dim3A_317 = vector.shape_cast %reduce_max3A_316 : vector<200xf32> to vector<200x1xf32>
    %ge3A_318 = vector.broadcast %broadcast_in_dim3A_317 : vector<200x1xf32> to vector<200x2048xf32>
    %ge3A_319 = arith.cmpf oge, %select_n3A_314, %ge3A_318 : vector<200x2048xf32>
    %jit3A_320 = arith.constant 1048576 : i32
    %broadcast_in_dim3A_321 = vector.broadcast %jit3A_320 : i32 to vector<200x2048xi32>
    %select_n3A_322 = arith.select %ge3A_319, %iota3A_11, %broadcast_in_dim3A_321 : vector<200x2048xi1>, vector<200x2048xi32>
    %reduce_min3A_323 = arith.constant dense<2147483647> : vector<200xi32>
    %reduce_min3A_324 = vector.multi_reduction <minsi>, %select_n3A_322, %reduce_min3A_323 [1] : vector<200x2048xi32> to vector<200xi32>
    %broadcast_in_dim3A_325 = vector.shape_cast %reduce_min3A_324 : vector<200xi32> to vector<200x1xi32>
    %jit3A_326 = arith.constant 128 : i32
    %div3A_327 = vector.broadcast %jit3A_326 : i32 to vector<200x1xi32>
    %div3A_328 = arith.divsi %broadcast_in_dim3A_325, %div3A_327 : vector<200x1xi32>
    %sign3A_329 = arith.constant 0 : i32
    %sign3A_330 = vector.broadcast %sign3A_329 : i32 to vector<200x1xi32>
    %sign3A_331 = arith.cmpi sgt, %broadcast_in_dim3A_325, %sign3A_330 : vector<200x1xi32>
    %sign3A_332 = arith.extui %sign3A_331 : vector<200x1xi1> to vector<200x1xi32>
    %sign3A_333 = arith.constant 0 : i32
    %sign3A_334 = vector.broadcast %sign3A_333 : i32 to vector<200x1xi32>
    %sign3A_335 = arith.cmpi slt, %broadcast_in_dim3A_325, %sign3A_334 : vector<200x1xi32>
    %sign3A_336 = arith.extui %sign3A_335 : vector<200x1xi1> to vector<200x1xi32>
    %sign3A_337 = arith.subi %sign3A_332, %sign3A_336 : vector<200x1xi32>
    %sign3A_338 = arith.constant 0 : i32
    %sign3A_339 = arith.cmpi sgt, %jit3A_326, %sign3A_338 : i32
    %sign3A_340 = arith.extui %sign3A_339 : i1 to i32
    %sign3A_341 = arith.constant 0 : i32
    %sign3A_342 = arith.cmpi slt, %jit3A_326, %sign3A_341 : i32
    %sign3A_343 = arith.extui %sign3A_342 : i1 to i32
    %sign3A_344 = arith.subi %sign3A_340, %sign3A_343 : i32
    %ne3A_345 = vector.broadcast %sign3A_344 : i32 to vector<200x1xi32>
    %ne3A_346 = arith.cmpi ne, %sign3A_337, %ne3A_345 : vector<200x1xi32>
    %rem3A_347 = vector.broadcast %jit3A_326 : i32 to vector<200x1xi32>
    %rem3A_348 = arith.remsi %broadcast_in_dim3A_325, %rem3A_347 : vector<200x1xi32>
    %ne3A_349 = arith.constant 0 : i32
    %ne3A_350 = vector.broadcast %ne3A_349 : i32 to vector<200x1xi32>
    %ne3A_351 = arith.cmpi ne, %rem3A_348, %ne3A_350 : vector<200x1xi32>
    %and3A_352 = arith.andi %ne3A_346, %ne3A_351 : vector<200x1xi1>
    %sub3A_353 = arith.constant 1 : i32
    %sub3A_354 = vector.broadcast %sub3A_353 : i32 to vector<200x1xi32>
    %sub3A_355 = arith.subi %div3A_328, %sub3A_354 : vector<200x1xi32>
    %select_n3A_356 = arith.select %and3A_352, %sub3A_355, %div3A_328 : vector<200x1xi1>, vector<200x1xi32>
    %mul3A_357 = arith.constant 128 : i32
    %mul3A_358 = vector.broadcast %mul3A_357 : i32 to vector<200x1xi32>
    %mul3A_359 = arith.muli %select_n3A_356, %mul3A_358 : vector<200x1xi32>
    %sub3A_360 = arith.subi %broadcast_in_dim3A_325, %mul3A_359 : vector<200x1xi32>
    %eq3A_361 = vector.broadcast %select_n3A_356 : vector<200x1xi32> to vector<200x16xi32>
    %eq3A_362 = arith.cmpi eq, %iota3A_12, %eq3A_361 : vector<200x16xi32>
    %jit3A_363 = arith.constant 0 : i32
    %broadcast_in_dim3A_364 = vector.broadcast %jit3A_363 : i32 to vector<200x16xi32>
    %select_n3A_365 = arith.select %eq3A_362, %sub3A_10, %broadcast_in_dim3A_364 : vector<200x16xi1>, vector<200x16xi32>
    %reduce_sum3A_366 = arith.constant dense<0> : vector<200xi32>
    %reduce_sum3A_367 = vector.multi_reduction <add>, %select_n3A_365, %reduce_sum3A_366 [1] : vector<200x16xi32> to vector<200xi32>
    %broadcast_in_dim3A_368 = vector.shape_cast %reduce_sum3A_367 : vector<200xi32> to vector<200x1xi32>
    %mul3A_369 = arith.constant 128 : i32
    %mul3A_370 = vector.broadcast %mul3A_369 : i32 to vector<200x1xi32>
    %mul3A_371 = arith.muli %broadcast_in_dim3A_368, %mul3A_370 : vector<200x1xi32>
    %add3A_372 = arith.addi %mul3A_371, %sub3A_360 : vector<200x1xi32>
    %eq3A_373 = vector.broadcast %broadcast_in_dim3A_325 : vector<200x1xi32> to vector<200x2048xi32>
    %eq3A_374 = arith.cmpi eq, %iota3A_11, %eq3A_373 : vector<200x2048xi32>
    %jit3A_375 = arith.constant -3.000000e+00 : f32
    %broadcast_in_dim3A_376 = vector.broadcast %jit3A_375 : f32 to vector<200x2048xf32>
    %select_n3A_377 = arith.select %eq3A_374, %broadcast_in_dim3A_376, %select_n3A_314 : vector<200x2048xi1>, vector<200x2048xf32>
    %reduce_max3A_378 = arith.constant dense<0xFF800000> : vector<200xf32>
    %reduce_max3A_379 = vector.multi_reduction <maximumf>, %select_n3A_377, %reduce_max3A_378 [1] : vector<200x2048xf32> to vector<200xf32>
    %broadcast_in_dim3A_380 = vector.shape_cast %reduce_max3A_379 : vector<200xf32> to vector<200x1xf32>
    %ge3A_381 = vector.broadcast %broadcast_in_dim3A_380 : vector<200x1xf32> to vector<200x2048xf32>
    %ge3A_382 = arith.cmpf oge, %select_n3A_377, %ge3A_381 : vector<200x2048xf32>
    %jit3A_383 = arith.constant 1048576 : i32
    %broadcast_in_dim3A_384 = vector.broadcast %jit3A_383 : i32 to vector<200x2048xi32>
    %select_n3A_385 = arith.select %ge3A_382, %iota3A_11, %broadcast_in_dim3A_384 : vector<200x2048xi1>, vector<200x2048xi32>
    %reduce_min3A_386 = arith.constant dense<2147483647> : vector<200xi32>
    %reduce_min3A_387 = vector.multi_reduction <minsi>, %select_n3A_385, %reduce_min3A_386 [1] : vector<200x2048xi32> to vector<200xi32>
    %broadcast_in_dim3A_388 = vector.shape_cast %reduce_min3A_387 : vector<200xi32> to vector<200x1xi32>
    %jit3A_389 = arith.constant 128 : i32
    %div3A_390 = vector.broadcast %jit3A_389 : i32 to vector<200x1xi32>
    %div3A_391 = arith.divsi %broadcast_in_dim3A_388, %div3A_390 : vector<200x1xi32>
    %sign3A_392 = arith.constant 0 : i32
    %sign3A_393 = vector.broadcast %sign3A_392 : i32 to vector<200x1xi32>
    %sign3A_394 = arith.cmpi sgt, %broadcast_in_dim3A_388, %sign3A_393 : vector<200x1xi32>
    %sign3A_395 = arith.extui %sign3A_394 : vector<200x1xi1> to vector<200x1xi32>
    %sign3A_396 = arith.constant 0 : i32
    %sign3A_397 = vector.broadcast %sign3A_396 : i32 to vector<200x1xi32>
    %sign3A_398 = arith.cmpi slt, %broadcast_in_dim3A_388, %sign3A_397 : vector<200x1xi32>
    %sign3A_399 = arith.extui %sign3A_398 : vector<200x1xi1> to vector<200x1xi32>
    %sign3A_400 = arith.subi %sign3A_395, %sign3A_399 : vector<200x1xi32>
    %sign3A_401 = arith.constant 0 : i32
    %sign3A_402 = arith.cmpi sgt, %jit3A_389, %sign3A_401 : i32
    %sign3A_403 = arith.extui %sign3A_402 : i1 to i32
    %sign3A_404 = arith.constant 0 : i32
    %sign3A_405 = arith.cmpi slt, %jit3A_389, %sign3A_404 : i32
    %sign3A_406 = arith.extui %sign3A_405 : i1 to i32
    %sign3A_407 = arith.subi %sign3A_403, %sign3A_406 : i32
    %ne3A_408 = vector.broadcast %sign3A_407 : i32 to vector<200x1xi32>
    %ne3A_409 = arith.cmpi ne, %sign3A_400, %ne3A_408 : vector<200x1xi32>
    %rem3A_410 = vector.broadcast %jit3A_389 : i32 to vector<200x1xi32>
    %rem3A_411 = arith.remsi %broadcast_in_dim3A_388, %rem3A_410 : vector<200x1xi32>
    %ne3A_412 = arith.constant 0 : i32
    %ne3A_413 = vector.broadcast %ne3A_412 : i32 to vector<200x1xi32>
    %ne3A_414 = arith.cmpi ne, %rem3A_411, %ne3A_413 : vector<200x1xi32>
    %and3A_415 = arith.andi %ne3A_409, %ne3A_414 : vector<200x1xi1>
    %sub3A_416 = arith.constant 1 : i32
    %sub3A_417 = vector.broadcast %sub3A_416 : i32 to vector<200x1xi32>
    %sub3A_418 = arith.subi %div3A_391, %sub3A_417 : vector<200x1xi32>
    %select_n3A_419 = arith.select %and3A_415, %sub3A_418, %div3A_391 : vector<200x1xi1>, vector<200x1xi32>
    %mul3A_420 = arith.constant 128 : i32
    %mul3A_421 = vector.broadcast %mul3A_420 : i32 to vector<200x1xi32>
    %mul3A_422 = arith.muli %select_n3A_419, %mul3A_421 : vector<200x1xi32>
    %sub3A_423 = arith.subi %broadcast_in_dim3A_388, %mul3A_422 : vector<200x1xi32>
    %eq3A_424 = vector.broadcast %select_n3A_419 : vector<200x1xi32> to vector<200x16xi32>
    %eq3A_425 = arith.cmpi eq, %iota3A_12, %eq3A_424 : vector<200x16xi32>
    %jit3A_426 = arith.constant 0 : i32
    %broadcast_in_dim3A_427 = vector.broadcast %jit3A_426 : i32 to vector<200x16xi32>
    %select_n3A_428 = arith.select %eq3A_425, %sub3A_10, %broadcast_in_dim3A_427 : vector<200x16xi1>, vector<200x16xi32>
    %reduce_sum3A_429 = arith.constant dense<0> : vector<200xi32>
    %reduce_sum3A_430 = vector.multi_reduction <add>, %select_n3A_428, %reduce_sum3A_429 [1] : vector<200x16xi32> to vector<200xi32>
    %broadcast_in_dim3A_431 = vector.shape_cast %reduce_sum3A_430 : vector<200xi32> to vector<200x1xi32>
    %mul3A_432 = arith.constant 128 : i32
    %mul3A_433 = vector.broadcast %mul3A_432 : i32 to vector<200x1xi32>
    %mul3A_434 = arith.muli %broadcast_in_dim3A_431, %mul3A_433 : vector<200x1xi32>
    %add3A_435 = arith.addi %mul3A_434, %sub3A_423 : vector<200x1xi32>
    %eq3A_436 = vector.broadcast %broadcast_in_dim3A_388 : vector<200x1xi32> to vector<200x2048xi32>
    %eq3A_437 = arith.cmpi eq, %iota3A_11, %eq3A_436 : vector<200x2048xi32>
    %jit3A_438 = arith.constant -3.000000e+00 : f32
    %broadcast_in_dim3A_439 = vector.broadcast %jit3A_438 : f32 to vector<200x2048xf32>
    %select_n3A_440 = arith.select %eq3A_437, %broadcast_in_dim3A_439, %select_n3A_377 : vector<200x2048xi1>, vector<200x2048xf32>
    %reduce_max3A_441 = arith.constant dense<0xFF800000> : vector<200xf32>
    %reduce_max3A_442 = vector.multi_reduction <maximumf>, %select_n3A_440, %reduce_max3A_441 [1] : vector<200x2048xf32> to vector<200xf32>
    %broadcast_in_dim3A_443 = vector.shape_cast %reduce_max3A_442 : vector<200xf32> to vector<200x1xf32>
    %ge3A_444 = vector.broadcast %broadcast_in_dim3A_443 : vector<200x1xf32> to vector<200x2048xf32>
    %ge3A_445 = arith.cmpf oge, %select_n3A_440, %ge3A_444 : vector<200x2048xf32>
    %jit3A_446 = arith.constant 1048576 : i32
    %broadcast_in_dim3A_447 = vector.broadcast %jit3A_446 : i32 to vector<200x2048xi32>
    %select_n3A_448 = arith.select %ge3A_445, %iota3A_11, %broadcast_in_dim3A_447 : vector<200x2048xi1>, vector<200x2048xi32>
    %reduce_min3A_449 = arith.constant dense<2147483647> : vector<200xi32>
    %reduce_min3A_450 = vector.multi_reduction <minsi>, %select_n3A_448, %reduce_min3A_449 [1] : vector<200x2048xi32> to vector<200xi32>
    %broadcast_in_dim3A_451 = vector.shape_cast %reduce_min3A_450 : vector<200xi32> to vector<200x1xi32>
    %jit3A_452 = arith.constant 128 : i32
    %div3A_453 = vector.broadcast %jit3A_452 : i32 to vector<200x1xi32>
    %div3A_454 = arith.divsi %broadcast_in_dim3A_451, %div3A_453 : vector<200x1xi32>
    %sign3A_455 = arith.constant 0 : i32
    %sign3A_456 = vector.broadcast %sign3A_455 : i32 to vector<200x1xi32>
    %sign3A_457 = arith.cmpi sgt, %broadcast_in_dim3A_451, %sign3A_456 : vector<200x1xi32>
    %sign3A_458 = arith.extui %sign3A_457 : vector<200x1xi1> to vector<200x1xi32>
    %sign3A_459 = arith.constant 0 : i32
    %sign3A_460 = vector.broadcast %sign3A_459 : i32 to vector<200x1xi32>
    %sign3A_461 = arith.cmpi slt, %broadcast_in_dim3A_451, %sign3A_460 : vector<200x1xi32>
    %sign3A_462 = arith.extui %sign3A_461 : vector<200x1xi1> to vector<200x1xi32>
    %sign3A_463 = arith.subi %sign3A_458, %sign3A_462 : vector<200x1xi32>
    %sign3A_464 = arith.constant 0 : i32
    %sign3A_465 = arith.cmpi sgt, %jit3A_452, %sign3A_464 : i32
    %sign3A_466 = arith.extui %sign3A_465 : i1 to i32
    %sign3A_467 = arith.constant 0 : i32
    %sign3A_468 = arith.cmpi slt, %jit3A_452, %sign3A_467 : i32
    %sign3A_469 = arith.extui %sign3A_468 : i1 to i32
    %sign3A_470 = arith.subi %sign3A_466, %sign3A_469 : i32
    %ne3A_471 = vector.broadcast %sign3A_470 : i32 to vector<200x1xi32>
    %ne3A_472 = arith.cmpi ne, %sign3A_463, %ne3A_471 : vector<200x1xi32>
    %rem3A_473 = vector.broadcast %jit3A_452 : i32 to vector<200x1xi32>
    %rem3A_474 = arith.remsi %broadcast_in_dim3A_451, %rem3A_473 : vector<200x1xi32>
    %ne3A_475 = arith.constant 0 : i32
    %ne3A_476 = vector.broadcast %ne3A_475 : i32 to vector<200x1xi32>
    %ne3A_477 = arith.cmpi ne, %rem3A_474, %ne3A_476 : vector<200x1xi32>
    %and3A_478 = arith.andi %ne3A_472, %ne3A_477 : vector<200x1xi1>
    %sub3A_479 = arith.constant 1 : i32
    %sub3A_480 = vector.broadcast %sub3A_479 : i32 to vector<200x1xi32>
    %sub3A_481 = arith.subi %div3A_454, %sub3A_480 : vector<200x1xi32>
    %select_n3A_482 = arith.select %and3A_478, %sub3A_481, %div3A_454 : vector<200x1xi1>, vector<200x1xi32>
    %mul3A_483 = arith.constant 128 : i32
    %mul3A_484 = vector.broadcast %mul3A_483 : i32 to vector<200x1xi32>
    %mul3A_485 = arith.muli %select_n3A_482, %mul3A_484 : vector<200x1xi32>
    %sub3A_486 = arith.subi %broadcast_in_dim3A_451, %mul3A_485 : vector<200x1xi32>
    %eq3A_487 = vector.broadcast %select_n3A_482 : vector<200x1xi32> to vector<200x16xi32>
    %eq3A_488 = arith.cmpi eq, %iota3A_12, %eq3A_487 : vector<200x16xi32>
    %jit3A_489 = arith.constant 0 : i32
    %broadcast_in_dim3A_490 = vector.broadcast %jit3A_489 : i32 to vector<200x16xi32>
    %select_n3A_491 = arith.select %eq3A_488, %sub3A_10, %broadcast_in_dim3A_490 : vector<200x16xi1>, vector<200x16xi32>
    %reduce_sum3A_492 = arith.constant dense<0> : vector<200xi32>
    %reduce_sum3A_493 = vector.multi_reduction <add>, %select_n3A_491, %reduce_sum3A_492 [1] : vector<200x16xi32> to vector<200xi32>
    %broadcast_in_dim3A_494 = vector.shape_cast %reduce_sum3A_493 : vector<200xi32> to vector<200x1xi32>
    %mul3A_495 = arith.constant 128 : i32
    %mul3A_496 = vector.broadcast %mul3A_495 : i32 to vector<200x1xi32>
    %mul3A_497 = arith.muli %broadcast_in_dim3A_494, %mul3A_496 : vector<200x1xi32>
    %add3A_498 = arith.addi %mul3A_497, %sub3A_486 : vector<200x1xi32>
    %eq3A_499 = vector.broadcast %broadcast_in_dim3A_451 : vector<200x1xi32> to vector<200x2048xi32>
    %eq3A_500 = arith.cmpi eq, %iota3A_11, %eq3A_499 : vector<200x2048xi32>
    %jit3A_501 = arith.constant -3.000000e+00 : f32
    %broadcast_in_dim3A_502 = vector.broadcast %jit3A_501 : f32 to vector<200x2048xf32>
    %select_n3A_503 = arith.select %eq3A_500, %broadcast_in_dim3A_502, %select_n3A_440 : vector<200x2048xi1>, vector<200x2048xf32>
    %reduce_max3A_504 = arith.constant dense<0xFF800000> : vector<200xf32>
    %reduce_max3A_505 = vector.multi_reduction <maximumf>, %select_n3A_503, %reduce_max3A_504 [1] : vector<200x2048xf32> to vector<200xf32>
    %broadcast_in_dim3A_506 = vector.shape_cast %reduce_max3A_505 : vector<200xf32> to vector<200x1xf32>
    %ge3A_507 = vector.broadcast %broadcast_in_dim3A_506 : vector<200x1xf32> to vector<200x2048xf32>
    %ge3A_508 = arith.cmpf oge, %select_n3A_503, %ge3A_507 : vector<200x2048xf32>
    %jit3A_509 = arith.constant 1048576 : i32
    %broadcast_in_dim3A_510 = vector.broadcast %jit3A_509 : i32 to vector<200x2048xi32>
    %select_n3A_511 = arith.select %ge3A_508, %iota3A_11, %broadcast_in_dim3A_510 : vector<200x2048xi1>, vector<200x2048xi32>
    %reduce_min3A_512 = arith.constant dense<2147483647> : vector<200xi32>
    %reduce_min3A_513 = vector.multi_reduction <minsi>, %select_n3A_511, %reduce_min3A_512 [1] : vector<200x2048xi32> to vector<200xi32>
    %broadcast_in_dim3A_514 = vector.shape_cast %reduce_min3A_513 : vector<200xi32> to vector<200x1xi32>
    %jit3A_515 = arith.constant 128 : i32
    %div3A_516 = vector.broadcast %jit3A_515 : i32 to vector<200x1xi32>
    %div3A_517 = arith.divsi %broadcast_in_dim3A_514, %div3A_516 : vector<200x1xi32>
    %sign3A_518 = arith.constant 0 : i32
    %sign3A_519 = vector.broadcast %sign3A_518 : i32 to vector<200x1xi32>
    %sign3A_520 = arith.cmpi sgt, %broadcast_in_dim3A_514, %sign3A_519 : vector<200x1xi32>
    %sign3A_521 = arith.extui %sign3A_520 : vector<200x1xi1> to vector<200x1xi32>
    %sign3A_522 = arith.constant 0 : i32
    %sign3A_523 = vector.broadcast %sign3A_522 : i32 to vector<200x1xi32>
    %sign3A_524 = arith.cmpi slt, %broadcast_in_dim3A_514, %sign3A_523 : vector<200x1xi32>
    %sign3A_525 = arith.extui %sign3A_524 : vector<200x1xi1> to vector<200x1xi32>
    %sign3A_526 = arith.subi %sign3A_521, %sign3A_525 : vector<200x1xi32>
    %sign3A_527 = arith.constant 0 : i32
    %sign3A_528 = arith.cmpi sgt, %jit3A_515, %sign3A_527 : i32
    %sign3A_529 = arith.extui %sign3A_528 : i1 to i32
    %sign3A_530 = arith.constant 0 : i32
    %sign3A_531 = arith.cmpi slt, %jit3A_515, %sign3A_530 : i32
    %sign3A_532 = arith.extui %sign3A_531 : i1 to i32
    %sign3A_533 = arith.subi %sign3A_529, %sign3A_532 : i32
    %ne3A_534 = vector.broadcast %sign3A_533 : i32 to vector<200x1xi32>
    %ne3A_535 = arith.cmpi ne, %sign3A_526, %ne3A_534 : vector<200x1xi32>
    %rem3A_536 = vector.broadcast %jit3A_515 : i32 to vector<200x1xi32>
    %rem3A_537 = arith.remsi %broadcast_in_dim3A_514, %rem3A_536 : vector<200x1xi32>
    %ne3A_538 = arith.constant 0 : i32
    %ne3A_539 = vector.broadcast %ne3A_538 : i32 to vector<200x1xi32>
    %ne3A_540 = arith.cmpi ne, %rem3A_537, %ne3A_539 : vector<200x1xi32>
    %and3A_541 = arith.andi %ne3A_535, %ne3A_540 : vector<200x1xi1>
    %sub3A_542 = arith.constant 1 : i32
    %sub3A_543 = vector.broadcast %sub3A_542 : i32 to vector<200x1xi32>
    %sub3A_544 = arith.subi %div3A_517, %sub3A_543 : vector<200x1xi32>
    %select_n3A_545 = arith.select %and3A_541, %sub3A_544, %div3A_517 : vector<200x1xi1>, vector<200x1xi32>
    %mul3A_546 = arith.constant 128 : i32
    %mul3A_547 = vector.broadcast %mul3A_546 : i32 to vector<200x1xi32>
    %mul3A_548 = arith.muli %select_n3A_545, %mul3A_547 : vector<200x1xi32>
    %sub3A_549 = arith.subi %broadcast_in_dim3A_514, %mul3A_548 : vector<200x1xi32>
    %eq3A_550 = vector.broadcast %select_n3A_545 : vector<200x1xi32> to vector<200x16xi32>
    %eq3A_551 = arith.cmpi eq, %iota3A_12, %eq3A_550 : vector<200x16xi32>
    %jit3A_552 = arith.constant 0 : i32
    %broadcast_in_dim3A_553 = vector.broadcast %jit3A_552 : i32 to vector<200x16xi32>
    %select_n3A_554 = arith.select %eq3A_551, %sub3A_10, %broadcast_in_dim3A_553 : vector<200x16xi1>, vector<200x16xi32>
    %reduce_sum3A_555 = arith.constant dense<0> : vector<200xi32>
    %reduce_sum3A_556 = vector.multi_reduction <add>, %select_n3A_554, %reduce_sum3A_555 [1] : vector<200x16xi32> to vector<200xi32>
    %broadcast_in_dim3A_557 = vector.shape_cast %reduce_sum3A_556 : vector<200xi32> to vector<200x1xi32>
    %mul3A_558 = arith.constant 128 : i32
    %mul3A_559 = vector.broadcast %mul3A_558 : i32 to vector<200x1xi32>
    %mul3A_560 = arith.muli %broadcast_in_dim3A_557, %mul3A_559 : vector<200x1xi32>
    %add3A_561 = arith.addi %mul3A_560, %sub3A_549 : vector<200x1xi32>
    %eq3A_562 = vector.broadcast %broadcast_in_dim3A_514 : vector<200x1xi32> to vector<200x2048xi32>
    %eq3A_563 = arith.cmpi eq, %iota3A_11, %eq3A_562 : vector<200x2048xi32>
    %jit3A_564 = arith.constant -3.000000e+00 : f32
    %broadcast_in_dim3A_565 = vector.broadcast %jit3A_564 : f32 to vector<200x2048xf32>
    %select_n3A_566 = arith.select %eq3A_563, %broadcast_in_dim3A_565, %select_n3A_503 : vector<200x2048xi1>, vector<200x2048xf32>
    %reduce_max3A_567 = arith.constant dense<0xFF800000> : vector<200xf32>
    %reduce_max3A_568 = vector.multi_reduction <maximumf>, %select_n3A_566, %reduce_max3A_567 [1] : vector<200x2048xf32> to vector<200xf32>
    %broadcast_in_dim3A_569 = vector.shape_cast %reduce_max3A_568 : vector<200xf32> to vector<200x1xf32>
    %ge3A_570 = vector.broadcast %broadcast_in_dim3A_569 : vector<200x1xf32> to vector<200x2048xf32>
    %ge3A_571 = arith.cmpf oge, %select_n3A_566, %ge3A_570 : vector<200x2048xf32>
    %jit3A_572 = arith.constant 1048576 : i32
    %broadcast_in_dim3A_573 = vector.broadcast %jit3A_572 : i32 to vector<200x2048xi32>
    %select_n3A_574 = arith.select %ge3A_571, %iota3A_11, %broadcast_in_dim3A_573 : vector<200x2048xi1>, vector<200x2048xi32>
    %reduce_min3A_575 = arith.constant dense<2147483647> : vector<200xi32>
    %reduce_min3A_576 = vector.multi_reduction <minsi>, %select_n3A_574, %reduce_min3A_575 [1] : vector<200x2048xi32> to vector<200xi32>
    %broadcast_in_dim3A_577 = vector.shape_cast %reduce_min3A_576 : vector<200xi32> to vector<200x1xi32>
    %jit3A_578 = arith.constant 128 : i32
    %div3A_579 = vector.broadcast %jit3A_578 : i32 to vector<200x1xi32>
    %div3A_580 = arith.divsi %broadcast_in_dim3A_577, %div3A_579 : vector<200x1xi32>
    %sign3A_581 = arith.constant 0 : i32
    %sign3A_582 = vector.broadcast %sign3A_581 : i32 to vector<200x1xi32>
    %sign3A_583 = arith.cmpi sgt, %broadcast_in_dim3A_577, %sign3A_582 : vector<200x1xi32>
    %sign3A_584 = arith.extui %sign3A_583 : vector<200x1xi1> to vector<200x1xi32>
    %sign3A_585 = arith.constant 0 : i32
    %sign3A_586 = vector.broadcast %sign3A_585 : i32 to vector<200x1xi32>
    %sign3A_587 = arith.cmpi slt, %broadcast_in_dim3A_577, %sign3A_586 : vector<200x1xi32>
    %sign3A_588 = arith.extui %sign3A_587 : vector<200x1xi1> to vector<200x1xi32>
    %sign3A_589 = arith.subi %sign3A_584, %sign3A_588 : vector<200x1xi32>
    %sign3A_590 = arith.constant 0 : i32
    %sign3A_591 = arith.cmpi sgt, %jit3A_578, %sign3A_590 : i32
    %sign3A_592 = arith.extui %sign3A_591 : i1 to i32
    %sign3A_593 = arith.constant 0 : i32
    %sign3A_594 = arith.cmpi slt, %jit3A_578, %sign3A_593 : i32
    %sign3A_595 = arith.extui %sign3A_594 : i1 to i32
    %sign3A_596 = arith.subi %sign3A_592, %sign3A_595 : i32
    %ne3A_597 = vector.broadcast %sign3A_596 : i32 to vector<200x1xi32>
    %ne3A_598 = arith.cmpi ne, %sign3A_589, %ne3A_597 : vector<200x1xi32>
    %rem3A_599 = vector.broadcast %jit3A_578 : i32 to vector<200x1xi32>
    %rem3A_600 = arith.remsi %broadcast_in_dim3A_577, %rem3A_599 : vector<200x1xi32>
    %ne3A_601 = arith.constant 0 : i32
    %ne3A_602 = vector.broadcast %ne3A_601 : i32 to vector<200x1xi32>
    %ne3A_603 = arith.cmpi ne, %rem3A_600, %ne3A_602 : vector<200x1xi32>
    %and3A_604 = arith.andi %ne3A_598, %ne3A_603 : vector<200x1xi1>
    %sub3A_605 = arith.constant 1 : i32
    %sub3A_606 = vector.broadcast %sub3A_605 : i32 to vector<200x1xi32>
    %sub3A_607 = arith.subi %div3A_580, %sub3A_606 : vector<200x1xi32>
    %select_n3A_608 = arith.select %and3A_604, %sub3A_607, %div3A_580 : vector<200x1xi1>, vector<200x1xi32>
    %mul3A_609 = arith.constant 128 : i32
    %mul3A_610 = vector.broadcast %mul3A_609 : i32 to vector<200x1xi32>
    %mul3A_611 = arith.muli %select_n3A_608, %mul3A_610 : vector<200x1xi32>
    %sub3A_612 = arith.subi %broadcast_in_dim3A_577, %mul3A_611 : vector<200x1xi32>
    %eq3A_613 = vector.broadcast %select_n3A_608 : vector<200x1xi32> to vector<200x16xi32>
    %eq3A_614 = arith.cmpi eq, %iota3A_12, %eq3A_613 : vector<200x16xi32>
    %jit3A_615 = arith.constant 0 : i32
    %broadcast_in_dim3A_616 = vector.broadcast %jit3A_615 : i32 to vector<200x16xi32>
    %select_n3A_617 = arith.select %eq3A_614, %sub3A_10, %broadcast_in_dim3A_616 : vector<200x16xi1>, vector<200x16xi32>
    %reduce_sum3A_618 = arith.constant dense<0> : vector<200xi32>
    %reduce_sum3A_619 = vector.multi_reduction <add>, %select_n3A_617, %reduce_sum3A_618 [1] : vector<200x16xi32> to vector<200xi32>
    %broadcast_in_dim3A_620 = vector.shape_cast %reduce_sum3A_619 : vector<200xi32> to vector<200x1xi32>
    %mul3A_621 = arith.constant 128 : i32
    %mul3A_622 = vector.broadcast %mul3A_621 : i32 to vector<200x1xi32>
    %mul3A_623 = arith.muli %broadcast_in_dim3A_620, %mul3A_622 : vector<200x1xi32>
    %add3A_624 = arith.addi %mul3A_623, %sub3A_612 : vector<200x1xi32>
    %eq3A_625 = vector.broadcast %broadcast_in_dim3A_577 : vector<200x1xi32> to vector<200x2048xi32>
    %eq3A_626 = arith.cmpi eq, %iota3A_11, %eq3A_625 : vector<200x2048xi32>
    %jit3A_627 = arith.constant -3.000000e+00 : f32
    %broadcast_in_dim3A_628 = vector.broadcast %jit3A_627 : f32 to vector<200x2048xf32>
    %select_n3A_629 = arith.select %eq3A_626, %broadcast_in_dim3A_628, %select_n3A_566 : vector<200x2048xi1>, vector<200x2048xf32>
    %reduce_max3A_630 = arith.constant dense<0xFF800000> : vector<200xf32>
    %reduce_max3A_631 = vector.multi_reduction <maximumf>, %select_n3A_629, %reduce_max3A_630 [1] : vector<200x2048xf32> to vector<200xf32>
    %broadcast_in_dim3A_632 = vector.shape_cast %reduce_max3A_631 : vector<200xf32> to vector<200x1xf32>
    %ge3A_633 = vector.broadcast %broadcast_in_dim3A_632 : vector<200x1xf32> to vector<200x2048xf32>
    %ge3A_634 = arith.cmpf oge, %select_n3A_629, %ge3A_633 : vector<200x2048xf32>
    %jit3A_635 = arith.constant 1048576 : i32
    %broadcast_in_dim3A_636 = vector.broadcast %jit3A_635 : i32 to vector<200x2048xi32>
    %select_n3A_637 = arith.select %ge3A_634, %iota3A_11, %broadcast_in_dim3A_636 : vector<200x2048xi1>, vector<200x2048xi32>
    %reduce_min3A_638 = arith.constant dense<2147483647> : vector<200xi32>
    %reduce_min3A_639 = vector.multi_reduction <minsi>, %select_n3A_637, %reduce_min3A_638 [1] : vector<200x2048xi32> to vector<200xi32>
    %broadcast_in_dim3A_640 = vector.shape_cast %reduce_min3A_639 : vector<200xi32> to vector<200x1xi32>
    %jit3A_641 = arith.constant 128 : i32
    %div3A_642 = vector.broadcast %jit3A_641 : i32 to vector<200x1xi32>
    %div3A_643 = arith.divsi %broadcast_in_dim3A_640, %div3A_642 : vector<200x1xi32>
    %sign3A_644 = arith.constant 0 : i32
    %sign3A_645 = vector.broadcast %sign3A_644 : i32 to vector<200x1xi32>
    %sign3A_646 = arith.cmpi sgt, %broadcast_in_dim3A_640, %sign3A_645 : vector<200x1xi32>
    %sign3A_647 = arith.extui %sign3A_646 : vector<200x1xi1> to vector<200x1xi32>
    %sign3A_648 = arith.constant 0 : i32
    %sign3A_649 = vector.broadcast %sign3A_648 : i32 to vector<200x1xi32>
    %sign3A_650 = arith.cmpi slt, %broadcast_in_dim3A_640, %sign3A_649 : vector<200x1xi32>
    %sign3A_651 = arith.extui %sign3A_650 : vector<200x1xi1> to vector<200x1xi32>
    %sign3A_652 = arith.subi %sign3A_647, %sign3A_651 : vector<200x1xi32>
    %sign3A_653 = arith.constant 0 : i32
    %sign3A_654 = arith.cmpi sgt, %jit3A_641, %sign3A_653 : i32
    %sign3A_655 = arith.extui %sign3A_654 : i1 to i32
    %sign3A_656 = arith.constant 0 : i32
    %sign3A_657 = arith.cmpi slt, %jit3A_641, %sign3A_656 : i32
    %sign3A_658 = arith.extui %sign3A_657 : i1 to i32
    %sign3A_659 = arith.subi %sign3A_655, %sign3A_658 : i32
    %ne3A_660 = vector.broadcast %sign3A_659 : i32 to vector<200x1xi32>
    %ne3A_661 = arith.cmpi ne, %sign3A_652, %ne3A_660 : vector<200x1xi32>
    %rem3A_662 = vector.broadcast %jit3A_641 : i32 to vector<200x1xi32>
    %rem3A_663 = arith.remsi %broadcast_in_dim3A_640, %rem3A_662 : vector<200x1xi32>
    %ne3A_664 = arith.constant 0 : i32
    %ne3A_665 = vector.broadcast %ne3A_664 : i32 to vector<200x1xi32>
    %ne3A_666 = arith.cmpi ne, %rem3A_663, %ne3A_665 : vector<200x1xi32>
    %and3A_667 = arith.andi %ne3A_661, %ne3A_666 : vector<200x1xi1>
    %sub3A_668 = arith.constant 1 : i32
    %sub3A_669 = vector.broadcast %sub3A_668 : i32 to vector<200x1xi32>
    %sub3A_670 = arith.subi %div3A_643, %sub3A_669 : vector<200x1xi32>
    %select_n3A_671 = arith.select %and3A_667, %sub3A_670, %div3A_643 : vector<200x1xi1>, vector<200x1xi32>
    %mul3A_672 = arith.constant 128 : i32
    %mul3A_673 = vector.broadcast %mul3A_672 : i32 to vector<200x1xi32>
    %mul3A_674 = arith.muli %select_n3A_671, %mul3A_673 : vector<200x1xi32>
    %sub3A_675 = arith.subi %broadcast_in_dim3A_640, %mul3A_674 : vector<200x1xi32>
    %eq3A_676 = vector.broadcast %select_n3A_671 : vector<200x1xi32> to vector<200x16xi32>
    %eq3A_677 = arith.cmpi eq, %iota3A_12, %eq3A_676 : vector<200x16xi32>
    %jit3A_678 = arith.constant 0 : i32
    %broadcast_in_dim3A_679 = vector.broadcast %jit3A_678 : i32 to vector<200x16xi32>
    %select_n3A_680 = arith.select %eq3A_677, %sub3A_10, %broadcast_in_dim3A_679 : vector<200x16xi1>, vector<200x16xi32>
    %reduce_sum3A_681 = arith.constant dense<0> : vector<200xi32>
    %reduce_sum3A_682 = vector.multi_reduction <add>, %select_n3A_680, %reduce_sum3A_681 [1] : vector<200x16xi32> to vector<200xi32>
    %broadcast_in_dim3A_683 = vector.shape_cast %reduce_sum3A_682 : vector<200xi32> to vector<200x1xi32>
    %mul3A_684 = arith.constant 128 : i32
    %mul3A_685 = vector.broadcast %mul3A_684 : i32 to vector<200x1xi32>
    %mul3A_686 = arith.muli %broadcast_in_dim3A_683, %mul3A_685 : vector<200x1xi32>
    %add3A_687 = arith.addi %mul3A_686, %sub3A_675 : vector<200x1xi32>
    %eq3A_688 = vector.broadcast %broadcast_in_dim3A_640 : vector<200x1xi32> to vector<200x2048xi32>
    %eq3A_689 = arith.cmpi eq, %iota3A_11, %eq3A_688 : vector<200x2048xi32>
    %jit3A_690 = arith.constant -3.000000e+00 : f32
    %broadcast_in_dim3A_691 = vector.broadcast %jit3A_690 : f32 to vector<200x2048xf32>
    %select_n3A_692 = arith.select %eq3A_689, %broadcast_in_dim3A_691, %select_n3A_629 : vector<200x2048xi1>, vector<200x2048xf32>
    %reduce_max3A_693 = arith.constant dense<0xFF800000> : vector<200xf32>
    %reduce_max3A_694 = vector.multi_reduction <maximumf>, %select_n3A_692, %reduce_max3A_693 [1] : vector<200x2048xf32> to vector<200xf32>
    %broadcast_in_dim3A_695 = vector.shape_cast %reduce_max3A_694 : vector<200xf32> to vector<200x1xf32>
    %ge3A_696 = vector.broadcast %broadcast_in_dim3A_695 : vector<200x1xf32> to vector<200x2048xf32>
    %ge3A_697 = arith.cmpf oge, %select_n3A_692, %ge3A_696 : vector<200x2048xf32>
    %jit3A_698 = arith.constant 1048576 : i32
    %broadcast_in_dim3A_699 = vector.broadcast %jit3A_698 : i32 to vector<200x2048xi32>
    %select_n3A_700 = arith.select %ge3A_697, %iota3A_11, %broadcast_in_dim3A_699 : vector<200x2048xi1>, vector<200x2048xi32>
    %reduce_min3A_701 = arith.constant dense<2147483647> : vector<200xi32>
    %reduce_min3A_702 = vector.multi_reduction <minsi>, %select_n3A_700, %reduce_min3A_701 [1] : vector<200x2048xi32> to vector<200xi32>
    %broadcast_in_dim3A_703 = vector.shape_cast %reduce_min3A_702 : vector<200xi32> to vector<200x1xi32>
    %jit3A_704 = arith.constant 128 : i32
    %div3A_705 = vector.broadcast %jit3A_704 : i32 to vector<200x1xi32>
    %div3A_706 = arith.divsi %broadcast_in_dim3A_703, %div3A_705 : vector<200x1xi32>
    %sign3A_707 = arith.constant 0 : i32
    %sign3A_708 = vector.broadcast %sign3A_707 : i32 to vector<200x1xi32>
    %sign3A_709 = arith.cmpi sgt, %broadcast_in_dim3A_703, %sign3A_708 : vector<200x1xi32>
    %sign3A_710 = arith.extui %sign3A_709 : vector<200x1xi1> to vector<200x1xi32>
    %sign3A_711 = arith.constant 0 : i32
    %sign3A_712 = vector.broadcast %sign3A_711 : i32 to vector<200x1xi32>
    %sign3A_713 = arith.cmpi slt, %broadcast_in_dim3A_703, %sign3A_712 : vector<200x1xi32>
    %sign3A_714 = arith.extui %sign3A_713 : vector<200x1xi1> to vector<200x1xi32>
    %sign3A_715 = arith.subi %sign3A_710, %sign3A_714 : vector<200x1xi32>
    %sign3A_716 = arith.constant 0 : i32
    %sign3A_717 = arith.cmpi sgt, %jit3A_704, %sign3A_716 : i32
    %sign3A_718 = arith.extui %sign3A_717 : i1 to i32
    %sign3A_719 = arith.constant 0 : i32
    %sign3A_720 = arith.cmpi slt, %jit3A_704, %sign3A_719 : i32
    %sign3A_721 = arith.extui %sign3A_720 : i1 to i32
    %sign3A_722 = arith.subi %sign3A_718, %sign3A_721 : i32
    %ne3A_723 = vector.broadcast %sign3A_722 : i32 to vector<200x1xi32>
    %ne3A_724 = arith.cmpi ne, %sign3A_715, %ne3A_723 : vector<200x1xi32>
    %rem3A_725 = vector.broadcast %jit3A_704 : i32 to vector<200x1xi32>
    %rem3A_726 = arith.remsi %broadcast_in_dim3A_703, %rem3A_725 : vector<200x1xi32>
    %ne3A_727 = arith.constant 0 : i32
    %ne3A_728 = vector.broadcast %ne3A_727 : i32 to vector<200x1xi32>
    %ne3A_729 = arith.cmpi ne, %rem3A_726, %ne3A_728 : vector<200x1xi32>
    %and3A_730 = arith.andi %ne3A_724, %ne3A_729 : vector<200x1xi1>
    %sub3A_731 = arith.constant 1 : i32
    %sub3A_732 = vector.broadcast %sub3A_731 : i32 to vector<200x1xi32>
    %sub3A_733 = arith.subi %div3A_706, %sub3A_732 : vector<200x1xi32>
    %select_n3A_734 = arith.select %and3A_730, %sub3A_733, %div3A_706 : vector<200x1xi1>, vector<200x1xi32>
    %mul3A_735 = arith.constant 128 : i32
    %mul3A_736 = vector.broadcast %mul3A_735 : i32 to vector<200x1xi32>
    %mul3A_737 = arith.muli %select_n3A_734, %mul3A_736 : vector<200x1xi32>
    %sub3A_738 = arith.subi %broadcast_in_dim3A_703, %mul3A_737 : vector<200x1xi32>
    %eq3A_739 = vector.broadcast %select_n3A_734 : vector<200x1xi32> to vector<200x16xi32>
    %eq3A_740 = arith.cmpi eq, %iota3A_12, %eq3A_739 : vector<200x16xi32>
    %jit3A_741 = arith.constant 0 : i32
    %broadcast_in_dim3A_742 = vector.broadcast %jit3A_741 : i32 to vector<200x16xi32>
    %select_n3A_743 = arith.select %eq3A_740, %sub3A_10, %broadcast_in_dim3A_742 : vector<200x16xi1>, vector<200x16xi32>
    %reduce_sum3A_744 = arith.constant dense<0> : vector<200xi32>
    %reduce_sum3A_745 = vector.multi_reduction <add>, %select_n3A_743, %reduce_sum3A_744 [1] : vector<200x16xi32> to vector<200xi32>
    %broadcast_in_dim3A_746 = vector.shape_cast %reduce_sum3A_745 : vector<200xi32> to vector<200x1xi32>
    %mul3A_747 = arith.constant 128 : i32
    %mul3A_748 = vector.broadcast %mul3A_747 : i32 to vector<200x1xi32>
    %mul3A_749 = arith.muli %broadcast_in_dim3A_746, %mul3A_748 : vector<200x1xi32>
    %add3A_750 = arith.addi %mul3A_749, %sub3A_738 : vector<200x1xi32>
    %eq3A_751 = vector.broadcast %broadcast_in_dim3A_703 : vector<200x1xi32> to vector<200x2048xi32>
    %eq3A_752 = arith.cmpi eq, %iota3A_11, %eq3A_751 : vector<200x2048xi32>
    %jit3A_753 = arith.constant -3.000000e+00 : f32
    %broadcast_in_dim3A_754 = vector.broadcast %jit3A_753 : f32 to vector<200x2048xf32>
    %select_n3A_755 = arith.select %eq3A_752, %broadcast_in_dim3A_754, %select_n3A_692 : vector<200x2048xi1>, vector<200x2048xf32>
    %reduce_max3A_756 = arith.constant dense<0xFF800000> : vector<200xf32>
    %reduce_max3A_757 = vector.multi_reduction <maximumf>, %select_n3A_755, %reduce_max3A_756 [1] : vector<200x2048xf32> to vector<200xf32>
    %broadcast_in_dim3A_758 = vector.shape_cast %reduce_max3A_757 : vector<200xf32> to vector<200x1xf32>
    %ge3A_759 = vector.broadcast %broadcast_in_dim3A_758 : vector<200x1xf32> to vector<200x2048xf32>
    %ge3A_760 = arith.cmpf oge, %select_n3A_755, %ge3A_759 : vector<200x2048xf32>
    %jit3A_761 = arith.constant 1048576 : i32
    %broadcast_in_dim3A_762 = vector.broadcast %jit3A_761 : i32 to vector<200x2048xi32>
    %select_n3A_763 = arith.select %ge3A_760, %iota3A_11, %broadcast_in_dim3A_762 : vector<200x2048xi1>, vector<200x2048xi32>
    %reduce_min3A_764 = arith.constant dense<2147483647> : vector<200xi32>
    %reduce_min3A_765 = vector.multi_reduction <minsi>, %select_n3A_763, %reduce_min3A_764 [1] : vector<200x2048xi32> to vector<200xi32>
    %broadcast_in_dim3A_766 = vector.shape_cast %reduce_min3A_765 : vector<200xi32> to vector<200x1xi32>
    %jit3A_767 = arith.constant 128 : i32
    %div3A_768 = vector.broadcast %jit3A_767 : i32 to vector<200x1xi32>
    %div3A_769 = arith.divsi %broadcast_in_dim3A_766, %div3A_768 : vector<200x1xi32>
    %sign3A_770 = arith.constant 0 : i32
    %sign3A_771 = vector.broadcast %sign3A_770 : i32 to vector<200x1xi32>
    %sign3A_772 = arith.cmpi sgt, %broadcast_in_dim3A_766, %sign3A_771 : vector<200x1xi32>
    %sign3A_773 = arith.extui %sign3A_772 : vector<200x1xi1> to vector<200x1xi32>
    %sign3A_774 = arith.constant 0 : i32
    %sign3A_775 = vector.broadcast %sign3A_774 : i32 to vector<200x1xi32>
    %sign3A_776 = arith.cmpi slt, %broadcast_in_dim3A_766, %sign3A_775 : vector<200x1xi32>
    %sign3A_777 = arith.extui %sign3A_776 : vector<200x1xi1> to vector<200x1xi32>
    %sign3A_778 = arith.subi %sign3A_773, %sign3A_777 : vector<200x1xi32>
    %sign3A_779 = arith.constant 0 : i32
    %sign3A_780 = arith.cmpi sgt, %jit3A_767, %sign3A_779 : i32
    %sign3A_781 = arith.extui %sign3A_780 : i1 to i32
    %sign3A_782 = arith.constant 0 : i32
    %sign3A_783 = arith.cmpi slt, %jit3A_767, %sign3A_782 : i32
    %sign3A_784 = arith.extui %sign3A_783 : i1 to i32
    %sign3A_785 = arith.subi %sign3A_781, %sign3A_784 : i32
    %ne3A_786 = vector.broadcast %sign3A_785 : i32 to vector<200x1xi32>
    %ne3A_787 = arith.cmpi ne, %sign3A_778, %ne3A_786 : vector<200x1xi32>
    %rem3A_788 = vector.broadcast %jit3A_767 : i32 to vector<200x1xi32>
    %rem3A_789 = arith.remsi %broadcast_in_dim3A_766, %rem3A_788 : vector<200x1xi32>
    %ne3A_790 = arith.constant 0 : i32
    %ne3A_791 = vector.broadcast %ne3A_790 : i32 to vector<200x1xi32>
    %ne3A_792 = arith.cmpi ne, %rem3A_789, %ne3A_791 : vector<200x1xi32>
    %and3A_793 = arith.andi %ne3A_787, %ne3A_792 : vector<200x1xi1>
    %sub3A_794 = arith.constant 1 : i32
    %sub3A_795 = vector.broadcast %sub3A_794 : i32 to vector<200x1xi32>
    %sub3A_796 = arith.subi %div3A_769, %sub3A_795 : vector<200x1xi32>
    %select_n3A_797 = arith.select %and3A_793, %sub3A_796, %div3A_769 : vector<200x1xi1>, vector<200x1xi32>
    %mul3A_798 = arith.constant 128 : i32
    %mul3A_799 = vector.broadcast %mul3A_798 : i32 to vector<200x1xi32>
    %mul3A_800 = arith.muli %select_n3A_797, %mul3A_799 : vector<200x1xi32>
    %sub3A_801 = arith.subi %broadcast_in_dim3A_766, %mul3A_800 : vector<200x1xi32>
    %eq3A_802 = vector.broadcast %select_n3A_797 : vector<200x1xi32> to vector<200x16xi32>
    %eq3A_803 = arith.cmpi eq, %iota3A_12, %eq3A_802 : vector<200x16xi32>
    %jit3A_804 = arith.constant 0 : i32
    %broadcast_in_dim3A_805 = vector.broadcast %jit3A_804 : i32 to vector<200x16xi32>
    %select_n3A_806 = arith.select %eq3A_803, %sub3A_10, %broadcast_in_dim3A_805 : vector<200x16xi1>, vector<200x16xi32>
    %reduce_sum3A_807 = arith.constant dense<0> : vector<200xi32>
    %reduce_sum3A_808 = vector.multi_reduction <add>, %select_n3A_806, %reduce_sum3A_807 [1] : vector<200x16xi32> to vector<200xi32>
    %broadcast_in_dim3A_809 = vector.shape_cast %reduce_sum3A_808 : vector<200xi32> to vector<200x1xi32>
    %mul3A_810 = arith.constant 128 : i32
    %mul3A_811 = vector.broadcast %mul3A_810 : i32 to vector<200x1xi32>
    %mul3A_812 = arith.muli %broadcast_in_dim3A_809, %mul3A_811 : vector<200x1xi32>
    %add3A_813 = arith.addi %mul3A_812, %sub3A_801 : vector<200x1xi32>
    %eq3A_814 = vector.broadcast %broadcast_in_dim3A_766 : vector<200x1xi32> to vector<200x2048xi32>
    %eq3A_815 = arith.cmpi eq, %iota3A_11, %eq3A_814 : vector<200x2048xi32>
    %jit3A_816 = arith.constant -3.000000e+00 : f32
    %broadcast_in_dim3A_817 = vector.broadcast %jit3A_816 : f32 to vector<200x2048xf32>
    %select_n3A_818 = arith.select %eq3A_815, %broadcast_in_dim3A_817, %select_n3A_755 : vector<200x2048xi1>, vector<200x2048xf32>
    %reduce_max3A_819 = arith.constant dense<0xFF800000> : vector<200xf32>
    %reduce_max3A_820 = vector.multi_reduction <maximumf>, %select_n3A_818, %reduce_max3A_819 [1] : vector<200x2048xf32> to vector<200xf32>
    %broadcast_in_dim3A_821 = vector.shape_cast %reduce_max3A_820 : vector<200xf32> to vector<200x1xf32>
    %ge3A_822 = vector.broadcast %broadcast_in_dim3A_821 : vector<200x1xf32> to vector<200x2048xf32>
    %ge3A_823 = arith.cmpf oge, %select_n3A_818, %ge3A_822 : vector<200x2048xf32>
    %jit3A_824 = arith.constant 1048576 : i32
    %broadcast_in_dim3A_825 = vector.broadcast %jit3A_824 : i32 to vector<200x2048xi32>
    %select_n3A_826 = arith.select %ge3A_823, %iota3A_11, %broadcast_in_dim3A_825 : vector<200x2048xi1>, vector<200x2048xi32>
    %reduce_min3A_827 = arith.constant dense<2147483647> : vector<200xi32>
    %reduce_min3A_828 = vector.multi_reduction <minsi>, %select_n3A_826, %reduce_min3A_827 [1] : vector<200x2048xi32> to vector<200xi32>
    %broadcast_in_dim3A_829 = vector.shape_cast %reduce_min3A_828 : vector<200xi32> to vector<200x1xi32>
    %jit3A_830 = arith.constant 128 : i32
    %div3A_831 = vector.broadcast %jit3A_830 : i32 to vector<200x1xi32>
    %div3A_832 = arith.divsi %broadcast_in_dim3A_829, %div3A_831 : vector<200x1xi32>
    %sign3A_833 = arith.constant 0 : i32
    %sign3A_834 = vector.broadcast %sign3A_833 : i32 to vector<200x1xi32>
    %sign3A_835 = arith.cmpi sgt, %broadcast_in_dim3A_829, %sign3A_834 : vector<200x1xi32>
    %sign3A_836 = arith.extui %sign3A_835 : vector<200x1xi1> to vector<200x1xi32>
    %sign3A_837 = arith.constant 0 : i32
    %sign3A_838 = vector.broadcast %sign3A_837 : i32 to vector<200x1xi32>
    %sign3A_839 = arith.cmpi slt, %broadcast_in_dim3A_829, %sign3A_838 : vector<200x1xi32>
    %sign3A_840 = arith.extui %sign3A_839 : vector<200x1xi1> to vector<200x1xi32>
    %sign3A_841 = arith.subi %sign3A_836, %sign3A_840 : vector<200x1xi32>
    %sign3A_842 = arith.constant 0 : i32
    %sign3A_843 = arith.cmpi sgt, %jit3A_830, %sign3A_842 : i32
    %sign3A_844 = arith.extui %sign3A_843 : i1 to i32
    %sign3A_845 = arith.constant 0 : i32
    %sign3A_846 = arith.cmpi slt, %jit3A_830, %sign3A_845 : i32
    %sign3A_847 = arith.extui %sign3A_846 : i1 to i32
    %sign3A_848 = arith.subi %sign3A_844, %sign3A_847 : i32
    %ne3A_849 = vector.broadcast %sign3A_848 : i32 to vector<200x1xi32>
    %ne3A_850 = arith.cmpi ne, %sign3A_841, %ne3A_849 : vector<200x1xi32>
    %rem3A_851 = vector.broadcast %jit3A_830 : i32 to vector<200x1xi32>
    %rem3A_852 = arith.remsi %broadcast_in_dim3A_829, %rem3A_851 : vector<200x1xi32>
    %ne3A_853 = arith.constant 0 : i32
    %ne3A_854 = vector.broadcast %ne3A_853 : i32 to vector<200x1xi32>
    %ne3A_855 = arith.cmpi ne, %rem3A_852, %ne3A_854 : vector<200x1xi32>
    %and3A_856 = arith.andi %ne3A_850, %ne3A_855 : vector<200x1xi1>
    %sub3A_857 = arith.constant 1 : i32
    %sub3A_858 = vector.broadcast %sub3A_857 : i32 to vector<200x1xi32>
    %sub3A_859 = arith.subi %div3A_832, %sub3A_858 : vector<200x1xi32>
    %select_n3A_860 = arith.select %and3A_856, %sub3A_859, %div3A_832 : vector<200x1xi1>, vector<200x1xi32>
    %mul3A_861 = arith.constant 128 : i32
    %mul3A_862 = vector.broadcast %mul3A_861 : i32 to vector<200x1xi32>
    %mul3A_863 = arith.muli %select_n3A_860, %mul3A_862 : vector<200x1xi32>
    %sub3A_864 = arith.subi %broadcast_in_dim3A_829, %mul3A_863 : vector<200x1xi32>
    %eq3A_865 = vector.broadcast %select_n3A_860 : vector<200x1xi32> to vector<200x16xi32>
    %eq3A_866 = arith.cmpi eq, %iota3A_12, %eq3A_865 : vector<200x16xi32>
    %jit3A_867 = arith.constant 0 : i32
    %broadcast_in_dim3A_868 = vector.broadcast %jit3A_867 : i32 to vector<200x16xi32>
    %select_n3A_869 = arith.select %eq3A_866, %sub3A_10, %broadcast_in_dim3A_868 : vector<200x16xi1>, vector<200x16xi32>
    %reduce_sum3A_870 = arith.constant dense<0> : vector<200xi32>
    %reduce_sum3A_871 = vector.multi_reduction <add>, %select_n3A_869, %reduce_sum3A_870 [1] : vector<200x16xi32> to vector<200xi32>
    %broadcast_in_dim3A_872 = vector.shape_cast %reduce_sum3A_871 : vector<200xi32> to vector<200x1xi32>
    %mul3A_873 = arith.constant 128 : i32
    %mul3A_874 = vector.broadcast %mul3A_873 : i32 to vector<200x1xi32>
    %mul3A_875 = arith.muli %broadcast_in_dim3A_872, %mul3A_874 : vector<200x1xi32>
    %add3A_876 = arith.addi %mul3A_875, %sub3A_864 : vector<200x1xi32>
    %eq3A_877 = vector.broadcast %broadcast_in_dim3A_829 : vector<200x1xi32> to vector<200x2048xi32>
    %eq3A_878 = arith.cmpi eq, %iota3A_11, %eq3A_877 : vector<200x2048xi32>
    %jit3A_879 = arith.constant -3.000000e+00 : f32
    %broadcast_in_dim3A_880 = vector.broadcast %jit3A_879 : f32 to vector<200x2048xf32>
    %select_n3A_881 = arith.select %eq3A_878, %broadcast_in_dim3A_880, %select_n3A_818 : vector<200x2048xi1>, vector<200x2048xf32>
    %reduce_max3A_882 = arith.constant dense<0xFF800000> : vector<200xf32>
    %reduce_max3A_883 = vector.multi_reduction <maximumf>, %select_n3A_881, %reduce_max3A_882 [1] : vector<200x2048xf32> to vector<200xf32>
    %broadcast_in_dim3A_884 = vector.shape_cast %reduce_max3A_883 : vector<200xf32> to vector<200x1xf32>
    %ge3A_885 = vector.broadcast %broadcast_in_dim3A_884 : vector<200x1xf32> to vector<200x2048xf32>
    %ge3A_886 = arith.cmpf oge, %select_n3A_881, %ge3A_885 : vector<200x2048xf32>
    %jit3A_887 = arith.constant 1048576 : i32
    %broadcast_in_dim3A_888 = vector.broadcast %jit3A_887 : i32 to vector<200x2048xi32>
    %select_n3A_889 = arith.select %ge3A_886, %iota3A_11, %broadcast_in_dim3A_888 : vector<200x2048xi1>, vector<200x2048xi32>
    %reduce_min3A_890 = arith.constant dense<2147483647> : vector<200xi32>
    %reduce_min3A_891 = vector.multi_reduction <minsi>, %select_n3A_889, %reduce_min3A_890 [1] : vector<200x2048xi32> to vector<200xi32>
    %broadcast_in_dim3A_892 = vector.shape_cast %reduce_min3A_891 : vector<200xi32> to vector<200x1xi32>
    %jit3A_893 = arith.constant 128 : i32
    %div3A_894 = vector.broadcast %jit3A_893 : i32 to vector<200x1xi32>
    %div3A_895 = arith.divsi %broadcast_in_dim3A_892, %div3A_894 : vector<200x1xi32>
    %sign3A_896 = arith.constant 0 : i32
    %sign3A_897 = vector.broadcast %sign3A_896 : i32 to vector<200x1xi32>
    %sign3A_898 = arith.cmpi sgt, %broadcast_in_dim3A_892, %sign3A_897 : vector<200x1xi32>
    %sign3A_899 = arith.extui %sign3A_898 : vector<200x1xi1> to vector<200x1xi32>
    %sign3A_900 = arith.constant 0 : i32
    %sign3A_901 = vector.broadcast %sign3A_900 : i32 to vector<200x1xi32>
    %sign3A_902 = arith.cmpi slt, %broadcast_in_dim3A_892, %sign3A_901 : vector<200x1xi32>
    %sign3A_903 = arith.extui %sign3A_902 : vector<200x1xi1> to vector<200x1xi32>
    %sign3A_904 = arith.subi %sign3A_899, %sign3A_903 : vector<200x1xi32>
    %sign3A_905 = arith.constant 0 : i32
    %sign3A_906 = arith.cmpi sgt, %jit3A_893, %sign3A_905 : i32
    %sign3A_907 = arith.extui %sign3A_906 : i1 to i32
    %sign3A_908 = arith.constant 0 : i32
    %sign3A_909 = arith.cmpi slt, %jit3A_893, %sign3A_908 : i32
    %sign3A_910 = arith.extui %sign3A_909 : i1 to i32
    %sign3A_911 = arith.subi %sign3A_907, %sign3A_910 : i32
    %ne3A_912 = vector.broadcast %sign3A_911 : i32 to vector<200x1xi32>
    %ne3A_913 = arith.cmpi ne, %sign3A_904, %ne3A_912 : vector<200x1xi32>
    %rem3A_914 = vector.broadcast %jit3A_893 : i32 to vector<200x1xi32>
    %rem3A_915 = arith.remsi %broadcast_in_dim3A_892, %rem3A_914 : vector<200x1xi32>
    %ne3A_916 = arith.constant 0 : i32
    %ne3A_917 = vector.broadcast %ne3A_916 : i32 to vector<200x1xi32>
    %ne3A_918 = arith.cmpi ne, %rem3A_915, %ne3A_917 : vector<200x1xi32>
    %and3A_919 = arith.andi %ne3A_913, %ne3A_918 : vector<200x1xi1>
    %sub3A_920 = arith.constant 1 : i32
    %sub3A_921 = vector.broadcast %sub3A_920 : i32 to vector<200x1xi32>
    %sub3A_922 = arith.subi %div3A_895, %sub3A_921 : vector<200x1xi32>
    %select_n3A_923 = arith.select %and3A_919, %sub3A_922, %div3A_895 : vector<200x1xi1>, vector<200x1xi32>
    %mul3A_924 = arith.constant 128 : i32
    %mul3A_925 = vector.broadcast %mul3A_924 : i32 to vector<200x1xi32>
    %mul3A_926 = arith.muli %select_n3A_923, %mul3A_925 : vector<200x1xi32>
    %sub3A_927 = arith.subi %broadcast_in_dim3A_892, %mul3A_926 : vector<200x1xi32>
    %eq3A_928 = vector.broadcast %select_n3A_923 : vector<200x1xi32> to vector<200x16xi32>
    %eq3A_929 = arith.cmpi eq, %iota3A_12, %eq3A_928 : vector<200x16xi32>
    %jit3A_930 = arith.constant 0 : i32
    %broadcast_in_dim3A_931 = vector.broadcast %jit3A_930 : i32 to vector<200x16xi32>
    %select_n3A_932 = arith.select %eq3A_929, %sub3A_10, %broadcast_in_dim3A_931 : vector<200x16xi1>, vector<200x16xi32>
    %reduce_sum3A_933 = arith.constant dense<0> : vector<200xi32>
    %reduce_sum3A_934 = vector.multi_reduction <add>, %select_n3A_932, %reduce_sum3A_933 [1] : vector<200x16xi32> to vector<200xi32>
    %broadcast_in_dim3A_935 = vector.shape_cast %reduce_sum3A_934 : vector<200xi32> to vector<200x1xi32>
    %mul3A_936 = arith.constant 128 : i32
    %mul3A_937 = vector.broadcast %mul3A_936 : i32 to vector<200x1xi32>
    %mul3A_938 = arith.muli %broadcast_in_dim3A_935, %mul3A_937 : vector<200x1xi32>
    %add3A_939 = arith.addi %mul3A_938, %sub3A_927 : vector<200x1xi32>
    %eq3A_940 = vector.broadcast %broadcast_in_dim3A_892 : vector<200x1xi32> to vector<200x2048xi32>
    %eq3A_941 = arith.cmpi eq, %iota3A_11, %eq3A_940 : vector<200x2048xi32>
    %jit3A_942 = arith.constant -3.000000e+00 : f32
    %broadcast_in_dim3A_943 = vector.broadcast %jit3A_942 : f32 to vector<200x2048xf32>
    %select_n3A_944 = arith.select %eq3A_941, %broadcast_in_dim3A_943, %select_n3A_881 : vector<200x2048xi1>, vector<200x2048xf32>
    %reduce_max3A_945 = arith.constant dense<0xFF800000> : vector<200xf32>
    %reduce_max3A_946 = vector.multi_reduction <maximumf>, %select_n3A_944, %reduce_max3A_945 [1] : vector<200x2048xf32> to vector<200xf32>
    %broadcast_in_dim3A_947 = vector.shape_cast %reduce_max3A_946 : vector<200xf32> to vector<200x1xf32>
    %ge3A_948 = vector.broadcast %broadcast_in_dim3A_947 : vector<200x1xf32> to vector<200x2048xf32>
    %ge3A_949 = arith.cmpf oge, %select_n3A_944, %ge3A_948 : vector<200x2048xf32>
    %jit3A_950 = arith.constant 1048576 : i32
    %broadcast_in_dim3A_951 = vector.broadcast %jit3A_950 : i32 to vector<200x2048xi32>
    %select_n3A_952 = arith.select %ge3A_949, %iota3A_11, %broadcast_in_dim3A_951 : vector<200x2048xi1>, vector<200x2048xi32>
    %reduce_min3A_953 = arith.constant dense<2147483647> : vector<200xi32>
    %reduce_min3A_954 = vector.multi_reduction <minsi>, %select_n3A_952, %reduce_min3A_953 [1] : vector<200x2048xi32> to vector<200xi32>
    %broadcast_in_dim3A_955 = vector.shape_cast %reduce_min3A_954 : vector<200xi32> to vector<200x1xi32>
    %jit3A_956 = arith.constant 128 : i32
    %div3A_957 = vector.broadcast %jit3A_956 : i32 to vector<200x1xi32>
    %div3A_958 = arith.divsi %broadcast_in_dim3A_955, %div3A_957 : vector<200x1xi32>
    %sign3A_959 = arith.constant 0 : i32
    %sign3A_960 = vector.broadcast %sign3A_959 : i32 to vector<200x1xi32>
    %sign3A_961 = arith.cmpi sgt, %broadcast_in_dim3A_955, %sign3A_960 : vector<200x1xi32>
    %sign3A_962 = arith.extui %sign3A_961 : vector<200x1xi1> to vector<200x1xi32>
    %sign3A_963 = arith.constant 0 : i32
    %sign3A_964 = vector.broadcast %sign3A_963 : i32 to vector<200x1xi32>
    %sign3A_965 = arith.cmpi slt, %broadcast_in_dim3A_955, %sign3A_964 : vector<200x1xi32>
    %sign3A_966 = arith.extui %sign3A_965 : vector<200x1xi1> to vector<200x1xi32>
    %sign3A_967 = arith.subi %sign3A_962, %sign3A_966 : vector<200x1xi32>
    %sign3A_968 = arith.constant 0 : i32
    %sign3A_969 = arith.cmpi sgt, %jit3A_956, %sign3A_968 : i32
    %sign3A_970 = arith.extui %sign3A_969 : i1 to i32
    %sign3A_971 = arith.constant 0 : i32
    %sign3A_972 = arith.cmpi slt, %jit3A_956, %sign3A_971 : i32
    %sign3A_973 = arith.extui %sign3A_972 : i1 to i32
    %sign3A_974 = arith.subi %sign3A_970, %sign3A_973 : i32
    %ne3A_975 = vector.broadcast %sign3A_974 : i32 to vector<200x1xi32>
    %ne3A_976 = arith.cmpi ne, %sign3A_967, %ne3A_975 : vector<200x1xi32>
    %rem3A_977 = vector.broadcast %jit3A_956 : i32 to vector<200x1xi32>
    %rem3A_978 = arith.remsi %broadcast_in_dim3A_955, %rem3A_977 : vector<200x1xi32>
    %ne3A_979 = arith.constant 0 : i32
    %ne3A_980 = vector.broadcast %ne3A_979 : i32 to vector<200x1xi32>
    %ne3A_981 = arith.cmpi ne, %rem3A_978, %ne3A_980 : vector<200x1xi32>
    %and3A_982 = arith.andi %ne3A_976, %ne3A_981 : vector<200x1xi1>
    %sub3A_983 = arith.constant 1 : i32
    %sub3A_984 = vector.broadcast %sub3A_983 : i32 to vector<200x1xi32>
    %sub3A_985 = arith.subi %div3A_958, %sub3A_984 : vector<200x1xi32>
    %select_n3A_986 = arith.select %and3A_982, %sub3A_985, %div3A_958 : vector<200x1xi1>, vector<200x1xi32>
    %mul3A_987 = arith.constant 128 : i32
    %mul3A_988 = vector.broadcast %mul3A_987 : i32 to vector<200x1xi32>
    %mul3A_989 = arith.muli %select_n3A_986, %mul3A_988 : vector<200x1xi32>
    %sub3A_990 = arith.subi %broadcast_in_dim3A_955, %mul3A_989 : vector<200x1xi32>
    %eq3A_991 = vector.broadcast %select_n3A_986 : vector<200x1xi32> to vector<200x16xi32>
    %eq3A_992 = arith.cmpi eq, %iota3A_12, %eq3A_991 : vector<200x16xi32>
    %jit3A_993 = arith.constant 0 : i32
    %broadcast_in_dim3A_994 = vector.broadcast %jit3A_993 : i32 to vector<200x16xi32>
    %select_n3A_995 = arith.select %eq3A_992, %sub3A_10, %broadcast_in_dim3A_994 : vector<200x16xi1>, vector<200x16xi32>
    %reduce_sum3A_996 = arith.constant dense<0> : vector<200xi32>
    %reduce_sum3A_997 = vector.multi_reduction <add>, %select_n3A_995, %reduce_sum3A_996 [1] : vector<200x16xi32> to vector<200xi32>
    %broadcast_in_dim3A_998 = vector.shape_cast %reduce_sum3A_997 : vector<200xi32> to vector<200x1xi32>
    %mul3A_999 = arith.constant 128 : i32
    %mul3A_1000 = vector.broadcast %mul3A_999 : i32 to vector<200x1xi32>
    %mul3A_1001 = arith.muli %broadcast_in_dim3A_998, %mul3A_1000 : vector<200x1xi32>
    %add3A_1002 = arith.addi %mul3A_1001, %sub3A_990 : vector<200x1xi32>
    %concatenate3A = tpu.concatenate %add3A_57, %add3A_120, %add3A_183, %add3A_246, %add3A_309, %add3A_372, %add3A_435, %add3A_498, %add3A_561, %add3A_624, %add3A_687, %add3A_750, %add3A_813, %add3A_876, %add3A_939, %add3A_1002 in 1 : vector<200x1xi32>, vector<200x1xi32>, vector<200x1xi32>, vector<200x1xi32>, vector<200x1xi32>, vector<200x1xi32>, vector<200x1xi32>, vector<200x1xi32>, vector<200x1xi32>, vector<200x1xi32>, vector<200x1xi32>, vector<200x1xi32>, vector<200x1xi32>, vector<200x1xi32>, vector<200x1xi32>, vector<200x1xi32> -> vector<200x16xi32>
    %swap3A = arith.constant 0 : index
    %swap3A_1003 = arith.constant 0 : index
    %swap3A_1004 = vector.load %arg3[%swap3A, %swap3A_1003] : memref<200x16xi32, #tpu.memory_space<vmem>>, vector<200x16xi32>
    tpu.vector_store %arg3[%swap3A, %swap3A_1003], %concatenate3A {strides = array<i32>} : memref<200x16xi32, #tpu.memory_space<vmem>>, vector<200x16xi32>,
    return
  }
  func.func @transform_0(%arg0: i32) -> (i32, i32) {
    %c0_i32 = arith.constant 0 : i32
    %c0_i32_0 = arith.constant 0 : i32
    return %arg0, %c0_i32 : i32, i32
  }
  func.func @transform_1(%arg0: i32) -> (i32, i32) {
    %c0_i32 = arith.constant 0 : i32
    %c0_i32_0 = arith.constant 0 : i32
    return %arg0, %c0_i32 : i32, i32
  }
  func.func @transform_2(%arg0: i32) -> (i32, i32) {
    %c0_i32 = arith.constant 0 : i32
    %c0_i32_0 = arith.constant 0 : i32
    return %arg0, %c0_i32 : i32, i32
  }
}

module attributes {stable_mosaic.version = 14 : i64} {
  func.func @_head_body(%arg0: i32, %arg1: memref<2000x128xf32, #tpu.memory_space<vmem>>, %arg2: memref<2000x128xf32, #tpu.memory_space<vmem>>, %arg3: memref<1x128xf32, #tpu.memory_space<vmem>>, %arg4: memref<1x128xf32, #tpu.memory_space<vmem>>, %arg5: memref<1x128xf32, #tpu.memory_space<vmem>>, %arg6: memref<1x128xf32, #tpu.memory_space<vmem>>, %arg7: memref<2000x1xf32, #tpu.memory_space<vmem>>) attributes {dimension_semantics = [#tpu.dimension_semantics<arbitrary>], iteration_bounds = array<i64: 10>, scalar_prefetch = 0 : i64, scratch_operands = 0 : i64, tpu.core_type = #tpu.core_type<tc>, window_params = [{transform_indices = @transform_0, window_bounds = array<i64: 2000, 128>}, {transform_indices = @transform_1, window_bounds = array<i64: 2000, 128>}, {pipeline_mode = #tpu.pipeline_mode<synchronous>, transform_indices = @transform_2, window_bounds = array<i64: 1, 128>}, {pipeline_mode = #tpu.pipeline_mode<synchronous>, transform_indices = @transform_3, window_bounds = array<i64: 1, 128>}, {pipeline_mode = #tpu.pipeline_mode<synchronous>, transform_indices = @transform_4, window_bounds = array<i64: 1, 128>}, {pipeline_mode = #tpu.pipeline_mode<synchronous>, transform_indices = @transform_5, window_bounds = array<i64: 1, 128>}, {transform_indices = @transform_6, window_bounds = array<i64: 2000, 1>}]} {
    %get3A = arith.constant 0 : index
    %get3A_0 = arith.constant 0 : index
    %get3A_1 = vector.load %arg1[%get3A, %get3A_0] : memref<2000x128xf32, #tpu.memory_space<vmem>>, vector<2000x128xf32>
    %get3A_2 = arith.constant 0 : index
    %get3A_3 = arith.constant 0 : index
    %get3A_4 = vector.load %arg3[%get3A_2, %get3A_3] : memref<1x128xf32, #tpu.memory_space<vmem>>, vector<1x128xf32>
    %add3A = vector.broadcast %get3A_4 : vector<1x128xf32> to vector<2000x128xf32>
    %add3A_5 = arith.addf %get3A_1, %add3A : vector<2000x128xf32>
    %get3A_6 = arith.constant 0 : index
    %get3A_7 = arith.constant 0 : index
    %get3A_8 = vector.load %arg2[%get3A_6, %get3A_7] : memref<2000x128xf32, #tpu.memory_space<vmem>>, vector<2000x128xf32>
    %mul3A = arith.mulf %add3A_5, %get3A_8 : vector<2000x128xf32>
    %get3A_9 = arith.constant 0 : index
    %get3A_10 = arith.constant 0 : index
    %get3A_11 = vector.load %arg4[%get3A_9, %get3A_10] : memref<1x128xf32, #tpu.memory_space<vmem>>, vector<1x128xf32>
    %mul3A_12 = vector.broadcast %get3A_11 : vector<1x128xf32> to vector<2000x128xf32>
    %mul3A_13 = arith.mulf %mul3A, %mul3A_12 : vector<2000x128xf32>
    %get3A_14 = arith.constant 0 : index
    %get3A_15 = arith.constant 0 : index
    %get3A_16 = vector.load %arg5[%get3A_14, %get3A_15] : memref<1x128xf32, #tpu.memory_space<vmem>>, vector<1x128xf32>
    %add3A_17 = vector.broadcast %get3A_16 : vector<1x128xf32> to vector<2000x128xf32>
    %add3A_18 = arith.addf %mul3A_13, %add3A_17 : vector<2000x128xf32>
    %max3A = arith.constant 0.000000e+00 : f32
    %max3A_19 = vector.broadcast %max3A : f32 to vector<2000x128xf32>
    %max3A_20 = arith.maximumf %add3A_18, %max3A_19 : vector<2000x128xf32>
    %get3A_21 = arith.constant 0 : index
    %get3A_22 = arith.constant 0 : index
    %get3A_23 = vector.load %arg6[%get3A_21, %get3A_22] : memref<1x128xf32, #tpu.memory_space<vmem>>, vector<1x128xf32>
    %mul3A_24 = vector.broadcast %get3A_23 : vector<1x128xf32> to vector<2000x128xf32>
    %mul3A_25 = arith.mulf %max3A_20, %mul3A_24 : vector<2000x128xf32>
    %reduce_sum3A = arith.constant dense<0.000000e+00> : vector<2000xf32>
    %reduce_sum3A_26 = vector.multi_reduction <add>, %mul3A_25, %reduce_sum3A [1] : vector<2000x128xf32> to vector<2000xf32>
    %broadcast_in_dim3A = vector.shape_cast %reduce_sum3A_26 : vector<2000xf32> to vector<2000x1xf32>
    %swap3A = arith.constant 0 : index
    %swap3A_27 = arith.constant 0 : index
    %swap3A_28 = vector.load %arg7[%swap3A, %swap3A_27] : memref<2000x1xf32, #tpu.memory_space<vmem>>, vector<2000x1xf32>
    tpu.vector_store %arg7[%swap3A, %swap3A_27], %broadcast_in_dim3A {strides = array<i32>} : memref<2000x1xf32, #tpu.memory_space<vmem>>, vector<2000x1xf32>,
    return
  }
  func.func @transform_0(%arg0: i32) -> (i32, i32) {
    %c0_i32 = arith.constant 0 : i32
    %c0_i32_0 = arith.constant 0 : i32
    return %arg0, %c0_i32 : i32, i32
  }
  func.func @transform_1(%arg0: i32) -> (i32, i32) {
    %c0_i32 = arith.constant 0 : i32
    %c0_i32_0 = arith.constant 0 : i32
    return %arg0, %c0_i32 : i32, i32
  }
  func.func @transform_2(%arg0: i32) -> (i32, i32) {
    %c0_i32 = arith.constant 0 : i32
    %c0_i32_0 = arith.constant 0 : i32
    %c0_i32_1 = arith.constant 0 : i32
    return %c0_i32, %c0_i32_0 : i32, i32
  }
  func.func @transform_3(%arg0: i32) -> (i32, i32) {
    %c0_i32 = arith.constant 0 : i32
    %c0_i32_0 = arith.constant 0 : i32
    %c0_i32_1 = arith.constant 0 : i32
    return %c0_i32, %c0_i32_0 : i32, i32
  }
  func.func @transform_4(%arg0: i32) -> (i32, i32) {
    %c0_i32 = arith.constant 0 : i32
    %c0_i32_0 = arith.constant 0 : i32
    %c0_i32_1 = arith.constant 0 : i32
    return %c0_i32, %c0_i32_0 : i32, i32
  }
  func.func @transform_5(%arg0: i32) -> (i32, i32) {
    %c0_i32 = arith.constant 0 : i32
    %c0_i32_0 = arith.constant 0 : i32
    %c0_i32_1 = arith.constant 0 : i32
    return %c0_i32, %c0_i32_0 : i32, i32
  }
  func.func @transform_6(%arg0: i32) -> (i32, i32) {
    %c0_i32 = arith.constant 0 : i32
    %c0_i32_0 = arith.constant 0 : i32
    return %arg0, %c0_i32 : i32, i32
  }
}

</mosaic_0001>

<sc_bundles>
// kernel: kernel.11.cloned.1.call-start
scs
__scs_entry_jumppad:
0x0: {  	(pc) =	sbr.rel $0x88, $3  }
0x1: {  	(tag) =	ssettag $0x0;
	lr =	simm.s32 $0x1  }
0x2: {  	[smem:$0x3F95] =	sst lr;
	_ =	strace $0xD0000000  }
0x3: {  	_ = 	snop  }
0x4: {  	_ = 	snop  }
0x5: {  	_ = 	snop  }
0x6: {  	_ = 	snop  }
0x7: {  	_ = 	snop  }
__scs_overlays_trampoline_lowered:
0x8: {  	[smem:$0x3FA4] =	sst s0  }
0x9: {  	[smem:$0x3FA5] =	sst s1  }
0xa: {  	[smem:$0x3FA6] =	sst s2  }
0xb: {  	[smem:$0x3FA7] =	sst s3  }
0xc: {  	[smem:$0x3FA8] =	sst s4  }
0xd: {  	[smem:$0x3FA9] =	sst s5  }
0xe: {  	[smem:$0x3FAA] =	sst s6  }
0xf: {  	[smem:$0x3FAB] =	sst s7  }
0x10: {  	[smem:$0x3FAC] =	sst s8  }
0x11: {  	[smem:$0x3FAD] =	sst s9;
	s0 =	simm.s32 @!p0 $0x0  }
0x12: {  	s1 =	sld [smem:$0x3F93];
	s0 =	simm.s32 @p0 $0x1  }
0x13: {  	[smem:$0x3FAE] =	sst s0;
	s0 =	simm.s32 @!p1 $0x0  }
0x14: {  	s2 =	sld [smem:$0x3F92];
	s0 =	simm.s32 @p1 $0x1  }
0x15: {  	[smem:$0x3FAF] =	sst s0;
	s0 =	simm.s32 @!p2 $0x0  }
0x16: {  	s3 =	sld [smem:$0x3FDB];
	s0 =	simm.s32 @p2 $0x1  }
0x17: {  	s4 =	simm.s32 $0x1BF5;
	[smem:$0x3FB1] =	sst s0  }
0x18: {  	s0 =	sld [smem:$0x3F94];
	_ =	swait.ge [sflag:s4], $0x0  }
0x19: {  	s7 =	sld [smem:$0x3F95]  }
0x1a: {  	s8 =	sadd.s32 $0xFFFFE003, lr  }
0x1b: {  	s9 =	sadd.s32 $0xFFFFFEF7, lr;
	s5 =	simm.s32 $0xFFFFFFFF;
	p2 =	slt.u32 s8, $0xFFFFF086  }
0x1c: {  	p1 =	slt.u32 s9, $0xF7A;
	s5 =	simm.s32 @!p2 $0x0  }
0x1d: {  	s5 =	simm.s32 @p1 $0x1;
	p0 =	seq.s32 s7, s2  }
0x1e: {  	s7 =	smul.u32 @!p0 $0xF7A, s2;
	p2 =	seq.s32 @!p0 s5, $0x0  }
0x1f: {  	s9 =	smul.u32 $0xF7A, s1;
	s8 =	simm.s32 @!p0 $0x1BF5;
	p2 =	por !p2, p0  }
0x20: {  	[sflag:s8] =	ssyncset.s32 @!p0 $0xFFFFF086;
	s6 =	sadd.s32 @!p0 s3, s7;
	s7 =	simm.s32 @!p0 $0x108  }
0x21: {  	s3 =	sadd.s32 s3, s9;
	s6 =	sadd.s32 @!p0 $0x88, s6;
	s7 =	simm.s32 @p2 $0x1082  }
0x22: {  	[simem:s7], [sflag:s8] =	dma.local @!p0 [hbm:s6], $0xF7A  }
0x23: {  	s9 =	sor.u32 $0xD0000000, s2;
	s6 =	simm.s32 $0x108;
	_ =	swait.ge @!p0 [sflag:s8], $0x0  }
0x24: {  	s3 =	sadd.s32 $0x88, s3;
	s6 =	simm.s32 @!p1 $0x1082;
	[sflag:s4] =	ssyncset.s32 $0xFFFFF086  }
0x25: {  	[simem:s6], [sflag:s4] =	dma.local [hbm:s3], $0xF7A  }
0x26: {  	[smem:$0x3F95] =	sst s1;
	(tag) =	ssettag s2;
	_ =	strace s9  }
0x27: {  	s1 =	sld [smem:$0x3FA5]  }
0x28: {  	s2 =	sld [smem:$0x3FA6]  }
0x29: {  	s4 =	sld [smem:$0x3FA8]  }
0x2a: {  	p0 =	seq.s32 s5, $0x0;
	s5 =	sld [smem:$0x3FA9]  }
0x2b: {  	s6 =	sld [smem:$0x3FAA]  }
0x2c: {  	s7 =	sld [smem:$0x3FAB]  }
0x2d: {  	s3 =	simm.s32 $0x108;
	s8 =	sld [smem:$0x3FAC]  }
0x2e: {  	s3 =	simm.s32 @!p0 $0x1082;
	s9 =	sld [smem:$0x3FAD]  }
0x2f: {  	lr =	sadd.s32 s0, s3;
	s0 =	sld [smem:$0x3FA4]  }
0x30: {  	s3 =	sld [smem:$0x3FA7]  }
0x31: {  	[smem:$0x3FB0] =	sst s10  }
0x32: {  	s10 =	sld [smem:$0x3FAE];
	_ =	sdelay $0x3  }
0x33: {  	p0 =	seq.s32 s10, $0x1;
	s10 =	sld [smem:$0x3FB0];
	_ =	sdelay $0x3  }
0x34: {  	[smem:$0x3FB0] =	sst s10  }
0x35: {  	s10 =	sld [smem:$0x3FAF];
	_ =	sdelay $0x3  }
0x36: {  	p1 =	seq.s32 s10, $0x1;
	s10 =	sld [smem:$0x3FB0];
	_ =	sdelay $0x3  }
0x37: {  	[smem:$0x3FB0] =	sst s10  }
0x38: {  	s10 =	sld [smem:$0x3FB1]  }
0x39: {  	_ = 	snop;
	(pc) =	sbr.ind lr, $3  }
0x3a: {  	_ = 	snop  }
0x3b: {  	_ = 	snop  }
0x3c: {  	p2 =	seq.s32 s10, $0x1;
	s10 =	sld [smem:$0x3FB0]  }
0x3d: {  	_ =	shalt  }
0x3e: {  	_ =	shalt  }
0x3f: {  	_ =	shalt  }
0x40: {  	_ =	shalt  }
0x41: {  	_ =	shalt  }
0x42: {  	_ =	shalt  }
0x43: {  	_ =	shalt  }
0x44: {  	_ =	shalt  }
0x45: {  	_ =	shalt  }
0x46: {  	_ =	shalt  }
0x47: {  	_ =	shalt  }
0x48: {  	_ =	shalt  }
0x49: {  	_ =	shalt  }
0x4a: {  	_ =	shalt  }
0x4b: {  	_ =	shalt  }
0x4c: {  	_ =	shalt  }
0x4d: {  	_ =	shalt  }
0x4e: {  	_ =	shalt  }
0x4f: {  	_ =	shalt  }
0x50: {  	_ =	shalt  }
0x51: {  	_ =	shalt  }
0x52: {  	_ =	shalt  }
0x53: {  	_ =	shalt  }
0x54: {  	_ =	shalt  }
0x55: {  	_ =	shalt  }
0x56: {  	_ =	shalt  }
0x57: {  	_ =	shalt  }
0x58: {  	_ =	shalt  }
0x59: {  	_ =	shalt  }
0x5a: {  	_ =	shalt  }
0x5b: {  	_ =	shalt  }
0x5c: {  	_ =	shalt  }
0x5d: {  	_ =	shalt  }
0x5e: {  	_ =	shalt  }
0x5f: {  	_ =	shalt  }
0x60: {  	_ =	shalt  }
0x61: {  	_ =	shalt  }
0x62: {  	_ =	shalt  }
0x63: {  	_ =	shalt  }
0x64: {  	_ =	shalt  }
0x65: {  	_ =	shalt  }
0x66: {  	_ =	shalt  }
0x67: {  	_ =	shalt  }
0x68: {  	_ =	shalt  }
0x69: {  	_ =	shalt  }
0x6a: {  	_ =	shalt  }
0x6b: {  	_ =	shalt  }
0x6c: {  	_ =	shalt  }
0x6d: {  	_ =	shalt  }
0x6e: {  	_ =	shalt  }
0x6f: {  	_ =	shalt  }
0x70: {  	_ =	shalt  }
0x71: {  	_ =	shalt  }
0x72: {  	_ =	shalt  }
0x73: {  	_ =	shalt  }
0x74: {  	_ =	shalt  }
0x75: {  	_ =	shalt  }
0x76: {  	_ =	shalt  }
0x77: {  	_ =	shalt  }
0x78: {  	_ =	shalt  }
0x79: {  	_ =	shalt  }
0x7a: {  	_ =	shalt  }
0x7b: {  	_ =	shalt  }
0x7c: {  	_ =	shalt  }
0x7d: {  	_ =	shalt  }
0x7e: {  	_ =	shalt  }
0x7f: {  	_ =	shalt  }
0x80: {  	_ =	shalt  }
0x81: {  	_ =	shalt  }
0x82: {  	_ =	shalt  }
0x83: {  	_ =	shalt  }
0x84: {  	_ =	shalt  }
0x85: {  	_ =	shalt  }
0x86: {  	_ =	shalt  }
0x87: {  	_ =	shalt  }
.Lfunc_end0:
.L_simem_size_0:
called_computation.5_lowered:
.L_overlay_start_0:
0x88: {  	s2 =	sld [smem:$0x3FD9]  }
0x89: {  	s3 =	sld [smem:$0x3FFE];
	_ =	sdelay $0x1  }
0x8a: {  	s1 =	srdreg.scid  }
0x8b: {  	s0 =	sand.u32 $0x1, s1  }
0x8c: {  	s16 =	sshll.u32 s0, $0xA;
	s2 =	sadd.s32 s3, s2  }
0x8d: {  	s2 =	sadd.s32 s2, s16  }
0x8e: {  	[smem:$0x3FBC] =	sst s2  }
0x8f: {  	_ = 	snop  }
0x90: {  	(tm) =	ssettm $0x1  }
0x91: {  	s17 =	sld [smem:$0x3FFB];
	_ =	sdelay $0x3  }
0x92: {  	_ =	strace s17  }
0x93: {  	s2 =	sld [smem:$0x3FFC];
	_ =	sdelay $0x3  }
0x94: {  	_ =	strace s2  }
0x95: {  	s2 =	sld [smem:$0x3FFD];
	_ =	sdelay $0x3  }
0x96: {  	_ =	strace s2  }
0x97: {  	_ =	strace $0x8FFFFFFF  }
0x98: {  	s18 =	sld [smem:$0x3FDB];
	_ =	sdelay $0x1  }
0x99: {  	s19 =	simm.s32 $_scs_section_size  }
0x9a: {  	s4 =	simm.s32 $_size__tile_overlayer_lowered;
	s5 =	simm.s32 $_tile_overlayer_lowered  }
0x9b: {  	s22 =	simm.s32 $0x1BFF;
	s21 =	sshll.u32 s5, $0x1;
	s2 =	sadd.s32 s19, s18  }
0x9c: {  	s6 =	simm.s32 $0x0;
	s20 =	sshll.u32 s4, $0x1;
	s4 =	sadd.s32 s21, s2  }
0x9d: {  	[timem:s6], [sflag:s22] =	dma.local [hbm:s4], s20  }
0x9e: {  	_ =	swait.ge [sflag:s22], s20  }
0x9f: {  	s3 =	ssub.s32 $0x0, s20;
	[sflag:s22] =	ssyncset.done $0x0  }
0xa0: {  	[sflag:s22] =	ssyncadd.s32 s3;
	_ =	sdelay $0x1  }
0xa1: {  	s23 =	simm.s32 $0x1B8B  }
0xa2: {  	_ =	swait.ge [sflag:s23], $0x1  }
0xa3: {  	[sflag:s23] =	ssyncset.done $0x0  }
0xa4: {  	s25 =	simm.s32 $0x1B8E;
	s24 =	sld [smem:$0x3FFE];
	[sflag:s23] =	ssyncadd.s32 $0xFFFFFFFF  }
0xa5: {  	s26 =	simm.s32 $execute0_lowered;
	[smem:$0x3FD2] =	sst s25  }
0xa6: {  	s4 =	sshll.u32 s26, $0x1;
	_ =	strace $0x80000049;
	[dreg:$0x1] =	wrdreg $0xFFFFFFFF  }
0xa7: {  	s28 =	simm.s32 $_size_execute0_lowered;
	s2 =	sadd.s32 s2, s4;
	[dreg:$0x0] =	wrdreg $0x0  }
0xa8: {  	s4 =	sshll.u32 s28, $0x1;
	[dreg:$0x2] =	wrdreg s2  }
0xa9: {  	[dreg:$0x3] =	wrdreg s4  }
0xaa: {  	[dreg:$0x4] =	wrdreg $0xC0  }
0xab: {  	_ =	task [dreg:s6], $0x5FFFF  }
0xac: {  	[dreg:$0x1] =	wrdreg $0xFFFFFFFF  }
0xad: {  	[dreg:$0x0] =	wrdreg $0x60  }
0xae: {  	[dreg:$0x2] =	wrdreg s24  }
0xaf: {  	[dreg:$0x3] =	wrdreg $0x9  }
0xb0: {  	_ =	task.clear_ibuf [dreg:s6], $0x4FFFF;
	_ =	strace $0x90000049  }
0xb1: {  	s29 =	simm.s32 $0x9;
	_ =	strace $0x8000004B  }
0xb2: {  	_ =	swait.ge [sflag:s29], $0x1  }
0xb3: {  	[sflag:s29] =	ssyncadd.s32 $0xFFFFFFFF  }
0xb4: {  	_ =	strace $0x9000004B  }
0xb5: {  	_ =	sfence  }
0xb6: {  	s30 =	sld [smem:$0x0];
	_ =	sdelay $0x2  }
0xb7: {  	s31 =	sshll.u32 s1, $0xD;
	s1 =	sshrl.u32 s1, $0x2  }
0xb8: {  	s3 =	sand.u32 $0x4000, s31;
	s1 =	sadd.s32 s1, s30  }
0xb9: {  	s0 =	sor.u32 s3, s0;
	s1 =	sshll.u32 s1, $0x11  }
0xba: {  	s0 =	sor.u32 s1, s0  }
0xbb: {  	s0 =	sadd.s32 $0x8F2B, s0  }
0xbc: {  	[sflag:s0] =	ssyncadd.remote.s32 $0x1  }
0xbd: {  	_ =	sfence.sel $0xFFFF  }
0xbe: {  	[dreg:$0x0] =	wrdreg $0xFFFFFFFF;
	(pc) =	sbr.abs _section_cstart, $3  }
0xbf: {  	[dreg:$0x1] =	wrdreg $0xFFFFFFFF  }
0xc0: {  	_ =	task.clear_ibuf [dreg:s6], $0x2FFFF;
	_ =	strace $0x9FFFFFFF  }
0xc1: {  	(tm) =	ssettm $0x7FFFFFFF  }
tec
execute0_lowered:
.L_overlay_start_1:
0x0: {  	(tag) =	ssettag $0x1  }
0x1: {  	s1 =	srdreg.scid  }
0x2: {  	s0 =	stileid.u32;
	s4 =	rddreg [dreg:$0x0];
	s2 =	simm.s32 $0x0  }
0x3: {  	s11 =	simm.s32 $0x0;
	s5 =	sand.u32 $0x1, s1;
	s1 =	rddreg [dreg:$0x1]  }
0x4: {  	s3 =	sshll.u32 s0, $0x1;
	[smem:$0x7FF] =	sst s2;
	s7 =	smul.u32 $0x28000, s0  }
0x5: {  	s3 =	sor.u32 s5, s3;
	_ =	strace $0x8000004A;
	s10 =	smul.u32 $0x14000, s5  }
0x6: {  	s8 =	ssub.s32 $0x2, s5;
	s6 =	smul.u32 $0x280, s3;
	s3 =	sadd.s32 $0x2D0200, s4  }
0x7: {  	s9 =	sshrl.u32 s8, $0x1;
	s30 =	sadd.s32 s7, s4;
	s7 =	simm.s32 $0x2  }
0x8: {  	s31 =	ssub.s32 s8, s9;
	s8 =	simm.s32 $0x80;
	s9 =	simm.s32 $0x1400  }
0x9: {  	s29 =	sadd.s32 s6, s4;
	s5 =	smax.u32 s31, $0x1;
	s6 =	sadd.s32 s10, s30  }
0xa: {  	s10 =	simm.s32 $0x1;
	s4 =	sadd.s32 $0x200, s29;
	s6 =	sadd.s32 $0x2F7400, s6  }
.LBB2_1:
0xb: {  	[tilespmem:s2], [sflag:$0x2] =	stream.linear.gather [hbm4b:s4+s2], $0x1400, $0x38;
	[tilespmem:$0x5400] =	vst v63  }
0xc: {  	_ =	swait.ge [sflag:s7], $0x1400  }
0xd: {  	[sflag:s7] =	ssyncset.done $0x0  }
0xe: {  	s12 =	simm.s32 $0x0;
	[sflag:s7] =	ssyncadd.s32 $0xFFFFEC00  }
0xf: {  	[tilespmem:s9], [sflag:$0x1] =	stream.indirect.gather [hbm4b:s3+s8], $0x80, s12, s8, $0xb8;
	[tilespmem:$0x5400] =	vst v63  }
0x10: {  	_ =	swait.ge [sflag:s10], $0x4000  }
0x11: {  	[sflag:s10] =	ssyncset.done $0x0  }
0x12: {  	[sflag:s10] =	ssyncadd.s32 $0xFFFFC000  }
0x13: {  	[hbm4b:s6+s2] =	stream.linear.scatter [tilespmem:s9], [sflag:$0x2], $0x4000, $0x38;
	[tilespmem:$0x5400] =	vst v63  }
0x14: {  	s13 =	simm.s32 $0x200;
	_ =	swait.ge [sflag:s7], $0x4000  }
0x15: {  	s14 =	simm.s32 $0x400;
	s12 =	sadd.s32 $0x800, s6;
	[sflag:s7] =	ssyncset.done $0x0  }
.LBB2_2:
0x16: {  	s15 =	sshra.s32 s13, $0x2  }
0x17: {  	[sflag:s7] =	ssyncadd.s32 $0xFFFFC000;
	s13 =	smov.u32 s14;
	s16 =	sadd.s32 $0x200, s14  }
0x18: {  	[tilespmem:s9], [sflag:$0x1] =	stream.indirect.gather [hbm4b:s3+s8], $0x80, s15, s8, $0xb8;
	[tilespmem:$0x5400] =	vst v63  }
0x19: {  	p0 =	sne.s32 s14, $0x4E00;
	_ =	swait.ge [sflag:s10], $0x4000  }
.Ltmp0:
0x1a: {  	[sflag:s10] =	ssyncset.done $0x0;
	(pc) =	sbr.rel @p0 .LBB2_2-.Ltmp0, $4  }
0x1b: {  	[sflag:s10] =	ssyncadd.s32 $0xFFFFC000  }
0x1c: {  	[hbm4b:s12+s2] =	stream.linear.scatter [tilespmem:s9], [sflag:$0x2], $0x4000, $0x38;
	[tilespmem:$0x5400] =	vst v63  }
0x1d: {  	_ =	swait.ge [sflag:s7], $0x4000  }
0x1e: {  	s14 =	smov.u32 s16;
	s12 =	sadd.s32 $0x800, s12;
	[sflag:s7] =	ssyncset.done $0x0  }
0x1f: {  	s13 =	sshra.s32 s13, $0x2;
	[sflag:s7] =	ssyncadd.s32 $0xFFFFC000  }
0x20: {  	[tilespmem:s9], [sflag:$0x1] =	stream.indirect.gather [hbm4b:s3+s8], $0x80, s13, s8, $0xb8;
	[tilespmem:$0x5400] =	vst v63  }
0x21: {  	s11 =	sadd.s32 $0x1, s11;
	_ =	swait.ge [sflag:s10], $0x4000  }
0x22: {  	p0 =	sne.s32 s11, s5;
	[sflag:s10] =	ssyncset.done $0x0  }
.Ltmp1:
0x23: {  	[sflag:s10] =	ssyncadd.s32 $0xFFFFC000;
	(pc) =	sbr.rel @p0 .LBB2_1-.Ltmp1, $4  }
0x24: {  	[hbm4b:s12+s2] =	stream.linear.scatter [tilespmem:s9], [sflag:$0x2], $0x4000, $0x38;
	[tilespmem:$0x5400] =	vst v63  }
0x25: {  	_ =	swait.ge [sflag:s7], $0x4000  }
0x26: {  	[sflag:s7] =	ssyncset.done $0x0  }
0x27: {  	[sflag:s7] =	ssyncadd.s32 $0xFFFFC000  }
0x28: {  	_ =	sfence.sel $0x180000  }
0x29: {  	[bflag:$0x0] =	sbarrier.arrive $0xFFFF  }
0x2a: {  	p0 =	sne.s32 s0, $0x0;
	_ =	strace $0x9000004A  }
0x2b: {  	s0 =	sadd.s32 @!p0 $0x100000, s1;
	[bflag:$0x2] =	sbarrier.arrive $0xFFFF  }
0x2c: {  	[sflag:s0] =	ssyncadd.tile.s32 @!p0 $0x1;
	_ =	shalt  }
.Lfunc_end2:
_tile_overlayer_lowered:
.L_overlay_start_2:
0x2d: {  	(tag) =	ssettag $0x2  }
0x2e: {  	s0 =	rddreg [dreg:$0x0];
	s2 =	stileid.u32  }
0x2f: {  	s1 =	rddreg [dreg:$0x1];
	p0 =	sne.s32 s2, $0x0  }
0x30: {  	s3 =	rddreg [dreg:$0x2];
	[bflag:$0x3] =	sbarrier.arrive $0xFFFF;
	s2 =	simm.s32 @!p0 $0x1C02  }
0x31: {  	[timem:s3], [sflag:s2] =	dma.local @!p0 [hbm:s0], s1  }
0x32: {  	s0 =	simm.s32 @!p0 $0x2  }
0x33: {  	_ =	swait.ge @!p0 [sflag:s0], s1  }
0x34: {  	s1 =	ssub.s32 @!p0 $0x0, s1;
	[sflag:s0] =	ssyncset.done @!p0 $0x0  }
0x35: {  	[sflag:s0] =	ssyncadd.s32 @!p0 s1  }
0x36: {  	[bflag:$0x3] =	sbarrier.arrive $0xFFFF  }
0x37: {  	_ =	shalt  }

// kernel: kernel.8.cloned.1.call-start
scs
__scs_entry_jumppad:
0x0: {  	(pc) =	sbr.rel $0x88, $3  }
0x1: {  	(tag) =	ssettag $0x0;
	lr =	simm.s32 $0x1  }
0x2: {  	[smem:$0x3F95] =	sst lr;
	_ =	strace $0xD0000000  }
0x3: {  	_ = 	snop  }
0x4: {  	_ = 	snop  }
0x5: {  	_ = 	snop  }
0x6: {  	_ = 	snop  }
0x7: {  	_ = 	snop  }
__scs_overlays_trampoline_lowered:
0x8: {  	[smem:$0x3FA4] =	sst s0  }
0x9: {  	[smem:$0x3FA5] =	sst s1  }
0xa: {  	[smem:$0x3FA6] =	sst s2  }
0xb: {  	[smem:$0x3FA7] =	sst s3  }
0xc: {  	[smem:$0x3FA8] =	sst s4  }
0xd: {  	[smem:$0x3FA9] =	sst s5  }
0xe: {  	[smem:$0x3FAA] =	sst s6  }
0xf: {  	[smem:$0x3FAB] =	sst s7  }
0x10: {  	[smem:$0x3FAC] =	sst s8  }
0x11: {  	[smem:$0x3FAD] =	sst s9;
	s0 =	simm.s32 @!p0 $0x0  }
0x12: {  	s1 =	sld [smem:$0x3F93];
	s0 =	simm.s32 @p0 $0x1  }
0x13: {  	[smem:$0x3FAE] =	sst s0;
	s0 =	simm.s32 @!p1 $0x0  }
0x14: {  	s2 =	sld [smem:$0x3F92];
	s0 =	simm.s32 @p1 $0x1  }
0x15: {  	[smem:$0x3FAF] =	sst s0;
	s0 =	simm.s32 @!p2 $0x0  }
0x16: {  	s3 =	sld [smem:$0x3FDB];
	s0 =	simm.s32 @p2 $0x1  }
0x17: {  	s4 =	simm.s32 $0x1BF5;
	[smem:$0x3FB1] =	sst s0  }
0x18: {  	s0 =	sld [smem:$0x3F94];
	_ =	swait.ge [sflag:s4], $0x0  }
0x19: {  	s7 =	sld [smem:$0x3F95]  }
0x1a: {  	s8 =	sadd.s32 $0xFFFFE003, lr  }
0x1b: {  	s9 =	sadd.s32 $0xFFFFFEF7, lr;
	s5 =	simm.s32 $0xFFFFFFFF;
	p2 =	slt.u32 s8, $0xFFFFF086  }
0x1c: {  	p1 =	slt.u32 s9, $0xF7A;
	s5 =	simm.s32 @!p2 $0x0  }
0x1d: {  	s5 =	simm.s32 @p1 $0x1;
	p0 =	seq.s32 s7, s2  }
0x1e: {  	s7 =	smul.u32 @!p0 $0xF7A, s2;
	p2 =	seq.s32 @!p0 s5, $0x0  }
0x1f: {  	s9 =	smul.u32 $0xF7A, s1;
	s8 =	simm.s32 @!p0 $0x1BF5;
	p2 =	por !p2, p0  }
0x20: {  	[sflag:s8] =	ssyncset.s32 @!p0 $0xFFFFF086;
	s6 =	sadd.s32 @!p0 s3, s7;
	s7 =	simm.s32 @!p0 $0x108  }
0x21: {  	s3 =	sadd.s32 s3, s9;
	s6 =	sadd.s32 @!p0 $0x88, s6;
	s7 =	simm.s32 @p2 $0x1082  }
0x22: {  	[simem:s7], [sflag:s8] =	dma.local @!p0 [hbm:s6], $0xF7A  }
0x23: {  	s9 =	sor.u32 $0xD0000000, s2;
	s6 =	simm.s32 $0x108;
	_ =	swait.ge @!p0 [sflag:s8], $0x0  }
0x24: {  	s3 =	sadd.s32 $0x88, s3;
	s6 =	simm.s32 @!p1 $0x1082;
	[sflag:s4] =	ssyncset.s32 $0xFFFFF086  }
0x25: {  	[simem:s6], [sflag:s4] =	dma.local [hbm:s3], $0xF7A  }
0x26: {  	[smem:$0x3F95] =	sst s1;
	(tag) =	ssettag s2;
	_ =	strace s9  }
0x27: {  	s1 =	sld [smem:$0x3FA5]  }
0x28: {  	s2 =	sld [smem:$0x3FA6]  }
0x29: {  	s4 =	sld [smem:$0x3FA8]  }
0x2a: {  	p0 =	seq.s32 s5, $0x0;
	s5 =	sld [smem:$0x3FA9]  }
0x2b: {  	s6 =	sld [smem:$0x3FAA]  }
0x2c: {  	s7 =	sld [smem:$0x3FAB]  }
0x2d: {  	s3 =	simm.s32 $0x108;
	s8 =	sld [smem:$0x3FAC]  }
0x2e: {  	s3 =	simm.s32 @!p0 $0x1082;
	s9 =	sld [smem:$0x3FAD]  }
0x2f: {  	lr =	sadd.s32 s0, s3;
	s0 =	sld [smem:$0x3FA4]  }
0x30: {  	s3 =	sld [smem:$0x3FA7]  }
0x31: {  	[smem:$0x3FB0] =	sst s10  }
0x32: {  	s10 =	sld [smem:$0x3FAE];
	_ =	sdelay $0x3  }
0x33: {  	p0 =	seq.s32 s10, $0x1;
	s10 =	sld [smem:$0x3FB0];
	_ =	sdelay $0x3  }
0x34: {  	[smem:$0x3FB0] =	sst s10  }
0x35: {  	s10 =	sld [smem:$0x3FAF];
	_ =	sdelay $0x3  }
0x36: {  	p1 =	seq.s32 s10, $0x1;
	s10 =	sld [smem:$0x3FB0];
	_ =	sdelay $0x3  }
0x37: {  	[smem:$0x3FB0] =	sst s10  }
0x38: {  	s10 =	sld [smem:$0x3FB1]  }
0x39: {  	_ = 	snop;
	(pc) =	sbr.ind lr, $3  }
0x3a: {  	_ = 	snop  }
0x3b: {  	_ = 	snop  }
0x3c: {  	p2 =	seq.s32 s10, $0x1;
	s10 =	sld [smem:$0x3FB0]  }
0x3d: {  	_ =	shalt  }
0x3e: {  	_ =	shalt  }
0x3f: {  	_ =	shalt  }
0x40: {  	_ =	shalt  }
0x41: {  	_ =	shalt  }
0x42: {  	_ =	shalt  }
0x43: {  	_ =	shalt  }
0x44: {  	_ =	shalt  }
0x45: {  	_ =	shalt  }
0x46: {  	_ =	shalt  }
0x47: {  	_ =	shalt  }
0x48: {  	_ =	shalt  }
0x49: {  	_ =	shalt  }
0x4a: {  	_ =	shalt  }
0x4b: {  	_ =	shalt  }
0x4c: {  	_ =	shalt  }
0x4d: {  	_ =	shalt  }
0x4e: {  	_ =	shalt  }
0x4f: {  	_ =	shalt  }
0x50: {  	_ =	shalt  }
0x51: {  	_ =	shalt  }
0x52: {  	_ =	shalt  }
0x53: {  	_ =	shalt  }
0x54: {  	_ =	shalt  }
0x55: {  	_ =	shalt  }
0x56: {  	_ =	shalt  }
0x57: {  	_ =	shalt  }
0x58: {  	_ =	shalt  }
0x59: {  	_ =	shalt  }
0x5a: {  	_ =	shalt  }
0x5b: {  	_ =	shalt  }
0x5c: {  	_ =	shalt  }
0x5d: {  	_ =	shalt  }
0x5e: {  	_ =	shalt  }
0x5f: {  	_ =	shalt  }
0x60: {  	_ =	shalt  }
0x61: {  	_ =	shalt  }
0x62: {  	_ =	shalt  }
0x63: {  	_ =	shalt  }
0x64: {  	_ =	shalt  }
0x65: {  	_ =	shalt  }
0x66: {  	_ =	shalt  }
0x67: {  	_ =	shalt  }
0x68: {  	_ =	shalt  }
0x69: {  	_ =	shalt  }
0x6a: {  	_ =	shalt  }
0x6b: {  	_ =	shalt  }
0x6c: {  	_ =	shalt  }
0x6d: {  	_ =	shalt  }
0x6e: {  	_ =	shalt  }
0x6f: {  	_ =	shalt  }
0x70: {  	_ =	shalt  }
0x71: {  	_ =	shalt  }
0x72: {  	_ =	shalt  }
0x73: {  	_ =	shalt  }
0x74: {  	_ =	shalt  }
0x75: {  	_ =	shalt  }
0x76: {  	_ =	shalt  }
0x77: {  	_ =	shalt  }
0x78: {  	_ =	shalt  }
0x79: {  	_ =	shalt  }
0x7a: {  	_ =	shalt  }
0x7b: {  	_ =	shalt  }
0x7c: {  	_ =	shalt  }
0x7d: {  	_ =	shalt  }
0x7e: {  	_ =	shalt  }
0x7f: {  	_ =	shalt  }
0x80: {  	_ =	shalt  }
0x81: {  	_ =	shalt  }
0x82: {  	_ =	shalt  }
0x83: {  	_ =	shalt  }
0x84: {  	_ =	shalt  }
0x85: {  	_ =	shalt  }
0x86: {  	_ =	shalt  }
0x87: {  	_ =	shalt  }
.Lfunc_end0:
.L_simem_size_0:
called_computation.4_lowered:
.L_overlay_start_0:
0x88: {  	s2 =	sld [smem:$0x3FD9]  }
0x89: {  	s3 =	sld [smem:$0x3FFE];
	_ =	sdelay $0x1  }
0x8a: {  	s1 =	srdreg.scid  }
0x8b: {  	s0 =	sand.u32 $0x1, s1  }
0x8c: {  	s16 =	sshll.u32 s0, $0xA;
	s2 =	sadd.s32 s3, s2  }
0x8d: {  	s2 =	sadd.s32 s2, s16  }
0x8e: {  	[smem:$0x3FBC] =	sst s2  }
0x8f: {  	_ = 	snop  }
0x90: {  	(tm) =	ssettm $0x1  }
0x91: {  	s17 =	sld [smem:$0x3FFB];
	_ =	sdelay $0x3  }
0x92: {  	_ =	strace s17  }
0x93: {  	s2 =	sld [smem:$0x3FFC];
	_ =	sdelay $0x3  }
0x94: {  	_ =	strace s2  }
0x95: {  	s2 =	sld [smem:$0x3FFD];
	_ =	sdelay $0x3  }
0x96: {  	_ =	strace s2  }
0x97: {  	_ =	strace $0x8FFFFFFF  }
0x98: {  	s18 =	sld [smem:$0x3FDB];
	_ =	sdelay $0x1  }
0x99: {  	s19 =	simm.s32 $_scs_section_size  }
0x9a: {  	s4 =	simm.s32 $_size__tile_overlayer_lowered;
	s5 =	simm.s32 $_tile_overlayer_lowered  }
0x9b: {  	s22 =	simm.s32 $0x1BFF;
	s21 =	sshll.u32 s5, $0x1;
	s2 =	sadd.s32 s19, s18  }
0x9c: {  	s6 =	simm.s32 $0x0;
	s20 =	sshll.u32 s4, $0x1;
	s4 =	sadd.s32 s21, s2  }
0x9d: {  	[timem:s6], [sflag:s22] =	dma.local [hbm:s4], s20  }
0x9e: {  	_ =	swait.ge [sflag:s22], s20  }
0x9f: {  	s3 =	ssub.s32 $0x0, s20;
	[sflag:s22] =	ssyncset.done $0x0  }
0xa0: {  	[sflag:s22] =	ssyncadd.s32 s3;
	_ =	sdelay $0x1  }
0xa1: {  	s23 =	simm.s32 $0x1B8B  }
0xa2: {  	_ =	swait.ge [sflag:s23], $0x1  }
0xa3: {  	[sflag:s23] =	ssyncset.done $0x0  }
0xa4: {  	s25 =	simm.s32 $0x1B8E;
	s24 =	sld [smem:$0x3FFE];
	[sflag:s23] =	ssyncadd.s32 $0xFFFFFFFF  }
0xa5: {  	s26 =	simm.s32 $execute0_lowered;
	[smem:$0x3FD2] =	sst s25  }
0xa6: {  	s4 =	sshll.u32 s26, $0x1;
	_ =	strace $0x80000046;
	[dreg:$0x1] =	wrdreg $0xFFFFFFFF  }
0xa7: {  	s28 =	simm.s32 $_size_execute0_lowered;
	s2 =	sadd.s32 s2, s4;
	[dreg:$0x0] =	wrdreg $0x0  }
0xa8: {  	s4 =	sshll.u32 s28, $0x1;
	[dreg:$0x2] =	wrdreg s2  }
0xa9: {  	[dreg:$0x3] =	wrdreg s4  }
0xaa: {  	[dreg:$0x4] =	wrdreg $0xC0  }
0xab: {  	_ =	task [dreg:s6], $0x5FFFF  }
0xac: {  	[dreg:$0x1] =	wrdreg $0xFFFFFFFF  }
0xad: {  	[dreg:$0x0] =	wrdreg $0x60  }
0xae: {  	[dreg:$0x2] =	wrdreg s24  }
0xaf: {  	[dreg:$0x3] =	wrdreg $0x9  }
0xb0: {  	_ =	task.clear_ibuf [dreg:s6], $0x4FFFF;
	_ =	strace $0x90000046  }
0xb1: {  	s29 =	simm.s32 $0x9;
	_ =	strace $0x80000048  }
0xb2: {  	_ =	swait.ge [sflag:s29], $0x1  }
0xb3: {  	[sflag:s29] =	ssyncadd.s32 $0xFFFFFFFF  }
0xb4: {  	_ =	strace $0x90000048  }
0xb5: {  	_ =	sfence  }
0xb6: {  	s30 =	sld [smem:$0x0];
	_ =	sdelay $0x2  }
0xb7: {  	s31 =	sshll.u32 s1, $0xD;
	s1 =	sshrl.u32 s1, $0x2  }
0xb8: {  	s3 =	sand.u32 $0x4000, s31;
	s1 =	sadd.s32 s1, s30  }
0xb9: {  	s0 =	sor.u32 s3, s0;
	s1 =	sshll.u32 s1, $0x11  }
0xba: {  	s0 =	sor.u32 s1, s0  }
0xbb: {  	s0 =	sadd.s32 $0x8F2B, s0  }
0xbc: {  	[sflag:s0] =	ssyncadd.remote.s32 $0x1  }
0xbd: {  	_ =	sfence.sel $0xFFFF  }
0xbe: {  	[dreg:$0x0] =	wrdreg $0xFFFFFFFF;
	(pc) =	sbr.abs _section_cstart, $3  }
0xbf: {  	[dreg:$0x1] =	wrdreg $0xFFFFFFFF  }
0xc0: {  	_ =	task.clear_ibuf [dreg:s6], $0x2FFFF;
	_ =	strace $0x9FFFFFFF  }
0xc1: {  	(tm) =	ssettm $0x7FFFFFFF  }
tec
execute0_lowered:
.L_overlay_start_1:
0x0: {  	(tag) =	ssettag $0x1  }
0x1: {  	s1 =	srdreg.scid  }
0x2: {  	s0 =	stileid.u32;
	s4 =	rddreg [dreg:$0x0];
	s2 =	simm.s32 $0x0  }
0x3: {  	s11 =	simm.s32 $0x0;
	s5 =	sand.u32 $0x1, s1;
	s1 =	rddreg [dreg:$0x1]  }
0x4: {  	s3 =	sshll.u32 s0, $0x1;
	[smem:$0x7FF] =	sst s2;
	s7 =	smul.u32 $0x28000, s0  }
0x5: {  	s3 =	sor.u32 s5, s3;
	_ =	strace $0x80000047;
	s10 =	smul.u32 $0x14000, s5  }
0x6: {  	s8 =	ssub.s32 $0x2, s5;
	s6 =	smul.u32 $0x280, s3;
	s3 =	sadd.s32 $0xC3A400, s4  }
0x7: {  	s9 =	sshrl.u32 s8, $0x1;
	s30 =	sadd.s32 s7, s4;
	s7 =	simm.s32 $0x2  }
0x8: {  	s31 =	ssub.s32 s8, s9;
	s8 =	simm.s32 $0x80;
	s9 =	simm.s32 $0x1400  }
0x9: {  	s29 =	sadd.s32 s6, s4;
	s5 =	smax.u32 s31, $0x1;
	s6 =	sadd.s32 s10, s30  }
0xa: {  	s10 =	simm.s32 $0x1;
	s4 =	sadd.s32 $0xC35400, s29;
	s6 =	sadd.s32 $0x200, s6  }
.LBB2_1:
0xb: {  	[tilespmem:s2], [sflag:$0x2] =	stream.linear.gather [hbm4b:s4+s2], $0x1400, $0x38;
	[tilespmem:$0x5400] =	vst v63  }
0xc: {  	_ =	swait.ge [sflag:s7], $0x1400  }
0xd: {  	[sflag:s7] =	ssyncset.done $0x0  }
0xe: {  	s12 =	simm.s32 $0x0;
	[sflag:s7] =	ssyncadd.s32 $0xFFFFEC00  }
0xf: {  	[tilespmem:s9], [sflag:$0x1] =	stream.indirect.gather [hbm4b:s3+s8], $0x80, s12, s8, $0xb8;
	[tilespmem:$0x5400] =	vst v63  }
0x10: {  	_ =	swait.ge [sflag:s10], $0x4000  }
0x11: {  	[sflag:s10] =	ssyncset.done $0x0  }
0x12: {  	[sflag:s10] =	ssyncadd.s32 $0xFFFFC000  }
0x13: {  	[hbm4b:s6+s2] =	stream.linear.scatter [tilespmem:s9], [sflag:$0x2], $0x4000, $0x38;
	[tilespmem:$0x5400] =	vst v63  }
0x14: {  	s13 =	simm.s32 $0x200;
	_ =	swait.ge [sflag:s7], $0x4000  }
0x15: {  	s14 =	simm.s32 $0x400;
	s12 =	sadd.s32 $0x800, s6;
	[sflag:s7] =	ssyncset.done $0x0  }
.LBB2_2:
0x16: {  	s15 =	sshra.s32 s13, $0x2  }
0x17: {  	[sflag:s7] =	ssyncadd.s32 $0xFFFFC000;
	s13 =	smov.u32 s14;
	s16 =	sadd.s32 $0x200, s14  }
0x18: {  	[tilespmem:s9], [sflag:$0x1] =	stream.indirect.gather [hbm4b:s3+s8], $0x80, s15, s8, $0xb8;
	[tilespmem:$0x5400] =	vst v63  }
0x19: {  	p0 =	sne.s32 s14, $0x4E00;
	_ =	swait.ge [sflag:s10], $0x4000  }
.Ltmp0:
0x1a: {  	[sflag:s10] =	ssyncset.done $0x0;
	(pc) =	sbr.rel @p0 .LBB2_2-.Ltmp0, $4  }
0x1b: {  	[sflag:s10] =	ssyncadd.s32 $0xFFFFC000  }
0x1c: {  	[hbm4b:s12+s2] =	stream.linear.scatter [tilespmem:s9], [sflag:$0x2], $0x4000, $0x38;
	[tilespmem:$0x5400] =	vst v63  }
0x1d: {  	_ =	swait.ge [sflag:s7], $0x4000  }
0x1e: {  	s14 =	smov.u32 s16;
	s12 =	sadd.s32 $0x800, s12;
	[sflag:s7] =	ssyncset.done $0x0  }
0x1f: {  	s13 =	sshra.s32 s13, $0x2;
	[sflag:s7] =	ssyncadd.s32 $0xFFFFC000  }
0x20: {  	[tilespmem:s9], [sflag:$0x1] =	stream.indirect.gather [hbm4b:s3+s8], $0x80, s13, s8, $0xb8;
	[tilespmem:$0x5400] =	vst v63  }
0x21: {  	s11 =	sadd.s32 $0x1, s11;
	_ =	swait.ge [sflag:s10], $0x4000  }
0x22: {  	p0 =	sne.s32 s11, s5;
	[sflag:s10] =	ssyncset.done $0x0  }
.Ltmp1:
0x23: {  	[sflag:s10] =	ssyncadd.s32 $0xFFFFC000;
	(pc) =	sbr.rel @p0 .LBB2_1-.Ltmp1, $4  }
0x24: {  	[hbm4b:s12+s2] =	stream.linear.scatter [tilespmem:s9], [sflag:$0x2], $0x4000, $0x38;
	[tilespmem:$0x5400] =	vst v63  }
0x25: {  	_ =	swait.ge [sflag:s7], $0x4000  }
0x26: {  	[sflag:s7] =	ssyncset.done $0x0  }
0x27: {  	[sflag:s7] =	ssyncadd.s32 $0xFFFFC000  }
0x28: {  	_ =	sfence.sel $0x180000  }
0x29: {  	[bflag:$0x0] =	sbarrier.arrive $0xFFFF  }
0x2a: {  	p0 =	sne.s32 s0, $0x0;
	_ =	strace $0x90000047  }
0x2b: {  	s0 =	sadd.s32 @!p0 $0x100000, s1;
	[bflag:$0x2] =	sbarrier.arrive $0xFFFF  }
0x2c: {  	[sflag:s0] =	ssyncadd.tile.s32 @!p0 $0x1;
	_ =	shalt  }
.Lfunc_end2:
_tile_overlayer_lowered:
.L_overlay_start_2:
0x2d: {  	(tag) =	ssettag $0x2  }
0x2e: {  	s0 =	rddreg [dreg:$0x0];
	s2 =	stileid.u32  }
0x2f: {  	s1 =	rddreg [dreg:$0x1];
	p0 =	sne.s32 s2, $0x0  }
0x30: {  	s3 =	rddreg [dreg:$0x2];
	[bflag:$0x3] =	sbarrier.arrive $0xFFFF;
	s2 =	simm.s32 @!p0 $0x1C02  }
0x31: {  	[timem:s3], [sflag:s2] =	dma.local @!p0 [hbm:s0], s1  }
0x32: {  	s0 =	simm.s32 @!p0 $0x2  }
0x33: {  	_ =	swait.ge @!p0 [sflag:s0], s1  }
0x34: {  	s1 =	ssub.s32 @!p0 $0x0, s1;
	[sflag:s0] =	ssyncset.done @!p0 $0x0  }
0x35: {  	[sflag:s0] =	ssyncadd.s32 @!p0 s1  }
0x36: {  	[bflag:$0x3] =	sbarrier.arrive $0xFFFF  }
0x37: {  	_ =	shalt  }

// kernel: scatter_offload_async_start.1
scs
__scs_entry_jumppad:
0x0: {  	(pc) =	sbr.rel $0x88, $3  }
0x1: {  	(tag) =	ssettag $0x0;
	lr =	simm.s32 $0x1  }
0x2: {  	[smem:$0x3F95] =	sst lr;
	_ =	strace $0xD0000000  }
0x3: {  	_ = 	snop  }
0x4: {  	_ = 	snop  }
0x5: {  	_ = 	snop  }
0x6: {  	_ = 	snop  }
0x7: {  	_ = 	snop  }
__scs_overlays_trampoline_lowered:
0x8: {  	[smem:$0x3FA4] =	sst s0  }
0x9: {  	[smem:$0x3FA5] =	sst s1  }
0xa: {  	[smem:$0x3FA6] =	sst s2  }
0xb: {  	[smem:$0x3FA7] =	sst s3  }
0xc: {  	[smem:$0x3FA8] =	sst s4  }
0xd: {  	[smem:$0x3FA9] =	sst s5  }
0xe: {  	[smem:$0x3FAA] =	sst s6  }
0xf: {  	[smem:$0x3FAB] =	sst s7  }
0x10: {  	[smem:$0x3FAC] =	sst s8  }
0x11: {  	[smem:$0x3FAD] =	sst s9;
	s0 =	simm.s32 @!p0 $0x0  }
0x12: {  	s1 =	sld [smem:$0x3F93];
	s0 =	simm.s32 @p0 $0x1  }
0x13: {  	[smem:$0x3FAE] =	sst s0;
	s0 =	simm.s32 @!p1 $0x0  }
0x14: {  	s2 =	sld [smem:$0x3F92];
	s0 =	simm.s32 @p1 $0x1  }
0x15: {  	[smem:$0x3FAF] =	sst s0;
	s0 =	simm.s32 @!p2 $0x0  }
0x16: {  	s3 =	sld [smem:$0x3FDB];
	s0 =	simm.s32 @p2 $0x1  }
0x17: {  	s4 =	simm.s32 $0x1BF5;
	[smem:$0x3FB1] =	sst s0  }
0x18: {  	s0 =	sld [smem:$0x3F94];
	_ =	swait.ge [sflag:s4], $0x0  }
0x19: {  	s7 =	sld [smem:$0x3F95]  }
0x1a: {  	s8 =	sadd.s32 $0xFFFFE003, lr  }
0x1b: {  	s9 =	sadd.s32 $0xFFFFFEF7, lr;
	s5 =	simm.s32 $0xFFFFFFFF;
	p2 =	slt.u32 s8, $0xFFFFF086  }
0x1c: {  	p1 =	slt.u32 s9, $0xF7A;
	s5 =	simm.s32 @!p2 $0x0  }
0x1d: {  	s5 =	simm.s32 @p1 $0x1;
	p0 =	seq.s32 s7, s2  }
0x1e: {  	s7 =	smul.u32 @!p0 $0xF7A, s2;
	p2 =	seq.s32 @!p0 s5, $0x0  }
0x1f: {  	s9 =	smul.u32 $0xF7A, s1;
	s8 =	simm.s32 @!p0 $0x1BF5;
	p2 =	por !p2, p0  }
0x20: {  	[sflag:s8] =	ssyncset.s32 @!p0 $0xFFFFF086;
	s6 =	sadd.s32 @!p0 s3, s7;
	s7 =	simm.s32 @!p0 $0x108  }
0x21: {  	s3 =	sadd.s32 s3, s9;
	s6 =	sadd.s32 @!p0 $0x88, s6;
	s7 =	simm.s32 @p2 $0x1082  }
0x22: {  	[simem:s7], [sflag:s8] =	dma.local @!p0 [hbm:s6], $0xF7A  }
0x23: {  	s9 =	sor.u32 $0xD0000000, s2;
	s6 =	simm.s32 $0x108;
	_ =	swait.ge @!p0 [sflag:s8], $0x0  }
0x24: {  	s3 =	sadd.s32 $0x88, s3;
	s6 =	simm.s32 @!p1 $0x1082;
	[sflag:s4] =	ssyncset.s32 $0xFFFFF086  }
0x25: {  	[simem:s6], [sflag:s4] =	dma.local [hbm:s3], $0xF7A  }
0x26: {  	[smem:$0x3F95] =	sst s1;
	(tag) =	ssettag s2;
	_ =	strace s9  }
0x27: {  	s1 =	sld [smem:$0x3FA5]  }
0x28: {  	s2 =	sld [smem:$0x3FA6]  }
0x29: {  	s4 =	sld [smem:$0x3FA8]  }
0x2a: {  	p0 =	seq.s32 s5, $0x0;
	s5 =	sld [smem:$0x3FA9]  }
0x2b: {  	s6 =	sld [smem:$0x3FAA]  }
0x2c: {  	s7 =	sld [smem:$0x3FAB]  }
0x2d: {  	s3 =	simm.s32 $0x108;
	s8 =	sld [smem:$0x3FAC]  }
0x2e: {  	s3 =	simm.s32 @!p0 $0x1082;
	s9 =	sld [smem:$0x3FAD]  }
0x2f: {  	lr =	sadd.s32 s0, s3;
	s0 =	sld [smem:$0x3FA4]  }
0x30: {  	s3 =	sld [smem:$0x3FA7]  }
0x31: {  	[smem:$0x3FB0] =	sst s10  }
0x32: {  	s10 =	sld [smem:$0x3FAE];
	_ =	sdelay $0x3  }
0x33: {  	p0 =	seq.s32 s10, $0x1;
	s10 =	sld [smem:$0x3FB0];
	_ =	sdelay $0x3  }
0x34: {  	[smem:$0x3FB0] =	sst s10  }
0x35: {  	s10 =	sld [smem:$0x3FAF];
	_ =	sdelay $0x3  }
0x36: {  	p1 =	seq.s32 s10, $0x1;
	s10 =	sld [smem:$0x3FB0];
	_ =	sdelay $0x3  }
0x37: {  	[smem:$0x3FB0] =	sst s10  }
0x38: {  	s10 =	sld [smem:$0x3FB1]  }
0x39: {  	_ = 	snop;
	(pc) =	sbr.ind lr, $3  }
0x3a: {  	_ = 	snop  }
0x3b: {  	_ = 	snop  }
0x3c: {  	p2 =	seq.s32 s10, $0x1;
	s10 =	sld [smem:$0x3FB0]  }
0x3d: {  	_ =	shalt  }
0x3e: {  	_ =	shalt  }
0x3f: {  	_ =	shalt  }
0x40: {  	_ =	shalt  }
0x41: {  	_ =	shalt  }
0x42: {  	_ =	shalt  }
0x43: {  	_ =	shalt  }
0x44: {  	_ =	shalt  }
0x45: {  	_ =	shalt  }
0x46: {  	_ =	shalt  }
0x47: {  	_ =	shalt  }
0x48: {  	_ =	shalt  }
0x49: {  	_ =	shalt  }
0x4a: {  	_ =	shalt  }
0x4b: {  	_ =	shalt  }
0x4c: {  	_ =	shalt  }
0x4d: {  	_ =	shalt  }
0x4e: {  	_ =	shalt  }
0x4f: {  	_ =	shalt  }
0x50: {  	_ =	shalt  }
0x51: {  	_ =	shalt  }
0x52: {  	_ =	shalt  }
0x53: {  	_ =	shalt  }
0x54: {  	_ =	shalt  }
0x55: {  	_ =	shalt  }
0x56: {  	_ =	shalt  }
0x57: {  	_ =	shalt  }
0x58: {  	_ =	shalt  }
0x59: {  	_ =	shalt  }
0x5a: {  	_ =	shalt  }
0x5b: {  	_ =	shalt  }
0x5c: {  	_ =	shalt  }
0x5d: {  	_ =	shalt  }
0x5e: {  	_ =	shalt  }
0x5f: {  	_ =	shalt  }
0x60: {  	_ =	shalt  }
0x61: {  	_ =	shalt  }
0x62: {  	_ =	shalt  }
0x63: {  	_ =	shalt  }
0x64: {  	_ =	shalt  }
0x65: {  	_ =	shalt  }
0x66: {  	_ =	shalt  }
0x67: {  	_ =	shalt  }
0x68: {  	_ =	shalt  }
0x69: {  	_ =	shalt  }
0x6a: {  	_ =	shalt  }
0x6b: {  	_ =	shalt  }
0x6c: {  	_ =	shalt  }
0x6d: {  	_ =	shalt  }
0x6e: {  	_ =	shalt  }
0x6f: {  	_ =	shalt  }
0x70: {  	_ =	shalt  }
0x71: {  	_ =	shalt  }
0x72: {  	_ =	shalt  }
0x73: {  	_ =	shalt  }
0x74: {  	_ =	shalt  }
0x75: {  	_ =	shalt  }
0x76: {  	_ =	shalt  }
0x77: {  	_ =	shalt  }
0x78: {  	_ =	shalt  }
0x79: {  	_ =	shalt  }
0x7a: {  	_ =	shalt  }
0x7b: {  	_ =	shalt  }
0x7c: {  	_ =	shalt  }
0x7d: {  	_ =	shalt  }
0x7e: {  	_ =	shalt  }
0x7f: {  	_ =	shalt  }
0x80: {  	_ =	shalt  }
0x81: {  	_ =	shalt  }
0x82: {  	_ =	shalt  }
0x83: {  	_ =	shalt  }
0x84: {  	_ =	shalt  }
0x85: {  	_ =	shalt  }
0x86: {  	_ =	shalt  }
0x87: {  	_ =	shalt  }
.Lfunc_end0:
.L_simem_size_0:
called_computation.1_lowered:
.L_overlay_start_0:
0x88: {  	s2 =	sld [smem:$0x3FD9]  }
0x89: {  	s3 =	sld [smem:$0x3FFE];
	_ =	sdelay $0x1  }
0x8a: {  	s1 =	srdreg.scid  }
0x8b: {  	s0 =	sand.u32 $0x1, s1  }
0x8c: {  	s17 =	sshll.u32 s0, $0xA;
	s2 =	sadd.s32 s3, s2  }
0x8d: {  	s2 =	sadd.s32 s2, s17  }
0x8e: {  	[smem:$0x3FBC] =	sst s2  }
0x8f: {  	_ = 	snop  }
0x90: {  	(tm) =	ssettm $0x1  }
0x91: {  	s18 =	sld [smem:$0x3FFB];
	_ =	sdelay $0x3  }
0x92: {  	_ =	strace s18  }
0x93: {  	s2 =	sld [smem:$0x3FFC];
	_ =	sdelay $0x3  }
0x94: {  	_ =	strace s2  }
0x95: {  	s2 =	sld [smem:$0x3FFD];
	_ =	sdelay $0x3  }
0x96: {  	_ =	strace s2  }
0x97: {  	_ =	strace $0x8FFFFFFF  }
0x98: {  	s19 =	sld [smem:$0x3FDB];
	_ =	sdelay $0x1  }
0x99: {  	s20 =	simm.s32 $_scs_section_size  }
0x9a: {  	s4 =	simm.s32 $_size__tile_overlayer_lowered;
	s5 =	simm.s32 $_tile_overlayer_lowered  }
0x9b: {  	s6 =	simm.s32 $0x1BFF;
	s21 =	sshll.u32 s5, $0x1;
	s3 =	sadd.s32 s20, s19  }
0x9c: {  	s22 =	simm.s32 $0x0;
	s4 =	sshll.u32 s4, $0x1;
	s5 =	sadd.s32 s21, s3  }
0x9d: {  	[timem:s22], [sflag:s6] =	dma.local [hbm:s5], s4  }
0x9e: {  	_ =	swait.ge [sflag:s6], s4  }
0x9f: {  	s4 =	ssub.s32 $0x0, s4;
	[sflag:s6] =	ssyncset.done $0x0  }
0xa0: {  	[sflag:s6] =	ssyncadd.s32 s4;
	_ =	sdelay $0x1  }
0xa1: {  	s23 =	simm.s32 $0x1B8B  }
0xa2: {  	_ =	swait.ge [sflag:s23], $0x1  }
0xa3: {  	[sflag:s23] =	ssyncset.done $0x0  }
0xa4: {  	[sflag:s23] =	ssyncadd.s32 $0xFFFFFFFF  }
0xa5: {  	s4 =	sld [smem:$0x0]  }
0xa6: {  	s5 =	sand.u32 $0xFFFFFFFE, s1  }
0xa7: {  	p0 =	sne.s32 s1, s5  }
0xa8: {  	s5 =	sshll.u32 @p0 s5, $0xE  }
0xa9: {  	s5 =	sadd.s32 @p0 $0x11B8D, s5;
	s6 =	sshll.u32 @p0 s4, $0x11  }
0xaa: {  	s5 =	sor.u32 @p0 s6, s5  }
0xab: {  	[sflag:s5] =	ssyncadd.remote.s32 @p0 $0x1;
	_ =	sdelay $0x1  }
0xac: {  	s5 =	simm.s32 @p0 $0x1B8D  }
0xad: {  	_ =	swait.eq @p0 [sflag:s5], $0x1  }
0xae: {  	[sflag:s5] =	ssyncadd.s32 @p0 $0xFFFFFFFF  }
0xaf: {  	s6 =	sshll.u32 @!p0 s1, $0xE  }
0xb0: {  	s6 =	sor.u32 @!p0 $0x4000, s6;
	s5 =	simm.s32 @!p0 $0x1B8D  }
0xb1: {  	s7 =	sshll.u32 @!p0 s4, $0x11;
	s6 =	sadd.s32 @!p0 $0x11B8D, s6;
	_ =	swait.eq @!p0 [sflag:s5], $0x1  }
0xb2: {  	[sflag:s5] =	ssyncadd.s32 @!p0 $0xFFFFFFFF;
	s5 =	sor.u32 @!p0 s7, s6  }
0xb3: {  	s25 =	simm.s32 $0x1B8E;
	s24 =	sld [smem:$0x3FFE];
	[sflag:s5] =	ssyncadd.remote.s32 @!p0 $0x1  }
0xb4: {  	s26 =	simm.s32 $execute0_lowered;
	[smem:$0x3FD2] =	sst s25  }
0xb5: {  	s6 =	sshll.u32 s26, $0x1;
	_ =	strace $0x80000052;
	[dreg:$0x1] =	wrdreg $0xFFFFFFFF  }
0xb6: {  	s28 =	simm.s32 $_size_execute0_lowered;
	s3 =	sadd.s32 s3, s6;
	[dreg:$0x0] =	wrdreg $0x0  }
0xb7: {  	s6 =	sshll.u32 s28, $0x1;
	[dreg:$0x2] =	wrdreg s3  }
0xb8: {  	[dreg:$0x3] =	wrdreg s6  }
0xb9: {  	[dreg:$0x4] =	wrdreg $0xC0  }
0xba: {  	_ =	task [dreg:s22], $0x5FFFF  }
0xbb: {  	[dreg:$0x1] =	wrdreg $0xFFFFFFFF  }
0xbc: {  	[dreg:$0x0] =	wrdreg $0x60  }
0xbd: {  	[dreg:$0x2] =	wrdreg s24  }
0xbe: {  	[dreg:$0x3] =	wrdreg s1  }
0xbf: {  	[dreg:$0x4] =	wrdreg s4  }
0xc0: {  	[dreg:$0x5] =	wrdreg $0xA  }
0xc1: {  	_ =	task.clear_ibuf [dreg:s22], $0x6FFFF;
	_ =	strace $0x90000052  }
0xc2: {  	s29 =	simm.s32 $0xA;
	_ =	strace $0x80000054  }
0xc3: {  	_ =	swait.ge [sflag:s29], $0x1  }
0xc4: {  	[sflag:s29] =	ssyncadd.s32 $0xFFFFFFFF  }
0xc5: {  	_ =	strace $0x90000054  }
0xc6: {  	_ =	sfence  }
0xc7: {  	s30 =	sld [smem:$0x0];
	_ =	sdelay $0x2  }
0xc8: {  	s31 =	sshll.u32 s1, $0xD;
	s1 =	sshrl.u32 s1, $0x2  }
0xc9: {  	s4 =	sand.u32 $0x4000, s31;
	s1 =	sadd.s32 s1, s30  }
0xca: {  	s0 =	sor.u32 s4, s0;
	s1 =	sshll.u32 s1, $0x11  }
0xcb: {  	s0 =	sor.u32 s1, s0  }
0xcc: {  	s0 =	sadd.s32 $0x8F2B, s0  }
0xcd: {  	[sflag:s0] =	ssyncadd.remote.s32 $0x1  }
0xce: {  	_ =	sfence.sel $0xFFFF  }
0xcf: {  	[dreg:$0x0] =	wrdreg $0xFFFFFFFF;
	(pc) =	sbr.abs _section_cstart, $3  }
0xd0: {  	[dreg:$0x1] =	wrdreg $0xFFFFFFFF  }
0xd1: {  	_ =	task.clear_ibuf [dreg:s22], $0x2FFFF;
	_ =	strace $0x9FFFFFFF  }
0xd2: {  	(tm) =	ssettm $0x7FFFFFFF  }
0xd3: {  	_ =	shalt  }
tec
execute0_lowered:
.L_overlay_start_1:
0x0: {  	(tag) =	ssettag $0x1  }
0x1: {  	s2 =	rddreg [dreg:$0x0]  }
0x2: {  	s3 =	rddreg [dreg:$0x1];
	_ =	strace $0x80000053;
	s0 =	simm.s32 $0x1  }
0x3: {  	v0 =	vimm.s32 $0x0;
	[sflag:s0] =	ssyncpa.u1 $0x0;
	s0 =	simm.s32 $0x108  }
0x4: {  	[tilespmem:s0+$0x70] =	vst v0  }
0x5: {  	[tilespmem:s0+$0x60] =	vst v0  }
0x6: {  	[tilespmem:s0+$0x50] =	vst v0  }
0x7: {  	[tilespmem:s0+$0x40] =	vst v0  }
0x8: {  	[tilespmem:s0+$0x30] =	vst v0  }
0x9: {  	s1 =	sadd.s32 $0x5200, s2;
	s15 =	sadd.s32 $0x7A800, s2;
	s6 =	sadd.s32 $0x541200, s2;
	[tilespmem:s0+$0x20] =	vst v0  }
0xa: {  	s14 =	sadd.s32 $0x7F800, s2;
	s5 =	sand.u32 $0x1, s3;
	s3 =	simm.s32 $0x40;
	[tilespmem:s0+$0x10] =	vst v0  }
.LBB2_1:
0xb: {  	s3 =	sadd.s32 $0x40, s3;
	[tilespmem:s0+$0x0] =	vst v0;
	s0 =	sadd.s32 $0x80, s0  }
0xc: {  	p0 =	slt.u32 s3, $0x3C40;
	[tilespmem:s0+$0x70] =	vst v0  }
0xd: {  	[tilespmem:s0+$0x60] =	vst v0  }
.Ltmp0:
0xe: {  	[tilespmem:s0+$0x50] =	vst v0;
	(pc) =	sbr.rel @p0 .LBB2_1-.Ltmp0, $4  }
0xf: {  	[tilespmem:s0+$0x40] =	vst v0  }
0x10: {  	[tilespmem:s0+$0x30] =	vst v0  }
0x11: {  	[tilespmem:s0+$0x20] =	vst v0  }
0x12: {  	[tilespmem:s0+$0x10] =	vst v0  }
0x13: {  	s9 =	stileid.u32  }
0x14: {  	s2 =	smul.u32 $0x14, s9  }
0x15: {  	s3 =	smin.u32 s9, $0xE  }
0x16: {  	s2 =	sadd.s32 s3, s2  }
0x17: {  	p0 =	slt.u32 s9, $0xE;
	s7 =	smul.u32 $0xF0, s2;
	s2 =	simm.s32 $0x13B0  }
0x18: {  	s2 =	simm.s32 @!p0 $0x12C0  }
0x19: {  	s2 =	sadd.s32 s2, s7  }
0x1a: {  	s8 =	smin.u32 s2, $0x13880  }
0x1b: {  	s2 =	ssub.s32 s8, s7  }
0x1c: {  	p0 =	sgt.s32 s2, $0x0  }
0x1d: {  	s29 =	simm.s32 $0x2;
	s10 =	simm.s32 $0x9;
	s2 =	simm.s32 @!p0 $0x0  }
0x1e: {  	s4 =	simm.s32 $0xA;
	s11 =	simm.s32 $0xB;
	s28 =	smulhi.u32 $0x88888889, s2  }
0x1f: {  	[dreg:$0x4] =	wrdreg s5;
	s31 =	smul.u32 $0x2710, s5;
	s12 =	simm.s32 $0x1  }
0x20: {  	s22 =	simm.s32 $0x0;
	s18 =	simm.s32 $0xC;
	s30 =	sshrl.u32 s28, $0x7  }
0x21: {  	s20 =	simm.s32 $0x0;
	s21 =	simm.s32 $0x0;
	s3 =	smul.u32 $0xF0, s30  }
.Ltmp1:
0x22: {  	[tilespmem:s0+$0x0] =	vst v0;
	v0 =	vimm.s32 $0xFFFFFFFF;
	[sflag:s29] =	ssyncpa.u1 $0x0;
	s16 =	sshll.u32 s9, $0x8;
	(pc) =	sbr.rel .LBB2_3-.Ltmp1, $4  }
0x23: {  	[tilespmem:$0xF208] =	vst v0;
	[sflag:s10] =	ssyncpa.u1 $0x0;
	p0 =	sne.s32 s2, s3;
	s2 =	simm.s32 $0x1  }
0x24: {  	s14 =	sadd.s32 s31, s14;
	[sflag:s4] =	ssyncpa.u1 $0x0;
	s2 =	simm.s32 @!p0 $0x0  }
0x25: {  	s15 =	sadd.s32 s31, s15;
	[sflag:s11] =	ssyncpa.u1 $0x0;
	s13 =	sadd.s32 s2, s30  }
0x26: {  	v0 =	vlaneseq.u32;
	s19 =	smov.u32 s7;
	p0 =	por $0x0, $0x0;
	s17 =	sadd.s32 $0x1, s13  }
.LBB2_18:
0x27: {  	s0 =	sshrl.u32 s31, $0x2  }
.LBB2_20:
0x28: {  	_ =	swait.ge [sflag:s18], s0  }
0x29: {  	s31 =	ssub.s32 $0x0, s0;
	v1 =	vmov s24;
	vm0 =	veq.s32 v0, $0x0;
	[sflag:s18] =	ssyncset.done $0x0  }
0x2a: {  	vm15 =	veq.s32 v0, $0x2;
	v1 =	vsel vm0, s30, v1;
	[sflag:s18] =	ssyncadd.s32 s31  }
0x2b: {  	v1 =	vsel vm15, s22, v1;
	[sflag:s18] =	ssyncpa.u1 $0x1  }
0x2c: {  	[tilespmem:$0xF208] =	vst v1  }
.LBB2_21:
0x2d: {  	s0 =	sadd.s32 $0xF0, s19  }
0x2e: {  	s2 =	smov.u32 s7;
	p1 =	slt.s32 s0, s8  }
0x2f: {  	s2 =	smov.u32 @p1 s0;
	p1 =	sne.s32 s21, s17  }
.Ltmp2:
0x30: {  	_ = 	snop;
	(pc) =	sbr.rel @!p1 .LBB2_22-.Ltmp2, $3  }
0x31: {  	_ =	sdelay $0x1  }
0x32: {  	s22 =	smov.u32 s20;
	s31 =	sadd.s32 $0x1, s21;
	s20 =	smov.u32 s19  }
0x33: {  	p0 =	por !p0, !p0;
	s21 =	smov.u32 s31;
	s19 =	smov.u32 s2  }
.LBB2_3:
0x34: {  	p1 =	sge.u32 s21, s13  }
0x35: {  	s0 =	smulhi.u32 @!p1 $0xAAAAAAAB, s21  }
0x36: {  	s2 =	smov.u32 s19;
	p2 =	sgt.s32 @!p1 s19, $0x13790  }
0x37: {  	s3 =	sshra.s32 @!p1 s19, $0x1F;
	p2 =	por !p2, p1;
	s0 =	sshrl.u32 @!p1 s0, $0x1  }
0x38: {  	s3 =	sand.u32 @!p1 s3, s19;
	s2 =	simm.s32 @p2 $0x13790;
	s0 =	smul.u32 @!p1 $0x3, s0  }
0x39: {  	s2 =	ssub.s32 @!p1 s2, s3  }
0x3a: {  	s2 =	sadd.s32 @!p1 $0xFFFEC870, s2;
	s0 =	ssub.s32 @!p1 s21, s0  }
0x3b: {  	s3 =	sshll.u32 @!p1 s2, $0x2;
	p2 =	sgt.s32 @!p1 s2, $0xEF;
	s0 =	smul.u32 @!p1 $0x3C0, s0  }
0x3c: {  	s4 =	sand.u32 @!p1 $0x7, s19;
	s2 =	ssub.s32 @!p1 $0x3C0, s3;
	p2 =	por !p2, p1  }
0x3d: {  	s3 =	sshrl.u32 @!p1 s19, $0x3;
	s2 =	sshrl.u32 @!p1 s2, $0x2;
	s0 =	sshrl.u32 @!p1 s0, $0x2  }
0x3e: {  	s3 =	sadd.s32 @!p1 s3, s14;
	s2 =	simm.s32 @!p2 $0x0;
	s0 =	sadd.s32 @!p1 $0x10248, s0  }
0x3f: {  	[tilespmem:s0], [sflag:$0xA] =	stream.linear.gather @!p1 [hbm4b:s3+s4], s2, $0x38;
	[tilespmem:$0x1F6F8] =	vst v63  }
0x40: {  	s0 =	sadd.s32 $0xFFFFFFFF, s21  }
0x41: {  	p1 =	sge.u32 s0, s13  }
0x42: {  	p2 =	sgt.s32 @!p1 s20, $0x13790  }
0x43: {  	s2 =	smov.u32 s20;
	s3 =	sshra.s32 @!p1 s20, $0x1F;
	p2 =	por !p2, p1  }
0x44: {  	s3 =	sand.u32 @!p1 s3, s20;
	s2 =	simm.s32 @p2 $0x13790  }
0x45: {  	s2 =	ssub.s32 @!p1 s2, s3  }
0x46: {  	s2 =	sadd.s32 @!p1 $0xFFFEC870, s2  }
0x47: {  	s4 =	sand.u32 @!p1 $0x1, s0;
	s3 =	sshll.u32 @!p1 s2, $0x2  }
0x48: {  	p2 =	sgt.s32 @!p1 s2, $0xEF;
	s2 =	ssub.s32 @!p1 $0x3C0, s3;
	s3 =	smulhi.u32 @!p1 $0xAAAAAAAB, s0  }
0x49: {  	s23 =	smul.u32 @!p1 $0x3C0, s4;
	p2 =	por !p2, p1;
	s2 =	sshrl.u32 @!p1 s2, $0x2  }
0x4a: {  	s5 =	simm.s32 @!p1 $0xA;
	s2 =	simm.s32 @!p2 $0x0;
	s3 =	sshrl.u32 @!p1 s3, $0x1  }
0x4b: {  	s23 =	sshrl.u32 @!p1 s23, $0x2;
	_ =	swait.ge @!p1 [sflag:s5], s2;
	s3 =	smul.u32 @!p1 $0x3, s3  }
0x4c: {  	s23 =	sadd.s32 @!p1 $0x10518, s23;
	s24 =	ssub.s32 @!p1 $0x0, s2;
	[sflag:s5] =	ssyncset.done @!p1 $0x0  }
0x4d: {  	[sflag:s5] =	ssyncadd.s32 @!p1 s24;
	s5 =	sshrl.u32 @!p1 s20, $0x3;
	s0 =	ssub.s32 @!p1 s0, s3  }
0x4e: {  	s24 =	sand.u32 @!p1 $0x7, s20;
	s5 =	sadd.s32 @!p1 s5, s15;
	s0 =	smul.u32 @!p1 $0x3C0, s0  }
0x4f: {  	[tilespmem:s23], [sflag:$0xB] =	stream.linear.gather @!p1 [hbm4b:s5+s24], s2, $0x38;
	[tilespmem:$0x1F6F8] =	vst v63  }
0x50: {  	s3 =	ssub.s32 @!p1 $0x13880, s20;
	s2 =	smul.u32 @!p1 $0x1E000, s4  }
0x51: {  	p2 =	slt.s32 @!p1 s3, $0xF0  }
0x52: {  	p2 =	por !p2, p1;
	s0 =	sshrl.u32 @!p1 s0, $0x2;
	s2 =	sshrl.u32 @!p1 s2, $0x2  }
0x53: {  	s3 =	simm.s32 @p2 $0xF0;
	s0 =	sadd.s32 @!p1 $0x10248, s0;
	s2 =	sor.u32 @!p1 $0x106F8, s2  }
0x54: {  	[tilespmem:s2], [sflag:$0x9] =	stream.indirect.gather @!p1 [hbm4b:s6+s3], $0x80, s0, s3, $0xb8;
	[tilespmem:$0x1F6F8] =	vst v63  }
0x55: {  	p1 =	slt.u32 s21, $0x2  }
.Ltmp3:
0x56: {  	_ = 	snop;
	(pc) =	sbr.rel @p1 .LBB2_21-.Ltmp3, $1  }
0x57: {  	_ =	sdelay $0x3  }
0x58: {  	p1 =	sgt.s32 s22, $0x13790  }
0x59: {  	s0 =	smov.u32 s22;
	s2 =	sshra.s32 s22, $0x1F;
	s3 =	ssub.s32 $0x13880, s22  }
0x5a: {  	s0 =	simm.s32 @!p1 $0x13790;
	s2 =	sand.u32 s2, s22;
	p1 =	slt.s32 s3, $0xF0  }
0x5b: {  	s0 =	ssub.s32 s0, s2;
	s3 =	simm.s32 @!p1 $0xF0  }
0x5c: {  	s0 =	sadd.s32 $0xFFFEC870, s0;
	s25 =	sshll.u32 s3, $0x7  }
0x5d: {  	s26 =	sshll.u32 s0, $0x2;
	s2 =	sand.u32 $0x3FFFFF80, s25  }
0x5e: {  	p1 =	sgt.s32 s0, $0xEF;
	s29 =	ssub.s32 $0x3C0, s26;
	_ =	swait.ge [sflag:s10], s2  }
0x5f: {  	s2 =	ssub.s32 $0x0, s2;
	[sflag:s10] =	ssyncset.done $0x0;
	s0 =	sshrl.u32 s29, $0x2  }
0x60: {  	[sflag:s10] =	ssyncadd.s32 s2;
	s0 =	simm.s32 @p1 $0x0  }
0x61: {  	_ =	swait.ge [sflag:s11], s0  }
0x62: {  	s0 =	ssub.s32 $0x0, s0;
	[sflag:s11] =	ssyncset.done $0x0  }
0x63: {  	[sflag:s11] =	ssyncadd.s32 s0  }
0x64: {  	v1 =	vld [tilespmem:$0xF208];
	_ =	sdelay $0x4  }
0x65: {  	(v2sf) =	vpush v1, $0x0  }
0x66: {  	(v2sf) =	vpush v1, $0x1  }
0x67: {  	(v2sf) =	vpush v1, $0x2;
	_ =	sdelay $0x3  }
0x68: {  	s0 =	sadd.s32 $0xF0, s22  }
0x69: {  	s2 =	ssub.s32 $0x27100, s22;
	p1 =	slt.s32 s8, s0  }
0x6a: {  	s0 =	smov.u32 @p1 s8;
	p1 =	sgt.s32 s2, $0x0  }
0x6b: {  	s26 =	ssub.s32 s0, s22;
	s2 =	simm.s32 @!p1 $0x0  }
0x6c: {  	p1 =	slt.s32 s2, s26  }
0x6d: {  	s26 =	smov.u32 @p1 s2  }
0x6e: {  	s25 =	simm.s32 $0x1;
	p1 =	slt.s32 s26, $0x1  }
.Ltmp4:
0x6f: {  	s25 =	simm.s32 @!p0 $0x0;
	(pc) =	sbr.rel @p1 .LBB2_8-.Ltmp4, $4  }
0x70: {  	s31 =	smul.u32 $0x3C0, s25  }
0x71: {  	s28 =	spop (v2sf)  }
0x72: {  	s0 =	sshrl.u32 s31, $0x2;
	s30 =	spop (v2sf)  }
0x73: {  	s23 =	sadd.s32 $0x10518, s0;
	s22 =	spop (v2sf)  }
0x74: {  	s0 =	smin.u32 s26, $0x10  }
0x75: {  	v1 =	vmov s0  }
0x76: {  	p2 =	sgt.s32 s26, $0x10;
	vm1 =	vgt.u32 v1, v0  }
.Ltmp5:
0x77: {  	_ = 	snop;
	(pc) =	sbr.rel @!p2 .LBB2_7-.Ltmp5, $2  }
0x78: {  	_ =	sdelay $0x2  }
0x79: {  	s4 =	simm.s32 $0x10;
	s24 =	sadd.s32 $0xFFFFFFF0, s26;
	s0 =	smov.u32 s23;
	vm0 =	vmmov vm1  }
.LBB2_6:
0x7a: {  	s2 =	smin.u32 s24, $0x10;
	s4 =	sadd.s32 $0x10, s4;
	v1 =	vld.msk [tilespmem:s0+$0x0 ss:$0x1], vm1  }
0x7b: {  	v2 =	vmov s2;
	p2 =	slt.s32 s4, s26  }
0x7c: {  	vm1 =	vgt.u32 v2, v0  }
.Ltmp6:
0x7d: {  	(pc) =	sbr.rel @p2 .LBB2_6-.Ltmp6, $3  }
0x7e: {  	_ =	sdelay $0x1  }
0x7f: {  	v1 =	vshll.u32 v1, $0x4  }
0x80: {  	s24 =	sadd.s32 $0xFFFFFFF0, s24;
	[tilespmem:s0+$0x0] =	vst.msk vm0, v1;
	s0 =	sadd.s32 $0x10, s0;
	vm0 =	vmmov vm1  }
.LBB2_7:
0x81: {  	_ =	sdelay $0x4  }
0x82: {  	v1 =	vld.msk [tilespmem:s0+$0x0 ss:$0x1], vm1;
	_ =	sdelay $0x4  }
0x83: {  	v1 =	vshll.u32 v1, $0x4  }
0x84: {  	[tilespmem:s0+$0x0] =	vst.msk vm0, v1  }
.LBB2_8:
0x85: {  	s0 =	sand.u32 $0x1, s21  }
0x86: {  	s0 =	smul.u32 $0xF0, s0  }
0x87: {  	p2 =	sne.s32 s30, $0xFFFFFFFF  }
0x88: {  	v1 =	vld.msk @!p2 [tilespmem:s0+$0x10518], $0x1;
	_ =	sdelay $0x4  }
0x89: {  	(v2sf) =	vpush @!p2 v1, $0x0;
	_ =	sdelay $0xc  }
.Ltmp7:
0x8a: {  	_ = 	snop;
	(pc) =	sbr.rel @p1 .LBB2_19-.Ltmp7, $4  }
0x8b: {  	_ = 	snop  }
0x8c: {  	s29 =	spop @!p2 (v2sf)  }
0x8d: {  	s22 =	simm.s32 @!p2 $0x0;
	s24 =	smov.u32 s29  }
0x8e: {  	[sflag:s18] =	ssyncpa.u1 $0x0;
	s29 =	smov.u32 @p2 s28;
	s24 =	smov.u32 @p2 s30  }
0x8f: {  	v1 =	vld.msk [tilespmem:s23+$0x0], $0x1;
	_ =	sdelay $0x4  }
0x90: {  	(v2sf) =	vpush v1, $0x0;
	_ =	sdelay $0xe  }
0x91: {  	s2 =	smul.u32 $0x1E000, s25;
	s0 =	spop (v2sf)  }
0x92: {  	s26 =	ssub.s32 $0x0, s26;
	p1 =	seq.s32 s29, s0  }
0x93: {  	s30 =	sadd.s32 $0x1, s26;
	s2 =	sshrl.u32 s2, $0x2;
	p2 =	sgt.s32 @!p1 s29, $0x0  }
0x94: {  	s25 =	sor.u32 $0x10738, s2;
	s2 =	smov.u32 s29;
	p2 =	por !p2, p1  }
0x95: {  	s2 =	simm.s32 @p2 $0x0;
	p2 =	seq.s32 s30, $0x0  }
.Ltmp8:
0x96: {  	_ = 	snop;
	(pc) =	sbr.rel @p2 .LBB2_11-.Ltmp8, $4  }
0x97: {  	_ = 	snop  }
0x98: {  	s28 =	simm.s32 $0x0;
	s31 =	sadd.s32 $0x1, s23;
	s2 =	smin.u32 @!p1 s2, $0x270F0  }
0x99: {  	s4 =	simm.s32 @!p1 $0x1;
	s5 =	simm.s32 @!p1 $0x7988;
	s3 =	sand.u32 @!p1 $0x3FFF8, s2  }
0x9a: {  	s4 =	smov.u32 @p1 s28;
	s2 =	sand.u32 @!p1 $0x7, s2;
	s3 =	sadd.s32 @!p1 s1, s3  }
.LBB2_10:
0x9b: {  	s9 =	smov.u32 s4  }
0x9c: {  	[tilespmem:s5], [sflag:$0x2] =	stream.linear.gather @!p1 [hbm4b:s3+s2], $0x80, $0x38;
	[tilespmem:$0x1F6F8] =	vst v63  }
0x9d: {  	s30 =	sadd.s32 $0x1, s30;
	s2 =	smov.u32 s0;
	v1 =	vld.msk [tilespmem:s31+$0x0], $0x1  }
0x9e: {  	p2 =	seq.s32 s30, $0x0;
	_ =	sdelay $0x3  }
0x9f: {  	(v2sf) =	vpush v1, $0x0;
	_ =	sdelay $0xe  }
0xa0: {  	s0 =	spop (v2sf)  }
0xa1: {  	p1 =	seq.s32 s2, s0  }
0xa2: {  	p3 =	sgt.s32 @!p1 s2, $0x0;
	s3 =	sshll.u32 @!p1 s4, $0x9;
	s4 =	sadd.s32 @!p1 $0x1, s4  }
.Ltmp9:
0xa3: {  	p3 =	por !p3, p1;
	s3 =	sshra.s32 @!p1 s3, $0x2;
	(pc) =	sbr.rel @!p2 .LBB2_10-.Ltmp9, $4  }
0xa4: {  	s4 =	smov.u32 @p1 s9;
	s2 =	simm.s32 @p3 $0x0;
	s5 =	sadd.s32 @!p1 $0x7988, s3  }
0xa5: {  	s2 =	smin.u32 @!p1 s2, $0x270F0  }
0xa6: {  	s3 =	sand.u32 @!p1 $0x3FFF8, s2;
	s2 =	sand.u32 @!p1 $0x7, s2  }
0xa7: {  	s31 =	sadd.s32 $0x1, s31;
	s3 =	sadd.s32 @!p1 s1, s3  }
.LBB2_11:
0xa8: {  	[tilespmem:s5], [sflag:$0x2] =	stream.linear.gather @!p1 [hbm4b:s3+s2], $0x80, $0x38;
	[tilespmem:$0x1F6F8] =	vst v63  }
.Ltmp10:
0xa9: {  	s0 =	sshll.u32 s4, $0x7;
	(pc) =	sbr.rel .LBB2_12-.Ltmp10, $4  }
0xaa: {  	s30 =	simm.s32 $0x2;
	s0 =	sand.u32 $0x3FFFFF80, s0  }
0xab: {  	_ =	swait.ge [sflag:s30], s0  }
0xac: {  	s0 =	ssub.s32 $0x0, s0;
	[sflag:s30] =	ssyncset.done $0x0  }
0xad: {  	s31 =	simm.s32 $0x0;
	[sflag:s30] =	ssyncadd.s32 s0  }
.LBB2_13:
0xae: {  	v1 =	vld [tilespmem:s25+$0xFFFFFFC0];
	_ =	sdelay $0x3  }
0xaf: {  	s0 =	sshra.s32 s0, $0x2  }
0xb0: {  	[tilespmem:s0+$0x108] =	vst.add.f32.msk $0xffff, v1  }
0xb1: {  	v1 =	vld [tilespmem:s25+$0xFFFFFFD0];
	_ =	sdelay $0x4  }
0xb2: {  	[tilespmem:s0+$0x118] =	vst.add.f32.msk $0xffff, v1  }
0xb3: {  	v1 =	vld [tilespmem:s25+$0xFFFFFFE0];
	_ =	sdelay $0x4  }
0xb4: {  	[tilespmem:s0+$0x128] =	vst.add.f32.msk $0xffff, v1  }
0xb5: {  	v1 =	vld [tilespmem:s25+$0xFFFFFFF0];
	_ =	sdelay $0x4  }
0xb6: {  	[tilespmem:s0+$0x138] =	vst.add.f32.msk $0xffff, v1  }
0xb7: {  	v1 =	vld [tilespmem:s25+$0x0];
	_ =	sdelay $0x4  }
0xb8: {  	[tilespmem:s0+$0x148] =	vst.add.f32.msk $0xffff, v1  }
0xb9: {  	v1 =	vld [tilespmem:s25+$0x10];
	_ =	sdelay $0x4  }
0xba: {  	[tilespmem:s0+$0x158] =	vst.add.f32.msk $0xffff, v1  }
0xbb: {  	v1 =	vld [tilespmem:s25+$0x20];
	_ =	sdelay $0x4  }
0xbc: {  	[tilespmem:s0+$0x168] =	vst.add.f32.msk $0xffff, v1  }
0xbd: {  	v1 =	vld [tilespmem:s25+$0x30];
	_ =	sdelay $0x4  }
0xbe: {  	[tilespmem:s0+$0x178] =	vst.add.f32.msk $0xffff, v1  }
.LBB2_17:
0xbf: {  	s26 =	sadd.s32 $0x1, s26  }
0xc0: {  	p1 =	seq.s32 s26, $0x0  }
.Ltmp11:
0xc1: {  	_ = 	snop;
	(pc) =	sbr.rel @p1 .LBB2_18-.Ltmp11, $2  }
0xc2: {  	_ =	sdelay $0x2  }
0xc3: {  	s23 =	sadd.s32 $0x1, s23;
	s25 =	sadd.s32 $0x80, s25;
	s29 =	smov.u32 s30  }
.LBB2_12:
0xc4: {  	v1 =	vld.msk [tilespmem:s23+$0x0], $0x1;
	_ =	sdelay $0x4  }
0xc5: {  	(v2sf) =	vpush v1, $0x0;
	_ =	sdelay $0xe  }
0xc6: {  	s30 =	spop (v2sf)  }
0xc7: {  	p1 =	sne.s32 s29, s30  }
.Ltmp12:
0xc8: {  	_ = 	snop;
	(pc) =	sbr.rel @!p1 .LBB2_13-.Ltmp12, $2  }
0xc9: {  	_ =	sdelay $0x2  }
0xca: {  	s0 =	sshll.u32 s22, $0x9  }
0xcb: {  	p1 =	seq.s32 s29, s24  }
.Ltmp13:
0xcc: {  	_ = 	snop;
	(pc) =	sbr.rel @!p1 .LBB2_15-.Ltmp13, $1  }
0xcd: {  	_ =	sdelay $0x3  }
0xce: {  	s0 =	sshra.s32 s0, $0x2  }
.Ltmp14:
0xcf: {  	s0 =	sadd.s32 $0x108, s0;
	(pc) =	sbr.rel .LBB2_16-.Ltmp14, $4  }
0xd0: {  	[spmem:s16] =	stream.linear.scatter [tilespmem:s0], [sflag:$0x1], $0x80, $0x38;
	[tilespmem:$0x1F6F8] =	vst v63  }
0xd1: {  	_ =	swait.ge [sflag:s12], $0x80  }
0xd2: {  	[sflag:s12] =	ssyncset.done $0x0  }
0xd3: {  	[sflag:s12] =	ssyncadd.s32 $0xFFFFFF80  }
.LBB2_15:
0xd4: {  	s2 =	sshll.u32 s28, $0x9  }
0xd5: {  	s2 =	sshra.s32 s2, $0x2  }
0xd6: {  	v1 =	vld [tilespmem:s2+$0x7988];
	_ =	sdelay $0x3  }
0xd7: {  	s0 =	sshra.s32 s0, $0x2  }
0xd8: {  	[tilespmem:s0+$0x108] =	vst.add.f32.msk $0xffff, v1  }
0xd9: {  	v1 =	vld [tilespmem:s2+$0x7998];
	_ =	sdelay $0x4  }
0xda: {  	[tilespmem:s0+$0x118] =	vst.add.f32.msk $0xffff, v1  }
0xdb: {  	v1 =	vld [tilespmem:s2+$0x79A8];
	_ =	sdelay $0x4  }
0xdc: {  	[tilespmem:s0+$0x128] =	vst.add.f32.msk $0xffff, v1  }
0xdd: {  	v1 =	vld [tilespmem:s2+$0x79B8];
	_ =	sdelay $0x4  }
0xde: {  	[tilespmem:s0+$0x138] =	vst.add.f32.msk $0xffff, v1  }
0xdf: {  	v1 =	vld [tilespmem:s2+$0x79C8];
	_ =	sdelay $0x4  }
0xe0: {  	[tilespmem:s0+$0x148] =	vst.add.f32.msk $0xffff, v1  }
0xe1: {  	v1 =	vld [tilespmem:s2+$0x79D8];
	_ =	sdelay $0x4  }
0xe2: {  	[tilespmem:s0+$0x158] =	vst.add.f32.msk $0xffff, v1  }
0xe3: {  	v1 =	vld [tilespmem:s2+$0x79E8];
	_ =	sdelay $0x4  }
0xe4: {  	[tilespmem:s0+$0x168] =	vst.add.f32.msk $0xffff, v1  }
0xe5: {  	v1 =	vld [tilespmem:s2+$0x79F8];
	_ =	sdelay $0x2  }
0xe6: {  	p1 =	sgt.u32 s29, $0x270F0  }
0xe7: {  	s2 =	sand.u32 @!p1 $0x3FFF8, s29  }
0xe8: {  	s3 =	sadd.s32 $0x108, s0;
	[tilespmem:s0+$0x178] =	vst.add.f32.msk $0xffff, v1;
	s0 =	sadd.s32 @!p1 s1, s2;
	s2 =	sand.u32 @!p1 $0x7, s29  }
0xe9: {  	[hbm4b:s0+s2] =	stream.linear.scatter @!p1 [tilespmem:s3], [sflag:$0xC], $0x80, $0x38;
	[tilespmem:$0x1F6F8] =	vst v63  }
0xea: {  	s0 =	simm.s32 $0x0  }
0xeb: {  	s0 =	simm.s32 @!p1 $0x200  }
0xec: {  	s31 =	sadd.s32 s0, s31  }
.LBB2_16:
0xed: {  	s0 =	sadd.s32 $0x1, s22  }
0xee: {  	s2 =	smulhi.u32 $0x88888889, s0;
	_ =	sdelay $0x1  }
0xef: {  	v1 =	vld [tilespmem:s25+$0xFFFFFFC0];
	s2 =	sshrl.u32 s2, $0x7  }
0xf0: {  	s2 =	smul.u32 $0xF0, s2;
	_ =	sdelay $0x1  }
0xf1: {  	s22 =	ssub.s32 s0, s2  }
0xf2: {  	s0 =	sshll.u32 s22, $0x7  }
0xf3: {  	[tilespmem:s0+$0x108] =	vst v1  }
0xf4: {  	v1 =	vld [tilespmem:s25+$0xFFFFFFD0];
	_ =	sdelay $0x4  }
0xf5: {  	[tilespmem:s0+$0x118] =	vst v1  }
0xf6: {  	v1 =	vld [tilespmem:s25+$0xFFFFFFE0];
	_ =	sdelay $0x4  }
0xf7: {  	[tilespmem:s0+$0x128] =	vst v1  }
0xf8: {  	v1 =	vld [tilespmem:s25+$0xFFFFFFF0];
	_ =	sdelay $0x4  }
0xf9: {  	[tilespmem:s0+$0x138] =	vst v1  }
0xfa: {  	v1 =	vld [tilespmem:s25+$0x0];
	_ =	sdelay $0x4  }
0xfb: {  	[tilespmem:s0+$0x148] =	vst v1  }
0xfc: {  	v1 =	vld [tilespmem:s25+$0x10];
	_ =	sdelay $0x4  }
0xfd: {  	[tilespmem:s0+$0x158] =	vst v1  }
0xfe: {  	v1 =	vld [tilespmem:s25+$0x20];
	_ =	sdelay $0x4  }
0xff: {  	[tilespmem:s0+$0x168] =	vst v1  }
0x100: {  	v1 =	vld [tilespmem:s25+$0x30]  }
.Ltmp15:
0x101: {  	_ = 	snop;
	(pc) =	sbr.rel .LBB2_17-.Ltmp15, $2  }
0x102: {  	_ =	sdelay $0x2  }
0x103: {  	s28 =	sadd.s32 $0x1, s28;
	[tilespmem:s0+$0x178] =	vst v1  }
.LBB2_19:
.Ltmp16:
0x104: {  	(pc) =	sbr.rel .LBB2_20-.Ltmp16, $4  }
0x105: {  	_ = 	snop  }
0x106: {  	s0 =	simm.s32 $0x2  }
0x107: {  	_ =	swait.ge [sflag:s0], $0x0  }
0x108: {  	s30 =	smov.u32 s29;
	[sflag:s0] =	ssyncset.done $0x0;
	s0 =	simm.s32 $0x0  }
.LBB2_22:
0x109: {  	_ =	sfence.sel $0x180000  }
0x10a: {  	s0 =	simm.s32 $0x9;
	[bflag:$0x0] =	sbarrier.arrive $0xFFFF  }
0x10b: {  	s24 =	simm.s32 $0xA;
	[sflag:s0] =	ssyncpa.u1 $0x1  }
0x10c: {  	s25 =	simm.s32 $0xB;
	[sflag:s24] =	ssyncpa.u1 $0x1  }
0x10d: {  	s26 =	simm.s32 $0x2;
	[sflag:s25] =	ssyncpa.u1 $0x1  }
0x10e: {  	[sflag:s26] =	ssyncpa.u1 $0x1  }
0x10f: {  	v0 =	vld [tilespmem:$0xF208];
	_ =	sdelay $0x4  }
0x110: {  	(v2sf) =	vpush v0, $0x0  }
0x111: {  	(v2sf) =	vpush v0, $0x1;
	_ =	sdelay $0x1  }
0x112: {  	(v2sf) =	vpush v0, $0x2;
	_ =	sdelay $0xb  }
0x113: {  	s0 =	spop (v2sf)  }
0x114: {  	s2 =	spop (v2sf)  }
0x115: {  	s3 =	smov.u32 s0;
	p0 =	sne.s32 s0, s2  }
0x116: {  	s4 =	spop (v2sf);
	s3 =	simm.s32 @!p0 $0xFFFFFFFF  }
0x117: {  	v2 =	vimm.s32 $0x1;
	v3 =	vlaneseq.u32;
	p0 =	seq.s32 s4, $0xFFFFFFFF;
	v1 =	vmov s3  }
0x118: {  	s16 =	stileid.u32;
	v0 =	vperm.xlane v0, v2;
	p1 =	sne.s32 @!p0 s0, s2;
	v1 =	vperm.xlane v1, v3  }
0x119: {  	vm0 =	vcmask $0x3F04;
	s6 =	simm.s32 $0xF208;
	s0 =	simm.s32 @!p0 $0x1;
	p1 =	por !p1, p0  }
0x11a: {  	s3 =	sshll.u32 s16, $0x1;
	s2 =	sshll.u32 @!p0 s4, $0x9;
	s0 =	simm.s32 @p1 $0x0;
	v0 =	vsel vm0, v1, v0  }
0x11b: {  	s5 =	sor.u32 $0x1000, s3;
	s2 =	sshra.s32 @!p0 s2, $0x2;
	s0 =	sor.u32 @!p0 s0, s3;
	[tilespmem:$0xF208] =	vst v0  }
0x11c: {  	[spmem:s5] =	stream.linear.scatter [tilespmem:s6], [sflag:$0x1], $0x2, $0x38;
	[tilespmem:$0x1F6F8] =	vst v63  }
0x11d: {  	s2 =	sadd.s32 @!p0 $0x108, s2;
	s0 =	sshll.u32 @!p0 s0, $0x7  }
0x11e: {  	[spmem:s0] =	stream.linear.scatter @!p0 [tilespmem:s2], [sflag:$0x1], $0x80, $0x38;
	[tilespmem:$0x1F6F8] =	vst v63  }
0x11f: {  	s0 =	simm.s32 @!p0 $0x82  }
0x120: {  	s28 =	simm.s32 $0x1;
	s0 =	simm.s32 @p0 $0x2  }
0x121: {  	_ =	swait.ge [sflag:s28], s0  }
0x122: {  	s0 =	ssub.s32 $0x0, s0;
	[sflag:s28] =	ssyncset.done $0x0  }
0x123: {  	p0 =	sne.s32 s16, $0x0;
	[sflag:s28] =	ssyncadd.s32 s0  }
.Ltmp17:
0x124: {  	_ =	sfence.stream.spmem;
	(pc) =	sbr.rel @p0 .LBB2_39-.Ltmp17, $4  }
0x125: {  	s29 =	simm.s32 $0x3;
	[bflag:$0x0] =	sbarrier.arrive $0xFFFF  }
0x126: {  	s30 =	simm.s32 $0x4;
	[sflag:s29] =	ssyncpa.u1 $0x1  }
0x127: {  	s31 =	simm.s32 $0x3C;
	[sflag:s30] =	ssyncpa.u1 $0x1  }
0x128: {  	s15 =	rddreg [dreg:$0x4];
	[sflag:s31] =	ssyncpa.u1 $0x1  }
0x129: {  	_ =	sfence.stream.spmem;
	s0 =	simm.s32 $0x5  }
0x12a: {  	s2 =	simm.s32 $0x1000;
	s3 =	simm.s32 $0xF218;
	[sflag:s0] =	ssyncpa.u1 $0x0  }
0x12b: {  	[tilespmem:s3], [sflag:$0x5] =	stream.linear.gather [spmem:s2], $0x20, $0x38;
	[tilespmem:$0x1F6F8] =	vst v63  }
0x12c: {  	s26 =	simm.s32 $0x0;
	s28 =	simm.s32 $0xF238  }
0x12d: {  	[tilespmem:s28], [sflag:$0x5] =	stream.linear.gather [spmem:s26], $0x1000, $0x38;
	[tilespmem:$0x1F6F8] =	vst v63  }
0x12e: {  	_ =	swait.ge [sflag:s0], $0x1020  }
0x12f: {  	[sflag:s0] =	ssyncset.done $0x0  }
0x130: {  	s29 =	simm.s32 $0x0;
	[sflag:s0] =	ssyncadd.s32 $0xFFFFEFE0  }
0x131: {  	v0 =	vld.msk [tilespmem:s29+$0xF218], $0x1;
	_ =	sdelay $0x1  }
0x132: {  	s30 =	simm.s32 $0x1  }
0x133: {  	v1 =	vld.msk [tilespmem:s30+$0xF218], $0x1;
	_ =	sdelay $0x1  }
0x134: {  	(v2sf) =	vpush v0, $0x0;
	_ =	sdelay $0x2  }
0x135: {  	(v2sf) =	vpush v1, $0x0;
	_ =	sdelay $0x2  }
0x136: {  	s31 =	simm.s32 $0x2  }
0x137: {  	v0 =	vld.msk [tilespmem:s31+$0xF218], $0x1;
	_ =	sdelay $0x2  }
0x138: {  	s4 =	simm.s32 $0xFFFFFFFF;
	s5 =	simm.s32 $0xFFFFFFFF;
	s0 =	simm.s32 $0xC  }
.LBB2_24:
0x139: {  	s2 =	smov.u32 s5;
	s3 =	smov.u32 s4  }
0x13a: {  	s4 =	sshra.s32 s0, $0x2;
	p1 =	sne.s32 s0, $0x7C;
	s0 =	sadd.s32 $0x4, s0;
	(v2sf) =	vpush v0, $0x0  }
0x13b: {  	v0 =	vld.msk [tilespmem:s4+$0xF218], $0x1  }
.Ltmp18:
0x13c: {  	(pc) =	sbr.rel @p1 .LBB2_24-.Ltmp18, $4  }
0x13d: {  	s5 =	spop (v2sf)  }
0x13e: {  	p2 =	sne.s32 s3, $0xFFFFFFFF;
	s4 =	smov.u32 s5  }
0x13f: {  	p3 =	seq.s32 s5, $0xFFFFFFFF;
	s4 =	smov.u32 @p2 s3  }
0x140: {  	s5 =	smov.u32 @p3 s2;
	s4 =	smov.u32 @p3 s3  }
0x141: {  	(v2sf) =	vpush v0, $0x0;
	_ =	sdelay $0x8  }
0x142: {  	s0 =	spop (v2sf)  }
0x143: {  	p1 =	sne.s32 s4, $0xFFFFFFFF;
	s2 =	smov.u32 s0  }
0x144: {  	s9 =	simm.s32 $0x6;
	p2 =	seq.s32 s0, $0xFFFFFFFF;
	s2 =	smov.u32 @p1 s4  }
0x145: {  	s6 =	simm.s32 $0x0;
	s2 =	smov.u32 @p2 s4;
	s3 =	spop (v2sf)  }
0x146: {  	s0 =	smov.u32 @p2 s5;
	p1 =	sne.s32 s2, $0xFFFFFFFF;
	s4 =	smov.u32 s3  }
.Ltmp19:
0x147: {  	p2 =	seq.s32 s3, $0xFFFFFFFF;
	s4 =	smov.u32 @p1 s2;
	(pc) =	sbr.rel .LBB2_26-.Ltmp19, $4  }
0x148: {  	s10 =	simm.s32 $0xF188;
	s4 =	smov.u32 @p2 s2;
	s7 =	spop (v2sf)  }
0x149: {  	s11 =	simm.s32 $0x0;
	p1 =	sne.s32 s4, $0xFFFFFFFF;
	s8 =	smov.u32 s7  }
0x14a: {  	s3 =	smov.u32 @p2 s0;
	p2 =	seq.s32 s7, $0xFFFFFFFF;
	s8 =	smov.u32 @p1 s4  }
0x14b: {  	[sflag:s9] =	ssyncpa.u1 $0x0;
	s7 =	smov.u32 @p2 s3;
	s8 =	smov.u32 @p2 s4  }
.LBB2_32:
0x14c: {  	p1 =	sgt.u32 s12, $0x270F0  }
0x14d: {  	p2 =	seq.s32 @!p1 s12, s8  }
0x14e: {  	p1 =	por p1, p2  }
0x14f: {  	p2 =	sne.s32 @!p1 s12, s7  }
0x150: {  	p1 =	por p1, !p2  }
0x151: {  	s0 =	sshll.u32 @p1 s11, $0x9  }
0x152: {  	s0 =	sand.u32 @!p1 $0x3FFF8, s12  }
0x153: {  	s2 =	sand.u32 @!p1 $0x7, s12;
	s0 =	sadd.s32 @!p1 s1, s0  }
0x154: {  	[tilespmem:s10], [sflag:$0x6] =	stream.linear.gather @!p1 [hbm4b:s0+s2], $0x80, $0x38;
	[tilespmem:$0x1F6F8] =	vst v63  }
0x155: {  	_ =	swait.ge @!p1 [sflag:s9], $0x80  }
0x156: {  	[sflag:s9] =	ssyncset.done @!p1 $0x0  }
0x157: {  	[sflag:s9] =	ssyncadd.s32 @!p1 $0xFFFFFF80  }
0x158: {  	v1 =	vld @!p1 [tilespmem:$0xF188];
	_ =	sdelay $0x2  }
0x159: {  	s0 =	sshll.u32 @!p1 s11, $0x9  }
0x15a: {  	s2 =	sshrl.u32 @!p1 s0, $0x2  }
0x15b: {  	[tilespmem:s2+$0xF238] =	vst.add.f32.msk @!p1 $0xffff, v1  }
0x15c: {  	v1 =	vld @!p1 [tilespmem:$0xF198];
	_ =	sdelay $0x4  }
0x15d: {  	[tilespmem:s2+$0xF248] =	vst.add.f32.msk @!p1 $0xffff, v1  }
0x15e: {  	v1 =	vld @!p1 [tilespmem:$0xF1A8];
	_ =	sdelay $0x4  }
0x15f: {  	[tilespmem:s2+$0xF258] =	vst.add.f32.msk @!p1 $0xffff, v1  }
0x160: {  	v1 =	vld @!p1 [tilespmem:$0xF1B8];
	_ =	sdelay $0x4  }
0x161: {  	[tilespmem:s2+$0xF268] =	vst.add.f32.msk @!p1 $0xffff, v1  }
0x162: {  	v1 =	vld @!p1 [tilespmem:$0xF1C8];
	_ =	sdelay $0x4  }
0x163: {  	[tilespmem:s2+$0xF278] =	vst.add.f32.msk @!p1 $0xffff, v1  }
0x164: {  	v1 =	vld @!p1 [tilespmem:$0xF1D8];
	_ =	sdelay $0x4  }
0x165: {  	[tilespmem:s2+$0xF288] =	vst.add.f32.msk @!p1 $0xffff, v1  }
0x166: {  	v1 =	vld @!p1 [tilespmem:$0xF1E8];
	_ =	sdelay $0x4  }
0x167: {  	[tilespmem:s2+$0xF298] =	vst.add.f32.msk @!p1 $0xffff, v1  }
0x168: {  	v1 =	vld @!p1 [tilespmem:$0xF1F8];
	_ =	sdelay $0x4  }
0x169: {  	[tilespmem:s2+$0xF2A8] =	vst.add.f32.msk @!p1 $0xffff, v1  }
0x16a: {  	s0 =	sshrl.u32 s0, $0x2;
	[tilespmem:s6+$0xF218] =	vst.msk $0x1, v0  }
0x16b: {  	v0 =	vld [tilespmem:s0+$0xF238];
	_ =	sdelay $0x2  }
0x16c: {  	s31 =	sshll.u32 s6, $0x9  }
0x16d: {  	s2 =	sshra.s32 s31, $0x2  }
0x16e: {  	[tilespmem:s2+$0xF238] =	vst v0  }
0x16f: {  	v0 =	vld [tilespmem:s0+$0xF248];
	_ =	sdelay $0x4  }
0x170: {  	[tilespmem:s2+$0xF248] =	vst v0  }
0x171: {  	v0 =	vld [tilespmem:s0+$0xF258];
	_ =	sdelay $0x4  }
0x172: {  	[tilespmem:s2+$0xF258] =	vst v0  }
0x173: {  	v0 =	vld [tilespmem:s0+$0xF268];
	_ =	sdelay $0x4  }
0x174: {  	[tilespmem:s2+$0xF268] =	vst v0  }
0x175: {  	v0 =	vld [tilespmem:s0+$0xF278];
	_ =	sdelay $0x4  }
0x176: {  	[tilespmem:s2+$0xF278] =	vst v0  }
0x177: {  	v0 =	vld [tilespmem:s0+$0xF288];
	_ =	sdelay $0x4  }
0x178: {  	[tilespmem:s2+$0xF288] =	vst v0  }
0x179: {  	v0 =	vld [tilespmem:s0+$0xF298];
	_ =	sdelay $0x4  }
0x17a: {  	[tilespmem:s2+$0xF298] =	vst v0  }
0x17b: {  	v0 =	vld [tilespmem:s0+$0xF2A8];
	_ =	sdelay $0x4  }
0x17c: {  	s6 =	sadd.s32 $0x1, s6;
	[tilespmem:s2+$0xF2A8] =	vst v0  }
.LBB2_33:
0x17d: {  	s11 =	sadd.s32 $0x1, s11  }
0x17e: {  	p1 =	sne.s32 s11, $0x20  }
.Ltmp20:
0x17f: {  	_ = 	snop;
	(pc) =	sbr.rel @!p1 .LBB2_34-.Ltmp20, $1  }
0x180: {  	_ =	sdelay $0x3  }
.LBB2_26:
0x181: {  	v0 =	vld.msk [tilespmem:s11+$0xF218], $0x1;
	_ =	sdelay $0x4  }
0x182: {  	(v2sf) =	vpush v0, $0x0;
	_ =	sdelay $0xe  }
0x183: {  	s12 =	spop (v2sf)  }
0x184: {  	p1 =	seq.s32 s12, $0xFFFFFFFF  }
.Ltmp21:
0x185: {  	_ = 	snop;
	(pc) =	sbr.rel @p1 .LBB2_33-.Ltmp21, $1  }
0x186: {  	_ =	sdelay $0x3  }
0x187: {  	p1 =	slt.s32 s6, $0x1  }
.Ltmp22:
0x188: {  	_ = 	snop;
	(pc) =	sbr.rel @p1 .LBB2_32-.Ltmp22, $1  }
0x189: {  	_ =	sdelay $0x3  }
0x18a: {  	s13 =	simm.s32 $0xF218;
	p1 =	por $0x0, $0x0  }
0x18b: {  	v1 =	vld.msk @!p1 [tilespmem:s13+$0x0], $0x1;
	_ =	sdelay $0x4  }
0x18c: {  	(v2sf) =	vpush @!p1 v1, $0x0;
	_ =	sdelay $0xd  }
0x18d: {  	p3 =	sne.s32 s6, $0x1  }
.Ltmp23:
0x18e: {  	s0 =	spop @!p1 (v2sf);
	(pc) =	sbr.rel @!p3 .LBB2_30-.Ltmp23, $4  }
0x18f: {  	p2 =	seq.s32 @!p1 s12, s0  }
0x190: {  	s14 =	simm.s32 $0x0;
	p2 =	por !p2, p1  }
0x191: {  	s2 =	simm.s32 $0xFFFFFFFF;
	s14 =	simm.s32 @p2 $0xFFFFFFFF  }
0x192: {  	s0 =	simm.s32 $0x1;
	s14 =	smov.u32 @p1 s2  }
.LBB2_29:
0x193: {  	s2 =	smov.u32 s14;
	p1 =	sne.s32 s14, $0xFFFFFFFF  }
0x194: {  	s13 =	sadd.s32 $0x1, s13;
	s14 =	smov.u32 s0;
	s0 =	sadd.s32 $0x1, s0  }
0x195: {  	p2 =	sne.s32 s6, s0;
	v1 =	vld.msk @!p1 [tilespmem:s13+$0x0], $0x1;
	_ =	sdelay $0x4  }
0x196: {  	(v2sf) =	vpush @!p1 v1, $0x0;
	_ =	sdelay $0xe  }
.Ltmp24:
0x197: {  	s3 =	spop @!p1 (v2sf);
	(pc) =	sbr.rel @p2 .LBB2_29-.Ltmp24, $4  }
0x198: {  	p3 =	seq.s32 @!p1 s12, s3  }
0x199: {  	p3 =	por !p3, p1  }
0x19a: {  	s14 =	simm.s32 @p3 $0xFFFFFFFF  }
0x19b: {  	s14 =	smov.u32 @p1 s2  }
.LBB2_30:
0x19c: {  	p1 =	seq.s32 s14, $0xFFFFFFFF  }
.Ltmp25:
0x19d: {  	_ = 	snop;
	(pc) =	sbr.rel @p1 .LBB2_32-.Ltmp25, $1  }
0x19e: {  	_ =	sdelay $0x3  }
0x19f: {  	s0 =	sshll.u32 s11, $0x7  }
0x1a0: {  	s0 =	sand.u32 $0x3FFFFF80, s0  }
0x1a1: {  	v0 =	vld [tilespmem:s0+$0xF238];
	_ =	sdelay $0x2  }
0x1a2: {  	s2 =	sshll.u32 s14, $0x9  }
0x1a3: {  	s2 =	sshra.s32 s2, $0x2  }
0x1a4: {  	[tilespmem:s2+$0xF238] =	vst.add.f32.msk $0xffff, v0  }
0x1a5: {  	v0 =	vld [tilespmem:s0+$0xF248];
	_ =	sdelay $0x4  }
0x1a6: {  	[tilespmem:s2+$0xF248] =	vst.add.f32.msk $0xffff, v0  }
0x1a7: {  	v0 =	vld [tilespmem:s0+$0xF258];
	_ =	sdelay $0x4  }
0x1a8: {  	[tilespmem:s2+$0xF258] =	vst.add.f32.msk $0xffff, v0  }
0x1a9: {  	v0 =	vld [tilespmem:s0+$0xF268];
	_ =	sdelay $0x4  }
0x1aa: {  	[tilespmem:s2+$0xF268] =	vst.add.f32.msk $0xffff, v0  }
0x1ab: {  	v0 =	vld [tilespmem:s0+$0xF278];
	_ =	sdelay $0x4  }
0x1ac: {  	[tilespmem:s2+$0xF278] =	vst.add.f32.msk $0xffff, v0  }
0x1ad: {  	v0 =	vld [tilespmem:s0+$0xF288];
	_ =	sdelay $0x4  }
0x1ae: {  	[tilespmem:s2+$0xF288] =	vst.add.f32.msk $0xffff, v0  }
0x1af: {  	v0 =	vld [tilespmem:s0+$0xF298];
	_ =	sdelay $0x4  }
0x1b0: {  	[tilespmem:s2+$0xF298] =	vst.add.f32.msk $0xffff, v0  }
0x1b1: {  	v0 =	vld [tilespmem:s0+$0xF2A8]  }
.Ltmp26:
0x1b2: {  	_ = 	snop;
	(pc) =	sbr.rel .LBB2_33-.Ltmp26, $2  }
0x1b3: {  	_ =	sdelay $0x2  }
0x1b4: {  	[tilespmem:s2+$0xF2A8] =	vst.add.f32.msk $0xffff, v0  }
.LBB2_34:
0x1b5: {  	s0 =	simm.s32 $0x6;
	p1 =	seq.s32 s6, $0x0  }
0x1b6: {  	[sflag:s0] =	ssyncpa.u1 $0x1;
	v0 =	vimm.s32 @p1 $0xFFFFFFFF  }
0x1b7: {  	s9 =	sadd.s32 $0xFFFFFFFF, s6;
	[tilespmem:$0x10238] =	vst @p1 v0  }
0x1b8: {  	v0 =	vld.msk @!p1 [tilespmem:s9+$0xF218], $0x1;
	_ =	sdelay $0x1  }
0x1b9: {  	v1 =	vld.msk @!p1 [tilespmem:$0xF218], $0x1;
	_ =	sdelay $0x2  }
0x1ba: {  	p2 =	seq.s32 @!p1 s9, $0x0;
	v0 =	vbroadcast @!p1 v0, $0x0  }
0x1bb: {  	vm0 =	vmmov @!p1 $0x1;
	p2 =	por !p2, p1  }
0x1bc: {  	v1 =	vnsel @!p1 vm0, $0xFFFFFFFF, v1;
	vm0 =	vcmask @!p1 $0x308;
	v0 =	vpsel !p2, $0xFFFFFFFF, v0  }
0x1bd: {  	p2 =	sne.s32 @!p1 s8, s7;
	v0 =	vsel @!p1 vm0, v1, v0  }
0x1be: {  	s0 =	simm.s32 @!p1 $0xF238;
	s2 =	simm.s32 @!p1 $0x0;
	p3 =	por !p2, p1;
	[tilespmem:$0x10238] =	vst @!p1 v0  }
0x1bf: {  	[spmem:s2] =	stream.linear.scatter @!p1 [tilespmem:s0], [sflag:$0x1], $0x80, $0x38;
	[tilespmem:$0x1F6F8] =	vst v63  }
0x1c0: {  	s0 =	sshll.u32 @!p3 s9, $0x9  }
0x1c1: {  	s0 =	sshra.s32 @!p3 s0, $0x2  }
0x1c2: {  	s2 =	simm.s32 @!p3 $0x80;
	s0 =	sadd.s32 @!p3 $0xF238, s0  }
0x1c3: {  	[spmem:s2] =	stream.linear.scatter @!p3 [tilespmem:s0], [sflag:$0x1], $0x80, $0x38;
	[tilespmem:$0x1F6F8] =	vst v63  }
0x1c4: {  	s0 =	simm.s32 @!p3 $0x1  }
0x1c5: {  	_ =	swait.ge @!p3 [sflag:s0], $0x100  }
0x1c6: {  	p1 =	por p2, p1;
	[sflag:s0] =	ssyncset.done @!p3 $0x0  }
0x1c7: {  	[sflag:s0] =	ssyncadd.s32 @!p3 $0xFFFFFF00;
	s0 =	simm.s32 @!p1 $0x1  }
0x1c8: {  	_ =	swait.ge @!p1 [sflag:s0], $0x80  }
0x1c9: {  	s29 =	simm.s32 $0x10238;
	[sflag:s0] =	ssyncset.done @!p1 $0x0  }
0x1ca: {  	s30 =	simm.s32 $0x1000;
	s31 =	simm.s32 $0x1;
	[sflag:s0] =	ssyncadd.s32 @!p1 $0xFFFFFF80  }
0x1cb: {  	[spmem:s30] =	stream.linear.scatter [tilespmem:s29], [sflag:$0x1], $0x10, $0x38;
	[tilespmem:$0x1F6F8] =	vst v63  }
0x1cc: {  	_ =	swait.ge [sflag:s31], $0x10  }
0x1cd: {  	[sflag:s31] =	ssyncset.done $0x0  }
0x1ce: {  	p1 =	seq.s32 s15, $0x0;
	s8 =	rddreg [dreg:$0x1];
	[sflag:s31] =	ssyncadd.s32 $0xFFFFFFF0  }
0x1cf: {  	s2 =	sshll.u32 @p1 s8, $0xE;
	s7 =	rddreg [dreg:$0x2]  }
0x1d0: {  	s0 =	sadd.s32 @p1 $0x15C3C, s2;
	s2 =	sshll.u32 @p1 s7, $0x11  }
0x1d1: {  	_ =	sfence.stream.spmem;
	s0 =	sor.u32 @p1 s2, s0  }
0x1d2: {  	[sflag:s0] =	ssyncadd.remote.s32 @p1 $0x1;
	s0 =	simm.s32 @p1 $0x4  }
0x1d3: {  	s3 =	simm.s32 @!p1 $0x3C;
	s2 =	sand.u32 $0xFFFFFFFE, s8;
	_ =	swait.ge @p1 [sflag:s0], $0x22  }
0x1d4: {  	s4 =	simm.s32 @!p1 $0x0;
	s2 =	sadd.s32 @!p1 $0x4, s2;
	[sflag:s0] =	ssyncset.done @p1 $0x0  }
0x1d5: {  	s5 =	simm.s32 @!p1 $0x100;
	[sflag:s0] =	ssyncadd.s32 @p1 $0xFFFFFFDE;
	s0 =	sshll.u32 @!p1 s2, $0x1A  }
0x1d6: {  	s2 =	sshll.u32 @!p1 s2, $0xD;
	s0 =	sor.u32 @!p1 s0, s7;
	_ =	swait.eq @!p1 [sflag:s3], $0x1  }
0x1d7: {  	s2 =	sor.u32 @!p1 $0x1C04, s2;
	s3 =	simm.s32 @!p1 $0x1C03;
	s0 =	sor.u32 @!p1 $0x80004000, s0  }
0x1d8: {  	[spmem:s5], [sflag:s2] =	dma.general @!p1 [spmem:s4], [sflag:s3], length:$0x20, [dreg:$0x0], stride_count:$0x0, ici_dest:s0, dma_misc:DstOpCode:WRITE  }
0x1d9: {  	p2 =	slt.s32 s9, $0x2;
	s4 =	simm.s32 @!p1 $0x200;
	s5 =	simm.s32 @!p1 $0x202  }
0x1da: {  	[spmem:s5], [sflag:s2] =	dma.general @!p1 [spmem:s4], [sflag:s3], length:$0x2, [dreg:$0x0], stride_count:$0x0, ici_dest:s0, dma_misc:DstOpCode:WRITE  }
.Ltmp27:
0x1db: {  	s0 =	simm.s32 @!p1 $0x3;
	(pc) =	sbr.rel @p2 .LBB2_38-.Ltmp27, $4  }
0x1dc: {  	s2 =	sshll.u32 @!p1 s8, $0xE;
	_ =	swait.ge @!p1 [sflag:s0], $0x22  }
0x1dd: {  	s3 =	sshll.u32 @!p1 s7, $0x11;
	s2 =	sadd.s32 @!p1 $0x11C3C, s2;
	[sflag:s0] =	ssyncset.done @!p1 $0x0  }
0x1de: {  	[sflag:s0] =	ssyncadd.s32 @!p1 $0xFFFFFFDE;
	s0 =	sor.u32 @!p1 s3, s2  }
0x1df: {  	[sflag:s0] =	ssyncadd.remote.s32 @!p1 $0xFFFFFFFF;
	s0 =	simm.s32 $0x0  }
0x1e0: {  	s0 =	simm.s32 $0xF219  }
0x1e1: {  	v0 =	vld.msk [tilespmem:s0+$0x0], $0x1;
	_ =	sdelay $0x4  }
0x1e2: {  	(v2sf) =	vpush v0, $0x0;
	_ =	sdelay $0xb  }
0x1e3: {  	s31 =	sadd.s32 $0xFFFFFFFE, s6  }
0x1e4: {  	s0 =	sadd.s32 $0xFFFFFFFF, s31  }
0x1e5: {  	p2 =	sne.s32 s0, $0x0  }
.Ltmp28:
0x1e6: {  	s2 =	spop (v2sf);
	(pc) =	sbr.rel @!p2 .LBB2_37-.Ltmp28, $4  }
0x1e7: {  	s4 =	simm.s32 $0xF2B8;
	s7 =	simm.s32 $0x0;
	p1 =	sgt.u32 s2, $0x270F0  }
0x1e8: {  	s5 =	simm.s32 $0x0;
	s6 =	simm.s32 $0xF21A;
	s3 =	sand.u32 @!p1 $0x3FFF8, s2  }
0x1e9: {  	s2 =	sand.u32 @!p1 $0x7, s2;
	s7 =	simm.s32 @!p1 $0x200;
	s3 =	sadd.s32 @!p1 s1, s3  }
0x1ea: {  	[hbm4b:s3+s2] =	stream.linear.scatter @!p1 [tilespmem:s4], [sflag:$0x5], $0x80, $0x38;
	[tilespmem:$0x1F6F8] =	vst v63  }
.LBB2_36:
0x1eb: {  	v0 =	vld.msk [tilespmem:s6+$0x0], $0x1;
	s0 =	sadd.s32 $0xFFFFFFFF, s0;
	s5 =	sadd.s32 s5, s7  }
0x1ec: {  	p1 =	sne.s32 s0, $0x0;
	_ =	sdelay $0x3  }
0x1ed: {  	(v2sf) =	vpush v0, $0x0;
	_ =	sdelay $0xe  }
.Ltmp29:
0x1ee: {  	s2 =	spop (v2sf);
	(pc) =	sbr.rel @p1 .LBB2_36-.Ltmp29, $4  }
0x1ef: {  	s7 =	simm.s32 $0x0;
	p2 =	sgt.u32 s2, $0x270F0  }
0x1f0: {  	s4 =	sadd.s32 $0x80, s4;
	s7 =	simm.s32 @!p2 $0x200;
	s3 =	sand.u32 @!p2 $0x3FFF8, s2  }
0x1f1: {  	s6 =	sadd.s32 $0x1, s6;
	s2 =	sand.u32 @!p2 $0x7, s2;
	s3 =	sadd.s32 @!p2 s1, s3  }
0x1f2: {  	[hbm4b:s3+s2] =	stream.linear.scatter @!p2 [tilespmem:s4], [sflag:$0x5], $0x80, $0x38;
	[tilespmem:$0x1F6F8] =	vst v63  }
.LBB2_37:
0x1f3: {  	s0 =	sadd.s32 s5, s7  }
0x1f4: {  	s0 =	sshrl.u32 s0, $0x2  }
.LBB2_38:
0x1f5: {  	s2 =	simm.s32 $0x5  }
0x1f6: {  	_ =	swait.ge [sflag:s2], s0  }
0x1f7: {  	s31 =	ssub.s32 $0x0, s0;
	[sflag:s2] =	ssyncset.done $0x0  }
0x1f8: {  	[sflag:s2] =	ssyncadd.s32 s31  }
0x1f9: {  	[sflag:s2] =	ssyncpa.u1 $0x1  }
.LBB2_39:
0x1fa: {  	s0 =	sor.u32 s15, s16  }
0x1fb: {  	p1 =	sne.s32 s0, $0x0  }
.Ltmp30:
0x1fc: {  	_ = 	snop;
	(pc) =	sbr.rel @p1 .LBB2_54-.Ltmp30, $3  }
0x1fd: {  	_ =	sdelay $0x1  }
0x1fe: {  	[bflag:$0x0] =	sbarrier.arrive $0xFFFF  }
0x1ff: {  	_ =	sfence  }
0x200: {  	s0 =	simm.s32 $0x7  }
0x201: {  	s2 =	simm.s32 $0x1000;
	s3 =	simm.s32 $0xF218;
	[sflag:s0] =	ssyncpa.u1 $0x0  }
0x202: {  	[tilespmem:s3], [sflag:$0x7] =	stream.linear.gather [spmem:s2], $0x20, $0x38;
	[tilespmem:$0x1F6F8] =	vst v63  }
0x203: {  	s30 =	simm.s32 $0xF238;
	s2 =	simm.s32 $0x0  }
0x204: {  	[tilespmem:s30], [sflag:$0x7] =	stream.linear.gather [spmem:s2], $0x1000, $0x38;
	[tilespmem:$0x1F6F8] =	vst v63  }
.Ltmp31:
0x205: {  	_ = 	snop;
	(pc) =	sbr.rel .LBB2_41-.Ltmp31, $4  }
0x206: {  	_ =	swait.ge [sflag:s0], $0x1020  }
0x207: {  	[sflag:s0] =	ssyncset.done $0x0  }
0x208: {  	s31 =	simm.s32 $0x8;
	[sflag:s0] =	ssyncadd.s32 $0xFFFFEFE0  }
0x209: {  	s3 =	simm.s32 $0x0;
	[sflag:s31] =	ssyncpa.u1 $0x0  }
.LBB2_47:
0x20a: {  	p1 =	slt.u32 s4, $0x270F1  }
0x20b: {  	s0 =	sand.u32 @p1 $0x3FFF8, s4  }
0x20c: {  	s4 =	sand.u32 @p1 $0x7, s4;
	s5 =	simm.s32 @p1 $0xF188;
	s0 =	sadd.s32 @p1 s1, s0  }
0x20d: {  	[tilespmem:s5], [sflag:$0x8] =	stream.linear.gather @p1 [hbm4b:s0+s4], $0x80, $0x38;
	[tilespmem:$0x1F6F8] =	vst v63  }
0x20e: {  	s0 =	simm.s32 @p1 $0x8  }
0x20f: {  	_ =	swait.ge @p1 [sflag:s0], $0x80  }
0x210: {  	[sflag:s0] =	ssyncset.done @p1 $0x0  }
0x211: {  	[sflag:s0] =	ssyncadd.s32 @p1 $0xFFFFFF80  }
0x212: {  	v1 =	vld @p1 [tilespmem:$0xF188];
	_ =	sdelay $0x2  }
0x213: {  	s0 =	sshll.u32 @p1 s3, $0x9  }
0x214: {  	s4 =	sshrl.u32 @p1 s0, $0x2  }
0x215: {  	[tilespmem:s4+$0xF238] =	vst.add.f32.msk @p1 $0xffff, v1  }
0x216: {  	v1 =	vld @p1 [tilespmem:$0xF198];
	_ =	sdelay $0x4  }
0x217: {  	[tilespmem:s4+$0xF248] =	vst.add.f32.msk @p1 $0xffff, v1  }
0x218: {  	v1 =	vld @p1 [tilespmem:$0xF1A8];
	_ =	sdelay $0x4  }
0x219: {  	[tilespmem:s4+$0xF258] =	vst.add.f32.msk @p1 $0xffff, v1  }
0x21a: {  	v1 =	vld @p1 [tilespmem:$0xF1B8];
	_ =	sdelay $0x4  }
0x21b: {  	[tilespmem:s4+$0xF268] =	vst.add.f32.msk @p1 $0xffff, v1  }
0x21c: {  	v1 =	vld @p1 [tilespmem:$0xF1C8];
	_ =	sdelay $0x4  }
0x21d: {  	[tilespmem:s4+$0xF278] =	vst.add.f32.msk @p1 $0xffff, v1  }
0x21e: {  	v1 =	vld @p1 [tilespmem:$0xF1D8];
	_ =	sdelay $0x4  }
0x21f: {  	[tilespmem:s4+$0xF288] =	vst.add.f32.msk @p1 $0xffff, v1  }
0x220: {  	v1 =	vld @p1 [tilespmem:$0xF1E8];
	_ =	sdelay $0x4  }
0x221: {  	[tilespmem:s4+$0xF298] =	vst.add.f32.msk @p1 $0xffff, v1  }
0x222: {  	v1 =	vld @p1 [tilespmem:$0xF1F8];
	_ =	sdelay $0x3  }
0x223: {  	s5 =	sshll.u32 @!p1 s3, $0x9  }
0x224: {  	s5 =	smov.u32 @p1 s0;
	[tilespmem:s4+$0xF2A8] =	vst.add.f32.msk @p1 $0xffff, v1  }
0x225: {  	s0 =	sshrl.u32 s5, $0x2;
	[tilespmem:s2+$0xF218] =	vst.msk $0x1, v0  }
0x226: {  	v0 =	vld [tilespmem:s0+$0xF238];
	_ =	sdelay $0x2  }
0x227: {  	s31 =	sshll.u32 s2, $0x9  }
0x228: {  	s4 =	sshra.s32 s31, $0x2  }
0x229: {  	[tilespmem:s4+$0xF238] =	vst v0  }
0x22a: {  	v0 =	vld [tilespmem:s0+$0xF248];
	_ =	sdelay $0x4  }
0x22b: {  	[tilespmem:s4+$0xF248] =	vst v0  }
0x22c: {  	v0 =	vld [tilespmem:s0+$0xF258];
	_ =	sdelay $0x4  }
0x22d: {  	[tilespmem:s4+$0xF258] =	vst v0  }
0x22e: {  	v0 =	vld [tilespmem:s0+$0xF268];
	_ =	sdelay $0x4  }
0x22f: {  	[tilespmem:s4+$0xF268] =	vst v0  }
0x230: {  	v0 =	vld [tilespmem:s0+$0xF278];
	_ =	sdelay $0x4  }
0x231: {  	[tilespmem:s4+$0xF278] =	vst v0  }
0x232: {  	v0 =	vld [tilespmem:s0+$0xF288];
	_ =	sdelay $0x4  }
0x233: {  	[tilespmem:s4+$0xF288] =	vst v0  }
0x234: {  	v0 =	vld [tilespmem:s0+$0xF298];
	_ =	sdelay $0x4  }
0x235: {  	[tilespmem:s4+$0xF298] =	vst v0  }
0x236: {  	v0 =	vld [tilespmem:s0+$0xF2A8];
	_ =	sdelay $0x4  }
0x237: {  	s2 =	sadd.s32 $0x1, s2;
	[tilespmem:s4+$0xF2A8] =	vst v0  }
.LBB2_48:
0x238: {  	s3 =	sadd.s32 $0x1, s3  }
0x239: {  	p1 =	sne.s32 s3, $0x20  }
.Ltmp32:
0x23a: {  	_ = 	snop;
	(pc) =	sbr.rel @!p1 .LBB2_49-.Ltmp32, $1  }
0x23b: {  	_ =	sdelay $0x3  }
.LBB2_41:
0x23c: {  	v0 =	vld.msk [tilespmem:s3+$0xF218], $0x1;
	_ =	sdelay $0x4  }
0x23d: {  	(v2sf) =	vpush v0, $0x0;
	_ =	sdelay $0xe  }
0x23e: {  	s4 =	spop (v2sf)  }
0x23f: {  	p1 =	seq.s32 s4, $0xFFFFFFFF  }
.Ltmp33:
0x240: {  	_ = 	snop;
	(pc) =	sbr.rel @p1 .LBB2_48-.Ltmp33, $1  }
0x241: {  	_ =	sdelay $0x3  }
0x242: {  	p1 =	slt.s32 s2, $0x1  }
.Ltmp34:
0x243: {  	_ = 	snop;
	(pc) =	sbr.rel @p1 .LBB2_47-.Ltmp34, $1  }
0x244: {  	_ =	sdelay $0x3  }
0x245: {  	s5 =	simm.s32 $0xF218;
	p1 =	por $0x0, $0x0  }
0x246: {  	v1 =	vld.msk @!p1 [tilespmem:s5+$0x0], $0x1;
	_ =	sdelay $0x4  }
0x247: {  	(v2sf) =	vpush @!p1 v1, $0x0;
	_ =	sdelay $0xd  }
0x248: {  	p3 =	sne.s32 s2, $0x1  }
.Ltmp35:
0x249: {  	s0 =	spop @!p1 (v2sf);
	(pc) =	sbr.rel @!p3 .LBB2_45-.Ltmp35, $4  }
0x24a: {  	p2 =	seq.s32 @!p1 s4, s0  }
0x24b: {  	s6 =	simm.s32 $0x0;
	p2 =	por !p2, p1  }
0x24c: {  	s7 =	simm.s32 $0xFFFFFFFF;
	s6 =	simm.s32 @p2 $0xFFFFFFFF  }
0x24d: {  	s0 =	simm.s32 $0x1;
	s6 =	smov.u32 @p1 s7  }
.LBB2_44:
0x24e: {  	s7 =	smov.u32 s6;
	p1 =	sne.s32 s6, $0xFFFFFFFF  }
0x24f: {  	s5 =	sadd.s32 $0x1, s5;
	s6 =	smov.u32 s0;
	s0 =	sadd.s32 $0x1, s0  }
0x250: {  	p2 =	sne.s32 s2, s0;
	v1 =	vld.msk @!p1 [tilespmem:s5+$0x0], $0x1;
	_ =	sdelay $0x4  }
0x251: {  	(v2sf) =	vpush @!p1 v1, $0x0;
	_ =	sdelay $0xe  }
.Ltmp36:
0x252: {  	s8 =	spop @!p1 (v2sf);
	(pc) =	sbr.rel @p2 .LBB2_44-.Ltmp36, $4  }
0x253: {  	p3 =	seq.s32 @!p1 s4, s8  }
0x254: {  	p3 =	por !p3, p1  }
0x255: {  	s6 =	simm.s32 @p3 $0xFFFFFFFF  }
0x256: {  	s6 =	smov.u32 @p1 s7  }
.LBB2_45:
0x257: {  	p1 =	seq.s32 s6, $0xFFFFFFFF  }
.Ltmp37:
0x258: {  	_ = 	snop;
	(pc) =	sbr.rel @p1 .LBB2_47-.Ltmp37, $1  }
0x259: {  	_ =	sdelay $0x3  }
0x25a: {  	s0 =	sshll.u32 s3, $0x7  }
0x25b: {  	s0 =	sand.u32 $0x3FFFFF80, s0  }
0x25c: {  	v0 =	vld [tilespmem:s0+$0xF238];
	_ =	sdelay $0x2  }
0x25d: {  	s4 =	sshll.u32 s6, $0x9  }
0x25e: {  	s4 =	sshra.s32 s4, $0x2  }
0x25f: {  	[tilespmem:s4+$0xF238] =	vst.add.f32.msk $0xffff, v0  }
0x260: {  	v0 =	vld [tilespmem:s0+$0xF248];
	_ =	sdelay $0x4  }
0x261: {  	[tilespmem:s4+$0xF248] =	vst.add.f32.msk $0xffff, v0  }
0x262: {  	v0 =	vld [tilespmem:s0+$0xF258];
	_ =	sdelay $0x4  }
0x263: {  	[tilespmem:s4+$0xF258] =	vst.add.f32.msk $0xffff, v0  }
0x264: {  	v0 =	vld [tilespmem:s0+$0xF268];
	_ =	sdelay $0x4  }
0x265: {  	[tilespmem:s4+$0xF268] =	vst.add.f32.msk $0xffff, v0  }
0x266: {  	v0 =	vld [tilespmem:s0+$0xF278];
	_ =	sdelay $0x4  }
0x267: {  	[tilespmem:s4+$0xF278] =	vst.add.f32.msk $0xffff, v0  }
0x268: {  	v0 =	vld [tilespmem:s0+$0xF288];
	_ =	sdelay $0x4  }
0x269: {  	[tilespmem:s4+$0xF288] =	vst.add.f32.msk $0xffff, v0  }
0x26a: {  	v0 =	vld [tilespmem:s0+$0xF298];
	_ =	sdelay $0x4  }
0x26b: {  	[tilespmem:s4+$0xF298] =	vst.add.f32.msk $0xffff, v0  }
0x26c: {  	v0 =	vld [tilespmem:s0+$0xF2A8]  }
.Ltmp38:
0x26d: {  	_ = 	snop;
	(pc) =	sbr.rel .LBB2_48-.Ltmp38, $2  }
0x26e: {  	_ =	sdelay $0x2  }
0x26f: {  	[tilespmem:s4+$0xF2A8] =	vst.add.f32.msk $0xffff, v0  }
.LBB2_49:
0x270: {  	p1 =	slt.s32 s2, $0x1  }
.Ltmp39:
0x271: {  	_ = 	snop;
	(pc) =	sbr.rel @p1 .LBB2_53-.Ltmp39, $3  }
0x272: {  	_ =	sdelay $0x1  }
0x273: {  	s0 =	simm.s32 $0x8  }
0x274: {  	s3 =	simm.s32 $0x0;
	[sflag:s0] =	ssyncpa.u1 $0x1  }
0x275: {  	s0 =	simm.s32 $0xF218  }
0x276: {  	v0 =	vld.msk [tilespmem:s0+$0x0], $0x1;
	_ =	sdelay $0x4  }
0x277: {  	(v2sf) =	vpush v0, $0x0;
	_ =	sdelay $0xe  }
0x278: {  	s0 =	sadd.s32 $0xFFFFFFFF, s2;
	s5 =	spop (v2sf)  }
0x279: {  	p2 =	sne.s32 s0, $0x0;
	p1 =	sgt.u32 s5, $0x270F0  }
.Ltmp40:
0x27a: {  	s6 =	sand.u32 @!p1 $0x3FFF8, s5;
	(pc) =	sbr.rel @!p2 .LBB2_52-.Ltmp40, $4  }
0x27b: {  	s4 =	simm.s32 $0xF238;
	s5 =	sand.u32 @!p1 $0x7, s5;
	s2 =	sadd.s32 @!p1 s1, s6  }
0x27c: {  	[hbm4b:s2+s5] =	stream.linear.scatter @!p1 [tilespmem:s4], [sflag:$0x7], $0x80, $0x38;
	[tilespmem:$0x1F6F8] =	vst v63  }
0x27d: {  	s5 =	simm.s32 $0x0  }
0x27e: {  	s2 =	simm.s32 $0xF219;
	s5 =	simm.s32 @!p1 $0x200  }
.LBB2_51:
0x27f: {  	v0 =	vld.msk [tilespmem:s2+$0x0], $0x1;
	s0 =	sadd.s32 $0xFFFFFFFF, s0;
	s3 =	sadd.s32 s3, s5  }
0x280: {  	p1 =	sne.s32 s0, $0x0;
	_ =	sdelay $0x3  }
0x281: {  	(v2sf) =	vpush v0, $0x0;
	_ =	sdelay $0xe  }
.Ltmp41:
0x282: {  	s6 =	spop (v2sf);
	(pc) =	sbr.rel @p1 .LBB2_51-.Ltmp41, $4  }
0x283: {  	s5 =	simm.s32 $0x0;
	p2 =	sgt.u32 s6, $0x270F0  }
0x284: {  	s4 =	sadd.s32 $0x80, s4;
	s5 =	simm.s32 @!p2 $0x200;
	s7 =	sand.u32 @!p2 $0x3FFF8, s6  }
0x285: {  	s2 =	sadd.s32 $0x1, s2;
	s6 =	sand.u32 @!p2 $0x7, s6;
	s7 =	sadd.s32 @!p2 s1, s7  }
0x286: {  	[hbm4b:s7+s6] =	stream.linear.scatter @!p2 [tilespmem:s4], [sflag:$0x7], $0x80, $0x38;
	[tilespmem:$0x1F6F8] =	vst v63  }
.LBB2_52:
0x287: {  	s0 =	sadd.s32 s3, s5  }
0x288: {  	s3 =	sshrl.u32 s0, $0x2  }
.LBB2_53:
0x289: {  	s0 =	simm.s32 $0x7  }
0x28a: {  	_ =	swait.ge [sflag:s0], s3  }
0x28b: {  	s1 =	ssub.s32 $0x0, s3;
	[sflag:s0] =	ssyncset.done $0x0  }
0x28c: {  	[sflag:s0] =	ssyncadd.s32 s1  }
0x28d: {  	[sflag:s0] =	ssyncpa.u1 $0x1  }
.LBB2_54:
0x28e: {  	_ =	sfence;
	s0 =	simm.s32 $0x1  }
0x28f: {  	[sflag:s0] =	ssyncpa.u1 $0x1  }
0x290: {  	_ =	strace $0x90000053  }
0x291: {  	[bflag:$0x2] =	sbarrier.arrive $0xFFFF  }
0x292: {  	s0 =	rddreg [dreg:$0x3]  }
0x293: {  	s0 =	sadd.s32 @!p0 $0x100000, s0  }
0x294: {  	[sflag:s0] =	ssyncadd.tile.s32 @!p0 $0x1;
	_ =	shalt  }
.Lfunc_end2:
_tile_overlayer_lowered:
.L_overlay_start_2:
0x295: {  	(tag) =	ssettag $0x2  }
0x296: {  	s0 =	rddreg [dreg:$0x0];
	s2 =	stileid.u32  }
0x297: {  	s1 =	rddreg [dreg:$0x1];
	p0 =	sne.s32 s2, $0x0  }
0x298: {  	s3 =	rddreg [dreg:$0x2];
	[bflag:$0x3] =	sbarrier.arrive $0xFFFF;
	s2 =	simm.s32 @!p0 $0x1C01  }
0x299: {  	[timem:s3], [sflag:s2] =	dma.local @!p0 [hbm:s0], s1  }
0x29a: {  	s0 =	simm.s32 @!p0 $0x1  }
0x29b: {  	_ =	swait.ge @!p0 [sflag:s0], s1  }
0x29c: {  	s1 =	ssub.s32 @!p0 $0x0, s1;
	[sflag:s0] =	ssyncset.done @!p0 $0x0  }
0x29d: {  	[sflag:s0] =	ssyncadd.s32 @!p0 s1  }
0x29e: {  	[bflag:$0x3] =	sbarrier.arrive $0xFFFF  }
0x29f: {  	_ =	shalt  }

// kernel: scatter_offload_async_start.2
scs
__scs_entry_jumppad:
0x0: {  	(pc) =	sbr.rel $0x88, $3  }
0x1: {  	(tag) =	ssettag $0x0;
	lr =	simm.s32 $0x1  }
0x2: {  	[smem:$0x3F95] =	sst lr;
	_ =	strace $0xD0000000  }
0x3: {  	_ = 	snop  }
0x4: {  	_ = 	snop  }
0x5: {  	_ = 	snop  }
0x6: {  	_ = 	snop  }
0x7: {  	_ = 	snop  }
__scs_overlays_trampoline_lowered:
0x8: {  	[smem:$0x3FA4] =	sst s0  }
0x9: {  	[smem:$0x3FA5] =	sst s1  }
0xa: {  	[smem:$0x3FA6] =	sst s2  }
0xb: {  	[smem:$0x3FA7] =	sst s3  }
0xc: {  	[smem:$0x3FA8] =	sst s4  }
0xd: {  	[smem:$0x3FA9] =	sst s5  }
0xe: {  	[smem:$0x3FAA] =	sst s6  }
0xf: {  	[smem:$0x3FAB] =	sst s7  }
0x10: {  	[smem:$0x3FAC] =	sst s8  }
0x11: {  	[smem:$0x3FAD] =	sst s9;
	s0 =	simm.s32 @!p0 $0x0  }
0x12: {  	s1 =	sld [smem:$0x3F93];
	s0 =	simm.s32 @p0 $0x1  }
0x13: {  	[smem:$0x3FAE] =	sst s0;
	s0 =	simm.s32 @!p1 $0x0  }
0x14: {  	s2 =	sld [smem:$0x3F92];
	s0 =	simm.s32 @p1 $0x1  }
0x15: {  	[smem:$0x3FAF] =	sst s0;
	s0 =	simm.s32 @!p2 $0x0  }
0x16: {  	s3 =	sld [smem:$0x3FDB];
	s0 =	simm.s32 @p2 $0x1  }
0x17: {  	s4 =	simm.s32 $0x1BF5;
	[smem:$0x3FB1] =	sst s0  }
0x18: {  	s0 =	sld [smem:$0x3F94];
	_ =	swait.ge [sflag:s4], $0x0  }
0x19: {  	s7 =	sld [smem:$0x3F95]  }
0x1a: {  	s8 =	sadd.s32 $0xFFFFE003, lr  }
0x1b: {  	s9 =	sadd.s32 $0xFFFFFEF7, lr;
	s5 =	simm.s32 $0xFFFFFFFF;
	p2 =	slt.u32 s8, $0xFFFFF086  }
0x1c: {  	p1 =	slt.u32 s9, $0xF7A;
	s5 =	simm.s32 @!p2 $0x0  }
0x1d: {  	s5 =	simm.s32 @p1 $0x1;
	p0 =	seq.s32 s7, s2  }
0x1e: {  	s7 =	smul.u32 @!p0 $0xF7A, s2;
	p2 =	seq.s32 @!p0 s5, $0x0  }
0x1f: {  	s9 =	smul.u32 $0xF7A, s1;
	s8 =	simm.s32 @!p0 $0x1BF5;
	p2 =	por !p2, p0  }
0x20: {  	[sflag:s8] =	ssyncset.s32 @!p0 $0xFFFFF086;
	s6 =	sadd.s32 @!p0 s3, s7;
	s7 =	simm.s32 @!p0 $0x108  }
0x21: {  	s3 =	sadd.s32 s3, s9;
	s6 =	sadd.s32 @!p0 $0x88, s6;
	s7 =	simm.s32 @p2 $0x1082  }
0x22: {  	[simem:s7], [sflag:s8] =	dma.local @!p0 [hbm:s6], $0xF7A  }
0x23: {  	s9 =	sor.u32 $0xD0000000, s2;
	s6 =	simm.s32 $0x108;
	_ =	swait.ge @!p0 [sflag:s8], $0x0  }
0x24: {  	s3 =	sadd.s32 $0x88, s3;
	s6 =	simm.s32 @!p1 $0x1082;
	[sflag:s4] =	ssyncset.s32 $0xFFFFF086  }
0x25: {  	[simem:s6], [sflag:s4] =	dma.local [hbm:s3], $0xF7A  }
0x26: {  	[smem:$0x3F95] =	sst s1;
	(tag) =	ssettag s2;
	_ =	strace s9  }
0x27: {  	s1 =	sld [smem:$0x3FA5]  }
0x28: {  	s2 =	sld [smem:$0x3FA6]  }
0x29: {  	s4 =	sld [smem:$0x3FA8]  }
0x2a: {  	p0 =	seq.s32 s5, $0x0;
	s5 =	sld [smem:$0x3FA9]  }
0x2b: {  	s6 =	sld [smem:$0x3FAA]  }
0x2c: {  	s7 =	sld [smem:$0x3FAB]  }
0x2d: {  	s3 =	simm.s32 $0x108;
	s8 =	sld [smem:$0x3FAC]  }
0x2e: {  	s3 =	simm.s32 @!p0 $0x1082;
	s9 =	sld [smem:$0x3FAD]  }
0x2f: {  	lr =	sadd.s32 s0, s3;
	s0 =	sld [smem:$0x3FA4]  }
0x30: {  	s3 =	sld [smem:$0x3FA7]  }
0x31: {  	[smem:$0x3FB0] =	sst s10  }
0x32: {  	s10 =	sld [smem:$0x3FAE];
	_ =	sdelay $0x3  }
0x33: {  	p0 =	seq.s32 s10, $0x1;
	s10 =	sld [smem:$0x3FB0];
	_ =	sdelay $0x3  }
0x34: {  	[smem:$0x3FB0] =	sst s10  }
0x35: {  	s10 =	sld [smem:$0x3FAF];
	_ =	sdelay $0x3  }
0x36: {  	p1 =	seq.s32 s10, $0x1;
	s10 =	sld [smem:$0x3FB0];
	_ =	sdelay $0x3  }
0x37: {  	[smem:$0x3FB0] =	sst s10  }
0x38: {  	s10 =	sld [smem:$0x3FB1]  }
0x39: {  	_ = 	snop;
	(pc) =	sbr.ind lr, $3  }
0x3a: {  	_ = 	snop  }
0x3b: {  	_ = 	snop  }
0x3c: {  	p2 =	seq.s32 s10, $0x1;
	s10 =	sld [smem:$0x3FB0]  }
0x3d: {  	_ =	shalt  }
0x3e: {  	_ =	shalt  }
0x3f: {  	_ =	shalt  }
0x40: {  	_ =	shalt  }
0x41: {  	_ =	shalt  }
0x42: {  	_ =	shalt  }
0x43: {  	_ =	shalt  }
0x44: {  	_ =	shalt  }
0x45: {  	_ =	shalt  }
0x46: {  	_ =	shalt  }
0x47: {  	_ =	shalt  }
0x48: {  	_ =	shalt  }
0x49: {  	_ =	shalt  }
0x4a: {  	_ =	shalt  }
0x4b: {  	_ =	shalt  }
0x4c: {  	_ =	shalt  }
0x4d: {  	_ =	shalt  }
0x4e: {  	_ =	shalt  }
0x4f: {  	_ =	shalt  }
0x50: {  	_ =	shalt  }
0x51: {  	_ =	shalt  }
0x52: {  	_ =	shalt  }
0x53: {  	_ =	shalt  }
0x54: {  	_ =	shalt  }
0x55: {  	_ =	shalt  }
0x56: {  	_ =	shalt  }
0x57: {  	_ =	shalt  }
0x58: {  	_ =	shalt  }
0x59: {  	_ =	shalt  }
0x5a: {  	_ =	shalt  }
0x5b: {  	_ =	shalt  }
0x5c: {  	_ =	shalt  }
0x5d: {  	_ =	shalt  }
0x5e: {  	_ =	shalt  }
0x5f: {  	_ =	shalt  }
0x60: {  	_ =	shalt  }
0x61: {  	_ =	shalt  }
0x62: {  	_ =	shalt  }
0x63: {  	_ =	shalt  }
0x64: {  	_ =	shalt  }
0x65: {  	_ =	shalt  }
0x66: {  	_ =	shalt  }
0x67: {  	_ =	shalt  }
0x68: {  	_ =	shalt  }
0x69: {  	_ =	shalt  }
0x6a: {  	_ =	shalt  }
0x6b: {  	_ =	shalt  }
0x6c: {  	_ =	shalt  }
0x6d: {  	_ =	shalt  }
0x6e: {  	_ =	shalt  }
0x6f: {  	_ =	shalt  }
0x70: {  	_ =	shalt  }
0x71: {  	_ =	shalt  }
0x72: {  	_ =	shalt  }
0x73: {  	_ =	shalt  }
0x74: {  	_ =	shalt  }
0x75: {  	_ =	shalt  }
0x76: {  	_ =	shalt  }
0x77: {  	_ =	shalt  }
0x78: {  	_ =	shalt  }
0x79: {  	_ =	shalt  }
0x7a: {  	_ =	shalt  }
0x7b: {  	_ =	shalt  }
0x7c: {  	_ =	shalt  }
0x7d: {  	_ =	shalt  }
0x7e: {  	_ =	shalt  }
0x7f: {  	_ =	shalt  }
0x80: {  	_ =	shalt  }
0x81: {  	_ =	shalt  }
0x82: {  	_ =	shalt  }
0x83: {  	_ =	shalt  }
0x84: {  	_ =	shalt  }
0x85: {  	_ =	shalt  }
0x86: {  	_ =	shalt  }
0x87: {  	_ =	shalt  }
.Lfunc_end0:
.L_simem_size_0:
called_computation.2_lowered:
.L_overlay_start_0:
0x88: {  	s0 =	sld [smem:$0x3FD9]  }
0x89: {  	s1 =	sld [smem:$0x3FFE];
	_ =	sdelay $0x3  }
0x8a: {  	s0 =	sadd.s32 s1, s0  }
0x8b: {  	[smem:$0x3FBC] =	sst s0  }
0x8c: {  	_ = 	snop  }
0x8d: {  	(tm) =	ssettm $0x1  }
0x8e: {  	s15 =	sld [smem:$0x3FFB];
	_ =	sdelay $0x3  }
0x8f: {  	_ =	strace s15  }
0x90: {  	s0 =	sld [smem:$0x3FFC];
	_ =	sdelay $0x3  }
0x91: {  	_ =	strace s0  }
0x92: {  	s0 =	sld [smem:$0x3FFD];
	_ =	sdelay $0x3  }
0x93: {  	_ =	strace s0  }
0x94: {  	_ =	strace $0x8FFFFFFF  }
0x95: {  	s16 =	sld [smem:$0x3FDB];
	_ =	sdelay $0x1  }
0x96: {  	s17 =	simm.s32 $_scs_section_size  }
0x97: {  	s2 =	simm.s32 $_size__tile_overlayer_lowered;
	s3 =	simm.s32 $_tile_overlayer_lowered  }
0x98: {  	s20 =	simm.s32 $0x1BFF;
	s19 =	sshll.u32 s3, $0x1;
	s0 =	sadd.s32 s17, s16  }
0x99: {  	s4 =	simm.s32 $0x0;
	s18 =	sshll.u32 s2, $0x1;
	s2 =	sadd.s32 s19, s0  }
0x9a: {  	[timem:s4], [sflag:s20] =	dma.local [hbm:s2], s18  }
0x9b: {  	_ =	swait.ge [sflag:s20], s18  }
0x9c: {  	s1 =	ssub.s32 $0x0, s18;
	[sflag:s20] =	ssyncset.done $0x0  }
0x9d: {  	[sflag:s20] =	ssyncadd.s32 s1;
	_ =	sdelay $0x1  }
0x9e: {  	s21 =	simm.s32 $0x1B8B  }
0x9f: {  	_ =	swait.ge [sflag:s21], $0x1  }
0xa0: {  	[sflag:s21] =	ssyncset.done $0x0  }
0xa1: {  	s23 =	simm.s32 $0x1B8E;
	s22 =	sld [smem:$0x3FFE];
	[sflag:s21] =	ssyncadd.s32 $0xFFFFFFFF  }
0xa2: {  	s24 =	simm.s32 $execute0_lowered;
	[smem:$0x3FD2] =	sst s23  }
0xa3: {  	s2 =	sshll.u32 s24, $0x1;
	_ =	strace $0x8000004F;
	[dreg:$0x1] =	wrdreg $0xFFFFFFFF  }
0xa4: {  	s25 =	simm.s32 $_size_execute0_lowered;
	s0 =	sadd.s32 s0, s2;
	[dreg:$0x0] =	wrdreg $0x0  }
0xa5: {  	s2 =	sshll.u32 s25, $0x1;
	[dreg:$0x2] =	wrdreg s0  }
0xa6: {  	[dreg:$0x3] =	wrdreg s2  }
0xa7: {  	[dreg:$0x4] =	wrdreg $0xC0  }
0xa8: {  	_ =	task [dreg:s4], $0x5FFFF  }
0xa9: {  	[dreg:$0x1] =	wrdreg $0xFFFFFFFF  }
0xaa: {  	[dreg:$0x0] =	wrdreg $0x60  }
0xab: {  	[dreg:$0x2] =	wrdreg s22  }
0xac: {  	[dreg:$0x3] =	wrdreg $0xB  }
0xad: {  	_ =	task.clear_ibuf [dreg:s4], $0x4FFFF;
	_ =	strace $0x9000004F  }
0xae: {  	s26 =	simm.s32 $0xB;
	_ =	strace $0x80000051  }
0xaf: {  	_ =	swait.ge [sflag:s26], $0x1  }
0xb0: {  	[sflag:s26] =	ssyncadd.s32 $0xFFFFFFFF  }
0xb1: {  	_ =	strace $0x90000051  }
0xb2: {  	_ =	sfence  }
0xb3: {  	s28 =	sld [smem:$0x0];
	_ =	sdelay $0x1  }
0xb4: {  	s29 =	srdreg.scid  }
0xb5: {  	s30 =	sshll.u32 s29, $0xD;
	s31 =	sshrl.u32 s29, $0x2  }
0xb6: {  	s1 =	sand.u32 $0x1, s29;
	s2 =	sand.u32 $0x4000, s30;
	s0 =	sadd.s32 s31, s28  }
0xb7: {  	s1 =	sor.u32 s2, s1;
	s0 =	sshll.u32 s0, $0x11  }
0xb8: {  	s0 =	sor.u32 s0, s1  }
0xb9: {  	s0 =	sadd.s32 $0x8F2B, s0  }
0xba: {  	[sflag:s0] =	ssyncadd.remote.s32 $0x1  }
0xbb: {  	_ =	sfence.sel $0xFFFF  }
0xbc: {  	[dreg:$0x0] =	wrdreg $0xFFFFFFFF;
	(pc) =	sbr.abs _section_cstart, $3  }
0xbd: {  	[dreg:$0x1] =	wrdreg $0xFFFFFFFF  }
0xbe: {  	_ =	task.clear_ibuf [dreg:s4], $0x2FFFF;
	_ =	strace $0x9FFFFFFF  }
0xbf: {  	(tm) =	ssettm $0x7FFFFFFF  }
tec
execute0_lowered:
.L_overlay_start_1:
0x0: {  	(tag) =	ssettag $0x1  }
0x1: {  	s0 =	rddreg [dreg:$0x0]  }
0x2: {  	s14 =	stileid.u32;
	_ =	strace $0x80000050;
	s2 =	simm.s32 $0x1  }
0x3: {  	v1 =	vimm.s32 $0xFFFFFFFF;
	s1 =	smin.u32 s14, $0x4;
	[sflag:s2] =	ssyncpa.u1 $0x0  }
0x4: {  	s1 =	sadd.s32 s14, s1;
	[tilespmem:$0x10] =	vst v1  }
0x5: {  	v0 =	vimm.f32 $0.0e+00;
	p0 =	slt.u32 s14, $0x4;
	[tilespmem:$0x20] =	vst v1;
	s3 =	smul.u32 $0x1F40, s1;
	s1 =	simm.s32 $0x3E80  }
0x6: {  	[tilespmem:$0x30] =	vst v0;
	s1 =	simm.s32 @!p0 $0x1F40  }
0x7: {  	[tilespmem:$0x40] =	vst v0;
	s1 =	sadd.s32 s1, s3  }
0x8: {  	[tilespmem:$0x50] =	vst v0;
	s4 =	smin.u32 s1, $0x27100  }
0x9: {  	[tilespmem:$0x60] =	vst v1;
	s9 =	ssub.s32 s4, s3  }
0xa: {  	s7 =	simm.s32 $0x2;
	s8 =	simm.s32 $0x8;
	[tilespmem:$0x70] =	vst v1;
	p0 =	sgt.s32 s9, $0x0  }
0xb: {  	s31 =	simm.s32 $0x9;
	s16 =	simm.s32 $0x0;
	[tilespmem:$0x80] =	vst v1;
	s9 =	simm.s32 @!p0 $0x0  }
0xc: {  	s17 =	simm.s32 $0xF0;
	s18 =	simm.s32 $0xFFFFFFFF;
	v1 =	vimm.s32 $0x0;
	[tilespmem:$0xB0] =	vst v0;
	s5 =	smulhi.u32 $0x10624DD3, s9  }
0xd: {  	s19 =	simm.s32 $0xFFFFC280;
	s20 =	simm.s32 $0xFFFFFFFE;
	s21 =	simm.s32 $0xF;
	[tilespmem:$0x90] =	vst v1  }
0xe: {  	[tilespmem:$0xA0] =	vst v1;
	[sflag:s7] =	ssyncpa.u1 $0x0;
	s7 =	simm.s32 $0x7;
	s10 =	sshrl.u32 s5, $0x9  }
0xf: {  	s25 =	simm.s32 $0x0;
	[sflag:s7] =	ssyncpa.u1 $0x0;
	s11 =	smul.u32 $0x1F40, s10  }
0x10: {  	s24 =	simm.s32 $0x0;
	s6 =	sadd.s32 $0x93800, s0;
	[sflag:s8] =	ssyncpa.u1 $0x0  }
.Ltmp0:
0x11: {  	s23 =	smov.u32 s3;
	p0 =	sne.s32 s9, s11;
	(pc) =	sbr.rel .LBB2_1-.Ltmp0, $4  }
0x12: {  	s1 =	sadd.s32 $0x2CFC00, s0;
	[sflag:s31] =	ssyncpa.u1 $0x0;
	s2 =	simm.s32 @!p0 $0x0  }
0x13: {  	s5 =	sadd.s32 $0x8E800, s0;
	p0 =	por $0x0, $0x0;
	s9 =	sadd.s32 s2, s10  }
0x14: {  	vm0 =	vmmov $0xffff;
	v2 =	vlaneseq.u32;
	s10 =	sshll.u32 s14, $0x1;
	s14 =	sshllo.u32 s14, $0x1;
	s11 =	sadd.s32 $0x1, s9  }
0x15: {  	vm1 =	vmxor vm1, vm1;
	vm2 =	vmmov $0x1;
	vm3 =	vcmask $0x3F3C;
	s12 =	sadd.s32 $0x2, s9;
	s13 =	sor.u32 $0x81, s10;
	s15 =	sor.u32 $0x80, s10  }
.LBB2_9:
0x16: {  	p1 =	slt.u32 s24, $0x3  }
0x17: {  	s0 =	simm.s32 @!p1 $0x2  }
0x18: {  	_ =	swait.ge @!p1 [sflag:s0], $0x1F40  }
0x19: {  	[sflag:s0] =	ssyncset.done @!p1 $0x0  }
0x1a: {  	[sflag:s0] =	ssyncadd.s32 @!p1 $0xFFFFE0C0;
	s0 =	simm.s32 @!p1 $0x9  }
0x1b: {  	_ =	swait.ge @!p1 [sflag:s0], $0x10  }
0x1c: {  	[sflag:s0] =	ssyncset.done @!p1 $0x0  }
0x1d: {  	[sflag:s0] =	ssyncadd.s32 @!p1 $0xFFFFFFF0;
	p1 =	sne.s32 s24, s12  }
.Ltmp1:
0x1e: {  	s2 =	sadd.s32 $0x1F40, s23;
	(pc) =	sbr.rel @!p1 .LBB2_10-.Ltmp1, $4  }
0x1f: {  	s22 =	smov.u32 s3;
	s31 =	sadd.s32 $0x1, s24;
	s17 =	sadd.s32 $0x1F40, s17  }
0x20: {  	s18 =	sadd.s32 $0x1, s18;
	s25 =	smov.u32 s23;
	p2 =	slt.s32 s2, s4  }
0x21: {  	p0 =	por !p0, !p0;
	s19 =	sadd.s32 $0x1F40, s19;
	s22 =	smov.u32 @p2 s2  }
0x22: {  	s20 =	sadd.s32 $0x1, s20;
	s23 =	smov.u32 s22;
	s24 =	smov.u32 s31  }
.LBB2_1:
0x23: {  	p1 =	sge.u32 s24, s9  }
0x24: {  	s0 =	smulhi.u32 @!p1 $0xAAAAAAAB, s24;
	_ =	sdelay $0x1  }
0x25: {  	s0 =	sshrl.u32 @!p1 s0, $0x1  }
0x26: {  	s0 =	smul.u32 @!p1 $0x3, s0;
	_ =	sdelay $0x1  }
0x27: {  	s0 =	ssub.s32 @!p1 s24, s0  }
0x28: {  	s0 =	smul.u32 @!p1 $0x7D00, s0;
	_ =	sdelay $0x1  }
0x29: {  	s2 =	sshrl.u32 @!p1 s23, $0x3;
	s0 =	sshrl.u32 @!p1 s0, $0x2  }
0x2a: {  	s22 =	sand.u32 @!p1 $0x7, s23;
	s2 =	sadd.s32 @!p1 s5, s2;
	s0 =	sadd.s32 @!p1 $0x100, s0  }
0x2b: {  	[tilespmem:s0], [sflag:$0x7] =	stream.linear.gather @!p1 [hbm4b:s2+s22], $0x1F40, $0x38;
	[tilespmem:$0x11A60] =	vst v63  }
0x2c: {  	s0 =	sadd.s32 $0xFFFFFFFF, s24  }
0x2d: {  	p1 =	sge.u32 s0, s9  }
.Ltmp2:
0x2e: {  	_ = 	snop;
	(pc) =	sbr.rel @p1 .LBB2_5-.Ltmp2, $1  }
0x2f: {  	_ =	sdelay $0x3  }
0x30: {  	s2 =	smulhi.u32 $0xAAAAAAAB, s0;
	_ =	sdelay $0x1  }
0x31: {  	s2 =	sshrl.u32 s2, $0x1  }
0x32: {  	s2 =	smul.u32 $0x3, s2;
	_ =	sdelay $0x1  }
0x33: {  	s2 =	ssub.s32 s0, s2  }
0x34: {  	s2 =	smul.u32 $0x7D00, s2  }
0x35: {  	_ =	swait.ge [sflag:s7], $0x1F40  }
0x36: {  	[sflag:s7] =	ssyncset.done $0x0;
	s2 =	sshrl.u32 s2, $0x2  }
0x37: {  	[sflag:s7] =	ssyncadd.s32 $0xFFFFE0C0;
	(ifvalue) =	ssetifvalue $0xFFFFFFFF;
	v3 =	vld.msk [tilespmem:s2+$0x100 ss:$0x1], $0xffff;
	_ =	sdelay $0x2  }
0x38: {  	s30 =	smulhi.u32 $0xAAAAAAAB, s18;
	p1 =	sne.s32 s24, $0x1  }
0x39: {  	v4 =	vimm.s32 @!p1 $0x0  }
0x3a: {  	s2 =	sshrl.u32 s30, $0x1;
	v4 =	vperm.xlane @!p1 v3, v4  }
0x3b: {  	s22 =	sshll.u32 s24, $0x4;
	s2 =	smul.u32 $0xFFFE8900, s2;
	vm4 =	vlt.u32 v3, $0x2800  }
0x3c: {  	s22 =	sand.u32 $0x10, s22;
	v3 =	vnsel vm4, $0xFFFFFFFE, v3;
	vm4 =	vlt.u32 @!p1 v4, $0x2800  }
0x3d: {  	s2 =	sshra.s32 s2, $0x2;
	[tilespmem:s22+$0x60] =	vst v3;
	v3 =	vnsel @!p1 vm4, $0xFFFFFFFE, v4  }
0x3e: {  	s28 =	sadd.s32 s2, s17;
	[tilespmem:$0x80] =	vst @!p1 v3  }
0x3f: {  	v3 =	vld.msk [tilespmem:s28+$0x0 ss:$0x1], $0xffff;
	_ =	sdelay $0x4  }
0x40: {  	(xrf1) =	vunique.msk.u32 $0xffff, v3;
	_ =	sdelay $0xd  }
0x41: {  	v4 =	vimm.s32 $0xFFFFFFFF;
	v5, _, _ =	vpop (xrf1)  }
0x42: {  	vm5 =	vne.s32 v3, v4;
	vm4 =	veq.s32 v5, v2  }
0x43: {  	vm6 =	vlt.u32 v3, $0x2800;
	vm4 =	vmand vm5, vm4  }
0x44: {  	vm4 =	vmand vm6, vm4  }
0x45: {  	v4 =	vnsel vm4, $0xFFFFFFFF, v3  }
0x46: {  	s31 =	sand.u32 $0x1, s0  }
0x47: {  	s0 =	simm.s32 $0x1F40;
	p1 =	seq.s32 s31, $0x1  }
0x48: {  	s0 =	simm.s32 @!p1 $0x0  }
0x49: {  	s26 =	sadd.s32 $0x7DF0, s0;
	(ifvalue) =	ssetifvalue $0xFFFFFFFF  }
0x4a: {  	v3 =	vperm.xlane v3, v1;
	[tilespmem:s26], [sflag:$0x8] =	stream.indirect_vreg.gather [hbm4b:s1+s16], $0x1, v4, vm0, $0x4038;
	v4 =	vnsel vm6, $0xFFFFFFFE, v4;
	[tilespmem:$0x11A60] =	vst v63  }
0x4b: {  	s2 =	simm.s32 $0x0;
	s22 =	sadd.s32 $0xFFFFFFF0, s28;
	[tilespmem:s28+$0x0] =	vst v4  }
.LBB2_3:
0x4c: {  	v4 =	vld.msk [tilespmem:s22+$0x0 ss:$0x1], $0xffff;
	s2 =	sadd.s32 $0x10, s2;
	v5 =	vmov v3;
	s28 =	smov.u32 s22  }
0x4d: {  	p1 =	slt.u32 s2, $0x1F30;
	_ =	sdelay $0x4  }
0x4e: {  	v3 =	vperm.xlane v4, v1;
	(xrf1) =	vunique.msk.u32 $0xffff, v4;
	_ =	sdelay $0xd  }
0x4f: {  	v6, _, _ =	vpop (xrf1)  }
0x50: {  	vm5 =	vne.s32 v4, v5;
	vm4 =	veq.s32 v6, v2  }
0x51: {  	vm6 =	vlt.u32 v4, $0x2800;
	vm4 =	vmand vm5, vm4  }
0x52: {  	vm4 =	vmand vm6, vm4  }
0x53: {  	v4 =	vnsel vm4, $0xFFFFFFFF, v4  }
.Ltmp3:
0x54: {  	v5 =	vnsel vm6, $0xFFFFFFFE, v4;
	(pc) =	sbr.rel @p1 .LBB2_3-.Ltmp3, $3  }
0x55: {  	_ =	sdelay $0x1  }
0x56: {  	s22 =	sadd.s32 $0xFFFFFFF0, s22;
	s26 =	sadd.s32 $0xFFFFFFF0, s26;
	(ifvalue) =	ssetifvalue $0xFFFFFFFF  }
0x57: {  	[tilespmem:s26], [sflag:$0x8] =	stream.indirect_vreg.gather [hbm4b:s1+s16], $0x1, v4, vm0, $0x4038;
	[tilespmem:s28+$0x0] =	vst v5  }
0x58: {  	s2 =	sshrl.u32 s25, $0x3  }
0x59: {  	s0 =	sadd.s32 $0x9D40, s0;
	s2 =	sadd.s32 s6, s2  }
0x5a: {  	[tilespmem:s0], [sflag:$0x8] =	stream.linear.gather [hbm:s2], $0x1F40, $0x38;
	[tilespmem:$0x11A60] =	vst v63  }
.LBB2_5:
0x5b: {  	p1 =	slt.u32 s24, $0x2  }
0x5c: {  	p2 =	sge.u32 @!p1 s24, s12  }
0x5d: {  	p1 =	por p1, p2  }
.Ltmp4:
0x5e: {  	_ = 	snop;
	(pc) =	sbr.rel @p1 .LBB2_9-.Ltmp4, $1  }
0x5f: {  	_ =	sdelay $0x3  }
0x60: {  	s0 =	sadd.s32 $0xFFFFFFFE, s24  }
0x61: {  	s2 =	smulhi.u32 $0xAAAAAAAB, s0;
	_ =	sdelay $0x1  }
0x62: {  	s2 =	sshrl.u32 s2, $0x1  }
0x63: {  	s2 =	smul.u32 $0x3, s2;
	_ =	sdelay $0x1  }
0x64: {  	s0 =	ssub.s32 s0, s2  }
0x65: {  	_ =	swait.ge [sflag:s8], $0x3E80;
	s0 =	smul.u32 $0x1F40, s0  }
0x66: {  	p1 =	sne.s32 s24, s11;
	[sflag:s8] =	ssyncset.done $0x0  }
0x67: {  	[sflag:s8] =	ssyncadd.s32 $0xFFFFC180;
	s2 =	sadd.s32 @!p1 $0x203F, s0  }
0x68: {  	[spmem:s13] =	stream.linear.scatter @!p1 [tilespmem:s2], [sflag:$0x1], $0x1, $0x38;
	[tilespmem:$0x11A60] =	vst v63  }
0x69: {  	s2 =	simm.s32 @!p1 $0x1  }
0x6a: {  	_ =	swait.ge @!p1 [sflag:s2], $0x1  }
0x6b: {  	s22 =	sshll.u32 s24, $0x4;
	[sflag:s2] =	ssyncset.done @!p1 $0x0  }
0x6c: {  	s25 =	sand.u32 $0x10, s22;
	[sflag:s2] =	ssyncadd.s32 @!p1 $0xFFFFFFFF  }
0x6d: {  	s2 =	sxor.u32 $0x10, s25;
	v4 =	vld [tilespmem:s25+$0x10]  }
0x6e: {  	v5 =	vld [tilespmem:s2+$0x60]  }
0x6f: {  	v3 =	vld [tilespmem:$0x80];
	_ =	sdelay $0x2  }
0x70: {  	(v2sf) =	vpush v4, $0x0  }
0x71: {  	(v2sf) =	vpush v5, $0x0  }
0x72: {  	(v2sf) =	vpush v3, $0x0;
	_ =	sdelay $0xc  }
0x73: {  	s22 =	spop (v2sf)  }
0x74: {  	s26 =	spop (v2sf)  }
0x75: {  	s28 =	spop (v2sf)  }
0x76: {  	p2 =	seq.s32 s22, s26;
	p3 =	seq.s32 s28, s22  }
0x77: {  	p3 =	por p2, p3  }
0x78: {  	s26 =	sand.u32 $0x1, s24;
	v4 =	vpsel p3, $0xFFFFFFFF, v4  }
0x79: {  	s29 =	smul.u32 $0x1F40, s26;
	[tilespmem:s25+$0x10] =	vst.msk $0x1, v4  }
0x7a: {  	v4 =	vld [tilespmem:$0x30]  }
0x7b: {  	v5 =	vld [tilespmem:s29+$0x9D40]  }
0x7c: {  	v6 =	vld [tilespmem:s25+$0x40];
	_ =	sdelay $0x3  }
0x7d: {  	vm4 =	vmmov vm1;
	v5 =	vadd.f32 v5, v4  }
0x7e: {  	vm5 =	vmmov vm2;
	vm4 =	vmmov @p2 vm2;
	s22 =	sshll.u32 s26, $0x4;
	v4 =	vadd.f32 v6, v4  }
0x7f: {  	s26 =	sor.u32 $0x11A40, s22;
	vm5 =	vmmov @p3 vm1;
	[tilespmem:s29+$0x9D40] =	vst.msk vm4, v5  }
0x80: {  	[tilespmem:s26+$0x0] =	vst.msk vm5, v4  }
0x81: {  	v4 =	vld [tilespmem:s29+$0x7DF0];
	_ =	sdelay $0x3  }
0x82: {  	v5 =	vimm.f32 $0.0e+00  }
0x83: {  	v4 =	vshift.insert v4, v5, s21  }
0x84: {  	s22 =	sor.u32 $0x40, s2  }
0x85: {  	[tilespmem:s22+$0x0] =	vst.msk $0x1, v4  }
0x86: {  	[tilespmem:s29+$0x7DFF] =	vst.msk $0x1, v5  }
0x87: {  	v4 =	vld [tilespmem:s0+$0x2030];
	_ =	sdelay $0x1  }
0x88: {  	s22 =	smulhi.u32 $0xAAAAAAAB, s20;
	s0 =	simm.s32 $0x1  }
0x89: {  	s0 =	simm.s32 @!p0 $0x0  }
0x8a: {  	s22 =	sshrl.u32 s22, $0x1;
	s0 =	smul.u32 $0x7D00, s0  }
0x8b: {  	s22 =	smul.u32 $0xFFFE8900, s22;
	v4 =	vshift.insert v4, v1, s21  }
0x8c: {  	s0 =	sshrl.u32 s0, $0x2  }
0x8d: {  	s22 =	sshra.s32 s22, $0x2;
	s30 =	sadd.s32 $0x9D40, s0;
	[tilespmem:s2+$0x10] =	vst.msk $0x1, v4  }
0x8e: {  	s22 =	sadd.s32 s22, s19;
	v6 =	vld [tilespmem:s30+$0x0]  }
0x8f: {  	v7 =	vld [tilespmem:s22+$0x0];
	_ =	sdelay $0x3  }
0x90: {  	v5 =	vadd.f32 v6, v5  }
0x91: {  	vm4 =	vne.s32 v7, $0xFFFFFFFF  }
0x92: {  	(xrf2) =	vadd.seg.scan.f32 vm4, v5;
	_ =	sdelay $0x3  }
0x93: {  	s31 =	sadd.s32 $0x5EC0, s0;
	v5 =	vperm.xlane v4, v1  }
0x94: {  	v6 =	vld [tilespmem:s31+$0x0]  }
0x95: {  	vm5 =	veq.s32 v7, v3;
	vm6 =	veq.s32 v7, v5  }
0x96: {  	vm7 =	vgt.u32 v7, $0xFFFFFFFD;
	vm6 =	vmor vm6, vm5  }
0x97: {  	vm6 =	vmor vm6, vm7  }
0x98: {  	v9 =	vld [tilespmem:$0xA0];
	v7 =	vsel vm6, $0xFFFFFFFF, v7  }
0x99: {  	v10 =	vld [tilespmem:$0x90];
	v6 =	vsel vm5, $0x0, v6;
	v8, _, _ =	vpop (xrf2)  }
0x9a: {  	v6 =	vadd.f32 v8, v6  }
0x9b: {  	s0 =	sadd.s32 $0xDBC0, s0  }
0x9c: {  	vm4 =	vmand vm4, vm3;
	[tilespmem:s0+$0x0] =	vst v6;
	(ifvalue) =	ssetifvalue $0xFFFFFFFF  }
0x9d: {  	vm6 =	veq.s32 v9, $0x1;
	[hbm4b:s1+s16] =	stream.indirect_vreg.scatter [tilespmem:s0], [sflag:$0x2], $0x1, v7, vm0, $0x4038;
	v7 =	vsel vm4, $0x0, v8;
	[tilespmem:$0x11A60] =	vst v63  }
0x9e: {  	s2 =	simm.s32 $0x0;
	s22 =	sadd.s32 $0x10, s22;
	vm4 =	vmor vm6, vm5;
	v6 =	vsel vm5, v8, v10;
	v7 =	vshift.insert v7, v0, s21  }
.LBB2_7:
0x9f: {  	v8 =	vld [tilespmem:s22+$0x0];
	s30 =	sadd.s32 $0x10, s30  }
0xa0: {  	s31 =	sadd.s32 $0x10, s31;
	v9 =	vld [tilespmem:s30+$0x0]  }
0xa1: {  	s2 =	sadd.s32 $0x10, s2;
	v10 =	vld [tilespmem:s31+$0x0]  }
0xa2: {  	p2 =	slt.u32 s2, $0x1F30;
	_ =	sdelay $0x2  }
0xa3: {  	v7 =	vadd.f32 v9, v7  }
0xa4: {  	vm5 =	vne.s32 v8, $0xFFFFFFFF  }
0xa5: {  	vm6 =	vmand vm5, vm3;
	(xrf2) =	vadd.seg.scan.f32 vm5, v7;
	_ =	sdelay $0x5  }
0xa6: {  	vm7 =	veq.s32 v8, v5;
	vm5 =	veq.s32 v8, v3  }
0xa7: {  	vm8 =	vgt.u32 v8, $0xFFFFFFFD;
	vm4 =	vmor vm4, vm5;
	vm7 =	vmor vm7, vm5  }
0xa8: {  	vm7 =	vmor vm7, vm8  }
0xa9: {  	v8 =	vsel vm7, $0xFFFFFFFF, v8  }
.Ltmp5:
0xaa: {  	v7 =	vsel vm5, $0x0, v10;
	v9, _, _ =	vpop (xrf2);
	(pc) =	sbr.rel @p2 .LBB2_7-.Ltmp5, $4  }
0xab: {  	v6 =	vsel vm5, v9, v6;
	v10 =	vadd.f32 v9, v7;
	v7 =	vsel vm6, $0x0, v9  }
0xac: {  	s0 =	sadd.s32 $0x10, s0;
	v7 =	vshift.insert v7, v0, s21  }
0xad: {  	s22 =	sadd.s32 $0x10, s22;
	[tilespmem:s0+$0x0] =	vst v10;
	(ifvalue) =	ssetifvalue $0xFFFFFFFF  }
0xae: {  	[hbm4b:s1+s16] =	stream.indirect_vreg.scatter [tilespmem:s0], [sflag:$0x2], $0x1, v8, vm0, $0x4038;
	[tilespmem:$0x11A60] =	vst v63  }
0xaf: {  	v3 =	vld [tilespmem:s29+$0xFAF0];
	_ =	sdelay $0x4  }
0xb0: {  	v3 =	vshift.insert v3, v0, s21  }
0xb1: {  	s0 =	simm.s32 $0x30  }
0xb2: {  	[tilespmem:s0+$0x0] =	vst.msk $0x1, v3  }
0xb3: {  	v3 =	vsel vm4, $0x1, v1;
	[tilespmem:$0x90] =	vst v6  }
0xb4: {  	s0 =	sadd.s32 @!p1 $0xFAFF, s29;
	[tilespmem:$0xA0] =	vst v3  }
0xb5: {  	[spmem:s14] =	stream.linear.scatter @!p1 [tilespmem:s0], [sflag:$0x1], $0x1, $0x38;
	[tilespmem:$0x11A60] =	vst v63  }
0xb6: {  	s0 =	simm.s32 @!p1 $0x1  }
0xb7: {  	v3 =	vmctz.xlane @!p1 vm4;
	_ =	swait.ge @!p1 [sflag:s0], $0x1  }
0xb8: {  	(v2sf) =	vpush @!p1 v4, $0x0  }
0xb9: {  	(v2sf) =	vpush @!p1 v3, $0x0;
	_ =	sdelay $0xd  }
0xba: {  	s2 =	spop @!p1 (v2sf)  }
0xbb: {  	s22 =	spop @!p1 (v2sf)  }
0xbc: {  	p2 =	sne.s32 @!p1 s28, s2;
	p3 =	slt.s32 @!p1 s22, $0xF  }
0xbd: {  	[sflag:s0] =	ssyncset.done @!p1 $0x0;
	p2 =	por p2, p1;
	p3 =	por !p3, p1  }
0xbe: {  	[sflag:s0] =	ssyncadd.s32 @!p1 $0xFFFFFFFF;
	v3 =	vimm.s32 @!p2 $0xFFFFFFFF;
	s22 =	simm.s32 @p3 $0xF  }
0xbf: {  	[tilespmem:$0x80] =	vst @!p2 v3;
	s2 =	sadd.s32 @!p1 $0x90, s22  }
0xc0: {  	[spmem:s10] =	stream.linear.scatter @!p1 [tilespmem:s2], [sflag:$0x1], $0x1, $0x38;
	[tilespmem:$0x11A60] =	vst v63  }
0xc1: {  	_ =	swait.ge @!p1 [sflag:s0], $0x1  }
0xc2: {  	[sflag:s0] =	ssyncset.done @!p1 $0x0  }
0xc3: {  	s2 =	simm.s32 @!p1 $0x80;
	[sflag:s0] =	ssyncadd.s32 @!p1 $0xFFFFFFFF  }
0xc4: {  	[spmem:s15] =	stream.linear.scatter @!p1 [tilespmem:s2], [sflag:$0x1], $0x1, $0x38;
	[tilespmem:$0x11A60] =	vst v63  }
0xc5: {  	_ =	swait.ge @!p1 [sflag:s0], $0x1  }
0xc6: {  	[sflag:s0] =	ssyncset.done @!p1 $0x0  }
0xc7: {  	[sflag:s0] =	ssyncadd.s32 @!p1 $0xFFFFFFFF;
	(ifvalue) =	ssetifvalue $0xFFFFFFFF;
	v3 =	vld [tilespmem:s25+$0x10];
	_ =	sdelay $0x3  }
.Ltmp6:
0xc8: {  	_ = 	snop;
	(pc) =	sbr.rel .LBB2_9-.Ltmp6, $3  }
0xc9: {  	_ =	sdelay $0x1  }
0xca: {  	(ifvalue) =	ssetifvalue $0xFFFFFFFF  }
0xcb: {  	[hbm4b:s1+s16] =	stream.indirect_vreg.scatter [tilespmem:s26], [sflag:$0x9], $0x1, v3, vm0, $0x4038;
	[tilespmem:$0x11A60] =	vst v63  }
.LBB2_10:
0xcc: {  	_ =	sfence.sel $0x180000  }
0xcd: {  	s0 =	simm.s32 $0x7;
	[bflag:$0x0] =	sbarrier.arrive $0xFFFF  }
0xce: {  	s26 =	simm.s32 $0x8;
	[sflag:s0] =	ssyncpa.u1 $0x1  }
0xcf: {  	s28 =	simm.s32 $0x9;
	[sflag:s26] =	ssyncpa.u1 $0x1  }
0xd0: {  	[sflag:s28] =	ssyncpa.u1 $0x1  }
0xd1: {  	_ =	sfence.stream.spmem  }
0xd2: {  	s29 =	simm.s32 $0x3;
	[bflag:$0x0] =	sbarrier.arrive $0xFFFF  }
0xd3: {  	s30 =	simm.s32 $0x4;
	[sflag:s29] =	ssyncpa.u1 $0x1  }
0xd4: {  	s31 =	simm.s32 $0x3C;
	s2 =	stileid.u32;
	[sflag:s30] =	ssyncpa.u1 $0x1  }
0xd5: {  	p0 =	sne.s32 s2, $0x0;
	[sflag:s31] =	ssyncpa.u1 $0x1  }
0xd6: {  	s0 =	simm.s32 @p0 $0x1;
	_ =	sfence @p0  }
0xd7: {  	[sflag:s0] =	ssyncpa.u1 @p0 $0x1;
	s0 =	simm.s32 @p0 $0x2  }
0xd8: {  	[sflag:s0] =	ssyncpa.u1 @p0 $0x1  }
0xd9: {  	_ =	strace @p0 $0x90000050  }
0xda: {  	[bflag:$0x2] =	sbarrier.arrive @p0 $0xFFFF  }
0xdb: {  	_ =	shalt @p0  }
.LBB2_11:
0xdc: {  	_ =	sfence.stream.spmem;
	s0 =	simm.s32 $0x5  }
0xdd: {  	s2 =	simm.s32 $0x80;
	s3 =	simm.s32 $0xC0;
	[sflag:s0] =	ssyncpa.u1 $0x0  }
0xde: {  	[tilespmem:s3], [sflag:$0x5] =	stream.linear.gather [spmem:s2], $0x20, $0x38;
	[tilespmem:$0x11A60] =	vst v63  }
0xdf: {  	s2 =	simm.s32 $0x0;
	s3 =	simm.s32 $0xE0  }
0xe0: {  	[tilespmem:s3], [sflag:$0x5] =	stream.linear.gather [spmem:s2], $0x20, $0x38;
	[tilespmem:$0x11A60] =	vst v63  }
.Ltmp7:
0xe1: {  	_ = 	snop;
	(pc) =	sbr.rel .LBB2_12-.Ltmp7, $4  }
0xe2: {  	_ =	swait.ge [sflag:s0], $0x40  }
0xe3: {  	[sflag:s0] =	ssyncset.done $0x0  }
0xe4: {  	s31 =	simm.s32 $0x6;
	[sflag:s0] =	ssyncadd.s32 $0xFFFFFFC0  }
0xe5: {  	s4 =	simm.s32 $0x0;
	[sflag:s31] =	ssyncpa.u1 $0x0  }
.LBB2_17:
0xe6: {  	p0 =	sgt.u32 s5, $0x27FF  }
0xe7: {  	s0 =	sshrl.u32 @!p0 s5, $0x3  }
0xe8: {  	s5 =	sand.u32 @!p0 $0x7, s5;
	s6 =	simm.s32 @!p0 $0xB0;
	s0 =	sadd.s32 @!p0 s1, s0  }
0xe9: {  	[tilespmem:s6], [sflag:$0x6] =	stream.linear.gather @!p0 [hbm4b:s0+s5], $0x1, $0x38;
	[tilespmem:$0x11A60] =	vst v63  }
0xea: {  	s0 =	simm.s32 @!p0 $0x6  }
0xeb: {  	_ =	swait.ge @!p0 [sflag:s0], $0x1  }
0xec: {  	[sflag:s0] =	ssyncset.done @!p0 $0x0  }
0xed: {  	[sflag:s0] =	ssyncadd.s32 @!p0 $0xFFFFFFFF  }
0xee: {  	v2 =	vmov @!p0 s4;
	v1 =	vld.msk @!p0 [tilespmem:$0xB0], $0x1;
	_ =	sdelay $0x3  }
0xef: {  	s0 =	simm.s32 @!p0 $0xE0  }
0xf0: {  	[tilespmem:v2+s0+$0x0], v1 =	vst.idx.ret.add.f32.msk @!p0 $0x1, v1  }
0xf1: {  	[tilespmem:s2+$0xC0] =	vst.msk $0x1, v0  }
0xf2: {  	v0 =	vld.msk [tilespmem:s4+$0xE0], $0x1;
	_ =	sdelay $0x4  }
0xf3: {  	[tilespmem:s2+$0xE0] =	vst.msk $0x1, v0;
	s2 =	sadd.s32 $0x1, s2  }
.LBB2_19:
0xf4: {  	s4 =	sadd.s32 $0x1, s4  }
0xf5: {  	p0 =	sne.s32 s4, $0x20  }
.Ltmp8:
0xf6: {  	_ = 	snop;
	(pc) =	sbr.rel @!p0 .LBB2_20-.Ltmp8, $1  }
0xf7: {  	_ =	sdelay $0x3  }
.LBB2_12:
0xf8: {  	v0 =	vld.msk [tilespmem:s4+$0xC0], $0x1;
	_ =	sdelay $0x4  }
0xf9: {  	(v2sf) =	vpush v0, $0x0;
	_ =	sdelay $0xe  }
0xfa: {  	s5 =	spop (v2sf)  }
0xfb: {  	p0 =	seq.s32 s5, $0xFFFFFFFF  }
.Ltmp9:
0xfc: {  	_ = 	snop;
	(pc) =	sbr.rel @p0 .LBB2_19-.Ltmp9, $1  }
0xfd: {  	_ =	sdelay $0x3  }
0xfe: {  	p0 =	slt.s32 s2, $0x1  }
.Ltmp10:
0xff: {  	_ = 	snop;
	(pc) =	sbr.rel @p0 .LBB2_17-.Ltmp10, $1  }
0x100: {  	_ =	sdelay $0x3  }
0x101: {  	s0 =	simm.s32 $0xC0;
	p0 =	por $0x0, $0x0  }
0x102: {  	v1 =	vld.msk @!p0 [tilespmem:s0+$0x0], $0x1;
	_ =	sdelay $0x4  }
0x103: {  	(v2sf) =	vpush @!p0 v1, $0x0;
	_ =	sdelay $0xd  }
0x104: {  	p2 =	sne.s32 s2, $0x1  }
.Ltmp11:
0x105: {  	s6 =	spop @!p0 (v2sf);
	(pc) =	sbr.rel @!p2 .LBB2_16-.Ltmp11, $4  }
0x106: {  	p1 =	seq.s32 @!p0 s5, s6  }
0x107: {  	s6 =	simm.s32 $0x0;
	p1 =	por !p1, p0  }
0x108: {  	s8 =	simm.s32 $0xFFFFFFFF;
	s6 =	simm.s32 @p1 $0xFFFFFFFF  }
0x109: {  	s7 =	simm.s32 $0x1;
	s6 =	smov.u32 @p0 s8  }
.LBB2_15:
0x10a: {  	s8 =	smov.u32 s6;
	p0 =	sne.s32 s6, $0xFFFFFFFF  }
0x10b: {  	s0 =	sadd.s32 $0x1, s0;
	s6 =	smov.u32 s7;
	s7 =	sadd.s32 $0x1, s7  }
0x10c: {  	p1 =	sne.s32 s2, s7;
	v1 =	vld.msk @!p0 [tilespmem:s0+$0x0], $0x1;
	_ =	sdelay $0x4  }
0x10d: {  	(v2sf) =	vpush @!p0 v1, $0x0;
	_ =	sdelay $0xe  }
.Ltmp12:
0x10e: {  	s9 =	spop @!p0 (v2sf);
	(pc) =	sbr.rel @p1 .LBB2_15-.Ltmp12, $4  }
0x10f: {  	p2 =	seq.s32 @!p0 s5, s9  }
0x110: {  	p2 =	por !p2, p0  }
0x111: {  	s6 =	simm.s32 @p2 $0xFFFFFFFF  }
0x112: {  	s6 =	smov.u32 @p0 s8  }
.LBB2_16:
0x113: {  	p0 =	sne.s32 s6, $0xFFFFFFFF  }
.Ltmp13:
0x114: {  	_ = 	snop;
	(pc) =	sbr.rel @!p0 .LBB2_17-.Ltmp13, $1  }
0x115: {  	_ =	sdelay $0x3  }
0x116: {  	v0 =	vld.msk [tilespmem:s4+$0xE0], $0x1;
	v1 =	vmov s6  }
.Ltmp14:
0x117: {  	_ = 	snop;
	(pc) =	sbr.rel .LBB2_19-.Ltmp14, $2  }
0x118: {  	_ =	sdelay $0x2  }
0x119: {  	[tilespmem:v1+s3+$0x0], v0 =	vst.idx.ret.add.f32.msk $0x1, v0  }
.LBB2_20:
0x11a: {  	p0 =	slt.s32 s2, $0x1  }
.Ltmp15:
0x11b: {  	_ = 	snop;
	(pc) =	sbr.rel @p0 .LBB2_24-.Ltmp15, $3  }
0x11c: {  	_ =	sdelay $0x1  }
0x11d: {  	s0 =	simm.s32 $0x6  }
0x11e: {  	s3 =	simm.s32 $0x0;
	[sflag:s0] =	ssyncpa.u1 $0x1  }
0x11f: {  	s0 =	simm.s32 $0xC0  }
0x120: {  	v0 =	vld.msk [tilespmem:s0+$0x0], $0x1;
	_ =	sdelay $0x4  }
0x121: {  	(v2sf) =	vpush v0, $0x0;
	_ =	sdelay $0xe  }
0x122: {  	s2 =	sadd.s32 $0xFFFFFFFF, s2;
	s4 =	spop (v2sf)  }
0x123: {  	p1 =	sne.s32 s2, $0x0;
	p0 =	sgt.u32 s4, $0x27FF  }
.Ltmp16:
0x124: {  	s5 =	sshrl.u32 @!p0 s4, $0x3;
	(pc) =	sbr.rel @!p1 .LBB2_23-.Ltmp16, $4  }
0x125: {  	s0 =	simm.s32 $0xE0;
	s4 =	sand.u32 @!p0 $0x7, s4;
	s5 =	sadd.s32 @!p0 s1, s5  }
0x126: {  	[hbm4b:s5+s4] =	stream.linear.scatter @!p0 [tilespmem:s0], [sflag:$0x5], $0x1, $0x38;
	[tilespmem:$0x11A60] =	vst v63  }
0x127: {  	s5 =	simm.s32 $0x0  }
0x128: {  	s4 =	simm.s32 $0xC1;
	s5 =	simm.s32 @!p0 $0x4  }
.LBB2_22:
0x129: {  	v0 =	vld.msk [tilespmem:s4+$0x0], $0x1;
	s2 =	sadd.s32 $0xFFFFFFFF, s2;
	s3 =	sadd.s32 s3, s5  }
0x12a: {  	p0 =	sne.s32 s2, $0x0;
	_ =	sdelay $0x3  }
0x12b: {  	(v2sf) =	vpush v0, $0x0;
	_ =	sdelay $0xe  }
.Ltmp17:
0x12c: {  	s6 =	spop (v2sf);
	(pc) =	sbr.rel @p0 .LBB2_22-.Ltmp17, $4  }
0x12d: {  	s5 =	simm.s32 $0x0;
	p1 =	sgt.u32 s6, $0x27FF  }
0x12e: {  	s0 =	sadd.s32 $0x1, s0;
	s5 =	simm.s32 @!p1 $0x4;
	s7 =	sshrl.u32 @!p1 s6, $0x3  }
0x12f: {  	s4 =	sadd.s32 $0x1, s4;
	s6 =	sand.u32 @!p1 $0x7, s6;
	s7 =	sadd.s32 @!p1 s1, s7  }
0x130: {  	[hbm4b:s7+s6] =	stream.linear.scatter @!p1 [tilespmem:s0], [sflag:$0x5], $0x1, $0x38;
	[tilespmem:$0x11A60] =	vst v63  }
.LBB2_23:
0x131: {  	s0 =	sadd.s32 s3, s5  }
0x132: {  	s3 =	sshrl.u32 s0, $0x2  }
.LBB2_24:
0x133: {  	s0 =	simm.s32 $0x5  }
0x134: {  	_ =	swait.ge [sflag:s0], s3  }
0x135: {  	s1 =	ssub.s32 $0x0, s3;
	[sflag:s0] =	ssyncset.done $0x0  }
0x136: {  	[sflag:s0] =	ssyncadd.s32 s1  }
0x137: {  	[sflag:s0] =	ssyncpa.u1 $0x1  }
0x138: {  	s29 =	simm.s32 $0x1;
	_ =	sfence  }
0x139: {  	s30 =	simm.s32 $0x2;
	[sflag:s29] =	ssyncpa.u1 $0x1  }
0x13a: {  	[sflag:s30] =	ssyncpa.u1 $0x1  }
0x13b: {  	_ =	strace $0x90000050  }
0x13c: {  	[bflag:$0x2] =	sbarrier.arrive $0xFFFF  }
0x13d: {  	s31 =	rddreg [dreg:$0x1]  }
0x13e: {  	s0 =	sadd.s32 $0x100000, s31  }
0x13f: {  	[sflag:s0] =	ssyncadd.tile.s32 $0x1;
	_ =	shalt  }
.Lfunc_end2:
_tile_overlayer_lowered:
.L_overlay_start_2:
0x140: {  	(tag) =	ssettag $0x2  }
0x141: {  	s0 =	rddreg [dreg:$0x0];
	s2 =	stileid.u32  }
0x142: {  	s1 =	rddreg [dreg:$0x1];
	p0 =	sne.s32 s2, $0x0  }
0x143: {  	s3 =	rddreg [dreg:$0x2];
	[bflag:$0x3] =	sbarrier.arrive $0xFFFF;
	s2 =	simm.s32 @!p0 $0x1C01  }
0x144: {  	[timem:s3], [sflag:s2] =	dma.local @!p0 [hbm:s0], s1  }
0x145: {  	s0 =	simm.s32 @!p0 $0x1  }
0x146: {  	_ =	swait.ge @!p0 [sflag:s0], s1  }
0x147: {  	s1 =	ssub.s32 @!p0 $0x0, s1;
	[sflag:s0] =	ssyncset.done @!p0 $0x0  }
0x148: {  	[sflag:s0] =	ssyncadd.s32 @!p0 s1  }
0x149: {  	[bflag:$0x3] =	sbarrier.arrive $0xFFFF  }
0x14a: {  	_ =	shalt  }

// kernel: scatter_offload_async_start.3
scs
__scs_entry_jumppad:
0x0: {  	(pc) =	sbr.rel $0x88, $3  }
0x1: {  	(tag) =	ssettag $0x0;
	lr =	simm.s32 $0x1  }
0x2: {  	[smem:$0x3F95] =	sst lr;
	_ =	strace $0xD0000000  }
0x3: {  	_ = 	snop  }
0x4: {  	_ = 	snop  }
0x5: {  	_ = 	snop  }
0x6: {  	_ = 	snop  }
0x7: {  	_ = 	snop  }
__scs_overlays_trampoline_lowered:
0x8: {  	[smem:$0x3FA4] =	sst s0  }
0x9: {  	[smem:$0x3FA5] =	sst s1  }
0xa: {  	[smem:$0x3FA6] =	sst s2  }
0xb: {  	[smem:$0x3FA7] =	sst s3  }
0xc: {  	[smem:$0x3FA8] =	sst s4  }
0xd: {  	[smem:$0x3FA9] =	sst s5  }
0xe: {  	[smem:$0x3FAA] =	sst s6  }
0xf: {  	[smem:$0x3FAB] =	sst s7  }
0x10: {  	[smem:$0x3FAC] =	sst s8  }
0x11: {  	[smem:$0x3FAD] =	sst s9;
	s0 =	simm.s32 @!p0 $0x0  }
0x12: {  	s1 =	sld [smem:$0x3F93];
	s0 =	simm.s32 @p0 $0x1  }
0x13: {  	[smem:$0x3FAE] =	sst s0;
	s0 =	simm.s32 @!p1 $0x0  }
0x14: {  	s2 =	sld [smem:$0x3F92];
	s0 =	simm.s32 @p1 $0x1  }
0x15: {  	[smem:$0x3FAF] =	sst s0;
	s0 =	simm.s32 @!p2 $0x0  }
0x16: {  	s3 =	sld [smem:$0x3FDB];
	s0 =	simm.s32 @p2 $0x1  }
0x17: {  	s4 =	simm.s32 $0x1BF5;
	[smem:$0x3FB1] =	sst s0  }
0x18: {  	s0 =	sld [smem:$0x3F94];
	_ =	swait.ge [sflag:s4], $0x0  }
0x19: {  	s7 =	sld [smem:$0x3F95]  }
0x1a: {  	s8 =	sadd.s32 $0xFFFFE003, lr  }
0x1b: {  	s9 =	sadd.s32 $0xFFFFFEF7, lr;
	s5 =	simm.s32 $0xFFFFFFFF;
	p2 =	slt.u32 s8, $0xFFFFF086  }
0x1c: {  	p1 =	slt.u32 s9, $0xF7A;
	s5 =	simm.s32 @!p2 $0x0  }
0x1d: {  	s5 =	simm.s32 @p1 $0x1;
	p0 =	seq.s32 s7, s2  }
0x1e: {  	s7 =	smul.u32 @!p0 $0xF7A, s2;
	p2 =	seq.s32 @!p0 s5, $0x0  }
0x1f: {  	s9 =	smul.u32 $0xF7A, s1;
	s8 =	simm.s32 @!p0 $0x1BF5;
	p2 =	por !p2, p0  }
0x20: {  	[sflag:s8] =	ssyncset.s32 @!p0 $0xFFFFF086;
	s6 =	sadd.s32 @!p0 s3, s7;
	s7 =	simm.s32 @!p0 $0x108  }
0x21: {  	s3 =	sadd.s32 s3, s9;
	s6 =	sadd.s32 @!p0 $0x88, s6;
	s7 =	simm.s32 @p2 $0x1082  }
0x22: {  	[simem:s7], [sflag:s8] =	dma.local @!p0 [hbm:s6], $0xF7A  }
0x23: {  	s9 =	sor.u32 $0xD0000000, s2;
	s6 =	simm.s32 $0x108;
	_ =	swait.ge @!p0 [sflag:s8], $0x0  }
0x24: {  	s3 =	sadd.s32 $0x88, s3;
	s6 =	simm.s32 @!p1 $0x1082;
	[sflag:s4] =	ssyncset.s32 $0xFFFFF086  }
0x25: {  	[simem:s6], [sflag:s4] =	dma.local [hbm:s3], $0xF7A  }
0x26: {  	[smem:$0x3F95] =	sst s1;
	(tag) =	ssettag s2;
	_ =	strace s9  }
0x27: {  	s1 =	sld [smem:$0x3FA5]  }
0x28: {  	s2 =	sld [smem:$0x3FA6]  }
0x29: {  	s4 =	sld [smem:$0x3FA8]  }
0x2a: {  	p0 =	seq.s32 s5, $0x0;
	s5 =	sld [smem:$0x3FA9]  }
0x2b: {  	s6 =	sld [smem:$0x3FAA]  }
0x2c: {  	s7 =	sld [smem:$0x3FAB]  }
0x2d: {  	s3 =	simm.s32 $0x108;
	s8 =	sld [smem:$0x3FAC]  }
0x2e: {  	s3 =	simm.s32 @!p0 $0x1082;
	s9 =	sld [smem:$0x3FAD]  }
0x2f: {  	lr =	sadd.s32 s0, s3;
	s0 =	sld [smem:$0x3FA4]  }
0x30: {  	s3 =	sld [smem:$0x3FA7]  }
0x31: {  	[smem:$0x3FB0] =	sst s10  }
0x32: {  	s10 =	sld [smem:$0x3FAE];
	_ =	sdelay $0x3  }
0x33: {  	p0 =	seq.s32 s10, $0x1;
	s10 =	sld [smem:$0x3FB0];
	_ =	sdelay $0x3  }
0x34: {  	[smem:$0x3FB0] =	sst s10  }
0x35: {  	s10 =	sld [smem:$0x3FAF];
	_ =	sdelay $0x3  }
0x36: {  	p1 =	seq.s32 s10, $0x1;
	s10 =	sld [smem:$0x3FB0];
	_ =	sdelay $0x3  }
0x37: {  	[smem:$0x3FB0] =	sst s10  }
0x38: {  	s10 =	sld [smem:$0x3FB1]  }
0x39: {  	_ = 	snop;
	(pc) =	sbr.ind lr, $3  }
0x3a: {  	_ = 	snop  }
0x3b: {  	_ = 	snop  }
0x3c: {  	p2 =	seq.s32 s10, $0x1;
	s10 =	sld [smem:$0x3FB0]  }
0x3d: {  	_ =	shalt  }
0x3e: {  	_ =	shalt  }
0x3f: {  	_ =	shalt  }
0x40: {  	_ =	shalt  }
0x41: {  	_ =	shalt  }
0x42: {  	_ =	shalt  }
0x43: {  	_ =	shalt  }
0x44: {  	_ =	shalt  }
0x45: {  	_ =	shalt  }
0x46: {  	_ =	shalt  }
0x47: {  	_ =	shalt  }
0x48: {  	_ =	shalt  }
0x49: {  	_ =	shalt  }
0x4a: {  	_ =	shalt  }
0x4b: {  	_ =	shalt  }
0x4c: {  	_ =	shalt  }
0x4d: {  	_ =	shalt  }
0x4e: {  	_ =	shalt  }
0x4f: {  	_ =	shalt  }
0x50: {  	_ =	shalt  }
0x51: {  	_ =	shalt  }
0x52: {  	_ =	shalt  }
0x53: {  	_ =	shalt  }
0x54: {  	_ =	shalt  }
0x55: {  	_ =	shalt  }
0x56: {  	_ =	shalt  }
0x57: {  	_ =	shalt  }
0x58: {  	_ =	shalt  }
0x59: {  	_ =	shalt  }
0x5a: {  	_ =	shalt  }
0x5b: {  	_ =	shalt  }
0x5c: {  	_ =	shalt  }
0x5d: {  	_ =	shalt  }
0x5e: {  	_ =	shalt  }
0x5f: {  	_ =	shalt  }
0x60: {  	_ =	shalt  }
0x61: {  	_ =	shalt  }
0x62: {  	_ =	shalt  }
0x63: {  	_ =	shalt  }
0x64: {  	_ =	shalt  }
0x65: {  	_ =	shalt  }
0x66: {  	_ =	shalt  }
0x67: {  	_ =	shalt  }
0x68: {  	_ =	shalt  }
0x69: {  	_ =	shalt  }
0x6a: {  	_ =	shalt  }
0x6b: {  	_ =	shalt  }
0x6c: {  	_ =	shalt  }
0x6d: {  	_ =	shalt  }
0x6e: {  	_ =	shalt  }
0x6f: {  	_ =	shalt  }
0x70: {  	_ =	shalt  }
0x71: {  	_ =	shalt  }
0x72: {  	_ =	shalt  }
0x73: {  	_ =	shalt  }
0x74: {  	_ =	shalt  }
0x75: {  	_ =	shalt  }
0x76: {  	_ =	shalt  }
0x77: {  	_ =	shalt  }
0x78: {  	_ =	shalt  }
0x79: {  	_ =	shalt  }
0x7a: {  	_ =	shalt  }
0x7b: {  	_ =	shalt  }
0x7c: {  	_ =	shalt  }
0x7d: {  	_ =	shalt  }
0x7e: {  	_ =	shalt  }
0x7f: {  	_ =	shalt  }
0x80: {  	_ =	shalt  }
0x81: {  	_ =	shalt  }
0x82: {  	_ =	shalt  }
0x83: {  	_ =	shalt  }
0x84: {  	_ =	shalt  }
0x85: {  	_ =	shalt  }
0x86: {  	_ =	shalt  }
0x87: {  	_ =	shalt  }
.Lfunc_end0:
.L_simem_size_0:
called_computation.3_lowered:
.L_overlay_start_0:
0x88: {  	s2 =	sld [smem:$0x3FD9]  }
0x89: {  	s3 =	sld [smem:$0x3FFE];
	_ =	sdelay $0x1  }
0x8a: {  	s1 =	srdreg.scid  }
0x8b: {  	s0 =	sand.u32 $0x1, s1  }
0x8c: {  	s17 =	sshll.u32 s0, $0xA;
	s2 =	sadd.s32 s3, s2  }
0x8d: {  	s2 =	sadd.s32 s2, s17  }
0x8e: {  	[smem:$0x3FBC] =	sst s2  }
0x8f: {  	_ = 	snop  }
0x90: {  	(tm) =	ssettm $0x1  }
0x91: {  	s18 =	sld [smem:$0x3FFB];
	_ =	sdelay $0x3  }
0x92: {  	_ =	strace s18  }
0x93: {  	s2 =	sld [smem:$0x3FFC];
	_ =	sdelay $0x3  }
0x94: {  	_ =	strace s2  }
0x95: {  	s2 =	sld [smem:$0x3FFD];
	_ =	sdelay $0x3  }
0x96: {  	_ =	strace s2  }
0x97: {  	_ =	strace $0x8FFFFFFF  }
0x98: {  	s19 =	sld [smem:$0x3FDB];
	_ =	sdelay $0x1  }
0x99: {  	s20 =	simm.s32 $_scs_section_size  }
0x9a: {  	s4 =	simm.s32 $_size__tile_overlayer_lowered;
	s5 =	simm.s32 $_tile_overlayer_lowered  }
0x9b: {  	s6 =	simm.s32 $0x1BFF;
	s21 =	sshll.u32 s5, $0x1;
	s3 =	sadd.s32 s20, s19  }
0x9c: {  	s22 =	simm.s32 $0x0;
	s4 =	sshll.u32 s4, $0x1;
	s5 =	sadd.s32 s21, s3  }
0x9d: {  	[timem:s22], [sflag:s6] =	dma.local [hbm:s5], s4  }
0x9e: {  	_ =	swait.ge [sflag:s6], s4  }
0x9f: {  	s4 =	ssub.s32 $0x0, s4;
	[sflag:s6] =	ssyncset.done $0x0  }
0xa0: {  	[sflag:s6] =	ssyncadd.s32 s4;
	_ =	sdelay $0x1  }
0xa1: {  	s23 =	simm.s32 $0x1B8B  }
0xa2: {  	_ =	swait.ge [sflag:s23], $0x1  }
0xa3: {  	[sflag:s23] =	ssyncset.done $0x0  }
0xa4: {  	[sflag:s23] =	ssyncadd.s32 $0xFFFFFFFF  }
0xa5: {  	s4 =	sld [smem:$0x0]  }
0xa6: {  	s5 =	sand.u32 $0xFFFFFFFE, s1  }
0xa7: {  	p0 =	sne.s32 s1, s5  }
0xa8: {  	s5 =	sshll.u32 @p0 s5, $0xE  }
0xa9: {  	s5 =	sadd.s32 @p0 $0x11B8D, s5;
	s6 =	sshll.u32 @p0 s4, $0x11  }
0xaa: {  	s5 =	sor.u32 @p0 s6, s5  }
0xab: {  	[sflag:s5] =	ssyncadd.remote.s32 @p0 $0x1;
	_ =	sdelay $0x1  }
0xac: {  	s5 =	simm.s32 @p0 $0x1B8D  }
0xad: {  	_ =	swait.eq @p0 [sflag:s5], $0x1  }
0xae: {  	[sflag:s5] =	ssyncadd.s32 @p0 $0xFFFFFFFF  }
0xaf: {  	s6 =	sshll.u32 @!p0 s1, $0xE  }
0xb0: {  	s6 =	sor.u32 @!p0 $0x4000, s6;
	s5 =	simm.s32 @!p0 $0x1B8D  }
0xb1: {  	s7 =	sshll.u32 @!p0 s4, $0x11;
	s6 =	sadd.s32 @!p0 $0x11B8D, s6;
	_ =	swait.eq @!p0 [sflag:s5], $0x1  }
0xb2: {  	[sflag:s5] =	ssyncadd.s32 @!p0 $0xFFFFFFFF;
	s5 =	sor.u32 @!p0 s7, s6  }
0xb3: {  	s25 =	simm.s32 $0x1B8E;
	s24 =	sld [smem:$0x3FFE];
	[sflag:s5] =	ssyncadd.remote.s32 @!p0 $0x1  }
0xb4: {  	s26 =	simm.s32 $execute0_lowered;
	[smem:$0x3FD2] =	sst s25  }
0xb5: {  	s6 =	sshll.u32 s26, $0x1;
	_ =	strace $0x80000055;
	[dreg:$0x1] =	wrdreg $0xFFFFFFFF  }
0xb6: {  	s28 =	simm.s32 $_size_execute0_lowered;
	s3 =	sadd.s32 s3, s6;
	[dreg:$0x0] =	wrdreg $0x0  }
0xb7: {  	s6 =	sshll.u32 s28, $0x1;
	[dreg:$0x2] =	wrdreg s3  }
0xb8: {  	[dreg:$0x3] =	wrdreg s6  }
0xb9: {  	[dreg:$0x4] =	wrdreg $0xC0  }
0xba: {  	_ =	task [dreg:s22], $0x5FFFF  }
0xbb: {  	[dreg:$0x1] =	wrdreg $0xFFFFFFFF  }
0xbc: {  	[dreg:$0x0] =	wrdreg $0x60  }
0xbd: {  	[dreg:$0x2] =	wrdreg s24  }
0xbe: {  	[dreg:$0x3] =	wrdreg s1  }
0xbf: {  	[dreg:$0x4] =	wrdreg s4  }
0xc0: {  	[dreg:$0x5] =	wrdreg $0xC  }
0xc1: {  	_ =	task.clear_ibuf [dreg:s22], $0x6FFFF;
	_ =	strace $0x90000055  }
0xc2: {  	s29 =	simm.s32 $0xC;
	_ =	strace $0x80000057  }
0xc3: {  	_ =	swait.ge [sflag:s29], $0x1  }
0xc4: {  	[sflag:s29] =	ssyncadd.s32 $0xFFFFFFFF  }
0xc5: {  	_ =	strace $0x90000057  }
0xc6: {  	_ =	sfence  }
0xc7: {  	s30 =	sld [smem:$0x0];
	_ =	sdelay $0x2  }
0xc8: {  	s31 =	sshll.u32 s1, $0xD;
	s1 =	sshrl.u32 s1, $0x2  }
0xc9: {  	s4 =	sand.u32 $0x4000, s31;
	s1 =	sadd.s32 s1, s30  }
0xca: {  	s0 =	sor.u32 s4, s0;
	s1 =	sshll.u32 s1, $0x11  }
0xcb: {  	s0 =	sor.u32 s1, s0  }
0xcc: {  	s0 =	sadd.s32 $0x8F2B, s0  }
0xcd: {  	[sflag:s0] =	ssyncadd.remote.s32 $0x1  }
0xce: {  	_ =	sfence.sel $0xFFFF  }
0xcf: {  	[dreg:$0x0] =	wrdreg $0xFFFFFFFF;
	(pc) =	sbr.abs _section_cstart, $3  }
0xd0: {  	[dreg:$0x1] =	wrdreg $0xFFFFFFFF  }
0xd1: {  	_ =	task.clear_ibuf [dreg:s22], $0x2FFFF;
	_ =	strace $0x9FFFFFFF  }
0xd2: {  	(tm) =	ssettm $0x7FFFFFFF  }
0xd3: {  	_ =	shalt  }
tec
execute0_lowered:
.L_overlay_start_1:
0x0: {  	(tag) =	ssettag $0x1  }
0x1: {  	s2 =	rddreg [dreg:$0x0]  }
0x2: {  	s3 =	rddreg [dreg:$0x1];
	_ =	strace $0x80000056;
	s0 =	simm.s32 $0x1  }
0x3: {  	v0 =	vimm.s32 $0x0;
	[sflag:s0] =	ssyncpa.u1 $0x0;
	s0 =	simm.s32 $0x108  }
0x4: {  	[tilespmem:s0+$0x70] =	vst v0  }
0x5: {  	[tilespmem:s0+$0x60] =	vst v0  }
0x6: {  	[tilespmem:s0+$0x50] =	vst v0  }
0x7: {  	[tilespmem:s0+$0x40] =	vst v0  }
0x8: {  	[tilespmem:s0+$0x30] =	vst v0  }
0x9: {  	s1 =	sadd.s32 $0x53600, s2;
	s15 =	sadd.s32 $0x7A800, s2;
	s6 =	sadd.s32 $0x7B2200, s2;
	[tilespmem:s0+$0x20] =	vst v0  }
0xa: {  	s14 =	sadd.s32 $0x7F800, s2;
	s5 =	sand.u32 $0x1, s3;
	s3 =	simm.s32 $0x40;
	[tilespmem:s0+$0x10] =	vst v0  }
.LBB2_1:
0xb: {  	s3 =	sadd.s32 $0x40, s3;
	[tilespmem:s0+$0x0] =	vst v0;
	s0 =	sadd.s32 $0x80, s0  }
0xc: {  	p0 =	slt.u32 s3, $0x3C40;
	[tilespmem:s0+$0x70] =	vst v0  }
0xd: {  	[tilespmem:s0+$0x60] =	vst v0  }
.Ltmp0:
0xe: {  	[tilespmem:s0+$0x50] =	vst v0;
	(pc) =	sbr.rel @p0 .LBB2_1-.Ltmp0, $4  }
0xf: {  	[tilespmem:s0+$0x40] =	vst v0  }
0x10: {  	[tilespmem:s0+$0x30] =	vst v0  }
0x11: {  	[tilespmem:s0+$0x20] =	vst v0  }
0x12: {  	[tilespmem:s0+$0x10] =	vst v0  }
0x13: {  	s9 =	stileid.u32  }
0x14: {  	s2 =	smul.u32 $0x14, s9  }
0x15: {  	s3 =	smin.u32 s9, $0xE  }
0x16: {  	s2 =	sadd.s32 s3, s2  }
0x17: {  	p0 =	slt.u32 s9, $0xE;
	s7 =	smul.u32 $0xF0, s2;
	s2 =	simm.s32 $0x13B0  }
0x18: {  	s2 =	simm.s32 @!p0 $0x12C0  }
0x19: {  	s2 =	sadd.s32 s2, s7  }
0x1a: {  	s8 =	smin.u32 s2, $0x13880  }
0x1b: {  	s2 =	ssub.s32 s8, s7  }
0x1c: {  	p0 =	sgt.s32 s2, $0x0  }
0x1d: {  	s29 =	simm.s32 $0x2;
	s10 =	simm.s32 $0x9;
	s2 =	simm.s32 @!p0 $0x0  }
0x1e: {  	s4 =	simm.s32 $0xA;
	s11 =	simm.s32 $0xB;
	s28 =	smulhi.u32 $0x88888889, s2  }
0x1f: {  	[dreg:$0x4] =	wrdreg s5;
	s31 =	smul.u32 $0x2710, s5;
	s12 =	simm.s32 $0x1  }
0x20: {  	s22 =	simm.s32 $0x0;
	s18 =	simm.s32 $0xC;
	s30 =	sshrl.u32 s28, $0x7  }
0x21: {  	s20 =	simm.s32 $0x0;
	s21 =	simm.s32 $0x0;
	s3 =	smul.u32 $0xF0, s30  }
.Ltmp1:
0x22: {  	[tilespmem:s0+$0x0] =	vst v0;
	v0 =	vimm.s32 $0xFFFFFFFF;
	[sflag:s29] =	ssyncpa.u1 $0x0;
	s16 =	sshll.u32 s9, $0x8;
	(pc) =	sbr.rel .LBB2_3-.Ltmp1, $4  }
0x23: {  	[tilespmem:$0xF208] =	vst v0;
	[sflag:s10] =	ssyncpa.u1 $0x0;
	p0 =	sne.s32 s2, s3;
	s2 =	simm.s32 $0x1  }
0x24: {  	s14 =	sadd.s32 s31, s14;
	[sflag:s4] =	ssyncpa.u1 $0x0;
	s2 =	simm.s32 @!p0 $0x0  }
0x25: {  	s15 =	sadd.s32 s31, s15;
	[sflag:s11] =	ssyncpa.u1 $0x0;
	s13 =	sadd.s32 s2, s30  }
0x26: {  	v0 =	vlaneseq.u32;
	s19 =	smov.u32 s7;
	p0 =	por $0x0, $0x0;
	s17 =	sadd.s32 $0x1, s13  }
.LBB2_18:
0x27: {  	s0 =	sshrl.u32 s31, $0x2  }
.LBB2_20:
0x28: {  	_ =	swait.ge [sflag:s18], s0  }
0x29: {  	s31 =	ssub.s32 $0x0, s0;
	v1 =	vmov s24;
	vm0 =	veq.s32 v0, $0x0;
	[sflag:s18] =	ssyncset.done $0x0  }
0x2a: {  	vm15 =	veq.s32 v0, $0x2;
	v1 =	vsel vm0, s30, v1;
	[sflag:s18] =	ssyncadd.s32 s31  }
0x2b: {  	v1 =	vsel vm15, s22, v1;
	[sflag:s18] =	ssyncpa.u1 $0x1  }
0x2c: {  	[tilespmem:$0xF208] =	vst v1  }
.LBB2_21:
0x2d: {  	s0 =	sadd.s32 $0xF0, s19  }
0x2e: {  	s2 =	smov.u32 s7;
	p1 =	slt.s32 s0, s8  }
0x2f: {  	s2 =	smov.u32 @p1 s0;
	p1 =	sne.s32 s21, s17  }
.Ltmp2:
0x30: {  	_ = 	snop;
	(pc) =	sbr.rel @!p1 .LBB2_22-.Ltmp2, $3  }
0x31: {  	_ =	sdelay $0x1  }
0x32: {  	s22 =	smov.u32 s20;
	s31 =	sadd.s32 $0x1, s21;
	s20 =	smov.u32 s19  }
0x33: {  	p0 =	por !p0, !p0;
	s21 =	smov.u32 s31;
	s19 =	smov.u32 s2  }
.LBB2_3:
0x34: {  	p1 =	sge.u32 s21, s13  }
0x35: {  	s0 =	smulhi.u32 @!p1 $0xAAAAAAAB, s21  }
0x36: {  	s2 =	smov.u32 s19;
	p2 =	sgt.s32 @!p1 s19, $0x13790  }
0x37: {  	s3 =	sshra.s32 @!p1 s19, $0x1F;
	p2 =	por !p2, p1;
	s0 =	sshrl.u32 @!p1 s0, $0x1  }
0x38: {  	s3 =	sand.u32 @!p1 s3, s19;
	s2 =	simm.s32 @p2 $0x13790;
	s0 =	smul.u32 @!p1 $0x3, s0  }
0x39: {  	s2 =	ssub.s32 @!p1 s2, s3  }
0x3a: {  	s2 =	sadd.s32 @!p1 $0xFFFEC870, s2;
	s0 =	ssub.s32 @!p1 s21, s0  }
0x3b: {  	s3 =	sshll.u32 @!p1 s2, $0x2;
	p2 =	sgt.s32 @!p1 s2, $0xEF;
	s0 =	smul.u32 @!p1 $0x3C0, s0  }
0x3c: {  	s4 =	sand.u32 @!p1 $0x7, s19;
	s2 =	ssub.s32 @!p1 $0x3C0, s3;
	p2 =	por !p2, p1  }
0x3d: {  	s3 =	sshrl.u32 @!p1 s19, $0x3;
	s2 =	sshrl.u32 @!p1 s2, $0x2;
	s0 =	sshrl.u32 @!p1 s0, $0x2  }
0x3e: {  	s3 =	sadd.s32 @!p1 s3, s14;
	s2 =	simm.s32 @!p2 $0x0;
	s0 =	sadd.s32 @!p1 $0x10248, s0  }
0x3f: {  	[tilespmem:s0], [sflag:$0xA] =	stream.linear.gather @!p1 [hbm4b:s3+s4], s2, $0x38;
	[tilespmem:$0x1F6F8] =	vst v63  }
0x40: {  	s0 =	sadd.s32 $0xFFFFFFFF, s21  }
0x41: {  	p1 =	sge.u32 s0, s13  }
0x42: {  	p2 =	sgt.s32 @!p1 s20, $0x13790  }
0x43: {  	s2 =	smov.u32 s20;
	s3 =	sshra.s32 @!p1 s20, $0x1F;
	p2 =	por !p2, p1  }
0x44: {  	s3 =	sand.u32 @!p1 s3, s20;
	s2 =	simm.s32 @p2 $0x13790  }
0x45: {  	s2 =	ssub.s32 @!p1 s2, s3  }
0x46: {  	s2 =	sadd.s32 @!p1 $0xFFFEC870, s2  }
0x47: {  	s4 =	sand.u32 @!p1 $0x1, s0;
	s3 =	sshll.u32 @!p1 s2, $0x2  }
0x48: {  	p2 =	sgt.s32 @!p1 s2, $0xEF;
	s2 =	ssub.s32 @!p1 $0x3C0, s3;
	s3 =	smulhi.u32 @!p1 $0xAAAAAAAB, s0  }
0x49: {  	s23 =	smul.u32 @!p1 $0x3C0, s4;
	p2 =	por !p2, p1;
	s2 =	sshrl.u32 @!p1 s2, $0x2  }
0x4a: {  	s5 =	simm.s32 @!p1 $0xA;
	s2 =	simm.s32 @!p2 $0x0;
	s3 =	sshrl.u32 @!p1 s3, $0x1  }
0x4b: {  	s23 =	sshrl.u32 @!p1 s23, $0x2;
	_ =	swait.ge @!p1 [sflag:s5], s2;
	s3 =	smul.u32 @!p1 $0x3, s3  }
0x4c: {  	s23 =	sadd.s32 @!p1 $0x10518, s23;
	s24 =	ssub.s32 @!p1 $0x0, s2;
	[sflag:s5] =	ssyncset.done @!p1 $0x0  }
0x4d: {  	[sflag:s5] =	ssyncadd.s32 @!p1 s24;
	s5 =	sshrl.u32 @!p1 s20, $0x3;
	s0 =	ssub.s32 @!p1 s0, s3  }
0x4e: {  	s24 =	sand.u32 @!p1 $0x7, s20;
	s5 =	sadd.s32 @!p1 s5, s15;
	s0 =	smul.u32 @!p1 $0x3C0, s0  }
0x4f: {  	[tilespmem:s23], [sflag:$0xB] =	stream.linear.gather @!p1 [hbm4b:s5+s24], s2, $0x38;
	[tilespmem:$0x1F6F8] =	vst v63  }
0x50: {  	s3 =	ssub.s32 @!p1 $0x13880, s20;
	s2 =	smul.u32 @!p1 $0x1E000, s4  }
0x51: {  	p2 =	slt.s32 @!p1 s3, $0xF0  }
0x52: {  	p2 =	por !p2, p1;
	s0 =	sshrl.u32 @!p1 s0, $0x2;
	s2 =	sshrl.u32 @!p1 s2, $0x2  }
0x53: {  	s3 =	simm.s32 @p2 $0xF0;
	s0 =	sadd.s32 @!p1 $0x10248, s0;
	s2 =	sor.u32 @!p1 $0x106F8, s2  }
0x54: {  	[tilespmem:s2], [sflag:$0x9] =	stream.indirect.gather @!p1 [hbm4b:s6+s3], $0x80, s0, s3, $0xb8;
	[tilespmem:$0x1F6F8] =	vst v63  }
0x55: {  	p1 =	slt.u32 s21, $0x2  }
.Ltmp3:
0x56: {  	_ = 	snop;
	(pc) =	sbr.rel @p1 .LBB2_21-.Ltmp3, $1  }
0x57: {  	_ =	sdelay $0x3  }
0x58: {  	p1 =	sgt.s32 s22, $0x13790  }
0x59: {  	s0 =	smov.u32 s22;
	s2 =	sshra.s32 s22, $0x1F;
	s3 =	ssub.s32 $0x13880, s22  }
0x5a: {  	s0 =	simm.s32 @!p1 $0x13790;
	s2 =	sand.u32 s2, s22;
	p1 =	slt.s32 s3, $0xF0  }
0x5b: {  	s0 =	ssub.s32 s0, s2;
	s3 =	simm.s32 @!p1 $0xF0  }
0x5c: {  	s0 =	sadd.s32 $0xFFFEC870, s0;
	s25 =	sshll.u32 s3, $0x7  }
0x5d: {  	s26 =	sshll.u32 s0, $0x2;
	s2 =	sand.u32 $0x3FFFFF80, s25  }
0x5e: {  	p1 =	sgt.s32 s0, $0xEF;
	s29 =	ssub.s32 $0x3C0, s26;
	_ =	swait.ge [sflag:s10], s2  }
0x5f: {  	s2 =	ssub.s32 $0x0, s2;
	[sflag:s10] =	ssyncset.done $0x0;
	s0 =	sshrl.u32 s29, $0x2  }
0x60: {  	[sflag:s10] =	ssyncadd.s32 s2;
	s0 =	simm.s32 @p1 $0x0  }
0x61: {  	_ =	swait.ge [sflag:s11], s0  }
0x62: {  	s0 =	ssub.s32 $0x0, s0;
	[sflag:s11] =	ssyncset.done $0x0  }
0x63: {  	[sflag:s11] =	ssyncadd.s32 s0  }
0x64: {  	v1 =	vld [tilespmem:$0xF208];
	_ =	sdelay $0x4  }
0x65: {  	(v2sf) =	vpush v1, $0x0  }
0x66: {  	(v2sf) =	vpush v1, $0x1  }
0x67: {  	(v2sf) =	vpush v1, $0x2;
	_ =	sdelay $0x3  }
0x68: {  	s0 =	sadd.s32 $0xF0, s22  }
0x69: {  	s2 =	ssub.s32 $0x27100, s22;
	p1 =	slt.s32 s8, s0  }
0x6a: {  	s0 =	smov.u32 @p1 s8;
	p1 =	sgt.s32 s2, $0x0  }
0x6b: {  	s26 =	ssub.s32 s0, s22;
	s2 =	simm.s32 @!p1 $0x0  }
0x6c: {  	p1 =	slt.s32 s2, s26  }
0x6d: {  	s26 =	smov.u32 @p1 s2  }
0x6e: {  	s25 =	simm.s32 $0x1;
	p1 =	slt.s32 s26, $0x1  }
.Ltmp4:
0x6f: {  	s25 =	simm.s32 @!p0 $0x0;
	(pc) =	sbr.rel @p1 .LBB2_8-.Ltmp4, $4  }
0x70: {  	s31 =	smul.u32 $0x3C0, s25  }
0x71: {  	s28 =	spop (v2sf)  }
0x72: {  	s0 =	sshrl.u32 s31, $0x2;
	s30 =	spop (v2sf)  }
0x73: {  	s23 =	sadd.s32 $0x10518, s0;
	s22 =	spop (v2sf)  }
0x74: {  	s0 =	smin.u32 s26, $0x10  }
0x75: {  	v1 =	vmov s0  }
0x76: {  	p2 =	sgt.s32 s26, $0x10;
	vm1 =	vgt.u32 v1, v0  }
.Ltmp5:
0x77: {  	_ = 	snop;
	(pc) =	sbr.rel @!p2 .LBB2_7-.Ltmp5, $2  }
0x78: {  	_ =	sdelay $0x2  }
0x79: {  	s4 =	simm.s32 $0x10;
	s24 =	sadd.s32 $0xFFFFFFF0, s26;
	s0 =	smov.u32 s23;
	vm0 =	vmmov vm1  }
.LBB2_6:
0x7a: {  	s2 =	smin.u32 s24, $0x10;
	s4 =	sadd.s32 $0x10, s4;
	v1 =	vld.msk [tilespmem:s0+$0x0 ss:$0x1], vm1  }
0x7b: {  	v2 =	vmov s2;
	p2 =	slt.s32 s4, s26  }
0x7c: {  	vm1 =	vgt.u32 v2, v0  }
.Ltmp6:
0x7d: {  	(pc) =	sbr.rel @p2 .LBB2_6-.Ltmp6, $3  }
0x7e: {  	_ =	sdelay $0x1  }
0x7f: {  	v1 =	vshll.u32 v1, $0x4  }
0x80: {  	s24 =	sadd.s32 $0xFFFFFFF0, s24;
	[tilespmem:s0+$0x0] =	vst.msk vm0, v1;
	s0 =	sadd.s32 $0x10, s0;
	vm0 =	vmmov vm1  }
.LBB2_7:
0x81: {  	_ =	sdelay $0x4  }
0x82: {  	v1 =	vld.msk [tilespmem:s0+$0x0 ss:$0x1], vm1;
	_ =	sdelay $0x4  }
0x83: {  	v1 =	vshll.u32 v1, $0x4  }
0x84: {  	[tilespmem:s0+$0x0] =	vst.msk vm0, v1  }
.LBB2_8:
0x85: {  	s0 =	sand.u32 $0x1, s21  }
0x86: {  	s0 =	smul.u32 $0xF0, s0  }
0x87: {  	p2 =	sne.s32 s30, $0xFFFFFFFF  }
0x88: {  	v1 =	vld.msk @!p2 [tilespmem:s0+$0x10518], $0x1;
	_ =	sdelay $0x4  }
0x89: {  	(v2sf) =	vpush @!p2 v1, $0x0;
	_ =	sdelay $0xc  }
.Ltmp7:
0x8a: {  	_ = 	snop;
	(pc) =	sbr.rel @p1 .LBB2_19-.Ltmp7, $4  }
0x8b: {  	_ = 	snop  }
0x8c: {  	s29 =	spop @!p2 (v2sf)  }
0x8d: {  	s22 =	simm.s32 @!p2 $0x0;
	s24 =	smov.u32 s29  }
0x8e: {  	[sflag:s18] =	ssyncpa.u1 $0x0;
	s29 =	smov.u32 @p2 s28;
	s24 =	smov.u32 @p2 s30  }
0x8f: {  	v1 =	vld.msk [tilespmem:s23+$0x0], $0x1;
	_ =	sdelay $0x4  }
0x90: {  	(v2sf) =	vpush v1, $0x0;
	_ =	sdelay $0xe  }
0x91: {  	s2 =	smul.u32 $0x1E000, s25;
	s0 =	spop (v2sf)  }
0x92: {  	s26 =	ssub.s32 $0x0, s26;
	p1 =	seq.s32 s29, s0  }
0x93: {  	s30 =	sadd.s32 $0x1, s26;
	s2 =	sshrl.u32 s2, $0x2;
	p2 =	sgt.s32 @!p1 s29, $0x0  }
0x94: {  	s25 =	sor.u32 $0x10738, s2;
	s2 =	smov.u32 s29;
	p2 =	por !p2, p1  }
0x95: {  	s2 =	simm.s32 @p2 $0x0;
	p2 =	seq.s32 s30, $0x0  }
.Ltmp8:
0x96: {  	_ = 	snop;
	(pc) =	sbr.rel @p2 .LBB2_11-.Ltmp8, $4  }
0x97: {  	_ = 	snop  }
0x98: {  	s28 =	simm.s32 $0x0;
	s31 =	sadd.s32 $0x1, s23;
	s2 =	smin.u32 @!p1 s2, $0x270F0  }
0x99: {  	s4 =	simm.s32 @!p1 $0x1;
	s5 =	simm.s32 @!p1 $0x7988;
	s3 =	sand.u32 @!p1 $0x3FFF8, s2  }
0x9a: {  	s4 =	smov.u32 @p1 s28;
	s2 =	sand.u32 @!p1 $0x7, s2;
	s3 =	sadd.s32 @!p1 s1, s3  }
.LBB2_10:
0x9b: {  	s9 =	smov.u32 s4  }
0x9c: {  	[tilespmem:s5], [sflag:$0x2] =	stream.linear.gather @!p1 [hbm4b:s3+s2], $0x80, $0x38;
	[tilespmem:$0x1F6F8] =	vst v63  }
0x9d: {  	s30 =	sadd.s32 $0x1, s30;
	s2 =	smov.u32 s0;
	v1 =	vld.msk [tilespmem:s31+$0x0], $0x1  }
0x9e: {  	p2 =	seq.s32 s30, $0x0;
	_ =	sdelay $0x3  }
0x9f: {  	(v2sf) =	vpush v1, $0x0;
	_ =	sdelay $0xe  }
0xa0: {  	s0 =	spop (v2sf)  }
0xa1: {  	p1 =	seq.s32 s2, s0  }
0xa2: {  	p3 =	sgt.s32 @!p1 s2, $0x0;
	s3 =	sshll.u32 @!p1 s4, $0x9;
	s4 =	sadd.s32 @!p1 $0x1, s4  }
.Ltmp9:
0xa3: {  	p3 =	por !p3, p1;
	s3 =	sshra.s32 @!p1 s3, $0x2;
	(pc) =	sbr.rel @!p2 .LBB2_10-.Ltmp9, $4  }
0xa4: {  	s4 =	smov.u32 @p1 s9;
	s2 =	simm.s32 @p3 $0x0;
	s5 =	sadd.s32 @!p1 $0x7988, s3  }
0xa5: {  	s2 =	smin.u32 @!p1 s2, $0x270F0  }
0xa6: {  	s3 =	sand.u32 @!p1 $0x3FFF8, s2;
	s2 =	sand.u32 @!p1 $0x7, s2  }
0xa7: {  	s31 =	sadd.s32 $0x1, s31;
	s3 =	sadd.s32 @!p1 s1, s3  }
.LBB2_11:
0xa8: {  	[tilespmem:s5], [sflag:$0x2] =	stream.linear.gather @!p1 [hbm4b:s3+s2], $0x80, $0x38;
	[tilespmem:$0x1F6F8] =	vst v63  }
.Ltmp10:
0xa9: {  	s0 =	sshll.u32 s4, $0x7;
	(pc) =	sbr.rel .LBB2_12-.Ltmp10, $4  }
0xaa: {  	s30 =	simm.s32 $0x2;
	s0 =	sand.u32 $0x3FFFFF80, s0  }
0xab: {  	_ =	swait.ge [sflag:s30], s0  }
0xac: {  	s0 =	ssub.s32 $0x0, s0;
	[sflag:s30] =	ssyncset.done $0x0  }
0xad: {  	s31 =	simm.s32 $0x0;
	[sflag:s30] =	ssyncadd.s32 s0  }
.LBB2_13:
0xae: {  	v1 =	vld [tilespmem:s25+$0xFFFFFFC0];
	_ =	sdelay $0x3  }
0xaf: {  	s0 =	sshra.s32 s0, $0x2  }
0xb0: {  	[tilespmem:s0+$0x108] =	vst.add.f32.msk $0xffff, v1  }
0xb1: {  	v1 =	vld [tilespmem:s25+$0xFFFFFFD0];
	_ =	sdelay $0x4  }
0xb2: {  	[tilespmem:s0+$0x118] =	vst.add.f32.msk $0xffff, v1  }
0xb3: {  	v1 =	vld [tilespmem:s25+$0xFFFFFFE0];
	_ =	sdelay $0x4  }
0xb4: {  	[tilespmem:s0+$0x128] =	vst.add.f32.msk $0xffff, v1  }
0xb5: {  	v1 =	vld [tilespmem:s25+$0xFFFFFFF0];
	_ =	sdelay $0x4  }
0xb6: {  	[tilespmem:s0+$0x138] =	vst.add.f32.msk $0xffff, v1  }
0xb7: {  	v1 =	vld [tilespmem:s25+$0x0];
	_ =	sdelay $0x4  }
0xb8: {  	[tilespmem:s0+$0x148] =	vst.add.f32.msk $0xffff, v1  }
0xb9: {  	v1 =	vld [tilespmem:s25+$0x10];
	_ =	sdelay $0x4  }
0xba: {  	[tilespmem:s0+$0x158] =	vst.add.f32.msk $0xffff, v1  }
0xbb: {  	v1 =	vld [tilespmem:s25+$0x20];
	_ =	sdelay $0x4  }
0xbc: {  	[tilespmem:s0+$0x168] =	vst.add.f32.msk $0xffff, v1  }
0xbd: {  	v1 =	vld [tilespmem:s25+$0x30];
	_ =	sdelay $0x4  }
0xbe: {  	[tilespmem:s0+$0x178] =	vst.add.f32.msk $0xffff, v1  }
.LBB2_17:
0xbf: {  	s26 =	sadd.s32 $0x1, s26  }
0xc0: {  	p1 =	seq.s32 s26, $0x0  }
.Ltmp11:
0xc1: {  	_ = 	snop;
	(pc) =	sbr.rel @p1 .LBB2_18-.Ltmp11, $2  }
0xc2: {  	_ =	sdelay $0x2  }
0xc3: {  	s23 =	sadd.s32 $0x1, s23;
	s25 =	sadd.s32 $0x80, s25;
	s29 =	smov.u32 s30  }
.LBB2_12:
0xc4: {  	v1 =	vld.msk [tilespmem:s23+$0x0], $0x1;
	_ =	sdelay $0x4  }
0xc5: {  	(v2sf) =	vpush v1, $0x0;
	_ =	sdelay $0xe  }
0xc6: {  	s30 =	spop (v2sf)  }
0xc7: {  	p1 =	sne.s32 s29, s30  }
.Ltmp12:
0xc8: {  	_ = 	snop;
	(pc) =	sbr.rel @!p1 .LBB2_13-.Ltmp12, $2  }
0xc9: {  	_ =	sdelay $0x2  }
0xca: {  	s0 =	sshll.u32 s22, $0x9  }
0xcb: {  	p1 =	seq.s32 s29, s24  }
.Ltmp13:
0xcc: {  	_ = 	snop;
	(pc) =	sbr.rel @!p1 .LBB2_15-.Ltmp13, $1  }
0xcd: {  	_ =	sdelay $0x3  }
0xce: {  	s0 =	sshra.s32 s0, $0x2  }
.Ltmp14:
0xcf: {  	s0 =	sadd.s32 $0x108, s0;
	(pc) =	sbr.rel .LBB2_16-.Ltmp14, $4  }
0xd0: {  	[spmem:s16] =	stream.linear.scatter [tilespmem:s0], [sflag:$0x1], $0x80, $0x38;
	[tilespmem:$0x1F6F8] =	vst v63  }
0xd1: {  	_ =	swait.ge [sflag:s12], $0x80  }
0xd2: {  	[sflag:s12] =	ssyncset.done $0x0  }
0xd3: {  	[sflag:s12] =	ssyncadd.s32 $0xFFFFFF80  }
.LBB2_15:
0xd4: {  	s2 =	sshll.u32 s28, $0x9  }
0xd5: {  	s2 =	sshra.s32 s2, $0x2  }
0xd6: {  	v1 =	vld [tilespmem:s2+$0x7988];
	_ =	sdelay $0x3  }
0xd7: {  	s0 =	sshra.s32 s0, $0x2  }
0xd8: {  	[tilespmem:s0+$0x108] =	vst.add.f32.msk $0xffff, v1  }
0xd9: {  	v1 =	vld [tilespmem:s2+$0x7998];
	_ =	sdelay $0x4  }
0xda: {  	[tilespmem:s0+$0x118] =	vst.add.f32.msk $0xffff, v1  }
0xdb: {  	v1 =	vld [tilespmem:s2+$0x79A8];
	_ =	sdelay $0x4  }
0xdc: {  	[tilespmem:s0+$0x128] =	vst.add.f32.msk $0xffff, v1  }
0xdd: {  	v1 =	vld [tilespmem:s2+$0x79B8];
	_ =	sdelay $0x4  }
0xde: {  	[tilespmem:s0+$0x138] =	vst.add.f32.msk $0xffff, v1  }
0xdf: {  	v1 =	vld [tilespmem:s2+$0x79C8];
	_ =	sdelay $0x4  }
0xe0: {  	[tilespmem:s0+$0x148] =	vst.add.f32.msk $0xffff, v1  }
0xe1: {  	v1 =	vld [tilespmem:s2+$0x79D8];
	_ =	sdelay $0x4  }
0xe2: {  	[tilespmem:s0+$0x158] =	vst.add.f32.msk $0xffff, v1  }
0xe3: {  	v1 =	vld [tilespmem:s2+$0x79E8];
	_ =	sdelay $0x4  }
0xe4: {  	[tilespmem:s0+$0x168] =	vst.add.f32.msk $0xffff, v1  }
0xe5: {  	v1 =	vld [tilespmem:s2+$0x79F8];
	_ =	sdelay $0x2  }
0xe6: {  	p1 =	sgt.u32 s29, $0x270F0  }
0xe7: {  	s2 =	sand.u32 @!p1 $0x3FFF8, s29  }
0xe8: {  	s3 =	sadd.s32 $0x108, s0;
	[tilespmem:s0+$0x178] =	vst.add.f32.msk $0xffff, v1;
	s0 =	sadd.s32 @!p1 s1, s2;
	s2 =	sand.u32 @!p1 $0x7, s29  }
0xe9: {  	[hbm4b:s0+s2] =	stream.linear.scatter @!p1 [tilespmem:s3], [sflag:$0xC], $0x80, $0x38;
	[tilespmem:$0x1F6F8] =	vst v63  }
0xea: {  	s0 =	simm.s32 $0x0  }
0xeb: {  	s0 =	simm.s32 @!p1 $0x200  }
0xec: {  	s31 =	sadd.s32 s0, s31  }
.LBB2_16:
0xed: {  	s0 =	sadd.s32 $0x1, s22  }
0xee: {  	s2 =	smulhi.u32 $0x88888889, s0;
	_ =	sdelay $0x1  }
0xef: {  	v1 =	vld [tilespmem:s25+$0xFFFFFFC0];
	s2 =	sshrl.u32 s2, $0x7  }
0xf0: {  	s2 =	smul.u32 $0xF0, s2;
	_ =	sdelay $0x1  }
0xf1: {  	s22 =	ssub.s32 s0, s2  }
0xf2: {  	s0 =	sshll.u32 s22, $0x7  }
0xf3: {  	[tilespmem:s0+$0x108] =	vst v1  }
0xf4: {  	v1 =	vld [tilespmem:s25+$0xFFFFFFD0];
	_ =	sdelay $0x4  }
0xf5: {  	[tilespmem:s0+$0x118] =	vst v1  }
0xf6: {  	v1 =	vld [tilespmem:s25+$0xFFFFFFE0];
	_ =	sdelay $0x4  }
0xf7: {  	[tilespmem:s0+$0x128] =	vst v1  }
0xf8: {  	v1 =	vld [tilespmem:s25+$0xFFFFFFF0];
	_ =	sdelay $0x4  }
0xf9: {  	[tilespmem:s0+$0x138] =	vst v1  }
0xfa: {  	v1 =	vld [tilespmem:s25+$0x0];
	_ =	sdelay $0x4  }
0xfb: {  	[tilespmem:s0+$0x148] =	vst v1  }
0xfc: {  	v1 =	vld [tilespmem:s25+$0x10];
	_ =	sdelay $0x4  }
0xfd: {  	[tilespmem:s0+$0x158] =	vst v1  }
0xfe: {  	v1 =	vld [tilespmem:s25+$0x20];
	_ =	sdelay $0x4  }
0xff: {  	[tilespmem:s0+$0x168] =	vst v1  }
0x100: {  	v1 =	vld [tilespmem:s25+$0x30]  }
.Ltmp15:
0x101: {  	_ = 	snop;
	(pc) =	sbr.rel .LBB2_17-.Ltmp15, $2  }
0x102: {  	_ =	sdelay $0x2  }
0x103: {  	s28 =	sadd.s32 $0x1, s28;
	[tilespmem:s0+$0x178] =	vst v1  }
.LBB2_19:
.Ltmp16:
0x104: {  	(pc) =	sbr.rel .LBB2_20-.Ltmp16, $4  }
0x105: {  	_ = 	snop  }
0x106: {  	s0 =	simm.s32 $0x2  }
0x107: {  	_ =	swait.ge [sflag:s0], $0x0  }
0x108: {  	s30 =	smov.u32 s29;
	[sflag:s0] =	ssyncset.done $0x0;
	s0 =	simm.s32 $0x0  }
.LBB2_22:
0x109: {  	_ =	sfence.sel $0x180000  }
0x10a: {  	s0 =	simm.s32 $0x9;
	[bflag:$0x0] =	sbarrier.arrive $0xFFFF  }
0x10b: {  	s24 =	simm.s32 $0xA;
	[sflag:s0] =	ssyncpa.u1 $0x1  }
0x10c: {  	s25 =	simm.s32 $0xB;
	[sflag:s24] =	ssyncpa.u1 $0x1  }
0x10d: {  	s26 =	simm.s32 $0x2;
	[sflag:s25] =	ssyncpa.u1 $0x1  }
0x10e: {  	[sflag:s26] =	ssyncpa.u1 $0x1  }
0x10f: {  	v0 =	vld [tilespmem:$0xF208];
	_ =	sdelay $0x4  }
0x110: {  	(v2sf) =	vpush v0, $0x0  }
0x111: {  	(v2sf) =	vpush v0, $0x1;
	_ =	sdelay $0x1  }
0x112: {  	(v2sf) =	vpush v0, $0x2;
	_ =	sdelay $0xb  }
0x113: {  	s0 =	spop (v2sf)  }
0x114: {  	s2 =	spop (v2sf)  }
0x115: {  	s3 =	smov.u32 s0;
	p0 =	sne.s32 s0, s2  }
0x116: {  	s4 =	spop (v2sf);
	s3 =	simm.s32 @!p0 $0xFFFFFFFF  }
0x117: {  	v2 =	vimm.s32 $0x1;
	v3 =	vlaneseq.u32;
	p0 =	seq.s32 s4, $0xFFFFFFFF;
	v1 =	vmov s3  }
0x118: {  	s16 =	stileid.u32;
	v0 =	vperm.xlane v0, v2;
	p1 =	sne.s32 @!p0 s0, s2;
	v1 =	vperm.xlane v1, v3  }
0x119: {  	vm0 =	vcmask $0x3F04;
	s6 =	simm.s32 $0xF208;
	s0 =	simm.s32 @!p0 $0x1;
	p1 =	por !p1, p0  }
0x11a: {  	s3 =	sshll.u32 s16, $0x1;
	s2 =	sshll.u32 @!p0 s4, $0x9;
	s0 =	simm.s32 @p1 $0x0;
	v0 =	vsel vm0, v1, v0  }
0x11b: {  	s5 =	sor.u32 $0x1000, s3;
	s2 =	sshra.s32 @!p0 s2, $0x2;
	s0 =	sor.u32 @!p0 s0, s3;
	[tilespmem:$0xF208] =	vst v0  }
0x11c: {  	[spmem:s5] =	stream.linear.scatter [tilespmem:s6], [sflag:$0x1], $0x2, $0x38;
	[tilespmem:$0x1F6F8] =	vst v63  }
0x11d: {  	s2 =	sadd.s32 @!p0 $0x108, s2;
	s0 =	sshll.u32 @!p0 s0, $0x7  }
0x11e: {  	[spmem:s0] =	stream.linear.scatter @!p0 [tilespmem:s2], [sflag:$0x1], $0x80, $0x38;
	[tilespmem:$0x1F6F8] =	vst v63  }
0x11f: {  	s0 =	simm.s32 @!p0 $0x82  }
0x120: {  	s28 =	simm.s32 $0x1;
	s0 =	simm.s32 @p0 $0x2  }
0x121: {  	_ =	swait.ge [sflag:s28], s0  }
0x122: {  	s0 =	ssub.s32 $0x0, s0;
	[sflag:s28] =	ssyncset.done $0x0  }
0x123: {  	p0 =	sne.s32 s16, $0x0;
	[sflag:s28] =	ssyncadd.s32 s0  }
.Ltmp17:
0x124: {  	_ =	sfence.stream.spmem;
	(pc) =	sbr.rel @p0 .LBB2_39-.Ltmp17, $4  }
0x125: {  	s29 =	simm.s32 $0x3;
	[bflag:$0x0] =	sbarrier.arrive $0xFFFF  }
0x126: {  	s30 =	simm.s32 $0x4;
	[sflag:s29] =	ssyncpa.u1 $0x1  }
0x127: {  	s31 =	simm.s32 $0x3C;
	[sflag:s30] =	ssyncpa.u1 $0x1  }
0x128: {  	s15 =	rddreg [dreg:$0x4];
	[sflag:s31] =	ssyncpa.u1 $0x1  }
0x129: {  	_ =	sfence.stream.spmem;
	s0 =	simm.s32 $0x5  }
0x12a: {  	s2 =	simm.s32 $0x1000;
	s3 =	simm.s32 $0xF218;
	[sflag:s0] =	ssyncpa.u1 $0x0  }
0x12b: {  	[tilespmem:s3], [sflag:$0x5] =	stream.linear.gather [spmem:s2], $0x20, $0x38;
	[tilespmem:$0x1F6F8] =	vst v63  }
0x12c: {  	s26 =	simm.s32 $0x0;
	s28 =	simm.s32 $0xF238  }
0x12d: {  	[tilespmem:s28], [sflag:$0x5] =	stream.linear.gather [spmem:s26], $0x1000, $0x38;
	[tilespmem:$0x1F6F8] =	vst v63  }
0x12e: {  	_ =	swait.ge [sflag:s0], $0x1020  }
0x12f: {  	[sflag:s0] =	ssyncset.done $0x0  }
0x130: {  	s29 =	simm.s32 $0x0;
	[sflag:s0] =	ssyncadd.s32 $0xFFFFEFE0  }
0x131: {  	v0 =	vld.msk [tilespmem:s29+$0xF218], $0x1;
	_ =	sdelay $0x1  }
0x132: {  	s30 =	simm.s32 $0x1  }
0x133: {  	v1 =	vld.msk [tilespmem:s30+$0xF218], $0x1;
	_ =	sdelay $0x1  }
0x134: {  	(v2sf) =	vpush v0, $0x0;
	_ =	sdelay $0x2  }
0x135: {  	(v2sf) =	vpush v1, $0x0;
	_ =	sdelay $0x2  }
0x136: {  	s31 =	simm.s32 $0x2  }
0x137: {  	v0 =	vld.msk [tilespmem:s31+$0xF218], $0x1;
	_ =	sdelay $0x2  }
0x138: {  	s4 =	simm.s32 $0xFFFFFFFF;
	s5 =	simm.s32 $0xFFFFFFFF;
	s0 =	simm.s32 $0xC  }
.LBB2_24:
0x139: {  	s2 =	smov.u32 s5;
	s3 =	smov.u32 s4  }
0x13a: {  	s4 =	sshra.s32 s0, $0x2;
	p1 =	sne.s32 s0, $0x7C;
	s0 =	sadd.s32 $0x4, s0;
	(v2sf) =	vpush v0, $0x0  }
0x13b: {  	v0 =	vld.msk [tilespmem:s4+$0xF218], $0x1  }
.Ltmp18:
0x13c: {  	(pc) =	sbr.rel @p1 .LBB2_24-.Ltmp18, $4  }
0x13d: {  	s5 =	spop (v2sf)  }
0x13e: {  	p2 =	sne.s32 s3, $0xFFFFFFFF;
	s4 =	smov.u32 s5  }
0x13f: {  	p3 =	seq.s32 s5, $0xFFFFFFFF;
	s4 =	smov.u32 @p2 s3  }
0x140: {  	s5 =	smov.u32 @p3 s2;
	s4 =	smov.u32 @p3 s3  }
0x141: {  	(v2sf) =	vpush v0, $0x0;
	_ =	sdelay $0x8  }
0x142: {  	s0 =	spop (v2sf)  }
0x143: {  	p1 =	sne.s32 s4, $0xFFFFFFFF;
	s2 =	smov.u32 s0  }
0x144: {  	s9 =	simm.s32 $0x6;
	p2 =	seq.s32 s0, $0xFFFFFFFF;
	s2 =	smov.u32 @p1 s4  }
0x145: {  	s6 =	simm.s32 $0x0;
	s2 =	smov.u32 @p2 s4;
	s3 =	spop (v2sf)  }
0x146: {  	s0 =	smov.u32 @p2 s5;
	p1 =	sne.s32 s2, $0xFFFFFFFF;
	s4 =	smov.u32 s3  }
.Ltmp19:
0x147: {  	p2 =	seq.s32 s3, $0xFFFFFFFF;
	s4 =	smov.u32 @p1 s2;
	(pc) =	sbr.rel .LBB2_26-.Ltmp19, $4  }
0x148: {  	s10 =	simm.s32 $0xF188;
	s4 =	smov.u32 @p2 s2;
	s7 =	spop (v2sf)  }
0x149: {  	s11 =	simm.s32 $0x0;
	p1 =	sne.s32 s4, $0xFFFFFFFF;
	s8 =	smov.u32 s7  }
0x14a: {  	s3 =	smov.u32 @p2 s0;
	p2 =	seq.s32 s7, $0xFFFFFFFF;
	s8 =	smov.u32 @p1 s4  }
0x14b: {  	[sflag:s9] =	ssyncpa.u1 $0x0;
	s7 =	smov.u32 @p2 s3;
	s8 =	smov.u32 @p2 s4  }
.LBB2_32:
0x14c: {  	p1 =	sgt.u32 s12, $0x270F0  }
0x14d: {  	p2 =	seq.s32 @!p1 s12, s8  }
0x14e: {  	p1 =	por p1, p2  }
0x14f: {  	p2 =	sne.s32 @!p1 s12, s7  }
0x150: {  	p1 =	por p1, !p2  }
0x151: {  	s0 =	sshll.u32 @p1 s11, $0x9  }
0x152: {  	s0 =	sand.u32 @!p1 $0x3FFF8, s12  }
0x153: {  	s2 =	sand.u32 @!p1 $0x7, s12;
	s0 =	sadd.s32 @!p1 s1, s0  }
0x154: {  	[tilespmem:s10], [sflag:$0x6] =	stream.linear.gather @!p1 [hbm4b:s0+s2], $0x80, $0x38;
	[tilespmem:$0x1F6F8] =	vst v63  }
0x155: {  	_ =	swait.ge @!p1 [sflag:s9], $0x80  }
0x156: {  	[sflag:s9] =	ssyncset.done @!p1 $0x0  }
0x157: {  	[sflag:s9] =	ssyncadd.s32 @!p1 $0xFFFFFF80  }
0x158: {  	v1 =	vld @!p1 [tilespmem:$0xF188];
	_ =	sdelay $0x2  }
0x159: {  	s0 =	sshll.u32 @!p1 s11, $0x9  }
0x15a: {  	s2 =	sshrl.u32 @!p1 s0, $0x2  }
0x15b: {  	[tilespmem:s2+$0xF238] =	vst.add.f32.msk @!p1 $0xffff, v1  }
0x15c: {  	v1 =	vld @!p1 [tilespmem:$0xF198];
	_ =	sdelay $0x4  }
0x15d: {  	[tilespmem:s2+$0xF248] =	vst.add.f32.msk @!p1 $0xffff, v1  }
0x15e: {  	v1 =	vld @!p1 [tilespmem:$0xF1A8];
	_ =	sdelay $0x4  }
0x15f: {  	[tilespmem:s2+$0xF258] =	vst.add.f32.msk @!p1 $0xffff, v1  }
0x160: {  	v1 =	vld @!p1 [tilespmem:$0xF1B8];
	_ =	sdelay $0x4  }
0x161: {  	[tilespmem:s2+$0xF268] =	vst.add.f32.msk @!p1 $0xffff, v1  }
0x162: {  	v1 =	vld @!p1 [tilespmem:$0xF1C8];
	_ =	sdelay $0x4  }
0x163: {  	[tilespmem:s2+$0xF278] =	vst.add.f32.msk @!p1 $0xffff, v1  }
0x164: {  	v1 =	vld @!p1 [tilespmem:$0xF1D8];
	_ =	sdelay $0x4  }
0x165: {  	[tilespmem:s2+$0xF288] =	vst.add.f32.msk @!p1 $0xffff, v1  }
0x166: {  	v1 =	vld @!p1 [tilespmem:$0xF1E8];
	_ =	sdelay $0x4  }
0x167: {  	[tilespmem:s2+$0xF298] =	vst.add.f32.msk @!p1 $0xffff, v1  }
0x168: {  	v1 =	vld @!p1 [tilespmem:$0xF1F8];
	_ =	sdelay $0x4  }
0x169: {  	[tilespmem:s2+$0xF2A8] =	vst.add.f32.msk @!p1 $0xffff, v1  }
0x16a: {  	s0 =	sshrl.u32 s0, $0x2;
	[tilespmem:s6+$0xF218] =	vst.msk $0x1, v0  }
0x16b: {  	v0 =	vld [tilespmem:s0+$0xF238];
	_ =	sdelay $0x2  }
0x16c: {  	s31 =	sshll.u32 s6, $0x9  }
0x16d: {  	s2 =	sshra.s32 s31, $0x2  }
0x16e: {  	[tilespmem:s2+$0xF238] =	vst v0  }
0x16f: {  	v0 =	vld [tilespmem:s0+$0xF248];
	_ =	sdelay $0x4  }
0x170: {  	[tilespmem:s2+$0xF248] =	vst v0  }
0x171: {  	v0 =	vld [tilespmem:s0+$0xF258];
	_ =	sdelay $0x4  }
0x172: {  	[tilespmem:s2+$0xF258] =	vst v0  }
0x173: {  	v0 =	vld [tilespmem:s0+$0xF268];
	_ =	sdelay $0x4  }
0x174: {  	[tilespmem:s2+$0xF268] =	vst v0  }
0x175: {  	v0 =	vld [tilespmem:s0+$0xF278];
	_ =	sdelay $0x4  }
0x176: {  	[tilespmem:s2+$0xF278] =	vst v0  }
0x177: {  	v0 =	vld [tilespmem:s0+$0xF288];
	_ =	sdelay $0x4  }
0x178: {  	[tilespmem:s2+$0xF288] =	vst v0  }
0x179: {  	v0 =	vld [tilespmem:s0+$0xF298];
	_ =	sdelay $0x4  }
0x17a: {  	[tilespmem:s2+$0xF298] =	vst v0  }
0x17b: {  	v0 =	vld [tilespmem:s0+$0xF2A8];
	_ =	sdelay $0x4  }
0x17c: {  	s6 =	sadd.s32 $0x1, s6;
	[tilespmem:s2+$0xF2A8] =	vst v0  }
.LBB2_33:
0x17d: {  	s11 =	sadd.s32 $0x1, s11  }
0x17e: {  	p1 =	sne.s32 s11, $0x20  }
.Ltmp20:
0x17f: {  	_ = 	snop;
	(pc) =	sbr.rel @!p1 .LBB2_34-.Ltmp20, $1  }
0x180: {  	_ =	sdelay $0x3  }
.LBB2_26:
0x181: {  	v0 =	vld.msk [tilespmem:s11+$0xF218], $0x1;
	_ =	sdelay $0x4  }
0x182: {  	(v2sf) =	vpush v0, $0x0;
	_ =	sdelay $0xe  }
0x183: {  	s12 =	spop (v2sf)  }
0x184: {  	p1 =	seq.s32 s12, $0xFFFFFFFF  }
.Ltmp21:
0x185: {  	_ = 	snop;
	(pc) =	sbr.rel @p1 .LBB2_33-.Ltmp21, $1  }
0x186: {  	_ =	sdelay $0x3  }
0x187: {  	p1 =	slt.s32 s6, $0x1  }
.Ltmp22:
0x188: {  	_ = 	snop;
	(pc) =	sbr.rel @p1 .LBB2_32-.Ltmp22, $1  }
0x189: {  	_ =	sdelay $0x3  }
0x18a: {  	s13 =	simm.s32 $0xF218;
	p1 =	por $0x0, $0x0  }
0x18b: {  	v1 =	vld.msk @!p1 [tilespmem:s13+$0x0], $0x1;
	_ =	sdelay $0x4  }
0x18c: {  	(v2sf) =	vpush @!p1 v1, $0x0;
	_ =	sdelay $0xd  }
0x18d: {  	p3 =	sne.s32 s6, $0x1  }
.Ltmp23:
0x18e: {  	s0 =	spop @!p1 (v2sf);
	(pc) =	sbr.rel @!p3 .LBB2_30-.Ltmp23, $4  }
0x18f: {  	p2 =	seq.s32 @!p1 s12, s0  }
0x190: {  	s14 =	simm.s32 $0x0;
	p2 =	por !p2, p1  }
0x191: {  	s2 =	simm.s32 $0xFFFFFFFF;
	s14 =	simm.s32 @p2 $0xFFFFFFFF  }
0x192: {  	s0 =	simm.s32 $0x1;
	s14 =	smov.u32 @p1 s2  }
.LBB2_29:
0x193: {  	s2 =	smov.u32 s14;
	p1 =	sne.s32 s14, $0xFFFFFFFF  }
0x194: {  	s13 =	sadd.s32 $0x1, s13;
	s14 =	smov.u32 s0;
	s0 =	sadd.s32 $0x1, s0  }
0x195: {  	p2 =	sne.s32 s6, s0;
	v1 =	vld.msk @!p1 [tilespmem:s13+$0x0], $0x1;
	_ =	sdelay $0x4  }
0x196: {  	(v2sf) =	vpush @!p1 v1, $0x0;
	_ =	sdelay $0xe  }
.Ltmp24:
0x197: {  	s3 =	spop @!p1 (v2sf);
	(pc) =	sbr.rel @p2 .LBB2_29-.Ltmp24, $4  }
0x198: {  	p3 =	seq.s32 @!p1 s12, s3  }
0x199: {  	p3 =	por !p3, p1  }
0x19a: {  	s14 =	simm.s32 @p3 $0xFFFFFFFF  }
0x19b: {  	s14 =	smov.u32 @p1 s2  }
.LBB2_30:
0x19c: {  	p1 =	seq.s32 s14, $0xFFFFFFFF  }
.Ltmp25:
0x19d: {  	_ = 	snop;
	(pc) =	sbr.rel @p1 .LBB2_32-.Ltmp25, $1  }
0x19e: {  	_ =	sdelay $0x3  }
0x19f: {  	s0 =	sshll.u32 s11, $0x7  }
0x1a0: {  	s0 =	sand.u32 $0x3FFFFF80, s0  }
0x1a1: {  	v0 =	vld [tilespmem:s0+$0xF238];
	_ =	sdelay $0x2  }
0x1a2: {  	s2 =	sshll.u32 s14, $0x9  }
0x1a3: {  	s2 =	sshra.s32 s2, $0x2  }
0x1a4: {  	[tilespmem:s2+$0xF238] =	vst.add.f32.msk $0xffff, v0  }
0x1a5: {  	v0 =	vld [tilespmem:s0+$0xF248];
	_ =	sdelay $0x4  }
0x1a6: {  	[tilespmem:s2+$0xF248] =	vst.add.f32.msk $0xffff, v0  }
0x1a7: {  	v0 =	vld [tilespmem:s0+$0xF258];
	_ =	sdelay $0x4  }
0x1a8: {  	[tilespmem:s2+$0xF258] =	vst.add.f32.msk $0xffff, v0  }
0x1a9: {  	v0 =	vld [tilespmem:s0+$0xF268];
	_ =	sdelay $0x4  }
0x1aa: {  	[tilespmem:s2+$0xF268] =	vst.add.f32.msk $0xffff, v0  }
0x1ab: {  	v0 =	vld [tilespmem:s0+$0xF278];
	_ =	sdelay $0x4  }
0x1ac: {  	[tilespmem:s2+$0xF278] =	vst.add.f32.msk $0xffff, v0  }
0x1ad: {  	v0 =	vld [tilespmem:s0+$0xF288];
	_ =	sdelay $0x4  }
0x1ae: {  	[tilespmem:s2+$0xF288] =	vst.add.f32.msk $0xffff, v0  }
0x1af: {  	v0 =	vld [tilespmem:s0+$0xF298];
	_ =	sdelay $0x4  }
0x1b0: {  	[tilespmem:s2+$0xF298] =	vst.add.f32.msk $0xffff, v0  }
0x1b1: {  	v0 =	vld [tilespmem:s0+$0xF2A8]  }
.Ltmp26:
0x1b2: {  	_ = 	snop;
	(pc) =	sbr.rel .LBB2_33-.Ltmp26, $2  }
0x1b3: {  	_ =	sdelay $0x2  }
0x1b4: {  	[tilespmem:s2+$0xF2A8] =	vst.add.f32.msk $0xffff, v0  }
.LBB2_34:
0x1b5: {  	s0 =	simm.s32 $0x6;
	p1 =	seq.s32 s6, $0x0  }
0x1b6: {  	[sflag:s0] =	ssyncpa.u1 $0x1;
	v0 =	vimm.s32 @p1 $0xFFFFFFFF  }
0x1b7: {  	s9 =	sadd.s32 $0xFFFFFFFF, s6;
	[tilespmem:$0x10238] =	vst @p1 v0  }
0x1b8: {  	v0 =	vld.msk @!p1 [tilespmem:s9+$0xF218], $0x1;
	_ =	sdelay $0x1  }
0x1b9: {  	v1 =	vld.msk @!p1 [tilespmem:$0xF218], $0x1;
	_ =	sdelay $0x2  }
0x1ba: {  	p2 =	seq.s32 @!p1 s9, $0x0;
	v0 =	vbroadcast @!p1 v0, $0x0  }
0x1bb: {  	vm0 =	vmmov @!p1 $0x1;
	p2 =	por !p2, p1  }
0x1bc: {  	v1 =	vnsel @!p1 vm0, $0xFFFFFFFF, v1;
	vm0 =	vcmask @!p1 $0x308;
	v0 =	vpsel !p2, $0xFFFFFFFF, v0  }
0x1bd: {  	p2 =	sne.s32 @!p1 s8, s7;
	v0 =	vsel @!p1 vm0, v1, v0  }
0x1be: {  	s0 =	simm.s32 @!p1 $0xF238;
	s2 =	simm.s32 @!p1 $0x0;
	p3 =	por !p2, p1;
	[tilespmem:$0x10238] =	vst @!p1 v0  }
0x1bf: {  	[spmem:s2] =	stream.linear.scatter @!p1 [tilespmem:s0], [sflag:$0x1], $0x80, $0x38;
	[tilespmem:$0x1F6F8] =	vst v63  }
0x1c0: {  	s0 =	sshll.u32 @!p3 s9, $0x9  }
0x1c1: {  	s0 =	sshra.s32 @!p3 s0, $0x2  }
0x1c2: {  	s2 =	simm.s32 @!p3 $0x80;
	s0 =	sadd.s32 @!p3 $0xF238, s0  }
0x1c3: {  	[spmem:s2] =	stream.linear.scatter @!p3 [tilespmem:s0], [sflag:$0x1], $0x80, $0x38;
	[tilespmem:$0x1F6F8] =	vst v63  }
0x1c4: {  	s0 =	simm.s32 @!p3 $0x1  }
0x1c5: {  	_ =	swait.ge @!p3 [sflag:s0], $0x100  }
0x1c6: {  	p1 =	por p2, p1;
	[sflag:s0] =	ssyncset.done @!p3 $0x0  }
0x1c7: {  	[sflag:s0] =	ssyncadd.s32 @!p3 $0xFFFFFF00;
	s0 =	simm.s32 @!p1 $0x1  }
0x1c8: {  	_ =	swait.ge @!p1 [sflag:s0], $0x80  }
0x1c9: {  	s29 =	simm.s32 $0x10238;
	[sflag:s0] =	ssyncset.done @!p1 $0x0  }
0x1ca: {  	s30 =	simm.s32 $0x1000;
	s31 =	simm.s32 $0x1;
	[sflag:s0] =	ssyncadd.s32 @!p1 $0xFFFFFF80  }
0x1cb: {  	[spmem:s30] =	stream.linear.scatter [tilespmem:s29], [sflag:$0x1], $0x10, $0x38;
	[tilespmem:$0x1F6F8] =	vst v63  }
0x1cc: {  	_ =	swait.ge [sflag:s31], $0x10  }
0x1cd: {  	[sflag:s31] =	ssyncset.done $0x0  }
0x1ce: {  	p1 =	seq.s32 s15, $0x0;
	s8 =	rddreg [dreg:$0x1];
	[sflag:s31] =	ssyncadd.s32 $0xFFFFFFF0  }
0x1cf: {  	s2 =	sshll.u32 @p1 s8, $0xE;
	s7 =	rddreg [dreg:$0x2]  }
0x1d0: {  	s0 =	sadd.s32 @p1 $0x15C3C, s2;
	s2 =	sshll.u32 @p1 s7, $0x11  }
0x1d1: {  	_ =	sfence.stream.spmem;
	s0 =	sor.u32 @p1 s2, s0  }
0x1d2: {  	[sflag:s0] =	ssyncadd.remote.s32 @p1 $0x1;
	s0 =	simm.s32 @p1 $0x4  }
0x1d3: {  	s3 =	simm.s32 @!p1 $0x3C;
	s2 =	sand.u32 $0xFFFFFFFE, s8;
	_ =	swait.ge @p1 [sflag:s0], $0x22  }
0x1d4: {  	s4 =	simm.s32 @!p1 $0x0;
	s2 =	sadd.s32 @!p1 $0x4, s2;
	[sflag:s0] =	ssyncset.done @p1 $0x0  }
0x1d5: {  	s5 =	simm.s32 @!p1 $0x100;
	[sflag:s0] =	ssyncadd.s32 @p1 $0xFFFFFFDE;
	s0 =	sshll.u32 @!p1 s2, $0x1A  }
0x1d6: {  	s2 =	sshll.u32 @!p1 s2, $0xD;
	s0 =	sor.u32 @!p1 s0, s7;
	_ =	swait.eq @!p1 [sflag:s3], $0x1  }
0x1d7: {  	s2 =	sor.u32 @!p1 $0x1C04, s2;
	s3 =	simm.s32 @!p1 $0x1C03;
	s0 =	sor.u32 @!p1 $0x80004000, s0  }
0x1d8: {  	[spmem:s5], [sflag:s2] =	dma.general @!p1 [spmem:s4], [sflag:s3], length:$0x20, [dreg:$0x0], stride_count:$0x0, ici_dest:s0, dma_misc:DstOpCode:WRITE  }
0x1d9: {  	p2 =	slt.s32 s9, $0x2;
	s4 =	simm.s32 @!p1 $0x200;
	s5 =	simm.s32 @!p1 $0x202  }
0x1da: {  	[spmem:s5], [sflag:s2] =	dma.general @!p1 [spmem:s4], [sflag:s3], length:$0x2, [dreg:$0x0], stride_count:$0x0, ici_dest:s0, dma_misc:DstOpCode:WRITE  }
.Ltmp27:
0x1db: {  	s0 =	simm.s32 @!p1 $0x3;
	(pc) =	sbr.rel @p2 .LBB2_38-.Ltmp27, $4  }
0x1dc: {  	s2 =	sshll.u32 @!p1 s8, $0xE;
	_ =	swait.ge @!p1 [sflag:s0], $0x22  }
0x1dd: {  	s3 =	sshll.u32 @!p1 s7, $0x11;
	s2 =	sadd.s32 @!p1 $0x11C3C, s2;
	[sflag:s0] =	ssyncset.done @!p1 $0x0  }
0x1de: {  	[sflag:s0] =	ssyncadd.s32 @!p1 $0xFFFFFFDE;
	s0 =	sor.u32 @!p1 s3, s2  }
0x1df: {  	[sflag:s0] =	ssyncadd.remote.s32 @!p1 $0xFFFFFFFF;
	s0 =	simm.s32 $0x0  }
0x1e0: {  	s0 =	simm.s32 $0xF219  }
0x1e1: {  	v0 =	vld.msk [tilespmem:s0+$0x0], $0x1;
	_ =	sdelay $0x4  }
0x1e2: {  	(v2sf) =	vpush v0, $0x0;
	_ =	sdelay $0xb  }
0x1e3: {  	s31 =	sadd.s32 $0xFFFFFFFE, s6  }
0x1e4: {  	s0 =	sadd.s32 $0xFFFFFFFF, s31  }
0x1e5: {  	p2 =	sne.s32 s0, $0x0  }
.Ltmp28:
0x1e6: {  	s2 =	spop (v2sf);
	(pc) =	sbr.rel @!p2 .LBB2_37-.Ltmp28, $4  }
0x1e7: {  	s4 =	simm.s32 $0xF2B8;
	s7 =	simm.s32 $0x0;
	p1 =	sgt.u32 s2, $0x270F0  }
0x1e8: {  	s5 =	simm.s32 $0x0;
	s6 =	simm.s32 $0xF21A;
	s3 =	sand.u32 @!p1 $0x3FFF8, s2  }
0x1e9: {  	s2 =	sand.u32 @!p1 $0x7, s2;
	s7 =	simm.s32 @!p1 $0x200;
	s3 =	sadd.s32 @!p1 s1, s3  }
0x1ea: {  	[hbm4b:s3+s2] =	stream.linear.scatter @!p1 [tilespmem:s4], [sflag:$0x5], $0x80, $0x38;
	[tilespmem:$0x1F6F8] =	vst v63  }
.LBB2_36:
0x1eb: {  	v0 =	vld.msk [tilespmem:s6+$0x0], $0x1;
	s0 =	sadd.s32 $0xFFFFFFFF, s0;
	s5 =	sadd.s32 s5, s7  }
0x1ec: {  	p1 =	sne.s32 s0, $0x0;
	_ =	sdelay $0x3  }
0x1ed: {  	(v2sf) =	vpush v0, $0x0;
	_ =	sdelay $0xe  }
.Ltmp29:
0x1ee: {  	s2 =	spop (v2sf);
	(pc) =	sbr.rel @p1 .LBB2_36-.Ltmp29, $4  }
0x1ef: {  	s7 =	simm.s32 $0x0;
	p2 =	sgt.u32 s2, $0x270F0  }
0x1f0: {  	s4 =	sadd.s32 $0x80, s4;
	s7 =	simm.s32 @!p2 $0x200;
	s3 =	sand.u32 @!p2 $0x3FFF8, s2  }
0x1f1: {  	s6 =	sadd.s32 $0x1, s6;
	s2 =	sand.u32 @!p2 $0x7, s2;
	s3 =	sadd.s32 @!p2 s1, s3  }
0x1f2: {  	[hbm4b:s3+s2] =	stream.linear.scatter @!p2 [tilespmem:s4], [sflag:$0x5], $0x80, $0x38;
	[tilespmem:$0x1F6F8] =	vst v63  }
.LBB2_37:
0x1f3: {  	s0 =	sadd.s32 s5, s7  }
0x1f4: {  	s0 =	sshrl.u32 s0, $0x2  }
.LBB2_38:
0x1f5: {  	s2 =	simm.s32 $0x5  }
0x1f6: {  	_ =	swait.ge [sflag:s2], s0  }
0x1f7: {  	s31 =	ssub.s32 $0x0, s0;
	[sflag:s2] =	ssyncset.done $0x0  }
0x1f8: {  	[sflag:s2] =	ssyncadd.s32 s31  }
0x1f9: {  	[sflag:s2] =	ssyncpa.u1 $0x1  }
.LBB2_39:
0x1fa: {  	s0 =	sor.u32 s15, s16  }
0x1fb: {  	p1 =	sne.s32 s0, $0x0  }
.Ltmp30:
0x1fc: {  	_ = 	snop;
	(pc) =	sbr.rel @p1 .LBB2_54-.Ltmp30, $3  }
0x1fd: {  	_ =	sdelay $0x1  }
0x1fe: {  	[bflag:$0x0] =	sbarrier.arrive $0xFFFF  }
0x1ff: {  	_ =	sfence  }
0x200: {  	s0 =	simm.s32 $0x7  }
0x201: {  	s2 =	simm.s32 $0x1000;
	s3 =	simm.s32 $0xF218;
	[sflag:s0] =	ssyncpa.u1 $0x0  }
0x202: {  	[tilespmem:s3], [sflag:$0x7] =	stream.linear.gather [spmem:s2], $0x20, $0x38;
	[tilespmem:$0x1F6F8] =	vst v63  }
0x203: {  	s30 =	simm.s32 $0xF238;
	s2 =	simm.s32 $0x0  }
0x204: {  	[tilespmem:s30], [sflag:$0x7] =	stream.linear.gather [spmem:s2], $0x1000, $0x38;
	[tilespmem:$0x1F6F8] =	vst v63  }
.Ltmp31:
0x205: {  	_ = 	snop;
	(pc) =	sbr.rel .LBB2_41-.Ltmp31, $4  }
0x206: {  	_ =	swait.ge [sflag:s0], $0x1020  }
0x207: {  	[sflag:s0] =	ssyncset.done $0x0  }
0x208: {  	s31 =	simm.s32 $0x8;
	[sflag:s0] =	ssyncadd.s32 $0xFFFFEFE0  }
0x209: {  	s3 =	simm.s32 $0x0;
	[sflag:s31] =	ssyncpa.u1 $0x0  }
.LBB2_47:
0x20a: {  	p1 =	slt.u32 s4, $0x270F1  }
0x20b: {  	s0 =	sand.u32 @p1 $0x3FFF8, s4  }
0x20c: {  	s4 =	sand.u32 @p1 $0x7, s4;
	s5 =	simm.s32 @p1 $0xF188;
	s0 =	sadd.s32 @p1 s1, s0  }
0x20d: {  	[tilespmem:s5], [sflag:$0x8] =	stream.linear.gather @p1 [hbm4b:s0+s4], $0x80, $0x38;
	[tilespmem:$0x1F6F8] =	vst v63  }
0x20e: {  	s0 =	simm.s32 @p1 $0x8  }
0x20f: {  	_ =	swait.ge @p1 [sflag:s0], $0x80  }
0x210: {  	[sflag:s0] =	ssyncset.done @p1 $0x0  }
0x211: {  	[sflag:s0] =	ssyncadd.s32 @p1 $0xFFFFFF80  }
0x212: {  	v1 =	vld @p1 [tilespmem:$0xF188];
	_ =	sdelay $0x2  }
0x213: {  	s0 =	sshll.u32 @p1 s3, $0x9  }
0x214: {  	s4 =	sshrl.u32 @p1 s0, $0x2  }
0x215: {  	[tilespmem:s4+$0xF238] =	vst.add.f32.msk @p1 $0xffff, v1  }
0x216: {  	v1 =	vld @p1 [tilespmem:$0xF198];
	_ =	sdelay $0x4  }
0x217: {  	[tilespmem:s4+$0xF248] =	vst.add.f32.msk @p1 $0xffff, v1  }
0x218: {  	v1 =	vld @p1 [tilespmem:$0xF1A8];
	_ =	sdelay $0x4  }
0x219: {  	[tilespmem:s4+$0xF258] =	vst.add.f32.msk @p1 $0xffff, v1  }
0x21a: {  	v1 =	vld @p1 [tilespmem:$0xF1B8];
	_ =	sdelay $0x4  }
0x21b: {  	[tilespmem:s4+$0xF268] =	vst.add.f32.msk @p1 $0xffff, v1  }
0x21c: {  	v1 =	vld @p1 [tilespmem:$0xF1C8];
	_ =	sdelay $0x4  }
0x21d: {  	[tilespmem:s4+$0xF278] =	vst.add.f32.msk @p1 $0xffff, v1  }
0x21e: {  	v1 =	vld @p1 [tilespmem:$0xF1D8];
	_ =	sdelay $0x4  }
0x21f: {  	[tilespmem:s4+$0xF288] =	vst.add.f32.msk @p1 $0xffff, v1  }
0x220: {  	v1 =	vld @p1 [tilespmem:$0xF1E8];
	_ =	sdelay $0x4  }
0x221: {  	[tilespmem:s4+$0xF298] =	vst.add.f32.msk @p1 $0xffff, v1  }
0x222: {  	v1 =	vld @p1 [tilespmem:$0xF1F8];
	_ =	sdelay $0x3  }
0x223: {  	s5 =	sshll.u32 @!p1 s3, $0x9  }
0x224: {  	s5 =	smov.u32 @p1 s0;
	[tilespmem:s4+$0xF2A8] =	vst.add.f32.msk @p1 $0xffff, v1  }
0x225: {  	s0 =	sshrl.u32 s5, $0x2;
	[tilespmem:s2+$0xF218] =	vst.msk $0x1, v0  }
0x226: {  	v0 =	vld [tilespmem:s0+$0xF238];
	_ =	sdelay $0x2  }
0x227: {  	s31 =	sshll.u32 s2, $0x9  }
0x228: {  	s4 =	sshra.s32 s31, $0x2  }
0x229: {  	[tilespmem:s4+$0xF238] =	vst v0  }
0x22a: {  	v0 =	vld [tilespmem:s0+$0xF248];
	_ =	sdelay $0x4  }
0x22b: {  	[tilespmem:s4+$0xF248] =	vst v0  }
0x22c: {  	v0 =	vld [tilespmem:s0+$0xF258];
	_ =	sdelay $0x4  }
0x22d: {  	[tilespmem:s4+$0xF258] =	vst v0  }
0x22e: {  	v0 =	vld [tilespmem:s0+$0xF268];
	_ =	sdelay $0x4  }
0x22f: {  	[tilespmem:s4+$0xF268] =	vst v0  }
0x230: {  	v0 =	vld [tilespmem:s0+$0xF278];
	_ =	sdelay $0x4  }
0x231: {  	[tilespmem:s4+$0xF278] =	vst v0  }
0x232: {  	v0 =	vld [tilespmem:s0+$0xF288];
	_ =	sdelay $0x4  }
0x233: {  	[tilespmem:s4+$0xF288] =	vst v0  }
0x234: {  	v0 =	vld [tilespmem:s0+$0xF298];
	_ =	sdelay $0x4  }
0x235: {  	[tilespmem:s4+$0xF298] =	vst v0  }
0x236: {  	v0 =	vld [tilespmem:s0+$0xF2A8];
	_ =	sdelay $0x4  }
0x237: {  	s2 =	sadd.s32 $0x1, s2;
	[tilespmem:s4+$0xF2A8] =	vst v0  }
.LBB2_48:
0x238: {  	s3 =	sadd.s32 $0x1, s3  }
0x239: {  	p1 =	sne.s32 s3, $0x20  }
.Ltmp32:
0x23a: {  	_ = 	snop;
	(pc) =	sbr.rel @!p1 .LBB2_49-.Ltmp32, $1  }
0x23b: {  	_ =	sdelay $0x3  }
.LBB2_41:
0x23c: {  	v0 =	vld.msk [tilespmem:s3+$0xF218], $0x1;
	_ =	sdelay $0x4  }
0x23d: {  	(v2sf) =	vpush v0, $0x0;
	_ =	sdelay $0xe  }
0x23e: {  	s4 =	spop (v2sf)  }
0x23f: {  	p1 =	seq.s32 s4, $0xFFFFFFFF  }
.Ltmp33:
0x240: {  	_ = 	snop;
	(pc) =	sbr.rel @p1 .LBB2_48-.Ltmp33, $1  }
0x241: {  	_ =	sdelay $0x3  }
0x242: {  	p1 =	slt.s32 s2, $0x1  }
.Ltmp34:
0x243: {  	_ = 	snop;
	(pc) =	sbr.rel @p1 .LBB2_47-.Ltmp34, $1  }
0x244: {  	_ =	sdelay $0x3  }
0x245: {  	s5 =	simm.s32 $0xF218;
	p1 =	por $0x0, $0x0  }
0x246: {  	v1 =	vld.msk @!p1 [tilespmem:s5+$0x0], $0x1;
	_ =	sdelay $0x4  }
0x247: {  	(v2sf) =	vpush @!p1 v1, $0x0;
	_ =	sdelay $0xd  }
0x248: {  	p3 =	sne.s32 s2, $0x1  }
.Ltmp35:
0x249: {  	s0 =	spop @!p1 (v2sf);
	(pc) =	sbr.rel @!p3 .LBB2_45-.Ltmp35, $4  }
0x24a: {  	p2 =	seq.s32 @!p1 s4, s0  }
0x24b: {  	s6 =	simm.s32 $0x0;
	p2 =	por !p2, p1  }
0x24c: {  	s7 =	simm.s32 $0xFFFFFFFF;
	s6 =	simm.s32 @p2 $0xFFFFFFFF  }
0x24d: {  	s0 =	simm.s32 $0x1;
	s6 =	smov.u32 @p1 s7  }
.LBB2_44:
0x24e: {  	s7 =	smov.u32 s6;
	p1 =	sne.s32 s6, $0xFFFFFFFF  }
0x24f: {  	s5 =	sadd.s32 $0x1, s5;
	s6 =	smov.u32 s0;
	s0 =	sadd.s32 $0x1, s0  }
0x250: {  	p2 =	sne.s32 s2, s0;
	v1 =	vld.msk @!p1 [tilespmem:s5+$0x0], $0x1;
	_ =	sdelay $0x4  }
0x251: {  	(v2sf) =	vpush @!p1 v1, $0x0;
	_ =	sdelay $0xe  }
.Ltmp36:
0x252: {  	s8 =	spop @!p1 (v2sf);
	(pc) =	sbr.rel @p2 .LBB2_44-.Ltmp36, $4  }
0x253: {  	p3 =	seq.s32 @!p1 s4, s8  }
0x254: {  	p3 =	por !p3, p1  }
0x255: {  	s6 =	simm.s32 @p3 $0xFFFFFFFF  }
0x256: {  	s6 =	smov.u32 @p1 s7  }
.LBB2_45:
0x257: {  	p1 =	seq.s32 s6, $0xFFFFFFFF  }
.Ltmp37:
0x258: {  	_ = 	snop;
	(pc) =	sbr.rel @p1 .LBB2_47-.Ltmp37, $1  }
0x259: {  	_ =	sdelay $0x3  }
0x25a: {  	s0 =	sshll.u32 s3, $0x7  }
0x25b: {  	s0 =	sand.u32 $0x3FFFFF80, s0  }
0x25c: {  	v0 =	vld [tilespmem:s0+$0xF238];
	_ =	sdelay $0x2  }
0x25d: {  	s4 =	sshll.u32 s6, $0x9  }
0x25e: {  	s4 =	sshra.s32 s4, $0x2  }
0x25f: {  	[tilespmem:s4+$0xF238] =	vst.add.f32.msk $0xffff, v0  }
0x260: {  	v0 =	vld [tilespmem:s0+$0xF248];
	_ =	sdelay $0x4  }
0x261: {  	[tilespmem:s4+$0xF248] =	vst.add.f32.msk $0xffff, v0  }
0x262: {  	v0 =	vld [tilespmem:s0+$0xF258];
	_ =	sdelay $0x4  }
0x263: {  	[tilespmem:s4+$0xF258] =	vst.add.f32.msk $0xffff, v0  }
0x264: {  	v0 =	vld [tilespmem:s0+$0xF268];
	_ =	sdelay $0x4  }
0x265: {  	[tilespmem:s4+$0xF268] =	vst.add.f32.msk $0xffff, v0  }
0x266: {  	v0 =	vld [tilespmem:s0+$0xF278];
	_ =	sdelay $0x4  }
0x267: {  	[tilespmem:s4+$0xF278] =	vst.add.f32.msk $0xffff, v0  }
0x268: {  	v0 =	vld [tilespmem:s0+$0xF288];
	_ =	sdelay $0x4  }
0x269: {  	[tilespmem:s4+$0xF288] =	vst.add.f32.msk $0xffff, v0  }
0x26a: {  	v0 =	vld [tilespmem:s0+$0xF298];
	_ =	sdelay $0x4  }
0x26b: {  	[tilespmem:s4+$0xF298] =	vst.add.f32.msk $0xffff, v0  }
0x26c: {  	v0 =	vld [tilespmem:s0+$0xF2A8]  }
.Ltmp38:
0x26d: {  	_ = 	snop;
	(pc) =	sbr.rel .LBB2_48-.Ltmp38, $2  }
0x26e: {  	_ =	sdelay $0x2  }
0x26f: {  	[tilespmem:s4+$0xF2A8] =	vst.add.f32.msk $0xffff, v0  }
.LBB2_49:
0x270: {  	p1 =	slt.s32 s2, $0x1  }
.Ltmp39:
0x271: {  	_ = 	snop;
	(pc) =	sbr.rel @p1 .LBB2_53-.Ltmp39, $3  }
0x272: {  	_ =	sdelay $0x1  }
0x273: {  	s0 =	simm.s32 $0x8  }
0x274: {  	s3 =	simm.s32 $0x0;
	[sflag:s0] =	ssyncpa.u1 $0x1  }
0x275: {  	s0 =	simm.s32 $0xF218  }
0x276: {  	v0 =	vld.msk [tilespmem:s0+$0x0], $0x1;
	_ =	sdelay $0x4  }
0x277: {  	(v2sf) =	vpush v0, $0x0;
	_ =	sdelay $0xe  }
0x278: {  	s0 =	sadd.s32 $0xFFFFFFFF, s2;
	s5 =	spop (v2sf)  }
0x279: {  	p2 =	sne.s32 s0, $0x0;
	p1 =	sgt.u32 s5, $0x270F0  }
.Ltmp40:
0x27a: {  	s6 =	sand.u32 @!p1 $0x3FFF8, s5;
	(pc) =	sbr.rel @!p2 .LBB2_52-.Ltmp40, $4  }
0x27b: {  	s4 =	simm.s32 $0xF238;
	s5 =	sand.u32 @!p1 $0x7, s5;
	s2 =	sadd.s32 @!p1 s1, s6  }
0x27c: {  	[hbm4b:s2+s5] =	stream.linear.scatter @!p1 [tilespmem:s4], [sflag:$0x7], $0x80, $0x38;
	[tilespmem:$0x1F6F8] =	vst v63  }
0x27d: {  	s5 =	simm.s32 $0x0  }
0x27e: {  	s2 =	simm.s32 $0xF219;
	s5 =	simm.s32 @!p1 $0x200  }
.LBB2_51:
0x27f: {  	v0 =	vld.msk [tilespmem:s2+$0x0], $0x1;
	s0 =	sadd.s32 $0xFFFFFFFF, s0;
	s3 =	sadd.s32 s3, s5  }
0x280: {  	p1 =	sne.s32 s0, $0x0;
	_ =	sdelay $0x3  }
0x281: {  	(v2sf) =	vpush v0, $0x0;
	_ =	sdelay $0xe  }
.Ltmp41:
0x282: {  	s6 =	spop (v2sf);
	(pc) =	sbr.rel @p1 .LBB2_51-.Ltmp41, $4  }
0x283: {  	s5 =	simm.s32 $0x0;
	p2 =	sgt.u32 s6, $0x270F0  }
0x284: {  	s4 =	sadd.s32 $0x80, s4;
	s5 =	simm.s32 @!p2 $0x200;
	s7 =	sand.u32 @!p2 $0x3FFF8, s6  }
0x285: {  	s2 =	sadd.s32 $0x1, s2;
	s6 =	sand.u32 @!p2 $0x7, s6;
	s7 =	sadd.s32 @!p2 s1, s7  }
0x286: {  	[hbm4b:s7+s6] =	stream.linear.scatter @!p2 [tilespmem:s4], [sflag:$0x7], $0x80, $0x38;
	[tilespmem:$0x1F6F8] =	vst v63  }
.LBB2_52:
0x287: {  	s0 =	sadd.s32 s3, s5  }
0x288: {  	s3 =	sshrl.u32 s0, $0x2  }
.LBB2_53:
0x289: {  	s0 =	simm.s32 $0x7  }
0x28a: {  	_ =	swait.ge [sflag:s0], s3  }
0x28b: {  	s1 =	ssub.s32 $0x0, s3;
	[sflag:s0] =	ssyncset.done $0x0  }
0x28c: {  	[sflag:s0] =	ssyncadd.s32 s1  }
0x28d: {  	[sflag:s0] =	ssyncpa.u1 $0x1  }
.LBB2_54:
0x28e: {  	_ =	sfence;
	s0 =	simm.s32 $0x1  }
0x28f: {  	[sflag:s0] =	ssyncpa.u1 $0x1  }
0x290: {  	_ =	strace $0x90000056  }
0x291: {  	[bflag:$0x2] =	sbarrier.arrive $0xFFFF  }
0x292: {  	s0 =	rddreg [dreg:$0x3]  }
0x293: {  	s0 =	sadd.s32 @!p0 $0x100000, s0  }
0x294: {  	[sflag:s0] =	ssyncadd.tile.s32 @!p0 $0x1;
	_ =	shalt  }
.Lfunc_end2:
_tile_overlayer_lowered:
.L_overlay_start_2:
0x295: {  	(tag) =	ssettag $0x2  }
0x296: {  	s0 =	rddreg [dreg:$0x0];
	s2 =	stileid.u32  }
0x297: {  	s1 =	rddreg [dreg:$0x1];
	p0 =	sne.s32 s2, $0x0  }
0x298: {  	s3 =	rddreg [dreg:$0x2];
	[bflag:$0x3] =	sbarrier.arrive $0xFFFF;
	s2 =	simm.s32 @!p0 $0x1C01  }
0x299: {  	[timem:s3], [sflag:s2] =	dma.local @!p0 [hbm:s0], s1  }
0x29a: {  	s0 =	simm.s32 @!p0 $0x1  }
0x29b: {  	_ =	swait.ge @!p0 [sflag:s0], s1  }
0x29c: {  	s1 =	ssub.s32 @!p0 $0x0, s1;
	[sflag:s0] =	ssyncset.done @!p0 $0x0  }
0x29d: {  	[sflag:s0] =	ssyncadd.s32 @!p0 s1  }
0x29e: {  	[bflag:$0x3] =	sbarrier.arrive $0xFFFF  }
0x29f: {  	_ =	shalt  }

// kernel: scatter_offload_async_start
scs
__scs_entry_jumppad:
0x0: {  	(pc) =	sbr.rel $0x88, $3  }
0x1: {  	(tag) =	ssettag $0x0;
	lr =	simm.s32 $0x1  }
0x2: {  	[smem:$0x3F95] =	sst lr;
	_ =	strace $0xD0000000  }
0x3: {  	_ = 	snop  }
0x4: {  	_ = 	snop  }
0x5: {  	_ = 	snop  }
0x6: {  	_ = 	snop  }
0x7: {  	_ = 	snop  }
__scs_overlays_trampoline_lowered:
0x8: {  	[smem:$0x3FA4] =	sst s0  }
0x9: {  	[smem:$0x3FA5] =	sst s1  }
0xa: {  	[smem:$0x3FA6] =	sst s2  }
0xb: {  	[smem:$0x3FA7] =	sst s3  }
0xc: {  	[smem:$0x3FA8] =	sst s4  }
0xd: {  	[smem:$0x3FA9] =	sst s5  }
0xe: {  	[smem:$0x3FAA] =	sst s6  }
0xf: {  	[smem:$0x3FAB] =	sst s7  }
0x10: {  	[smem:$0x3FAC] =	sst s8  }
0x11: {  	[smem:$0x3FAD] =	sst s9;
	s0 =	simm.s32 @!p0 $0x0  }
0x12: {  	s1 =	sld [smem:$0x3F93];
	s0 =	simm.s32 @p0 $0x1  }
0x13: {  	[smem:$0x3FAE] =	sst s0;
	s0 =	simm.s32 @!p1 $0x0  }
0x14: {  	s2 =	sld [smem:$0x3F92];
	s0 =	simm.s32 @p1 $0x1  }
0x15: {  	[smem:$0x3FAF] =	sst s0;
	s0 =	simm.s32 @!p2 $0x0  }
0x16: {  	s3 =	sld [smem:$0x3FDB];
	s0 =	simm.s32 @p2 $0x1  }
0x17: {  	s4 =	simm.s32 $0x1BF5;
	[smem:$0x3FB1] =	sst s0  }
0x18: {  	s0 =	sld [smem:$0x3F94];
	_ =	swait.ge [sflag:s4], $0x0  }
0x19: {  	s7 =	sld [smem:$0x3F95]  }
0x1a: {  	s8 =	sadd.s32 $0xFFFFE003, lr  }
0x1b: {  	s9 =	sadd.s32 $0xFFFFFEF7, lr;
	s5 =	simm.s32 $0xFFFFFFFF;
	p2 =	slt.u32 s8, $0xFFFFF086  }
0x1c: {  	p1 =	slt.u32 s9, $0xF7A;
	s5 =	simm.s32 @!p2 $0x0  }
0x1d: {  	s5 =	simm.s32 @p1 $0x1;
	p0 =	seq.s32 s7, s2  }
0x1e: {  	s7 =	smul.u32 @!p0 $0xF7A, s2;
	p2 =	seq.s32 @!p0 s5, $0x0  }
0x1f: {  	s9 =	smul.u32 $0xF7A, s1;
	s8 =	simm.s32 @!p0 $0x1BF5;
	p2 =	por !p2, p0  }
0x20: {  	[sflag:s8] =	ssyncset.s32 @!p0 $0xFFFFF086;
	s6 =	sadd.s32 @!p0 s3, s7;
	s7 =	simm.s32 @!p0 $0x108  }
0x21: {  	s3 =	sadd.s32 s3, s9;
	s6 =	sadd.s32 @!p0 $0x88, s6;
	s7 =	simm.s32 @p2 $0x1082  }
0x22: {  	[simem:s7], [sflag:s8] =	dma.local @!p0 [hbm:s6], $0xF7A  }
0x23: {  	s9 =	sor.u32 $0xD0000000, s2;
	s6 =	simm.s32 $0x108;
	_ =	swait.ge @!p0 [sflag:s8], $0x0  }
0x24: {  	s3 =	sadd.s32 $0x88, s3;
	s6 =	simm.s32 @!p1 $0x1082;
	[sflag:s4] =	ssyncset.s32 $0xFFFFF086  }
0x25: {  	[simem:s6], [sflag:s4] =	dma.local [hbm:s3], $0xF7A  }
0x26: {  	[smem:$0x3F95] =	sst s1;
	(tag) =	ssettag s2;
	_ =	strace s9  }
0x27: {  	s1 =	sld [smem:$0x3FA5]  }
0x28: {  	s2 =	sld [smem:$0x3FA6]  }
0x29: {  	s4 =	sld [smem:$0x3FA8]  }
0x2a: {  	p0 =	seq.s32 s5, $0x0;
	s5 =	sld [smem:$0x3FA9]  }
0x2b: {  	s6 =	sld [smem:$0x3FAA]  }
0x2c: {  	s7 =	sld [smem:$0x3FAB]  }
0x2d: {  	s3 =	simm.s32 $0x108;
	s8 =	sld [smem:$0x3FAC]  }
0x2e: {  	s3 =	simm.s32 @!p0 $0x1082;
	s9 =	sld [smem:$0x3FAD]  }
0x2f: {  	lr =	sadd.s32 s0, s3;
	s0 =	sld [smem:$0x3FA4]  }
0x30: {  	s3 =	sld [smem:$0x3FA7]  }
0x31: {  	[smem:$0x3FB0] =	sst s10  }
0x32: {  	s10 =	sld [smem:$0x3FAE];
	_ =	sdelay $0x3  }
0x33: {  	p0 =	seq.s32 s10, $0x1;
	s10 =	sld [smem:$0x3FB0];
	_ =	sdelay $0x3  }
0x34: {  	[smem:$0x3FB0] =	sst s10  }
0x35: {  	s10 =	sld [smem:$0x3FAF];
	_ =	sdelay $0x3  }
0x36: {  	p1 =	seq.s32 s10, $0x1;
	s10 =	sld [smem:$0x3FB0];
	_ =	sdelay $0x3  }
0x37: {  	[smem:$0x3FB0] =	sst s10  }
0x38: {  	s10 =	sld [smem:$0x3FB1]  }
0x39: {  	_ = 	snop;
	(pc) =	sbr.ind lr, $3  }
0x3a: {  	_ = 	snop  }
0x3b: {  	_ = 	snop  }
0x3c: {  	p2 =	seq.s32 s10, $0x1;
	s10 =	sld [smem:$0x3FB0]  }
0x3d: {  	_ =	shalt  }
0x3e: {  	_ =	shalt  }
0x3f: {  	_ =	shalt  }
0x40: {  	_ =	shalt  }
0x41: {  	_ =	shalt  }
0x42: {  	_ =	shalt  }
0x43: {  	_ =	shalt  }
0x44: {  	_ =	shalt  }
0x45: {  	_ =	shalt  }
0x46: {  	_ =	shalt  }
0x47: {  	_ =	shalt  }
0x48: {  	_ =	shalt  }
0x49: {  	_ =	shalt  }
0x4a: {  	_ =	shalt  }
0x4b: {  	_ =	shalt  }
0x4c: {  	_ =	shalt  }
0x4d: {  	_ =	shalt  }
0x4e: {  	_ =	shalt  }
0x4f: {  	_ =	shalt  }
0x50: {  	_ =	shalt  }
0x51: {  	_ =	shalt  }
0x52: {  	_ =	shalt  }
0x53: {  	_ =	shalt  }
0x54: {  	_ =	shalt  }
0x55: {  	_ =	shalt  }
0x56: {  	_ =	shalt  }
0x57: {  	_ =	shalt  }
0x58: {  	_ =	shalt  }
0x59: {  	_ =	shalt  }
0x5a: {  	_ =	shalt  }
0x5b: {  	_ =	shalt  }
0x5c: {  	_ =	shalt  }
0x5d: {  	_ =	shalt  }
0x5e: {  	_ =	shalt  }
0x5f: {  	_ =	shalt  }
0x60: {  	_ =	shalt  }
0x61: {  	_ =	shalt  }
0x62: {  	_ =	shalt  }
0x63: {  	_ =	shalt  }
0x64: {  	_ =	shalt  }
0x65: {  	_ =	shalt  }
0x66: {  	_ =	shalt  }
0x67: {  	_ =	shalt  }
0x68: {  	_ =	shalt  }
0x69: {  	_ =	shalt  }
0x6a: {  	_ =	shalt  }
0x6b: {  	_ =	shalt  }
0x6c: {  	_ =	shalt  }
0x6d: {  	_ =	shalt  }
0x6e: {  	_ =	shalt  }
0x6f: {  	_ =	shalt  }
0x70: {  	_ =	shalt  }
0x71: {  	_ =	shalt  }
0x72: {  	_ =	shalt  }
0x73: {  	_ =	shalt  }
0x74: {  	_ =	shalt  }
0x75: {  	_ =	shalt  }
0x76: {  	_ =	shalt  }
0x77: {  	_ =	shalt  }
0x78: {  	_ =	shalt  }
0x79: {  	_ =	shalt  }
0x7a: {  	_ =	shalt  }
0x7b: {  	_ =	shalt  }
0x7c: {  	_ =	shalt  }
0x7d: {  	_ =	shalt  }
0x7e: {  	_ =	shalt  }
0x7f: {  	_ =	shalt  }
0x80: {  	_ =	shalt  }
0x81: {  	_ =	shalt  }
0x82: {  	_ =	shalt  }
0x83: {  	_ =	shalt  }
0x84: {  	_ =	shalt  }
0x85: {  	_ =	shalt  }
0x86: {  	_ =	shalt  }
0x87: {  	_ =	shalt  }
.Lfunc_end0:
.L_simem_size_0:
called_computation_lowered:
.L_overlay_start_0:
0x88: {  	s0 =	sld [smem:$0x3FD9]  }
0x89: {  	s1 =	sld [smem:$0x3FFE];
	_ =	sdelay $0x3  }
0x8a: {  	s0 =	sadd.s32 s1, s0  }
0x8b: {  	[smem:$0x3FBC] =	sst s0  }
0x8c: {  	_ = 	snop  }
0x8d: {  	s0 =	sld [smem:$0x3FD0];
	(tm) =	ssettm $0x1  }
0x8e: {  	s16 =	sld [smem:$0x3FFB];
	_ =	sdelay $0x3  }
0x8f: {  	_ =	strace s16  }
0x90: {  	s1 =	sld [smem:$0x3FFC];
	_ =	sdelay $0x3  }
0x91: {  	_ =	strace s1  }
0x92: {  	s1 =	sld [smem:$0x3FFD];
	_ =	sdelay $0x3  }
0x93: {  	_ =	strace s1  }
0x94: {  	_ =	strace $0x8FFFFFFF  }
0x95: {  	s17 =	sld [smem:$0x3FDB];
	_ =	sdelay $0x1  }
0x96: {  	s2 =	simm.s32 $_scs_section_size  }
0x97: {  	s3 =	simm.s32 $_size__tile_overlayer_lowered;
	s4 =	simm.s32 $_tile_overlayer_lowered  }
0x98: {  	s20 =	simm.s32 $0x1BFF;
	s19 =	sshll.u32 s4, $0x1;
	s1 =	sadd.s32 s2, s17  }
0x99: {  	s5 =	simm.s32 $0x0;
	s18 =	sshll.u32 s3, $0x1;
	s3 =	sadd.s32 s19, s1  }
0x9a: {  	[timem:s5], [sflag:s20] =	dma.local [hbm:s3], s18  }
0x9b: {  	_ =	swait.ge [sflag:s20], s18  }
0x9c: {  	s2 =	ssub.s32 $0x0, s18;
	[sflag:s20] =	ssyncset.done $0x0  }
0x9d: {  	[sflag:s20] =	ssyncadd.s32 s2;
	_ =	sdelay $0x1  }
0x9e: {  	s21 =	simm.s32 $0x1B8B  }
0x9f: {  	_ =	swait.ge [sflag:s21], $0x1  }
0xa0: {  	[sflag:s21] =	ssyncset.done $0x0  }
0xa1: {  	s23 =	simm.s32 $0x1B8E;
	s22 =	sld [smem:$0x3FFE];
	[sflag:s21] =	ssyncadd.s32 $0xFFFFFFFF  }
0xa2: {  	s24 =	simm.s32 $execute0_lowered;
	[smem:$0x3FD2] =	sst s23  }
0xa3: {  	s3 =	sshll.u32 s24, $0x1;
	_ =	strace $0x8000004C;
	[dreg:$0x1] =	wrdreg $0xFFFFFFFF  }
0xa4: {  	s25 =	simm.s32 $_size_execute0_lowered;
	s1 =	sadd.s32 s1, s3;
	[dreg:$0x0] =	wrdreg $0x0  }
0xa5: {  	s3 =	sshll.u32 s25, $0x1;
	[dreg:$0x2] =	wrdreg s1  }
0xa6: {  	[dreg:$0x3] =	wrdreg s3  }
0xa7: {  	[dreg:$0x4] =	wrdreg $0xC0  }
0xa8: {  	_ =	task [dreg:s5], $0x5FFFF  }
0xa9: {  	[dreg:$0x1] =	wrdreg $0xFFFFFFFF  }
0xaa: {  	[dreg:$0x0] =	wrdreg $0x60  }
0xab: {  	[dreg:$0x2] =	wrdreg s0  }
0xac: {  	[dreg:$0x3] =	wrdreg s22  }
0xad: {  	[dreg:$0x4] =	wrdreg $0x9  }
0xae: {  	_ =	task.clear_ibuf [dreg:s5], $0x5FFFF;
	_ =	strace $0x9000004C  }
0xaf: {  	s26 =	simm.s32 $0x9;
	_ =	strace $0x8000004E  }
0xb0: {  	_ =	swait.ge [sflag:s26], $0x1  }
0xb1: {  	[sflag:s26] =	ssyncadd.s32 $0xFFFFFFFF  }
0xb2: {  	_ =	strace $0x9000004E  }
0xb3: {  	_ =	sfence  }
0xb4: {  	s28 =	sld [smem:$0x0];
	_ =	sdelay $0x1  }
0xb5: {  	s29 =	srdreg.scid  }
0xb6: {  	s30 =	sshll.u32 s29, $0xD;
	s31 =	sshrl.u32 s29, $0x2  }
0xb7: {  	s2 =	sand.u32 $0x4000, s30;
	s1 =	sand.u32 $0x1, s29;
	s0 =	sadd.s32 s31, s28  }
0xb8: {  	s1 =	sor.u32 s2, s1;
	s0 =	sshll.u32 s0, $0x11  }
0xb9: {  	s0 =	sor.u32 s0, s1  }
0xba: {  	s0 =	sadd.s32 $0x8F2B, s0  }
0xbb: {  	[sflag:s0] =	ssyncadd.remote.s32 $0x1  }
0xbc: {  	_ =	sfence.sel $0xFFFF  }
0xbd: {  	[dreg:$0x0] =	wrdreg $0xFFFFFFFF;
	(pc) =	sbr.abs _section_cstart, $3  }
0xbe: {  	[dreg:$0x1] =	wrdreg $0xFFFFFFFF  }
0xbf: {  	_ =	task.clear_ibuf [dreg:s5], $0x2FFFF;
	_ =	strace $0x9FFFFFFF  }
0xc0: {  	(tm) =	ssettm $0x7FFFFFFF  }
0xc1: {  	_ =	shalt  }
tec
execute0_lowered:
.L_overlay_start_1:
0x0: {  	(tag) =	ssettag $0x1  }
0x1: {  	s1 =	rddreg [dreg:$0x0]  }
0x2: {  	s0 =	rddreg [dreg:$0x1];
	s14 =	stileid.u32  }
0x3: {  	_ =	strace $0x8000004D;
	s2 =	simm.s32 $0x1;
	s3 =	smin.u32 s14, $0x4  }
0x4: {  	v1 =	vimm.s32 $0xFFFFFFFF;
	[sflag:s2] =	ssyncpa.u1 $0x0;
	s3 =	sadd.s32 s14, s3  }
0x5: {  	s4 =	simm.s32 $0x3E80;
	p0 =	slt.u32 s14, $0x4;
	[tilespmem:$0x10] =	vst v1;
	s3 =	smul.u32 $0x1F40, s3  }
0x6: {  	v0 =	vimm.f32 $0.0e+00;
	[tilespmem:$0x20] =	vst v1;
	s4 =	simm.s32 @!p0 $0x1F40  }
0x7: {  	[tilespmem:$0x30] =	vst v0;
	s4 =	sadd.s32 s4, s3  }
0x8: {  	[tilespmem:$0x40] =	vst v0;
	s4 =	smin.u32 s4, $0x27100  }
0x9: {  	[tilespmem:$0x50] =	vst v0;
	s9 =	ssub.s32 s4, s3  }
0xa: {  	s7 =	simm.s32 $0x2;
	[tilespmem:$0x60] =	vst v1;
	p0 =	sgt.s32 s9, $0x0  }
0xb: {  	s8 =	simm.s32 $0x8;
	s31 =	simm.s32 $0x9;
	[tilespmem:$0x70] =	vst v1;
	s9 =	simm.s32 @!p0 $0x0  }
0xc: {  	s16 =	simm.s32 $0x0;
	s17 =	simm.s32 $0xF0;
	[tilespmem:$0x80] =	vst v1;
	s5 =	smulhi.u32 $0x10624DD3, s9  }
0xd: {  	s18 =	simm.s32 $0xFFFFFFFF;
	s19 =	simm.s32 $0xFFFFC280;
	s20 =	simm.s32 $0xFFFFFFFE;
	v1 =	vimm.s32 $0x0;
	[tilespmem:$0xB0] =	vst v0  }
0xe: {  	s21 =	simm.s32 $0xF;
	s25 =	simm.s32 $0x0;
	[tilespmem:$0x90] =	vst v1;
	s10 =	sshrl.u32 s5, $0x9  }
0xf: {  	[tilespmem:$0xA0] =	vst v1;
	[sflag:s7] =	ssyncpa.u1 $0x0;
	s7 =	simm.s32 $0x7;
	s11 =	smul.u32 $0x1F40, s10  }
0x10: {  	s24 =	simm.s32 $0x0;
	s6 =	sadd.s32 $0x84800, s0;
	[sflag:s7] =	ssyncpa.u1 $0x0  }
.Ltmp0:
0x11: {  	[sflag:s8] =	ssyncpa.u1 $0x0;
	p0 =	sne.s32 s9, s11;
	(pc) =	sbr.rel .LBB2_1-.Ltmp0, $4  }
0x12: {  	s23 =	smov.u32 s3;
	[sflag:s31] =	ssyncpa.u1 $0x0;
	s2 =	simm.s32 @!p0 $0x0  }
0x13: {  	s5 =	sadd.s32 $0x200, s0;
	p0 =	por $0x0, $0x0;
	s9 =	sadd.s32 s2, s10  }
0x14: {  	vm0 =	vmmov $0xffff;
	v2 =	vlaneseq.u32;
	s10 =	sshll.u32 s14, $0x1;
	s14 =	sshllo.u32 s14, $0x1;
	s11 =	sadd.s32 $0x1, s9  }
0x15: {  	vm1 =	vmxor vm1, vm1;
	vm2 =	vmmov $0x1;
	vm3 =	vcmask $0x3F3C;
	s12 =	sadd.s32 $0x2, s9;
	s13 =	sor.u32 $0x81, s10;
	s15 =	sor.u32 $0x80, s10  }
.LBB2_9:
0x16: {  	p1 =	slt.u32 s24, $0x3  }
0x17: {  	s0 =	simm.s32 @!p1 $0x2  }
0x18: {  	_ =	swait.ge @!p1 [sflag:s0], $0x1F40  }
0x19: {  	[sflag:s0] =	ssyncset.done @!p1 $0x0  }
0x1a: {  	[sflag:s0] =	ssyncadd.s32 @!p1 $0xFFFFE0C0;
	s0 =	simm.s32 @!p1 $0x9  }
0x1b: {  	_ =	swait.ge @!p1 [sflag:s0], $0x10  }
0x1c: {  	[sflag:s0] =	ssyncset.done @!p1 $0x0  }
0x1d: {  	[sflag:s0] =	ssyncadd.s32 @!p1 $0xFFFFFFF0;
	p1 =	sne.s32 s24, s12  }
.Ltmp1:
0x1e: {  	s2 =	sadd.s32 $0x1F40, s23;
	(pc) =	sbr.rel @!p1 .LBB2_10-.Ltmp1, $4  }
0x1f: {  	s22 =	smov.u32 s3;
	s31 =	sadd.s32 $0x1, s24;
	s17 =	sadd.s32 $0x1F40, s17  }
0x20: {  	s18 =	sadd.s32 $0x1, s18;
	s25 =	smov.u32 s23;
	p2 =	slt.s32 s2, s4  }
0x21: {  	p0 =	por !p0, !p0;
	s19 =	sadd.s32 $0x1F40, s19;
	s22 =	smov.u32 @p2 s2  }
0x22: {  	s20 =	sadd.s32 $0x1, s20;
	s23 =	smov.u32 s22;
	s24 =	smov.u32 s31  }
.LBB2_1:
0x23: {  	p1 =	sge.u32 s24, s9  }
0x24: {  	s0 =	smulhi.u32 @!p1 $0xAAAAAAAB, s24;
	_ =	sdelay $0x1  }
0x25: {  	s0 =	sshrl.u32 @!p1 s0, $0x1  }
0x26: {  	s0 =	smul.u32 @!p1 $0x3, s0;
	_ =	sdelay $0x1  }
0x27: {  	s0 =	ssub.s32 @!p1 s24, s0  }
0x28: {  	s0 =	smul.u32 @!p1 $0x7D00, s0;
	_ =	sdelay $0x1  }
0x29: {  	s2 =	sshrl.u32 @!p1 s23, $0x3;
	s0 =	sshrl.u32 @!p1 s0, $0x2  }
0x2a: {  	s22 =	sand.u32 @!p1 $0x7, s23;
	s2 =	sadd.s32 @!p1 s5, s2;
	s0 =	sadd.s32 @!p1 $0x100, s0  }
0x2b: {  	[tilespmem:s0], [sflag:$0x7] =	stream.linear.gather @!p1 [hbm4b:s2+s22], $0x1F40, $0x38;
	[tilespmem:$0x11A60] =	vst v63  }
0x2c: {  	s0 =	sadd.s32 $0xFFFFFFFF, s24  }
0x2d: {  	p1 =	sge.u32 s0, s9  }
.Ltmp2:
0x2e: {  	_ = 	snop;
	(pc) =	sbr.rel @p1 .LBB2_5-.Ltmp2, $1  }
0x2f: {  	_ =	sdelay $0x3  }
0x30: {  	s2 =	smulhi.u32 $0xAAAAAAAB, s0;
	_ =	sdelay $0x1  }
0x31: {  	s2 =	sshrl.u32 s2, $0x1  }
0x32: {  	s2 =	smul.u32 $0x3, s2;
	_ =	sdelay $0x1  }
0x33: {  	s2 =	ssub.s32 s0, s2  }
0x34: {  	s2 =	smul.u32 $0x7D00, s2  }
0x35: {  	_ =	swait.ge [sflag:s7], $0x1F40  }
0x36: {  	[sflag:s7] =	ssyncset.done $0x0;
	s2 =	sshrl.u32 s2, $0x2  }
0x37: {  	[sflag:s7] =	ssyncadd.s32 $0xFFFFE0C0;
	(ifvalue) =	ssetifvalue $0xFFFFFFFF;
	v3 =	vld.msk [tilespmem:s2+$0x100 ss:$0x1], $0xffff;
	_ =	sdelay $0x2  }
0x38: {  	s30 =	smulhi.u32 $0xAAAAAAAB, s18;
	p1 =	sne.s32 s24, $0x1  }
0x39: {  	v4 =	vimm.s32 @!p1 $0x0  }
0x3a: {  	s2 =	sshrl.u32 s30, $0x1;
	v4 =	vperm.xlane @!p1 v3, v4  }
0x3b: {  	s22 =	sshll.u32 s24, $0x4;
	s2 =	smul.u32 $0xFFFE8900, s2;
	vm4 =	vlt.u32 v3, $0x2800  }
0x3c: {  	s22 =	sand.u32 $0x10, s22;
	v3 =	vnsel vm4, $0xFFFFFFFE, v3;
	vm4 =	vlt.u32 @!p1 v4, $0x2800  }
0x3d: {  	s2 =	sshra.s32 s2, $0x2;
	[tilespmem:s22+$0x60] =	vst v3;
	v3 =	vnsel @!p1 vm4, $0xFFFFFFFE, v4  }
0x3e: {  	s28 =	sadd.s32 s2, s17;
	[tilespmem:$0x80] =	vst @!p1 v3  }
0x3f: {  	v3 =	vld.msk [tilespmem:s28+$0x0 ss:$0x1], $0xffff;
	_ =	sdelay $0x4  }
0x40: {  	(xrf1) =	vunique.msk.u32 $0xffff, v3;
	_ =	sdelay $0xd  }
0x41: {  	v4 =	vimm.s32 $0xFFFFFFFF;
	v5, _, _ =	vpop (xrf1)  }
0x42: {  	vm5 =	vne.s32 v3, v4;
	vm4 =	veq.s32 v5, v2  }
0x43: {  	vm6 =	vlt.u32 v3, $0x2800;
	vm4 =	vmand vm5, vm4  }
0x44: {  	vm4 =	vmand vm6, vm4  }
0x45: {  	v4 =	vnsel vm4, $0xFFFFFFFF, v3  }
0x46: {  	s31 =	sand.u32 $0x1, s0  }
0x47: {  	s0 =	simm.s32 $0x1F40;
	p1 =	seq.s32 s31, $0x1  }
0x48: {  	s0 =	simm.s32 @!p1 $0x0  }
0x49: {  	s26 =	sadd.s32 $0x7DF0, s0;
	(ifvalue) =	ssetifvalue $0xFFFFFFFF  }
0x4a: {  	v3 =	vperm.xlane v3, v1;
	[tilespmem:s26], [sflag:$0x8] =	stream.indirect_vreg.gather [hbm4b:s1+s16], $0x1, v4, vm0, $0x4038;
	v4 =	vnsel vm6, $0xFFFFFFFE, v4;
	[tilespmem:$0x11A60] =	vst v63  }
0x4b: {  	s2 =	simm.s32 $0x0;
	s22 =	sadd.s32 $0xFFFFFFF0, s28;
	[tilespmem:s28+$0x0] =	vst v4  }
.LBB2_3:
0x4c: {  	v4 =	vld.msk [tilespmem:s22+$0x0 ss:$0x1], $0xffff;
	s2 =	sadd.s32 $0x10, s2;
	v5 =	vmov v3;
	s28 =	smov.u32 s22  }
0x4d: {  	p1 =	slt.u32 s2, $0x1F30;
	_ =	sdelay $0x4  }
0x4e: {  	v3 =	vperm.xlane v4, v1;
	(xrf1) =	vunique.msk.u32 $0xffff, v4;
	_ =	sdelay $0xd  }
0x4f: {  	v6, _, _ =	vpop (xrf1)  }
0x50: {  	vm5 =	vne.s32 v4, v5;
	vm4 =	veq.s32 v6, v2  }
0x51: {  	vm6 =	vlt.u32 v4, $0x2800;
	vm4 =	vmand vm5, vm4  }
0x52: {  	vm4 =	vmand vm6, vm4  }
0x53: {  	v4 =	vnsel vm4, $0xFFFFFFFF, v4  }
.Ltmp3:
0x54: {  	v5 =	vnsel vm6, $0xFFFFFFFE, v4;
	(pc) =	sbr.rel @p1 .LBB2_3-.Ltmp3, $3  }
0x55: {  	_ =	sdelay $0x1  }
0x56: {  	s22 =	sadd.s32 $0xFFFFFFF0, s22;
	s26 =	sadd.s32 $0xFFFFFFF0, s26;
	(ifvalue) =	ssetifvalue $0xFFFFFFFF  }
0x57: {  	[tilespmem:s26], [sflag:$0x8] =	stream.indirect_vreg.gather [hbm4b:s1+s16], $0x1, v4, vm0, $0x4038;
	[tilespmem:s28+$0x0] =	vst v5  }
0x58: {  	s2 =	sshrl.u32 s25, $0x3  }
0x59: {  	s0 =	sadd.s32 $0x9D40, s0;
	s2 =	sadd.s32 s6, s2  }
0x5a: {  	[tilespmem:s0], [sflag:$0x8] =	stream.linear.gather [hbm:s2], $0x1F40, $0x38;
	[tilespmem:$0x11A60] =	vst v63  }
.LBB2_5:
0x5b: {  	p1 =	slt.u32 s24, $0x2  }
0x5c: {  	p2 =	sge.u32 @!p1 s24, s12  }
0x5d: {  	p1 =	por p1, p2  }
.Ltmp4:
0x5e: {  	_ = 	snop;
	(pc) =	sbr.rel @p1 .LBB2_9-.Ltmp4, $1  }
0x5f: {  	_ =	sdelay $0x3  }
0x60: {  	s0 =	sadd.s32 $0xFFFFFFFE, s24  }
0x61: {  	s2 =	smulhi.u32 $0xAAAAAAAB, s0;
	_ =	sdelay $0x1  }
0x62: {  	s2 =	sshrl.u32 s2, $0x1  }
0x63: {  	s2 =	smul.u32 $0x3, s2;
	_ =	sdelay $0x1  }
0x64: {  	s0 =	ssub.s32 s0, s2  }
0x65: {  	_ =	swait.ge [sflag:s8], $0x3E80;
	s0 =	smul.u32 $0x1F40, s0  }
0x66: {  	p1 =	sne.s32 s24, s11;
	[sflag:s8] =	ssyncset.done $0x0  }
0x67: {  	[sflag:s8] =	ssyncadd.s32 $0xFFFFC180;
	s2 =	sadd.s32 @!p1 $0x203F, s0  }
0x68: {  	[spmem:s13] =	stream.linear.scatter @!p1 [tilespmem:s2], [sflag:$0x1], $0x1, $0x38;
	[tilespmem:$0x11A60] =	vst v63  }
0x69: {  	s2 =	simm.s32 @!p1 $0x1  }
0x6a: {  	_ =	swait.ge @!p1 [sflag:s2], $0x1  }
0x6b: {  	s22 =	sshll.u32 s24, $0x4;
	[sflag:s2] =	ssyncset.done @!p1 $0x0  }
0x6c: {  	s25 =	sand.u32 $0x10, s22;
	[sflag:s2] =	ssyncadd.s32 @!p1 $0xFFFFFFFF  }
0x6d: {  	s2 =	sxor.u32 $0x10, s25;
	v4 =	vld [tilespmem:s25+$0x10]  }
0x6e: {  	v5 =	vld [tilespmem:s2+$0x60]  }
0x6f: {  	v3 =	vld [tilespmem:$0x80];
	_ =	sdelay $0x2  }
0x70: {  	(v2sf) =	vpush v4, $0x0  }
0x71: {  	(v2sf) =	vpush v5, $0x0  }
0x72: {  	(v2sf) =	vpush v3, $0x0;
	_ =	sdelay $0xc  }
0x73: {  	s22 =	spop (v2sf)  }
0x74: {  	s26 =	spop (v2sf)  }
0x75: {  	s28 =	spop (v2sf)  }
0x76: {  	p2 =	seq.s32 s22, s26;
	p3 =	seq.s32 s28, s22  }
0x77: {  	p3 =	por p2, p3  }
0x78: {  	s26 =	sand.u32 $0x1, s24;
	v4 =	vpsel p3, $0xFFFFFFFF, v4  }
0x79: {  	s29 =	smul.u32 $0x1F40, s26;
	[tilespmem:s25+$0x10] =	vst.msk $0x1, v4  }
0x7a: {  	v4 =	vld [tilespmem:$0x30]  }
0x7b: {  	v5 =	vld [tilespmem:s29+$0x9D40]  }
0x7c: {  	v6 =	vld [tilespmem:s25+$0x40];
	_ =	sdelay $0x3  }
0x7d: {  	vm4 =	vmmov vm1;
	v5 =	vadd.f32 v5, v4  }
0x7e: {  	vm5 =	vmmov vm2;
	vm4 =	vmmov @p2 vm2;
	s22 =	sshll.u32 s26, $0x4;
	v4 =	vadd.f32 v6, v4  }
0x7f: {  	s26 =	sor.u32 $0x11A40, s22;
	vm5 =	vmmov @p3 vm1;
	[tilespmem:s29+$0x9D40] =	vst.msk vm4, v5  }
0x80: {  	[tilespmem:s26+$0x0] =	vst.msk vm5, v4  }
0x81: {  	v4 =	vld [tilespmem:s29+$0x7DF0];
	_ =	sdelay $0x3  }
0x82: {  	v5 =	vimm.f32 $0.0e+00  }
0x83: {  	v4 =	vshift.insert v4, v5, s21  }
0x84: {  	s22 =	sor.u32 $0x40, s2  }
0x85: {  	[tilespmem:s22+$0x0] =	vst.msk $0x1, v4  }
0x86: {  	[tilespmem:s29+$0x7DFF] =	vst.msk $0x1, v5  }
0x87: {  	v4 =	vld [tilespmem:s0+$0x2030];
	_ =	sdelay $0x1  }
0x88: {  	s22 =	smulhi.u32 $0xAAAAAAAB, s20;
	s0 =	simm.s32 $0x1  }
0x89: {  	s0 =	simm.s32 @!p0 $0x0  }
0x8a: {  	s22 =	sshrl.u32 s22, $0x1;
	s0 =	smul.u32 $0x7D00, s0  }
0x8b: {  	s22 =	smul.u32 $0xFFFE8900, s22;
	v4 =	vshift.insert v4, v1, s21  }
0x8c: {  	s0 =	sshrl.u32 s0, $0x2  }
0x8d: {  	s22 =	sshra.s32 s22, $0x2;
	s30 =	sadd.s32 $0x9D40, s0;
	[tilespmem:s2+$0x10] =	vst.msk $0x1, v4  }
0x8e: {  	s22 =	sadd.s32 s22, s19;
	v6 =	vld [tilespmem:s30+$0x0]  }
0x8f: {  	v7 =	vld [tilespmem:s22+$0x0];
	_ =	sdelay $0x3  }
0x90: {  	v5 =	vadd.f32 v6, v5  }
0x91: {  	vm4 =	vne.s32 v7, $0xFFFFFFFF  }
0x92: {  	(xrf2) =	vadd.seg.scan.f32 vm4, v5;
	_ =	sdelay $0x3  }
0x93: {  	s31 =	sadd.s32 $0x5EC0, s0;
	v5 =	vperm.xlane v4, v1  }
0x94: {  	v6 =	vld [tilespmem:s31+$0x0]  }
0x95: {  	vm5 =	veq.s32 v7, v3;
	vm6 =	veq.s32 v7, v5  }
0x96: {  	vm7 =	vgt.u32 v7, $0xFFFFFFFD;
	vm6 =	vmor vm6, vm5  }
0x97: {  	vm6 =	vmor vm6, vm7  }
0x98: {  	v9 =	vld [tilespmem:$0xA0];
	v7 =	vsel vm6, $0xFFFFFFFF, v7  }
0x99: {  	v10 =	vld [tilespmem:$0x90];
	v6 =	vsel vm5, $0x0, v6;
	v8, _, _ =	vpop (xrf2)  }
0x9a: {  	v6 =	vadd.f32 v8, v6  }
0x9b: {  	s0 =	sadd.s32 $0xDBC0, s0  }
0x9c: {  	vm4 =	vmand vm4, vm3;
	[tilespmem:s0+$0x0] =	vst v6;
	(ifvalue) =	ssetifvalue $0xFFFFFFFF  }
0x9d: {  	vm6 =	veq.s32 v9, $0x1;
	[hbm4b:s1+s16] =	stream.indirect_vreg.scatter [tilespmem:s0], [sflag:$0x2], $0x1, v7, vm0, $0x4038;
	v7 =	vsel vm4, $0x0, v8;
	[tilespmem:$0x11A60] =	vst v63  }
0x9e: {  	s2 =	simm.s32 $0x0;
	s22 =	sadd.s32 $0x10, s22;
	vm4 =	vmor vm6, vm5;
	v6 =	vsel vm5, v8, v10;
	v7 =	vshift.insert v7, v0, s21  }
.LBB2_7:
0x9f: {  	v8 =	vld [tilespmem:s22+$0x0];
	s30 =	sadd.s32 $0x10, s30  }
0xa0: {  	s31 =	sadd.s32 $0x10, s31;
	v9 =	vld [tilespmem:s30+$0x0]  }
0xa1: {  	s2 =	sadd.s32 $0x10, s2;
	v10 =	vld [tilespmem:s31+$0x0]  }
0xa2: {  	p2 =	slt.u32 s2, $0x1F30;
	_ =	sdelay $0x2  }
0xa3: {  	v7 =	vadd.f32 v9, v7  }
0xa4: {  	vm5 =	vne.s32 v8, $0xFFFFFFFF  }
0xa5: {  	vm6 =	vmand vm5, vm3;
	(xrf2) =	vadd.seg.scan.f32 vm5, v7;
	_ =	sdelay $0x5  }
0xa6: {  	vm7 =	veq.s32 v8, v5;
	vm5 =	veq.s32 v8, v3  }
0xa7: {  	vm8 =	vgt.u32 v8, $0xFFFFFFFD;
	vm4 =	vmor vm4, vm5;
	vm7 =	vmor vm7, vm5  }
0xa8: {  	vm7 =	vmor vm7, vm8  }
0xa9: {  	v8 =	vsel vm7, $0xFFFFFFFF, v8  }
.Ltmp5:
0xaa: {  	v7 =	vsel vm5, $0x0, v10;
	v9, _, _ =	vpop (xrf2);
	(pc) =	sbr.rel @p2 .LBB2_7-.Ltmp5, $4  }
0xab: {  	v6 =	vsel vm5, v9, v6;
	v10 =	vadd.f32 v9, v7;
	v7 =	vsel vm6, $0x0, v9  }
0xac: {  	s0 =	sadd.s32 $0x10, s0;
	v7 =	vshift.insert v7, v0, s21  }
0xad: {  	s22 =	sadd.s32 $0x10, s22;
	[tilespmem:s0+$0x0] =	vst v10;
	(ifvalue) =	ssetifvalue $0xFFFFFFFF  }
0xae: {  	[hbm4b:s1+s16] =	stream.indirect_vreg.scatter [tilespmem:s0], [sflag:$0x2], $0x1, v8, vm0, $0x4038;
	[tilespmem:$0x11A60] =	vst v63  }
0xaf: {  	v3 =	vld [tilespmem:s29+$0xFAF0];
	_ =	sdelay $0x4  }
0xb0: {  	v3 =	vshift.insert v3, v0, s21  }
0xb1: {  	s0 =	simm.s32 $0x30  }
0xb2: {  	[tilespmem:s0+$0x0] =	vst.msk $0x1, v3  }
0xb3: {  	v3 =	vsel vm4, $0x1, v1;
	[tilespmem:$0x90] =	vst v6  }
0xb4: {  	s0 =	sadd.s32 @!p1 $0xFAFF, s29;
	[tilespmem:$0xA0] =	vst v3  }
0xb5: {  	[spmem:s14] =	stream.linear.scatter @!p1 [tilespmem:s0], [sflag:$0x1], $0x1, $0x38;
	[tilespmem:$0x11A60] =	vst v63  }
0xb6: {  	s0 =	simm.s32 @!p1 $0x1  }
0xb7: {  	v3 =	vmctz.xlane @!p1 vm4;
	_ =	swait.ge @!p1 [sflag:s0], $0x1  }
0xb8: {  	(v2sf) =	vpush @!p1 v4, $0x0  }
0xb9: {  	(v2sf) =	vpush @!p1 v3, $0x0;
	_ =	sdelay $0xd  }
0xba: {  	s2 =	spop @!p1 (v2sf)  }
0xbb: {  	s22 =	spop @!p1 (v2sf)  }
0xbc: {  	p2 =	sne.s32 @!p1 s28, s2;
	p3 =	slt.s32 @!p1 s22, $0xF  }
0xbd: {  	[sflag:s0] =	ssyncset.done @!p1 $0x0;
	p2 =	por p2, p1;
	p3 =	por !p3, p1  }
0xbe: {  	[sflag:s0] =	ssyncadd.s32 @!p1 $0xFFFFFFFF;
	v3 =	vimm.s32 @!p2 $0xFFFFFFFF;
	s22 =	simm.s32 @p3 $0xF  }
0xbf: {  	[tilespmem:$0x80] =	vst @!p2 v3;
	s2 =	sadd.s32 @!p1 $0x90, s22  }
0xc0: {  	[spmem:s10] =	stream.linear.scatter @!p1 [tilespmem:s2], [sflag:$0x1], $0x1, $0x38;
	[tilespmem:$0x11A60] =	vst v63  }
0xc1: {  	_ =	swait.ge @!p1 [sflag:s0], $0x1  }
0xc2: {  	[sflag:s0] =	ssyncset.done @!p1 $0x0  }
0xc3: {  	s2 =	simm.s32 @!p1 $0x80;
	[sflag:s0] =	ssyncadd.s32 @!p1 $0xFFFFFFFF  }
0xc4: {  	[spmem:s15] =	stream.linear.scatter @!p1 [tilespmem:s2], [sflag:$0x1], $0x1, $0x38;
	[tilespmem:$0x11A60] =	vst v63  }
0xc5: {  	_ =	swait.ge @!p1 [sflag:s0], $0x1  }
0xc6: {  	[sflag:s0] =	ssyncset.done @!p1 $0x0  }
0xc7: {  	[sflag:s0] =	ssyncadd.s32 @!p1 $0xFFFFFFFF;
	(ifvalue) =	ssetifvalue $0xFFFFFFFF;
	v3 =	vld [tilespmem:s25+$0x10];
	_ =	sdelay $0x3  }
.Ltmp6:
0xc8: {  	_ = 	snop;
	(pc) =	sbr.rel .LBB2_9-.Ltmp6, $3  }
0xc9: {  	_ =	sdelay $0x1  }
0xca: {  	(ifvalue) =	ssetifvalue $0xFFFFFFFF  }
0xcb: {  	[hbm4b:s1+s16] =	stream.indirect_vreg.scatter [tilespmem:s26], [sflag:$0x9], $0x1, v3, vm0, $0x4038;
	[tilespmem:$0x11A60] =	vst v63  }
.LBB2_10:
0xcc: {  	_ =	sfence.sel $0x180000  }
0xcd: {  	s0 =	simm.s32 $0x7;
	[bflag:$0x0] =	sbarrier.arrive $0xFFFF  }
0xce: {  	s26 =	simm.s32 $0x8;
	[sflag:s0] =	ssyncpa.u1 $0x1  }
0xcf: {  	s28 =	simm.s32 $0x9;
	[sflag:s26] =	ssyncpa.u1 $0x1  }
0xd0: {  	[sflag:s28] =	ssyncpa.u1 $0x1  }
0xd1: {  	_ =	sfence.stream.spmem  }
0xd2: {  	s29 =	simm.s32 $0x3;
	[bflag:$0x0] =	sbarrier.arrive $0xFFFF  }
0xd3: {  	s30 =	simm.s32 $0x4;
	[sflag:s29] =	ssyncpa.u1 $0x1  }
0xd4: {  	s31 =	simm.s32 $0x3C;
	s2 =	stileid.u32;
	[sflag:s30] =	ssyncpa.u1 $0x1  }
0xd5: {  	p0 =	sne.s32 s2, $0x0;
	[sflag:s31] =	ssyncpa.u1 $0x1  }
0xd6: {  	s0 =	simm.s32 @p0 $0x1;
	_ =	sfence @p0  }
0xd7: {  	[sflag:s0] =	ssyncpa.u1 @p0 $0x1;
	s0 =	simm.s32 @p0 $0x2  }
0xd8: {  	[sflag:s0] =	ssyncpa.u1 @p0 $0x1  }
0xd9: {  	_ =	strace @p0 $0x9000004D  }
0xda: {  	[bflag:$0x2] =	sbarrier.arrive @p0 $0xFFFF  }
0xdb: {  	_ =	shalt @p0  }
.LBB2_11:
0xdc: {  	_ =	sfence.stream.spmem;
	s0 =	simm.s32 $0x5  }
0xdd: {  	s2 =	simm.s32 $0x80;
	s3 =	simm.s32 $0xC0;
	[sflag:s0] =	ssyncpa.u1 $0x0  }
0xde: {  	[tilespmem:s3], [sflag:$0x5] =	stream.linear.gather [spmem:s2], $0x20, $0x38;
	[tilespmem:$0x11A60] =	vst v63  }
0xdf: {  	s2 =	simm.s32 $0x0;
	s3 =	simm.s32 $0xE0  }
0xe0: {  	[tilespmem:s3], [sflag:$0x5] =	stream.linear.gather [spmem:s2], $0x20, $0x38;
	[tilespmem:$0x11A60] =	vst v63  }
.Ltmp7:
0xe1: {  	_ = 	snop;
	(pc) =	sbr.rel .LBB2_12-.Ltmp7, $4  }
0xe2: {  	_ =	swait.ge [sflag:s0], $0x40  }
0xe3: {  	[sflag:s0] =	ssyncset.done $0x0  }
0xe4: {  	s31 =	simm.s32 $0x6;
	[sflag:s0] =	ssyncadd.s32 $0xFFFFFFC0  }
0xe5: {  	s4 =	simm.s32 $0x0;
	[sflag:s31] =	ssyncpa.u1 $0x0  }
.LBB2_17:
0xe6: {  	p0 =	sgt.u32 s5, $0x27FF  }
0xe7: {  	s0 =	sshrl.u32 @!p0 s5, $0x3  }
0xe8: {  	s5 =	sand.u32 @!p0 $0x7, s5;
	s6 =	simm.s32 @!p0 $0xB0;
	s0 =	sadd.s32 @!p0 s1, s0  }
0xe9: {  	[tilespmem:s6], [sflag:$0x6] =	stream.linear.gather @!p0 [hbm4b:s0+s5], $0x1, $0x38;
	[tilespmem:$0x11A60] =	vst v63  }
0xea: {  	s0 =	simm.s32 @!p0 $0x6  }
0xeb: {  	_ =	swait.ge @!p0 [sflag:s0], $0x1  }
0xec: {  	[sflag:s0] =	ssyncset.done @!p0 $0x0  }
0xed: {  	[sflag:s0] =	ssyncadd.s32 @!p0 $0xFFFFFFFF  }
0xee: {  	v2 =	vmov @!p0 s4;
	v1 =	vld.msk @!p0 [tilespmem:$0xB0], $0x1;
	_ =	sdelay $0x3  }
0xef: {  	s0 =	simm.s32 @!p0 $0xE0  }
0xf0: {  	[tilespmem:v2+s0+$0x0], v1 =	vst.idx.ret.add.f32.msk @!p0 $0x1, v1  }
0xf1: {  	[tilespmem:s2+$0xC0] =	vst.msk $0x1, v0  }
0xf2: {  	v0 =	vld.msk [tilespmem:s4+$0xE0], $0x1;
	_ =	sdelay $0x4  }
0xf3: {  	[tilespmem:s2+$0xE0] =	vst.msk $0x1, v0;
	s2 =	sadd.s32 $0x1, s2  }
.LBB2_19:
0xf4: {  	s4 =	sadd.s32 $0x1, s4  }
0xf5: {  	p0 =	sne.s32 s4, $0x20  }
.Ltmp8:
0xf6: {  	_ = 	snop;
	(pc) =	sbr.rel @!p0 .LBB2_20-.Ltmp8, $1  }
0xf7: {  	_ =	sdelay $0x3  }
.LBB2_12:
0xf8: {  	v0 =	vld.msk [tilespmem:s4+$0xC0], $0x1;
	_ =	sdelay $0x4  }
0xf9: {  	(v2sf) =	vpush v0, $0x0;
	_ =	sdelay $0xe  }
0xfa: {  	s5 =	spop (v2sf)  }
0xfb: {  	p0 =	seq.s32 s5, $0xFFFFFFFF  }
.Ltmp9:
0xfc: {  	_ = 	snop;
	(pc) =	sbr.rel @p0 .LBB2_19-.Ltmp9, $1  }
0xfd: {  	_ =	sdelay $0x3  }
0xfe: {  	p0 =	slt.s32 s2, $0x1  }
.Ltmp10:
0xff: {  	_ = 	snop;
	(pc) =	sbr.rel @p0 .LBB2_17-.Ltmp10, $1  }
0x100: {  	_ =	sdelay $0x3  }
0x101: {  	s0 =	simm.s32 $0xC0;
	p0 =	por $0x0, $0x0  }
0x102: {  	v1 =	vld.msk @!p0 [tilespmem:s0+$0x0], $0x1;
	_ =	sdelay $0x4  }
0x103: {  	(v2sf) =	vpush @!p0 v1, $0x0;
	_ =	sdelay $0xd  }
0x104: {  	p2 =	sne.s32 s2, $0x1  }
.Ltmp11:
0x105: {  	s6 =	spop @!p0 (v2sf);
	(pc) =	sbr.rel @!p2 .LBB2_16-.Ltmp11, $4  }
0x106: {  	p1 =	seq.s32 @!p0 s5, s6  }
0x107: {  	s6 =	simm.s32 $0x0;
	p1 =	por !p1, p0  }
0x108: {  	s8 =	simm.s32 $0xFFFFFFFF;
	s6 =	simm.s32 @p1 $0xFFFFFFFF  }
0x109: {  	s7 =	simm.s32 $0x1;
	s6 =	smov.u32 @p0 s8  }
.LBB2_15:
0x10a: {  	s8 =	smov.u32 s6;
	p0 =	sne.s32 s6, $0xFFFFFFFF  }
0x10b: {  	s0 =	sadd.s32 $0x1, s0;
	s6 =	smov.u32 s7;
	s7 =	sadd.s32 $0x1, s7  }
0x10c: {  	p1 =	sne.s32 s2, s7;
	v1 =	vld.msk @!p0 [tilespmem:s0+$0x0], $0x1;
	_ =	sdelay $0x4  }
0x10d: {  	(v2sf) =	vpush @!p0 v1, $0x0;
	_ =	sdelay $0xe  }
.Ltmp12:
0x10e: {  	s9 =	spop @!p0 (v2sf);
	(pc) =	sbr.rel @p1 .LBB2_15-.Ltmp12, $4  }
0x10f: {  	p2 =	seq.s32 @!p0 s5, s9  }
0x110: {  	p2 =	por !p2, p0  }
0x111: {  	s6 =	simm.s32 @p2 $0xFFFFFFFF  }
0x112: {  	s6 =	smov.u32 @p0 s8  }
.LBB2_16:
0x113: {  	p0 =	sne.s32 s6, $0xFFFFFFFF  }
.Ltmp13:
0x114: {  	_ = 	snop;
	(pc) =	sbr.rel @!p0 .LBB2_17-.Ltmp13, $1  }
0x115: {  	_ =	sdelay $0x3  }
0x116: {  	v0 =	vld.msk [tilespmem:s4+$0xE0], $0x1;
	v1 =	vmov s6  }
.Ltmp14:
0x117: {  	_ = 	snop;
	(pc) =	sbr.rel .LBB2_19-.Ltmp14, $2  }
0x118: {  	_ =	sdelay $0x2  }
0x119: {  	[tilespmem:v1+s3+$0x0], v0 =	vst.idx.ret.add.f32.msk $0x1, v0  }
.LBB2_20:
0x11a: {  	p0 =	slt.s32 s2, $0x1  }
.Ltmp15:
0x11b: {  	_ = 	snop;
	(pc) =	sbr.rel @p0 .LBB2_24-.Ltmp15, $3  }
0x11c: {  	_ =	sdelay $0x1  }
0x11d: {  	s0 =	simm.s32 $0x6  }
0x11e: {  	s3 =	simm.s32 $0x0;
	[sflag:s0] =	ssyncpa.u1 $0x1  }
0x11f: {  	s0 =	simm.s32 $0xC0  }
0x120: {  	v0 =	vld.msk [tilespmem:s0+$0x0], $0x1;
	_ =	sdelay $0x4  }
0x121: {  	(v2sf) =	vpush v0, $0x0;
	_ =	sdelay $0xe  }
0x122: {  	s2 =	sadd.s32 $0xFFFFFFFF, s2;
	s4 =	spop (v2sf)  }
0x123: {  	p1 =	sne.s32 s2, $0x0;
	p0 =	sgt.u32 s4, $0x27FF  }
.Ltmp16:
0x124: {  	s5 =	sshrl.u32 @!p0 s4, $0x3;
	(pc) =	sbr.rel @!p1 .LBB2_23-.Ltmp16, $4  }
0x125: {  	s0 =	simm.s32 $0xE0;
	s4 =	sand.u32 @!p0 $0x7, s4;
	s5 =	sadd.s32 @!p0 s1, s5  }
0x126: {  	[hbm4b:s5+s4] =	stream.linear.scatter @!p0 [tilespmem:s0], [sflag:$0x5], $0x1, $0x38;
	[tilespmem:$0x11A60] =	vst v63  }
0x127: {  	s5 =	simm.s32 $0x0  }
0x128: {  	s4 =	simm.s32 $0xC1;
	s5 =	simm.s32 @!p0 $0x4  }
.LBB2_22:
0x129: {  	v0 =	vld.msk [tilespmem:s4+$0x0], $0x1;
	s2 =	sadd.s32 $0xFFFFFFFF, s2;
	s3 =	sadd.s32 s3, s5  }
0x12a: {  	p0 =	sne.s32 s2, $0x0;
	_ =	sdelay $0x3  }
0x12b: {  	(v2sf) =	vpush v0, $0x0;
	_ =	sdelay $0xe  }
.Ltmp17:
0x12c: {  	s6 =	spop (v2sf);
	(pc) =	sbr.rel @p0 .LBB2_22-.Ltmp17, $4  }
0x12d: {  	s5 =	simm.s32 $0x0;
	p1 =	sgt.u32 s6, $0x27FF  }
0x12e: {  	s0 =	sadd.s32 $0x1, s0;
	s5 =	simm.s32 @!p1 $0x4;
	s7 =	sshrl.u32 @!p1 s6, $0x3  }
0x12f: {  	s4 =	sadd.s32 $0x1, s4;
	s6 =	sand.u32 @!p1 $0x7, s6;
	s7 =	sadd.s32 @!p1 s1, s7  }
0x130: {  	[hbm4b:s7+s6] =	stream.linear.scatter @!p1 [tilespmem:s0], [sflag:$0x5], $0x1, $0x38;
	[tilespmem:$0x11A60] =	vst v63  }
.LBB2_23:
0x131: {  	s0 =	sadd.s32 s3, s5  }
0x132: {  	s3 =	sshrl.u32 s0, $0x2  }
.LBB2_24:
0x133: {  	s0 =	simm.s32 $0x5  }
0x134: {  	_ =	swait.ge [sflag:s0], s3  }
0x135: {  	s1 =	ssub.s32 $0x0, s3;
	[sflag:s0] =	ssyncset.done $0x0  }
0x136: {  	[sflag:s0] =	ssyncadd.s32 s1  }
0x137: {  	[sflag:s0] =	ssyncpa.u1 $0x1  }
0x138: {  	s29 =	simm.s32 $0x1;
	_ =	sfence  }
0x139: {  	s30 =	simm.s32 $0x2;
	[sflag:s29] =	ssyncpa.u1 $0x1  }
0x13a: {  	[sflag:s30] =	ssyncpa.u1 $0x1  }
0x13b: {  	_ =	strace $0x9000004D  }
0x13c: {  	[bflag:$0x2] =	sbarrier.arrive $0xFFFF  }
0x13d: {  	s31 =	rddreg [dreg:$0x2]  }
0x13e: {  	s0 =	sadd.s32 $0x100000, s31  }
0x13f: {  	[sflag:s0] =	ssyncadd.tile.s32 $0x1;
	_ =	shalt  }
.Lfunc_end2:
_tile_overlayer_lowered:
.L_overlay_start_2:
0x140: {  	(tag) =	ssettag $0x2  }
0x141: {  	s0 =	rddreg [dreg:$0x0];
	s2 =	stileid.u32  }
0x142: {  	s1 =	rddreg [dreg:$0x1];
	p0 =	sne.s32 s2, $0x0  }
0x143: {  	s3 =	rddreg [dreg:$0x2];
	[bflag:$0x3] =	sbarrier.arrive $0xFFFF;
	s2 =	simm.s32 @!p0 $0x1C01  }
0x144: {  	[timem:s3], [sflag:s2] =	dma.local @!p0 [hbm:s0], s1  }
0x145: {  	s0 =	simm.s32 @!p0 $0x1  }
0x146: {  	_ =	swait.ge @!p0 [sflag:s0], s1  }
0x147: {  	s1 =	ssub.s32 @!p0 $0x0, s1;
	[sflag:s0] =	ssyncset.done @!p0 $0x0  }
0x148: {  	[sflag:s0] =	ssyncadd.s32 @!p0 s1  }
0x149: {  	[bflag:$0x3] =	sbarrier.arrive $0xFFFF  }
0x14a: {  	_ =	shalt  }

</sc_bundles>
